<compile_context>
chip_gen: v7x
topology: tpu7x:2x2x1
jax: 0.10.2.dev20260603
libtpu: 0.0.44.dev20260713+nightly
codegen_flags: <defaults>
</compile_context>

<pallas_src>
import jax
import jax.numpy as jnp
from jax import lax
from jax.experimental import pallas as pl
from jax.experimental.pallas import tpu as pltpu
from jax.experimental.pallas import tpu_sc as plsc

N = 10000
E = 320000
D_IN = 128
D_HID = 64
D_OUT = 4

NC = 2
NS = 16
NW = NC * NS
EPW = E // NW
CHUNK = 80
NCHUNK = EPW // CHUNK
NPAD = 10240
SEG = NPAD // NS
ROWS_PT = NPAD // NS
NPAIR = NPAD // 2
NPAIR_N = N // 2


def _mesh():
    return plsc.VectorSubcoreMesh(core_axis_name="c", subcore_axis_name="s")



def _deg_body(ei_hbm, zeros_hbm, deg_out, hist_v, idx_v, seg_v, stage_v,
              rep_v, tbl_v, shared_sm):
    c = lax.axis_index("c")
    s = lax.axis_index("s")
    wid = c * NS + s
    pltpu.sync_copy(zeros_hbm, hist_v)
    pltpu.sync_copy(ei_hbm.at[1, wid], idx_v)
    ones = jnp.full((16,), 1.0, jnp.float32)

    def body(i, carry):
        for k in range(5):
            idx = idx_v[pl.ds(i * 80 + k * 16, 16)]
            plsc.addupdate_scatter(hist_v, [idx], ones)
        return carry

    lax.fori_loop(0, EPW // 80, body, 0)

    for t in range(NS):
        pltpu.sync_copy(hist_v.at[pl.ds(t * SEG, SEG)], shared_sm.at[s, t])
    plsc.subcore_barrier()
    for t in range(NS):
        pltpu.sync_copy(shared_sm.at[t, s], seg_v.at[t])

    iota16 = lax.iota(jnp.int32, 16)
    for t in range(16):
        tbl_v[t, :] = iota16 * 0 + t

    def red(k, carry):
        v = jnp.zeros((16,), jnp.float32)
        for t in range(NS):
            v = v + seg_v[t, pl.ds(k * 16, 16)]
        stage_v[...] = v
        for t in range(16):
            bv = plsc.load_gather(stage_v, [tbl_v[t, :]])
            for q in range(D_HID // 16):
                rep_v[k * 16 + t, pl.ds(q * 16, 16)] = bv
        return carry

    lax.fori_loop(0, SEG // 16, red, 0)
    pltpu.sync_copy(rep_v, deg_out.at[c, pl.ds(s * SEG, SEG)])


_deg = pl.kernel(
    _deg_body,
    out_type=jax.ShapeDtypeStruct((NC, NPAD, D_HID), jnp.float32),
    mesh=_mesh(),
    scratch_types=[
        pltpu.VMEM((NPAD,), jnp.float32),
        pltpu.VMEM((EPW,), jnp.int32),
        pltpu.VMEM((NS, SEG), jnp.float32),
        pltpu.VMEM((16,), jnp.float32),
        pltpu.VMEM((SEG, D_HID), jnp.float32),
        pltpu.VMEM((16, 16), jnp.int32),
        pltpu.MemorySpace.VMEM_SHARED((NS, NS, SEG), jnp.float32),
    ],
    compiler_params=pltpu.CompilerParams(needs_layout_passes=False,
                                         use_tc_tiling_on_sc=False),
)



NB = 5
NGROUP = NCHUNK // NB


def _mp_body(hs_hbm, ei_hbm, out_hbm, isrc_v, idst_v, rows_v, acc_sm,
             gsem, ssem):
    c = lax.axis_index("c")
    s = lax.axis_index("s")
    wid = c * NS + s
    r0 = s * ROWS_PT

    @pl.when(c == 0)
    def _():
        pltpu.sync_copy(hs_hbm.at[pl.ds(r0, ROWS_PT)],
                        acc_sm.at[pl.ds(r0, ROWS_PT)])

    @pl.when(c == 1)
    def _():
        z16 = jnp.zeros((16,), jnp.float32)

        def zero(i, carry):
            for k in range(D_HID // 16):
                rows_v[0, i, pl.ds(k * 16, 16)] = z16
            return carry
        lax.fori_loop(0, CHUNK, zero, 0)
        for q in range(ROWS_PT // CHUNK):
            pltpu.sync_copy(rows_v.at[0],
                            acc_sm.at[pl.ds(r0 + q * CHUNK, CHUNK)])

    pltpu.sync_copy(ei_hbm.at[0, wid], isrc_v)
    pltpu.sync_copy(ei_hbm.at[1, wid], idst_v)
    plsc.subcore_barrier()

    for b in range(NB):
        pltpu.async_copy(hs_hbm.at[isrc_v.at[b]], rows_v.at[b], gsem.at[b])

    def body(g, carry):
        for b in range(NB):
            j = g * NB + b
            pltpu.make_async_copy(hs_hbm.at[isrc_v.at[j]], rows_v.at[b],
                                  gsem.at[b]).wait()
            pltpu.async_copy(rows_v.at[b], acc_sm.at[idst_v.at[j]],
                             ssem.at[b], add=True)

        @pl.when(g < NGROUP - 1)
        def _():
            for b in range(NB):
                j = g * NB + b
                jn = j + NB
                pltpu.make_async_copy(rows_v.at[b],
                                      acc_sm.at[idst_v.at[j]],
                                      ssem.at[b]).wait()
                pltpu.async_copy(hs_hbm.at[isrc_v.at[jn]], rows_v.at[b],
                                 gsem.at[b])
        return carry

    lax.fori_loop(0, NGROUP, body, 0)
    for b in range(NB):
        j = (NGROUP - 1) * NB + b
        pltpu.make_async_copy(rows_v.at[b], acc_sm.at[idst_v.at[j]],
                              ssem.at[b]).wait()
    plsc.subcore_barrier()
    pltpu.sync_copy(acc_sm.at[pl.ds(r0, ROWS_PT)],
                    out_hbm.at[c, pl.ds(r0, ROWS_PT)])


_mp = pl.kernel(
    _mp_body,
    out_type=jax.ShapeDtypeStruct((NC, NPAD, D_HID), jnp.float32),
    mesh=_mesh(),
    scratch_types=[
        pltpu.VMEM((NCHUNK, CHUNK), jnp.int32),
        pltpu.VMEM((NCHUNK, CHUNK), jnp.int32),
        pltpu.VMEM((NB, CHUNK, D_HID), jnp.float32),
        pltpu.MemorySpace.VMEM_SHARED((NPAD, D_HID), jnp.float32),
        pltpu.SemaphoreType.DMA((NB,)),
        pltpu.SemaphoreType.DMA((NB,)),
    ],
    compiler_params=pltpu.CompilerParams(needs_layout_passes=False,
                                         use_tc_tiling_on_sc=False),
)




def _tc1a_body(x_ref, w_ref, h_ref):
    h_ref[...] = jnp.dot(x_ref[...], w_ref[...],
                         preferred_element_type=jnp.float32)


_tc1a = pl.pallas_call(
    _tc1a_body,
    in_specs=[
        pl.BlockSpec((NPAIR_N, 2 * D_IN), lambda: (0, 0)),
        pl.BlockSpec((2 * D_IN, 2 * D_HID), lambda: (0, 0)),
    ],
    out_specs=pl.BlockSpec((NPAIR_N, 2 * D_HID), lambda: (0, 0)),
    out_shape=jax.ShapeDtypeStruct((NPAIR_N, 2 * D_HID), jnp.float32),
)


def _tc1b_body(h_ref, dp_ref, hs_ref, dinv_ref):
    deg = dp_ref[0] + dp_ref[1] + 1.0
    dm = lax.rsqrt(deg)
    hs_ref[pl.ds(0, NPAIR_N), :] = h_ref[...] * lax.slice(
        dm, (0, 0), (NPAIR_N, 2 * D_HID))
    dinv_ref[...] = dm


_tc1b = pl.pallas_call(
    _tc1b_body,
    in_specs=[
        pl.BlockSpec((NPAIR_N, 2 * D_HID), lambda: (0, 0)),
        pl.BlockSpec((NC, NPAIR, 2 * D_HID), lambda: (0, 0, 0)),
    ],
    out_specs=[
        pl.BlockSpec((NPAIR, 2 * D_HID), lambda: (0, 0)),
        pl.BlockSpec((NPAIR, 2 * D_HID), lambda: (0, 0)),
    ],
    out_shape=[
        jax.ShapeDtypeStruct((NPAIR, 2 * D_HID), jnp.float32),
        jax.ShapeDtypeStruct((NPAIR, 2 * D_HID), jnp.float32),
    ],
)


def _tc2_body(acc_ref, dinv_ref, b_ref, w_ref, out_ref):
    dm = dinv_ref[...]
    t = jnp.maximum((acc_ref[0] + acc_ref[1]) * dm + b_ref[...], 0.0)
    out_ref[...] = jnp.dot(t, w_ref[...],
                           preferred_element_type=jnp.float32) * dm


_tc2 = pl.pallas_call(
    _tc2_body,
    in_specs=[
        pl.BlockSpec((NC, NPAIR, 2 * D_HID), lambda: (0, 0, 0)),
        pl.BlockSpec((NPAIR, 2 * D_HID), lambda: (0, 0)),
        pl.BlockSpec((1, 2 * D_HID), lambda: (0, 0)),
        pl.BlockSpec((2 * D_HID, 2 * D_HID), lambda: (0, 0)),
    ],
    out_specs=pl.BlockSpec((NPAIR, 2 * D_HID), lambda: (0, 0)),
    out_shape=jax.ShapeDtypeStruct((NPAIR, 2 * D_HID), jnp.float32),
)


def _tc3_body(acc_ref, dinv_ref, b_ref, w_ref, bf_ref, out_ref):
    dm = dinv_ref[...]
    t = jnp.maximum((acc_ref[0] + acc_ref[1]) * dm + b_ref[...], 0.0)
    out_ref[...] = jnp.dot(t, w_ref[...],
                           preferred_element_type=jnp.float32) + bf_ref[...]


_tc3 = pl.pallas_call(
    _tc3_body,
    in_specs=[
        pl.BlockSpec((NC, NPAIR, 2 * D_HID), lambda: (0, 0, 0)),
        pl.BlockSpec((NPAIR, 2 * D_HID), lambda: (0, 0)),
        pl.BlockSpec((1, 2 * D_HID), lambda: (0, 0)),
        pl.BlockSpec((2 * D_HID, 2 * D_OUT), lambda: (0, 0)),
        pl.BlockSpec((1, 2 * D_OUT), lambda: (0, 0)),
    ],
    out_specs=pl.BlockSpec((NPAIR, 2 * D_OUT), lambda: (0, 0)),
    out_shape=jax.ShapeDtypeStruct((NPAIR, 2 * D_OUT), jnp.float32),
)


def _blockdiag(w):
    k, m = w.shape
    z = jnp.zeros((k, m), jnp.float32)
    return jnp.concatenate(
        [jnp.concatenate([w, z], axis=1), jnp.concatenate([z, w], axis=1)],
        axis=0)



@jax.jit
def kernel(x, edge_index, W1, b1, W2, b2, Wf, bf):
    ei = edge_index.astype(jnp.int32)
    ei4 = ei.reshape(2, NW, NCHUNK, CHUNK)
    ei3 = ei.reshape(2, NW, EPW)
    zpad = jnp.zeros((NPAD,), jnp.float32)

    W1b = _blockdiag(W1)
    W2b = _blockdiag(W2)
    Wfb = _blockdiag(Wf)
    b1p = jnp.concatenate([b1, b1]).reshape(1, 2 * D_HID)
    b2p = jnp.concatenate([b2, b2]).reshape(1, 2 * D_HID)
    bfp = jnp.concatenate([bf, bf]).reshape(1, 2 * D_OUT)

    deg_parts = _deg(ei3, zpad)
    h1 = _tc1a(x.reshape(NPAIR_N, 2 * D_IN), W1b)
    hs1, dinv2 = _tc1b(h1, deg_parts.reshape(NC, NPAIR, 2 * D_HID))
    acc1 = _mp(hs1.reshape(NPAD, D_HID), ei4)
    hs2 = _tc2(acc1.reshape(NC, NPAIR, 2 * D_HID), dinv2, b1p, W2b)
    acc2 = _mp(hs2.reshape(NPAD, D_HID), ei4)
    outp = _tc3(acc2.reshape(NC, NPAIR, 2 * D_HID), dinv2, b2p, Wfb, bfp)
    return outp.reshape(NPAD, D_OUT)[:N]

# --- scband reference (transcript-rebuilt; emitter-appended) ---
"""Pipeline reference for scband-gnnmodel-67516885893240 (READ-ONLY COPY).

The authoritative reference and input builder live on the scoring server;
editing this copy changes nothing except your own understanding.
"""

import jax, jax.numpy as jnp
import numpy as np

N_NODES = 10000
N_EDGES = 320000
D_IN = 128
D_HID = 64
D_OUT = 4


def setup_inputs(seed: int = 0) -> dict:
    key = jax.random.key(seed)
    ks = jax.random.split(key, 8)
    x = jax.random.normal(ks[0], (N_NODES, D_IN), dtype=jnp.float32)
    edge_index = jax.random.randint(ks[1], (2, N_EDGES), 0, N_NODES, dtype=jnp.int64)
    W1 = jax.random.normal(ks[2], (D_IN, D_HID), dtype=jnp.float32) * (1.0 / np.sqrt(D_IN))
    b1 = jnp.zeros((D_HID,), dtype=jnp.float32)
    W2 = jax.random.normal(ks[3], (D_HID, D_HID), dtype=jnp.float32) * (1.0 / np.sqrt(D_HID))
    b2 = jnp.zeros((D_HID,), dtype=jnp.float32)
    Wf = jax.random.normal(ks[4], (D_HID, D_OUT), dtype=jnp.float32) * (1.0 / np.sqrt(D_HID))
    bf = jnp.zeros((D_OUT,), dtype=jnp.float32)
    return {"x": x, "edge_index": edge_index, "W1": W1, "b1": b1, "W2": W2, "b2": b2, "Wf": Wf, "bf": bf}


def _gcn_conv(x, edge_index, W, b):
    # Faithful PyG GCNConv: add self-loops, symmetric normalization, linear transform,
    # scatter-add aggregation onto dst nodes, then add bias.
    n = x.shape[0]
    src = edge_index[0]
    dst = edge_index[1]
    loop = jnp.arange(n, dtype=src.dtype)
    src = jnp.concatenate([src, loop])
    dst = jnp.concatenate([dst, loop])
    deg = jnp.zeros((n,), dtype=x.dtype).at[dst].add(1.0)
    deg_inv_sqrt = jnp.where(deg > 0, deg ** -0.5, 0.0)
    norm = deg_inv_sqrt[src] * deg_inv_sqrt[dst]
    h = x @ W
    msg = h[src] * norm[:, None]
    out = jnp.zeros((n, W.shape[1]), dtype=x.dtype).at[dst].add(msg)
    return out + b


def reference(x, edge_index, W1, b1, W2, b2, Wf, bf):
    # dropout is identity in eval/reference mode
    h = _gcn_conv(x, edge_index, W1, b1)
    h = jax.nn.relu(h)
    h = _gcn_conv(h, edge_index, W2, b2)
    h = jax.nn.relu(h)
    return h @ Wf + bf

if __name__ == "__main__":
    import jax
    _d = setup_inputs()
    print(jax.jit(kernel)(*tuple(_d.values())))

</pallas_src>

<mosaic_0001>
#map = affine_map<(d0, d1) -> (0, 0, 0)>
#map1 = affine_map<(d0, d1) -> (0)>
module attributes {stable_mosaic.version = 14 : i64} {
  func.func @_deg_body(%arg0: i32, %arg1: i32, %arg2: memref<2x32x10000xi32, #tpu.memory_space<hbm>>, %arg3: memref<10240xf32, #tpu.memory_space<hbm>>, %arg4: memref<2x10240x64xf32, #tpu.memory_space<hbm>>, %arg5: memref<10240xf32, #tpu.memory_space<vmem>>, %arg6: memref<10000xi32, #tpu.memory_space<vmem>>, %arg7: memref<16x640xf32, #tpu.memory_space<vmem>>, %arg8: memref<16xf32, #tpu.memory_space<vmem>>, %arg9: memref<640x64xf32, #tpu.memory_space<vmem>>, %arg10: memref<16x16xi32, #tpu.memory_space<vmem>>, %arg11: memref<16x16x640xf32, #tpu.memory_space<vmem_shared>>) attributes {dimension_semantics = [#tpu.dimension_semantics<core_parallel>, #tpu.dimension_semantics<subcore_parallel>], iteration_bounds = array<i64: 2, 16>, scalar_prefetch = 0 : i64, scratch_operands = 7 : i64, tpu.core_type = #tpu.core_type<sc_vector_subcore>, window_params = [{transform_indices = #map}, {transform_indices = #map1}, {transform_indices = #map}]} {
    %mul3A = arith.constant 16 : i32
    %mul3A_0 = arith.muli %arg0, %mul3A : i32
    %add3A = arith.addi %mul3A_0, %arg1 : i32
    "tpu.region"() ({
      %run_scoped3A_222 = tpu.sem_alloc : memref<!tpu.dma_semaphore, #tpu.memory_space<semaphore_mem>>
      tpu.enqueue_dma source(%arg3 : memref<10240xf32, #tpu.memory_space<hbm>>) target(%arg5 : memref<10240xf32, #tpu.memory_space<vmem>>) target_semaphore(%run_scoped3A_222 : memref<!tpu.dma_semaphore, #tpu.memory_space<semaphore_mem>>)
      tpu.wait_dma2 semaphore(%run_scoped3A_222 : memref<!tpu.dma_semaphore, #tpu.memory_space<semaphore_mem>>) src(%arg3 : memref<10240xf32, #tpu.memory_space<hbm>>) dst(%arg5 : memref<10240xf32, #tpu.memory_space<vmem>>)
      tpu.yield
    }) : () -> ()
    %run_scoped3A = arith.constant 1 : i32
    "tpu.region"() ({
      %run_scoped3A_222 = tpu.sem_alloc : memref<!tpu.dma_semaphore, #tpu.memory_space<semaphore_mem>>
      %dma_start3A = arith.constant 0 : i32
      %dma_start3A_223 = tpu.memref_slice %arg2[%run_scoped3A, %add3A, %dma_start3A] : memref<2x32x10000xi32, #tpu.memory_space<hbm>> -> memref<1x1x10000xi32, #tpu.memory_space<hbm>>
      %dma_start3A_224 = tpu.memref_squeeze %dma_start3A_223 : memref<1x1x10000xi32, #tpu.memory_space<hbm>> -> memref<10000xi32, #tpu.memory_space<hbm>>
      %dma_start3A_225 = arith.constant 0 : i32
      %dma_start3A_226 = tpu.memref_slice %arg2[%run_scoped3A, %add3A, %dma_start3A_225] : memref<2x32x10000xi32, #tpu.memory_space<hbm>> -> memref<1x1x10000xi32, #tpu.memory_space<hbm>>
      %dma_start3A_227 = tpu.memref_squeeze %dma_start3A_226 : memref<1x1x10000xi32, #tpu.memory_space<hbm>> -> memref<10000xi32, #tpu.memory_space<hbm>>
      tpu.enqueue_dma source(%dma_start3A_227 : memref<10000xi32, #tpu.memory_space<hbm>>) target(%arg6 : memref<10000xi32, #tpu.memory_space<vmem>>) target_semaphore(%run_scoped3A_222 : memref<!tpu.dma_semaphore, #tpu.memory_space<semaphore_mem>>)
      %dma_wait3A = arith.constant 0 : i32
      %dma_wait3A_228 = tpu.memref_slice %arg2[%run_scoped3A, %add3A, %dma_wait3A] : memref<2x32x10000xi32, #tpu.memory_space<hbm>> -> memref<1x1x10000xi32, #tpu.memory_space<hbm>>
      %dma_wait3A_229 = tpu.memref_squeeze %dma_wait3A_228 : memref<1x1x10000xi32, #tpu.memory_space<hbm>> -> memref<10000xi32, #tpu.memory_space<hbm>>
      %dma_wait3A_230 = arith.constant 0 : i32
      %dma_wait3A_231 = tpu.memref_slice %arg2[%run_scoped3A, %add3A, %dma_wait3A_230] : memref<2x32x10000xi32, #tpu.memory_space<hbm>> -> memref<1x1x10000xi32, #tpu.memory_space<hbm>>
      %dma_wait3A_232 = tpu.memref_squeeze %dma_wait3A_231 : memref<1x1x10000xi32, #tpu.memory_space<hbm>> -> memref<10000xi32, #tpu.memory_space<hbm>>
      tpu.wait_dma2 semaphore(%run_scoped3A_222 : memref<!tpu.dma_semaphore, #tpu.memory_space<semaphore_mem>>) src(%dma_wait3A_232 : memref<10000xi32, #tpu.memory_space<hbm>>) dst(%arg6 : memref<10000xi32, #tpu.memory_space<vmem>>)
      tpu.yield
    }) : () -> ()
    %broadcast_in_dim3A = arith.constant 1.000000e+00 : f32
    %broadcast_in_dim3A_1 = vector.broadcast %broadcast_in_dim3A : f32 to vector<16xf32>
    %scan3A = arith.constant 0 : i32
    %scan3A_2 = arith.constant 0 : i32
    %scan3A_3 = arith.constant 125 : i32
    %scan3A_4 = arith.addi %scan3A_2, %scan3A_3 : i32
    %scan3A_5 = arith.constant 1 : i32
    scf.for %scan3A_222 = %scan3A_2 to %scan3A_4 step %scan3A_5  : i32 {
      %mul3A_223 = arith.constant 80 : i32
      %mul3A_224 = arith.muli %scan3A_222, %mul3A_223 : i32
      %add3A_225 = arith.constant 0 : i32
      %add3A_226 = arith.addi %mul3A_224, %add3A_225 : i32
      %get3A = arith.index_cast %add3A_226 : i32 to index
      %get3A_227 = tpu.vector_load %arg6[%get3A] {strides = array<i32>} : memref<10000xi32, #tpu.memory_space<vmem>>, vector<16xi32>,
      tpu.vector_store_idx %arg5[%get3A_227], %broadcast_in_dim3A_1 {add = true} : memref<10240xf32, #tpu.memory_space<vmem>>[vector<16xi32>], vector<16xf32>,
      %mul3A_228 = arith.constant 80 : i32
      %mul3A_229 = arith.muli %scan3A_222, %mul3A_228 : i32
      %add3A_230 = arith.constant 16 : i32
      %add3A_231 = arith.addi %mul3A_229, %add3A_230 : i32
      %get3A_232 = arith.index_cast %add3A_231 : i32 to index
      %get3A_233 = tpu.vector_load %arg6[%get3A_232] {strides = array<i32>} : memref<10000xi32, #tpu.memory_space<vmem>>, vector<16xi32>,
      tpu.vector_store_idx %arg5[%get3A_233], %broadcast_in_dim3A_1 {add = true} : memref<10240xf32, #tpu.memory_space<vmem>>[vector<16xi32>], vector<16xf32>,
      %mul3A_234 = arith.constant 80 : i32
      %mul3A_235 = arith.muli %scan3A_222, %mul3A_234 : i32
      %add3A_236 = arith.constant 32 : i32
      %add3A_237 = arith.addi %mul3A_235, %add3A_236 : i32
      %get3A_238 = arith.index_cast %add3A_237 : i32 to index
      %get3A_239 = tpu.vector_load %arg6[%get3A_238] {strides = array<i32>} : memref<10000xi32, #tpu.memory_space<vmem>>, vector<16xi32>,
      tpu.vector_store_idx %arg5[%get3A_239], %broadcast_in_dim3A_1 {add = true} : memref<10240xf32, #tpu.memory_space<vmem>>[vector<16xi32>], vector<16xf32>,
      %mul3A_240 = arith.constant 80 : i32
      %mul3A_241 = arith.muli %scan3A_222, %mul3A_240 : i32
      %add3A_242 = arith.constant 48 : i32
      %add3A_243 = arith.addi %mul3A_241, %add3A_242 : i32
      %get3A_244 = arith.index_cast %add3A_243 : i32 to index
      %get3A_245 = tpu.vector_load %arg6[%get3A_244] {strides = array<i32>} : memref<10000xi32, #tpu.memory_space<vmem>>, vector<16xi32>,
      tpu.vector_store_idx %arg5[%get3A_245], %broadcast_in_dim3A_1 {add = true} : memref<10240xf32, #tpu.memory_space<vmem>>[vector<16xi32>], vector<16xf32>,
      %mul3A_246 = arith.constant 80 : i32
      %mul3A_247 = arith.muli %scan3A_222, %mul3A_246 : i32
      %add3A_248 = arith.constant 64 : i32
      %add3A_249 = arith.addi %mul3A_247, %add3A_248 : i32
      %get3A_250 = arith.index_cast %add3A_249 : i32 to index
      %get3A_251 = tpu.vector_load %arg6[%get3A_250] {strides = array<i32>} : memref<10000xi32, #tpu.memory_space<vmem>>, vector<16xi32>,
      tpu.vector_store_idx %arg5[%get3A_251], %broadcast_in_dim3A_1 {add = true} : memref<10240xf32, #tpu.memory_space<vmem>>[vector<16xi32>], vector<16xf32>,
    }
    %scan3A_6 = arith.constant 125 : i32
    %run_scoped3A_7 = arith.constant 0 : i32
    "tpu.region"() ({
      %run_scoped3A_222 = tpu.sem_alloc : memref<!tpu.dma_semaphore, #tpu.memory_space<semaphore_mem>>
      %dma_start3A = arith.constant 0 : i32
      %dma_start3A_223 = tpu.memref_slice %arg5[%dma_start3A] : memref<10240xf32, #tpu.memory_space<vmem>> -> memref<640xf32, #tpu.memory_space<vmem>>
      %dma_start3A_224 = arith.constant 0 : i32
      %dma_start3A_225 = tpu.memref_slice %arg11[%arg1, %run_scoped3A_7, %dma_start3A_224] : memref<16x16x640xf32, #tpu.memory_space<vmem_shared>> -> memref<1x1x640xf32, #tpu.memory_space<vmem_shared>>
      %dma_start3A_226 = tpu.memref_squeeze %dma_start3A_225 : memref<1x1x640xf32, #tpu.memory_space<vmem_shared>> -> memref<640xf32, #tpu.memory_space<vmem_shared>>
      %dma_start3A_227 = arith.constant 0 : i32
      %dma_start3A_228 = tpu.memref_slice %arg11[%arg1, %run_scoped3A_7, %dma_start3A_227] : memref<16x16x640xf32, #tpu.memory_space<vmem_shared>> -> memref<1x1x640xf32, #tpu.memory_space<vmem_shared>>
      %dma_start3A_229 = tpu.memref_squeeze %dma_start3A_228 : memref<1x1x640xf32, #tpu.memory_space<vmem_shared>> -> memref<640xf32, #tpu.memory_space<vmem_shared>>
      %dma_start3A_230 = arith.constant 0 : i32
      %dma_start3A_231 = tpu.memref_slice %arg5[%dma_start3A_230] : memref<10240xf32, #tpu.memory_space<vmem>> -> memref<640xf32, #tpu.memory_space<vmem>>
      tpu.enqueue_dma source(%dma_start3A_231 : memref<640xf32, #tpu.memory_space<vmem>>) target(%dma_start3A_229 : memref<640xf32, #tpu.memory_space<vmem_shared>>) target_semaphore(%run_scoped3A_222 : memref<!tpu.dma_semaphore, #tpu.memory_space<semaphore_mem>>)
      %dma_wait3A = arith.constant 0 : i32
      %dma_wait3A_232 = tpu.memref_slice %arg5[%dma_wait3A] : memref<10240xf32, #tpu.memory_space<vmem>> -> memref<640xf32, #tpu.memory_space<vmem>>
      %dma_wait3A_233 = arith.constant 0 : i32
      %dma_wait3A_234 = tpu.memref_slice %arg11[%arg1, %run_scoped3A_7, %dma_wait3A_233] : memref<16x16x640xf32, #tpu.memory_space<vmem_shared>> -> memref<1x1x640xf32, #tpu.memory_space<vmem_shared>>
      %dma_wait3A_235 = tpu.memref_squeeze %dma_wait3A_234 : memref<1x1x640xf32, #tpu.memory_space<vmem_shared>> -> memref<640xf32, #tpu.memory_space<vmem_shared>>
      %dma_wait3A_236 = arith.constant 0 : i32
      %dma_wait3A_237 = tpu.memref_slice %arg11[%arg1, %run_scoped3A_7, %dma_wait3A_236] : memref<16x16x640xf32, #tpu.memory_space<vmem_shared>> -> memref<1x1x640xf32, #tpu.memory_space<vmem_shared>>
      %dma_wait3A_238 = tpu.memref_squeeze %dma_wait3A_237 : memref<1x1x640xf32, #tpu.memory_space<vmem_shared>> -> memref<640xf32, #tpu.memory_space<vmem_shared>>
      %dma_wait3A_239 = arith.constant 0 : i32
      %dma_wait3A_240 = tpu.memref_slice %arg5[%dma_wait3A_239] : memref<10240xf32, #tpu.memory_space<vmem>> -> memref<640xf32, #tpu.memory_space<vmem>>
      tpu.wait_dma2 semaphore(%run_scoped3A_222 : memref<!tpu.dma_semaphore, #tpu.memory_space<semaphore_mem>>) src(%dma_wait3A_240 : memref<640xf32, #tpu.memory_space<vmem>>) dst(%dma_wait3A_238 : memref<640xf32, #tpu.memory_space<vmem_shared>>)
      tpu.yield
    }) : () -> ()
    %run_scoped3A_8 = arith.constant 1 : i32
    "tpu.region"() ({
      %run_scoped3A_222 = tpu.sem_alloc : memref<!tpu.dma_semaphore, #tpu.memory_space<semaphore_mem>>
      %dma_start3A = arith.constant 640 : i32
      %dma_start3A_223 = tpu.memref_slice %arg5[%dma_start3A] : memref<10240xf32, #tpu.memory_space<vmem>> -> memref<640xf32, #tpu.memory_space<vmem>>
      %dma_start3A_224 = arith.constant 0 : i32
      %dma_start3A_225 = tpu.memref_slice %arg11[%arg1, %run_scoped3A_8, %dma_start3A_224] : memref<16x16x640xf32, #tpu.memory_space<vmem_shared>> -> memref<1x1x640xf32, #tpu.memory_space<vmem_shared>>
      %dma_start3A_226 = tpu.memref_squeeze %dma_start3A_225 : memref<1x1x640xf32, #tpu.memory_space<vmem_shared>> -> memref<640xf32, #tpu.memory_space<vmem_shared>>
      %dma_start3A_227 = arith.constant 0 : i32
      %dma_start3A_228 = tpu.memref_slice %arg11[%arg1, %run_scoped3A_8, %dma_start3A_227] : memref<16x16x640xf32, #tpu.memory_space<vmem_shared>> -> memref<1x1x640xf32, #tpu.memory_space<vmem_shared>>
      %dma_start3A_229 = tpu.memref_squeeze %dma_start3A_228 : memref<1x1x640xf32, #tpu.memory_space<vmem_shared>> -> memref<640xf32, #tpu.memory_space<vmem_shared>>
      %dma_start3A_230 = arith.constant 640 : i32
      %dma_start3A_231 = tpu.memref_slice %arg5[%dma_start3A_230] : memref<10240xf32, #tpu.memory_space<vmem>> -> memref<640xf32, #tpu.memory_space<vmem>>
      tpu.enqueue_dma source(%dma_start3A_231 : memref<640xf32, #tpu.memory_space<vmem>>) target(%dma_start3A_229 : memref<640xf32, #tpu.memory_space<vmem_shared>>) target_semaphore(%run_scoped3A_222 : memref<!tpu.dma_semaphore, #tpu.memory_space<semaphore_mem>>)
      %dma_wait3A = arith.constant 640 : i32
      %dma_wait3A_232 = tpu.memref_slice %arg5[%dma_wait3A] : memref<10240xf32, #tpu.memory_space<vmem>> -> memref<640xf32, #tpu.memory_space<vmem>>
      %dma_wait3A_233 = arith.constant 0 : i32
      %dma_wait3A_234 = tpu.memref_slice %arg11[%arg1, %run_scoped3A_8, %dma_wait3A_233] : memref<16x16x640xf32, #tpu.memory_space<vmem_shared>> -> memref<1x1x640xf32, #tpu.memory_space<vmem_shared>>
      %dma_wait3A_235 = tpu.memref_squeeze %dma_wait3A_234 : memref<1x1x640xf32, #tpu.memory_space<vmem_shared>> -> memref<640xf32, #tpu.memory_space<vmem_shared>>
      %dma_wait3A_236 = arith.constant 0 : i32
      %dma_wait3A_237 = tpu.memref_slice %arg11[%arg1, %run_scoped3A_8, %dma_wait3A_236] : memref<16x16x640xf32, #tpu.memory_space<vmem_shared>> -> memref<1x1x640xf32, #tpu.memory_space<vmem_shared>>
      %dma_wait3A_238 = tpu.memref_squeeze %dma_wait3A_237 : memref<1x1x640xf32, #tpu.memory_space<vmem_shared>> -> memref<640xf32, #tpu.memory_space<vmem_shared>>
      %dma_wait3A_239 = arith.constant 640 : i32
      %dma_wait3A_240 = tpu.memref_slice %arg5[%dma_wait3A_239] : memref<10240xf32, #tpu.memory_space<vmem>> -> memref<640xf32, #tpu.memory_space<vmem>>
      tpu.wait_dma2 semaphore(%run_scoped3A_222 : memref<!tpu.dma_semaphore, #tpu.memory_space<semaphore_mem>>) src(%dma_wait3A_240 : memref<640xf32, #tpu.memory_space<vmem>>) dst(%dma_wait3A_238 : memref<640xf32, #tpu.memory_space<vmem_shared>>)
      tpu.yield
    }) : () -> ()
    %run_scoped3A_9 = arith.constant 2 : i32
    "tpu.region"() ({
      %run_scoped3A_222 = tpu.sem_alloc : memref<!tpu.dma_semaphore, #tpu.memory_space<semaphore_mem>>
      %dma_start3A = arith.constant 1280 : i32
      %dma_start3A_223 = tpu.memref_slice %arg5[%dma_start3A] : memref<10240xf32, #tpu.memory_space<vmem>> -> memref<640xf32, #tpu.memory_space<vmem>>
      %dma_start3A_224 = arith.constant 0 : i32
      %dma_start3A_225 = tpu.memref_slice %arg11[%arg1, %run_scoped3A_9, %dma_start3A_224] : memref<16x16x640xf32, #tpu.memory_space<vmem_shared>> -> memref<1x1x640xf32, #tpu.memory_space<vmem_shared>>
      %dma_start3A_226 = tpu.memref_squeeze %dma_start3A_225 : memref<1x1x640xf32, #tpu.memory_space<vmem_shared>> -> memref<640xf32, #tpu.memory_space<vmem_shared>>
      %dma_start3A_227 = arith.constant 0 : i32
      %dma_start3A_228 = tpu.memref_slice %arg11[%arg1, %run_scoped3A_9, %dma_start3A_227] : memref<16x16x640xf32, #tpu.memory_space<vmem_shared>> -> memref<1x1x640xf32, #tpu.memory_space<vmem_shared>>
      %dma_start3A_229 = tpu.memref_squeeze %dma_start3A_228 : memref<1x1x640xf32, #tpu.memory_space<vmem_shared>> -> memref<640xf32, #tpu.memory_space<vmem_shared>>
      %dma_start3A_230 = arith.constant 1280 : i32
      %dma_start3A_231 = tpu.memref_slice %arg5[%dma_start3A_230] : memref<10240xf32, #tpu.memory_space<vmem>> -> memref<640xf32, #tpu.memory_space<vmem>>
      tpu.enqueue_dma source(%dma_start3A_231 : memref<640xf32, #tpu.memory_space<vmem>>) target(%dma_start3A_229 : memref<640xf32, #tpu.memory_space<vmem_shared>>) target_semaphore(%run_scoped3A_222 : memref<!tpu.dma_semaphore, #tpu.memory_space<semaphore_mem>>)
      %dma_wait3A = arith.constant 1280 : i32
      %dma_wait3A_232 = tpu.memref_slice %arg5[%dma_wait3A] : memref<10240xf32, #tpu.memory_space<vmem>> -> memref<640xf32, #tpu.memory_space<vmem>>
      %dma_wait3A_233 = arith.constant 0 : i32
      %dma_wait3A_234 = tpu.memref_slice %arg11[%arg1, %run_scoped3A_9, %dma_wait3A_233] : memref<16x16x640xf32, #tpu.memory_space<vmem_shared>> -> memref<1x1x640xf32, #tpu.memory_space<vmem_shared>>
      %dma_wait3A_235 = tpu.memref_squeeze %dma_wait3A_234 : memref<1x1x640xf32, #tpu.memory_space<vmem_shared>> -> memref<640xf32, #tpu.memory_space<vmem_shared>>
      %dma_wait3A_236 = arith.constant 0 : i32
      %dma_wait3A_237 = tpu.memref_slice %arg11[%arg1, %run_scoped3A_9, %dma_wait3A_236] : memref<16x16x640xf32, #tpu.memory_space<vmem_shared>> -> memref<1x1x640xf32, #tpu.memory_space<vmem_shared>>
      %dma_wait3A_238 = tpu.memref_squeeze %dma_wait3A_237 : memref<1x1x640xf32, #tpu.memory_space<vmem_shared>> -> memref<640xf32, #tpu.memory_space<vmem_shared>>
      %dma_wait3A_239 = arith.constant 1280 : i32
      %dma_wait3A_240 = tpu.memref_slice %arg5[%dma_wait3A_239] : memref<10240xf32, #tpu.memory_space<vmem>> -> memref<640xf32, #tpu.memory_space<vmem>>
      tpu.wait_dma2 semaphore(%run_scoped3A_222 : memref<!tpu.dma_semaphore, #tpu.memory_space<semaphore_mem>>) src(%dma_wait3A_240 : memref<640xf32, #tpu.memory_space<vmem>>) dst(%dma_wait3A_238 : memref<640xf32, #tpu.memory_space<vmem_shared>>)
      tpu.yield
    }) : () -> ()
    %run_scoped3A_10 = arith.constant 3 : i32
    "tpu.region"() ({
      %run_scoped3A_222 = tpu.sem_alloc : memref<!tpu.dma_semaphore, #tpu.memory_space<semaphore_mem>>
      %dma_start3A = arith.constant 1920 : i32
      %dma_start3A_223 = tpu.memref_slice %arg5[%dma_start3A] : memref<10240xf32, #tpu.memory_space<vmem>> -> memref<640xf32, #tpu.memory_space<vmem>>
      %dma_start3A_224 = arith.constant 0 : i32
      %dma_start3A_225 = tpu.memref_slice %arg11[%arg1, %run_scoped3A_10, %dma_start3A_224] : memref<16x16x640xf32, #tpu.memory_space<vmem_shared>> -> memref<1x1x640xf32, #tpu.memory_space<vmem_shared>>
      %dma_start3A_226 = tpu.memref_squeeze %dma_start3A_225 : memref<1x1x640xf32, #tpu.memory_space<vmem_shared>> -> memref<640xf32, #tpu.memory_space<vmem_shared>>
      %dma_start3A_227 = arith.constant 0 : i32
      %dma_start3A_228 = tpu.memref_slice %arg11[%arg1, %run_scoped3A_10, %dma_start3A_227] : memref<16x16x640xf32, #tpu.memory_space<vmem_shared>> -> memref<1x1x640xf32, #tpu.memory_space<vmem_shared>>
      %dma_start3A_229 = tpu.memref_squeeze %dma_start3A_228 : memref<1x1x640xf32, #tpu.memory_space<vmem_shared>> -> memref<640xf32, #tpu.memory_space<vmem_shared>>
      %dma_start3A_230 = arith.constant 1920 : i32
      %dma_start3A_231 = tpu.memref_slice %arg5[%dma_start3A_230] : memref<10240xf32, #tpu.memory_space<vmem>> -> memref<640xf32, #tpu.memory_space<vmem>>
      tpu.enqueue_dma source(%dma_start3A_231 : memref<640xf32, #tpu.memory_space<vmem>>) target(%dma_start3A_229 : memref<640xf32, #tpu.memory_space<vmem_shared>>) target_semaphore(%run_scoped3A_222 : memref<!tpu.dma_semaphore, #tpu.memory_space<semaphore_mem>>)
      %dma_wait3A = arith.constant 1920 : i32
      %dma_wait3A_232 = tpu.memref_slice %arg5[%dma_wait3A] : memref<10240xf32, #tpu.memory_space<vmem>> -> memref<640xf32, #tpu.memory_space<vmem>>
      %dma_wait3A_233 = arith.constant 0 : i32
      %dma_wait3A_234 = tpu.memref_slice %arg11[%arg1, %run_scoped3A_10, %dma_wait3A_233] : memref<16x16x640xf32, #tpu.memory_space<vmem_shared>> -> memref<1x1x640xf32, #tpu.memory_space<vmem_shared>>
      %dma_wait3A_235 = tpu.memref_squeeze %dma_wait3A_234 : memref<1x1x640xf32, #tpu.memory_space<vmem_shared>> -> memref<640xf32, #tpu.memory_space<vmem_shared>>
      %dma_wait3A_236 = arith.constant 0 : i32
      %dma_wait3A_237 = tpu.memref_slice %arg11[%arg1, %run_scoped3A_10, %dma_wait3A_236] : memref<16x16x640xf32, #tpu.memory_space<vmem_shared>> -> memref<1x1x640xf32, #tpu.memory_space<vmem_shared>>
      %dma_wait3A_238 = tpu.memref_squeeze %dma_wait3A_237 : memref<1x1x640xf32, #tpu.memory_space<vmem_shared>> -> memref<640xf32, #tpu.memory_space<vmem_shared>>
      %dma_wait3A_239 = arith.constant 1920 : i32
      %dma_wait3A_240 = tpu.memref_slice %arg5[%dma_wait3A_239] : memref<10240xf32, #tpu.memory_space<vmem>> -> memref<640xf32, #tpu.memory_space<vmem>>
      tpu.wait_dma2 semaphore(%run_scoped3A_222 : memref<!tpu.dma_semaphore, #tpu.memory_space<semaphore_mem>>) src(%dma_wait3A_240 : memref<640xf32, #tpu.memory_space<vmem>>) dst(%dma_wait3A_238 : memref<640xf32, #tpu.memory_space<vmem_shared>>)
      tpu.yield
    }) : () -> ()
    %run_scoped3A_11 = arith.constant 4 : i32
    "tpu.region"() ({
      %run_scoped3A_222 = tpu.sem_alloc : memref<!tpu.dma_semaphore, #tpu.memory_space<semaphore_mem>>
      %dma_start3A = arith.constant 2560 : i32
      %dma_start3A_223 = tpu.memref_slice %arg5[%dma_start3A] : memref<10240xf32, #tpu.memory_space<vmem>> -> memref<640xf32, #tpu.memory_space<vmem>>
      %dma_start3A_224 = arith.constant 0 : i32
      %dma_start3A_225 = tpu.memref_slice %arg11[%arg1, %run_scoped3A_11, %dma_start3A_224] : memref<16x16x640xf32, #tpu.memory_space<vmem_shared>> -> memref<1x1x640xf32, #tpu.memory_space<vmem_shared>>
      %dma_start3A_226 = tpu.memref_squeeze %dma_start3A_225 : memref<1x1x640xf32, #tpu.memory_space<vmem_shared>> -> memref<640xf32, #tpu.memory_space<vmem_shared>>
      %dma_start3A_227 = arith.constant 0 : i32
      %dma_start3A_228 = tpu.memref_slice %arg11[%arg1, %run_scoped3A_11, %dma_start3A_227] : memref<16x16x640xf32, #tpu.memory_space<vmem_shared>> -> memref<1x1x640xf32, #tpu.memory_space<vmem_shared>>
      %dma_start3A_229 = tpu.memref_squeeze %dma_start3A_228 : memref<1x1x640xf32, #tpu.memory_space<vmem_shared>> -> memref<640xf32, #tpu.memory_space<vmem_shared>>
      %dma_start3A_230 = arith.constant 2560 : i32
      %dma_start3A_231 = tpu.memref_slice %arg5[%dma_start3A_230] : memref<10240xf32, #tpu.memory_space<vmem>> -> memref<640xf32, #tpu.memory_space<vmem>>
      tpu.enqueue_dma source(%dma_start3A_231 : memref<640xf32, #tpu.memory_space<vmem>>) target(%dma_start3A_229 : memref<640xf32, #tpu.memory_space<vmem_shared>>) target_semaphore(%run_scoped3A_222 : memref<!tpu.dma_semaphore, #tpu.memory_space<semaphore_mem>>)
      %dma_wait3A = arith.constant 2560 : i32
      %dma_wait3A_232 = tpu.memref_slice %arg5[%dma_wait3A] : memref<10240xf32, #tpu.memory_space<vmem>> -> memref<640xf32, #tpu.memory_space<vmem>>
      %dma_wait3A_233 = arith.constant 0 : i32
      %dma_wait3A_234 = tpu.memref_slice %arg11[%arg1, %run_scoped3A_11, %dma_wait3A_233] : memref<16x16x640xf32, #tpu.memory_space<vmem_shared>> -> memref<1x1x640xf32, #tpu.memory_space<vmem_shared>>
      %dma_wait3A_235 = tpu.memref_squeeze %dma_wait3A_234 : memref<1x1x640xf32, #tpu.memory_space<vmem_shared>> -> memref<640xf32, #tpu.memory_space<vmem_shared>>
      %dma_wait3A_236 = arith.constant 0 : i32
      %dma_wait3A_237 = tpu.memref_slice %arg11[%arg1, %run_scoped3A_11, %dma_wait3A_236] : memref<16x16x640xf32, #tpu.memory_space<vmem_shared>> -> memref<1x1x640xf32, #tpu.memory_space<vmem_shared>>
      %dma_wait3A_238 = tpu.memref_squeeze %dma_wait3A_237 : memref<1x1x640xf32, #tpu.memory_space<vmem_shared>> -> memref<640xf32, #tpu.memory_space<vmem_shared>>
      %dma_wait3A_239 = arith.constant 2560 : i32
      %dma_wait3A_240 = tpu.memref_slice %arg5[%dma_wait3A_239] : memref<10240xf32, #tpu.memory_space<vmem>> -> memref<640xf32, #tpu.memory_space<vmem>>
      tpu.wait_dma2 semaphore(%run_scoped3A_222 : memref<!tpu.dma_semaphore, #tpu.memory_space<semaphore_mem>>) src(%dma_wait3A_240 : memref<640xf32, #tpu.memory_space<vmem>>) dst(%dma_wait3A_238 : memref<640xf32, #tpu.memory_space<vmem_shared>>)
      tpu.yield
    }) : () -> ()
    %run_scoped3A_12 = arith.constant 5 : i32
    "tpu.region"() ({
      %run_scoped3A_222 = tpu.sem_alloc : memref<!tpu.dma_semaphore, #tpu.memory_space<semaphore_mem>>
      %dma_start3A = arith.constant 3200 : i32
      %dma_start3A_223 = tpu.memref_slice %arg5[%dma_start3A] : memref<10240xf32, #tpu.memory_space<vmem>> -> memref<640xf32, #tpu.memory_space<vmem>>
      %dma_start3A_224 = arith.constant 0 : i32
      %dma_start3A_225 = tpu.memref_slice %arg11[%arg1, %run_scoped3A_12, %dma_start3A_224] : memref<16x16x640xf32, #tpu.memory_space<vmem_shared>> -> memref<1x1x640xf32, #tpu.memory_space<vmem_shared>>
      %dma_start3A_226 = tpu.memref_squeeze %dma_start3A_225 : memref<1x1x640xf32, #tpu.memory_space<vmem_shared>> -> memref<640xf32, #tpu.memory_space<vmem_shared>>
      %dma_start3A_227 = arith.constant 0 : i32
      %dma_start3A_228 = tpu.memref_slice %arg11[%arg1, %run_scoped3A_12, %dma_start3A_227] : memref<16x16x640xf32, #tpu.memory_space<vmem_shared>> -> memref<1x1x640xf32, #tpu.memory_space<vmem_shared>>
      %dma_start3A_229 = tpu.memref_squeeze %dma_start3A_228 : memref<1x1x640xf32, #tpu.memory_space<vmem_shared>> -> memref<640xf32, #tpu.memory_space<vmem_shared>>
      %dma_start3A_230 = arith.constant 3200 : i32
      %dma_start3A_231 = tpu.memref_slice %arg5[%dma_start3A_230] : memref<10240xf32, #tpu.memory_space<vmem>> -> memref<640xf32, #tpu.memory_space<vmem>>
      tpu.enqueue_dma source(%dma_start3A_231 : memref<640xf32, #tpu.memory_space<vmem>>) target(%dma_start3A_229 : memref<640xf32, #tpu.memory_space<vmem_shared>>) target_semaphore(%run_scoped3A_222 : memref<!tpu.dma_semaphore, #tpu.memory_space<semaphore_mem>>)
      %dma_wait3A = arith.constant 3200 : i32
      %dma_wait3A_232 = tpu.memref_slice %arg5[%dma_wait3A] : memref<10240xf32, #tpu.memory_space<vmem>> -> memref<640xf32, #tpu.memory_space<vmem>>
      %dma_wait3A_233 = arith.constant 0 : i32
      %dma_wait3A_234 = tpu.memref_slice %arg11[%arg1, %run_scoped3A_12, %dma_wait3A_233] : memref<16x16x640xf32, #tpu.memory_space<vmem_shared>> -> memref<1x1x640xf32, #tpu.memory_space<vmem_shared>>
      %dma_wait3A_235 = tpu.memref_squeeze %dma_wait3A_234 : memref<1x1x640xf32, #tpu.memory_space<vmem_shared>> -> memref<640xf32, #tpu.memory_space<vmem_shared>>
      %dma_wait3A_236 = arith.constant 0 : i32
      %dma_wait3A_237 = tpu.memref_slice %arg11[%arg1, %run_scoped3A_12, %dma_wait3A_236] : memref<16x16x640xf32, #tpu.memory_space<vmem_shared>> -> memref<1x1x640xf32, #tpu.memory_space<vmem_shared>>
      %dma_wait3A_238 = tpu.memref_squeeze %dma_wait3A_237 : memref<1x1x640xf32, #tpu.memory_space<vmem_shared>> -> memref<640xf32, #tpu.memory_space<vmem_shared>>
      %dma_wait3A_239 = arith.constant 3200 : i32
      %dma_wait3A_240 = tpu.memref_slice %arg5[%dma_wait3A_239] : memref<10240xf32, #tpu.memory_space<vmem>> -> memref<640xf32, #tpu.memory_space<vmem>>
      tpu.wait_dma2 semaphore(%run_scoped3A_222 : memref<!tpu.dma_semaphore, #tpu.memory_space<semaphore_mem>>) src(%dma_wait3A_240 : memref<640xf32, #tpu.memory_space<vmem>>) dst(%dma_wait3A_238 : memref<640xf32, #tpu.memory_space<vmem_shared>>)
      tpu.yield
    }) : () -> ()
    %run_scoped3A_13 = arith.constant 6 : i32
    "tpu.region"() ({
      %run_scoped3A_222 = tpu.sem_alloc : memref<!tpu.dma_semaphore, #tpu.memory_space<semaphore_mem>>
      %dma_start3A = arith.constant 3840 : i32
      %dma_start3A_223 = tpu.memref_slice %arg5[%dma_start3A] : memref<10240xf32, #tpu.memory_space<vmem>> -> memref<640xf32, #tpu.memory_space<vmem>>
      %dma_start3A_224 = arith.constant 0 : i32
      %dma_start3A_225 = tpu.memref_slice %arg11[%arg1, %run_scoped3A_13, %dma_start3A_224] : memref<16x16x640xf32, #tpu.memory_space<vmem_shared>> -> memref<1x1x640xf32, #tpu.memory_space<vmem_shared>>
      %dma_start3A_226 = tpu.memref_squeeze %dma_start3A_225 : memref<1x1x640xf32, #tpu.memory_space<vmem_shared>> -> memref<640xf32, #tpu.memory_space<vmem_shared>>
      %dma_start3A_227 = arith.constant 0 : i32
      %dma_start3A_228 = tpu.memref_slice %arg11[%arg1, %run_scoped3A_13, %dma_start3A_227] : memref<16x16x640xf32, #tpu.memory_space<vmem_shared>> -> memref<1x1x640xf32, #tpu.memory_space<vmem_shared>>
      %dma_start3A_229 = tpu.memref_squeeze %dma_start3A_228 : memref<1x1x640xf32, #tpu.memory_space<vmem_shared>> -> memref<640xf32, #tpu.memory_space<vmem_shared>>
      %dma_start3A_230 = arith.constant 3840 : i32
      %dma_start3A_231 = tpu.memref_slice %arg5[%dma_start3A_230] : memref<10240xf32, #tpu.memory_space<vmem>> -> memref<640xf32, #tpu.memory_space<vmem>>
      tpu.enqueue_dma source(%dma_start3A_231 : memref<640xf32, #tpu.memory_space<vmem>>) target(%dma_start3A_229 : memref<640xf32, #tpu.memory_space<vmem_shared>>) target_semaphore(%run_scoped3A_222 : memref<!tpu.dma_semaphore, #tpu.memory_space<semaphore_mem>>)
      %dma_wait3A = arith.constant 3840 : i32
      %dma_wait3A_232 = tpu.memref_slice %arg5[%dma_wait3A] : memref<10240xf32, #tpu.memory_space<vmem>> -> memref<640xf32, #tpu.memory_space<vmem>>
      %dma_wait3A_233 = arith.constant 0 : i32
      %dma_wait3A_234 = tpu.memref_slice %arg11[%arg1, %run_scoped3A_13, %dma_wait3A_233] : memref<16x16x640xf32, #tpu.memory_space<vmem_shared>> -> memref<1x1x640xf32, #tpu.memory_space<vmem_shared>>
      %dma_wait3A_235 = tpu.memref_squeeze %dma_wait3A_234 : memref<1x1x640xf32, #tpu.memory_space<vmem_shared>> -> memref<640xf32, #tpu.memory_space<vmem_shared>>
      %dma_wait3A_236 = arith.constant 0 : i32
      %dma_wait3A_237 = tpu.memref_slice %arg11[%arg1, %run_scoped3A_13, %dma_wait3A_236] : memref<16x16x640xf32, #tpu.memory_space<vmem_shared>> -> memref<1x1x640xf32, #tpu.memory_space<vmem_shared>>
      %dma_wait3A_238 = tpu.memref_squeeze %dma_wait3A_237 : memref<1x1x640xf32, #tpu.memory_space<vmem_shared>> -> memref<640xf32, #tpu.memory_space<vmem_shared>>
      %dma_wait3A_239 = arith.constant 3840 : i32
      %dma_wait3A_240 = tpu.memref_slice %arg5[%dma_wait3A_239] : memref<10240xf32, #tpu.memory_space<vmem>> -> memref<640xf32, #tpu.memory_space<vmem>>
      tpu.wait_dma2 semaphore(%run_scoped3A_222 : memref<!tpu.dma_semaphore, #tpu.memory_space<semaphore_mem>>) src(%dma_wait3A_240 : memref<640xf32, #tpu.memory_space<vmem>>) dst(%dma_wait3A_238 : memref<640xf32, #tpu.memory_space<vmem_shared>>)
      tpu.yield
    }) : () -> ()
    %run_scoped3A_14 = arith.constant 7 : i32
    "tpu.region"() ({
      %run_scoped3A_222 = tpu.sem_alloc : memref<!tpu.dma_semaphore, #tpu.memory_space<semaphore_mem>>
      %dma_start3A = arith.constant 4480 : i32
      %dma_start3A_223 = tpu.memref_slice %arg5[%dma_start3A] : memref<10240xf32, #tpu.memory_space<vmem>> -> memref<640xf32, #tpu.memory_space<vmem>>
      %dma_start3A_224 = arith.constant 0 : i32
      %dma_start3A_225 = tpu.memref_slice %arg11[%arg1, %run_scoped3A_14, %dma_start3A_224] : memref<16x16x640xf32, #tpu.memory_space<vmem_shared>> -> memref<1x1x640xf32, #tpu.memory_space<vmem_shared>>
      %dma_start3A_226 = tpu.memref_squeeze %dma_start3A_225 : memref<1x1x640xf32, #tpu.memory_space<vmem_shared>> -> memref<640xf32, #tpu.memory_space<vmem_shared>>
      %dma_start3A_227 = arith.constant 0 : i32
      %dma_start3A_228 = tpu.memref_slice %arg11[%arg1, %run_scoped3A_14, %dma_start3A_227] : memref<16x16x640xf32, #tpu.memory_space<vmem_shared>> -> memref<1x1x640xf32, #tpu.memory_space<vmem_shared>>
      %dma_start3A_229 = tpu.memref_squeeze %dma_start3A_228 : memref<1x1x640xf32, #tpu.memory_space<vmem_shared>> -> memref<640xf32, #tpu.memory_space<vmem_shared>>
      %dma_start3A_230 = arith.constant 4480 : i32
      %dma_start3A_231 = tpu.memref_slice %arg5[%dma_start3A_230] : memref<10240xf32, #tpu.memory_space<vmem>> -> memref<640xf32, #tpu.memory_space<vmem>>
      tpu.enqueue_dma source(%dma_start3A_231 : memref<640xf32, #tpu.memory_space<vmem>>) target(%dma_start3A_229 : memref<640xf32, #tpu.memory_space<vmem_shared>>) target_semaphore(%run_scoped3A_222 : memref<!tpu.dma_semaphore, #tpu.memory_space<semaphore_mem>>)
      %dma_wait3A = arith.constant 4480 : i32
      %dma_wait3A_232 = tpu.memref_slice %arg5[%dma_wait3A] : memref<10240xf32, #tpu.memory_space<vmem>> -> memref<640xf32, #tpu.memory_space<vmem>>
      %dma_wait3A_233 = arith.constant 0 : i32
      %dma_wait3A_234 = tpu.memref_slice %arg11[%arg1, %run_scoped3A_14, %dma_wait3A_233] : memref<16x16x640xf32, #tpu.memory_space<vmem_shared>> -> memref<1x1x640xf32, #tpu.memory_space<vmem_shared>>
      %dma_wait3A_235 = tpu.memref_squeeze %dma_wait3A_234 : memref<1x1x640xf32, #tpu.memory_space<vmem_shared>> -> memref<640xf32, #tpu.memory_space<vmem_shared>>
      %dma_wait3A_236 = arith.constant 0 : i32
      %dma_wait3A_237 = tpu.memref_slice %arg11[%arg1, %run_scoped3A_14, %dma_wait3A_236] : memref<16x16x640xf32, #tpu.memory_space<vmem_shared>> -> memref<1x1x640xf32, #tpu.memory_space<vmem_shared>>
      %dma_wait3A_238 = tpu.memref_squeeze %dma_wait3A_237 : memref<1x1x640xf32, #tpu.memory_space<vmem_shared>> -> memref<640xf32, #tpu.memory_space<vmem_shared>>
      %dma_wait3A_239 = arith.constant 4480 : i32
      %dma_wait3A_240 = tpu.memref_slice %arg5[%dma_wait3A_239] : memref<10240xf32, #tpu.memory_space<vmem>> -> memref<640xf32, #tpu.memory_space<vmem>>
      tpu.wait_dma2 semaphore(%run_scoped3A_222 : memref<!tpu.dma_semaphore, #tpu.memory_space<semaphore_mem>>) src(%dma_wait3A_240 : memref<640xf32, #tpu.memory_space<vmem>>) dst(%dma_wait3A_238 : memref<640xf32, #tpu.memory_space<vmem_shared>>)
      tpu.yield
    }) : () -> ()
    %run_scoped3A_15 = arith.constant 8 : i32
    "tpu.region"() ({
      %run_scoped3A_222 = tpu.sem_alloc : memref<!tpu.dma_semaphore, #tpu.memory_space<semaphore_mem>>
      %dma_start3A = arith.constant 5120 : i32
      %dma_start3A_223 = tpu.memref_slice %arg5[%dma_start3A] : memref<10240xf32, #tpu.memory_space<vmem>> -> memref<640xf32, #tpu.memory_space<vmem>>
      %dma_start3A_224 = arith.constant 0 : i32
      %dma_start3A_225 = tpu.memref_slice %arg11[%arg1, %run_scoped3A_15, %dma_start3A_224] : memref<16x16x640xf32, #tpu.memory_space<vmem_shared>> -> memref<1x1x640xf32, #tpu.memory_space<vmem_shared>>
      %dma_start3A_226 = tpu.memref_squeeze %dma_start3A_225 : memref<1x1x640xf32, #tpu.memory_space<vmem_shared>> -> memref<640xf32, #tpu.memory_space<vmem_shared>>
      %dma_start3A_227 = arith.constant 0 : i32
      %dma_start3A_228 = tpu.memref_slice %arg11[%arg1, %run_scoped3A_15, %dma_start3A_227] : memref<16x16x640xf32, #tpu.memory_space<vmem_shared>> -> memref<1x1x640xf32, #tpu.memory_space<vmem_shared>>
      %dma_start3A_229 = tpu.memref_squeeze %dma_start3A_228 : memref<1x1x640xf32, #tpu.memory_space<vmem_shared>> -> memref<640xf32, #tpu.memory_space<vmem_shared>>
      %dma_start3A_230 = arith.constant 5120 : i32
      %dma_start3A_231 = tpu.memref_slice %arg5[%dma_start3A_230] : memref<10240xf32, #tpu.memory_space<vmem>> -> memref<640xf32, #tpu.memory_space<vmem>>
      tpu.enqueue_dma source(%dma_start3A_231 : memref<640xf32, #tpu.memory_space<vmem>>) target(%dma_start3A_229 : memref<640xf32, #tpu.memory_space<vmem_shared>>) target_semaphore(%run_scoped3A_222 : memref<!tpu.dma_semaphore, #tpu.memory_space<semaphore_mem>>)
      %dma_wait3A = arith.constant 5120 : i32
      %dma_wait3A_232 = tpu.memref_slice %arg5[%dma_wait3A] : memref<10240xf32, #tpu.memory_space<vmem>> -> memref<640xf32, #tpu.memory_space<vmem>>
      %dma_wait3A_233 = arith.constant 0 : i32
      %dma_wait3A_234 = tpu.memref_slice %arg11[%arg1, %run_scoped3A_15, %dma_wait3A_233] : memref<16x16x640xf32, #tpu.memory_space<vmem_shared>> -> memref<1x1x640xf32, #tpu.memory_space<vmem_shared>>
      %dma_wait3A_235 = tpu.memref_squeeze %dma_wait3A_234 : memref<1x1x640xf32, #tpu.memory_space<vmem_shared>> -> memref<640xf32, #tpu.memory_space<vmem_shared>>
      %dma_wait3A_236 = arith.constant 0 : i32
      %dma_wait3A_237 = tpu.memref_slice %arg11[%arg1, %run_scoped3A_15, %dma_wait3A_236] : memref<16x16x640xf32, #tpu.memory_space<vmem_shared>> -> memref<1x1x640xf32, #tpu.memory_space<vmem_shared>>
      %dma_wait3A_238 = tpu.memref_squeeze %dma_wait3A_237 : memref<1x1x640xf32, #tpu.memory_space<vmem_shared>> -> memref<640xf32, #tpu.memory_space<vmem_shared>>
      %dma_wait3A_239 = arith.constant 5120 : i32
      %dma_wait3A_240 = tpu.memref_slice %arg5[%dma_wait3A_239] : memref<10240xf32, #tpu.memory_space<vmem>> -> memref<640xf32, #tpu.memory_space<vmem>>
      tpu.wait_dma2 semaphore(%run_scoped3A_222 : memref<!tpu.dma_semaphore, #tpu.memory_space<semaphore_mem>>) src(%dma_wait3A_240 : memref<640xf32, #tpu.memory_space<vmem>>) dst(%dma_wait3A_238 : memref<640xf32, #tpu.memory_space<vmem_shared>>)
      tpu.yield
    }) : () -> ()
    %run_scoped3A_16 = arith.constant 9 : i32
    "tpu.region"() ({
      %run_scoped3A_222 = tpu.sem_alloc : memref<!tpu.dma_semaphore, #tpu.memory_space<semaphore_mem>>
      %dma_start3A = arith.constant 5760 : i32
      %dma_start3A_223 = tpu.memref_slice %arg5[%dma_start3A] : memref<10240xf32, #tpu.memory_space<vmem>> -> memref<640xf32, #tpu.memory_space<vmem>>
      %dma_start3A_224 = arith.constant 0 : i32
      %dma_start3A_225 = tpu.memref_slice %arg11[%arg1, %run_scoped3A_16, %dma_start3A_224] : memref<16x16x640xf32, #tpu.memory_space<vmem_shared>> -> memref<1x1x640xf32, #tpu.memory_space<vmem_shared>>
      %dma_start3A_226 = tpu.memref_squeeze %dma_start3A_225 : memref<1x1x640xf32, #tpu.memory_space<vmem_shared>> -> memref<640xf32, #tpu.memory_space<vmem_shared>>
      %dma_start3A_227 = arith.constant 0 : i32
      %dma_start3A_228 = tpu.memref_slice %arg11[%arg1, %run_scoped3A_16, %dma_start3A_227] : memref<16x16x640xf32, #tpu.memory_space<vmem_shared>> -> memref<1x1x640xf32, #tpu.memory_space<vmem_shared>>
      %dma_start3A_229 = tpu.memref_squeeze %dma_start3A_228 : memref<1x1x640xf32, #tpu.memory_space<vmem_shared>> -> memref<640xf32, #tpu.memory_space<vmem_shared>>
      %dma_start3A_230 = arith.constant 5760 : i32
      %dma_start3A_231 = tpu.memref_slice %arg5[%dma_start3A_230] : memref<10240xf32, #tpu.memory_space<vmem>> -> memref<640xf32, #tpu.memory_space<vmem>>
      tpu.enqueue_dma source(%dma_start3A_231 : memref<640xf32, #tpu.memory_space<vmem>>) target(%dma_start3A_229 : memref<640xf32, #tpu.memory_space<vmem_shared>>) target_semaphore(%run_scoped3A_222 : memref<!tpu.dma_semaphore, #tpu.memory_space<semaphore_mem>>)
      %dma_wait3A = arith.constant 5760 : i32
      %dma_wait3A_232 = tpu.memref_slice %arg5[%dma_wait3A] : memref<10240xf32, #tpu.memory_space<vmem>> -> memref<640xf32, #tpu.memory_space<vmem>>
      %dma_wait3A_233 = arith.constant 0 : i32
      %dma_wait3A_234 = tpu.memref_slice %arg11[%arg1, %run_scoped3A_16, %dma_wait3A_233] : memref<16x16x640xf32, #tpu.memory_space<vmem_shared>> -> memref<1x1x640xf32, #tpu.memory_space<vmem_shared>>
      %dma_wait3A_235 = tpu.memref_squeeze %dma_wait3A_234 : memref<1x1x640xf32, #tpu.memory_space<vmem_shared>> -> memref<640xf32, #tpu.memory_space<vmem_shared>>
      %dma_wait3A_236 = arith.constant 0 : i32
      %dma_wait3A_237 = tpu.memref_slice %arg11[%arg1, %run_scoped3A_16, %dma_wait3A_236] : memref<16x16x640xf32, #tpu.memory_space<vmem_shared>> -> memref<1x1x640xf32, #tpu.memory_space<vmem_shared>>
      %dma_wait3A_238 = tpu.memref_squeeze %dma_wait3A_237 : memref<1x1x640xf32, #tpu.memory_space<vmem_shared>> -> memref<640xf32, #tpu.memory_space<vmem_shared>>
      %dma_wait3A_239 = arith.constant 5760 : i32
      %dma_wait3A_240 = tpu.memref_slice %arg5[%dma_wait3A_239] : memref<10240xf32, #tpu.memory_space<vmem>> -> memref<640xf32, #tpu.memory_space<vmem>>
      tpu.wait_dma2 semaphore(%run_scoped3A_222 : memref<!tpu.dma_semaphore, #tpu.memory_space<semaphore_mem>>) src(%dma_wait3A_240 : memref<640xf32, #tpu.memory_space<vmem>>) dst(%dma_wait3A_238 : memref<640xf32, #tpu.memory_space<vmem_shared>>)
      tpu.yield
    }) : () -> ()
    %run_scoped3A_17 = arith.constant 10 : i32
    "tpu.region"() ({
      %run_scoped3A_222 = tpu.sem_alloc : memref<!tpu.dma_semaphore, #tpu.memory_space<semaphore_mem>>
      %dma_start3A = arith.constant 6400 : i32
      %dma_start3A_223 = tpu.memref_slice %arg5[%dma_start3A] : memref<10240xf32, #tpu.memory_space<vmem>> -> memref<640xf32, #tpu.memory_space<vmem>>
      %dma_start3A_224 = arith.constant 0 : i32
      %dma_start3A_225 = tpu.memref_slice %arg11[%arg1, %run_scoped3A_17, %dma_start3A_224] : memref<16x16x640xf32, #tpu.memory_space<vmem_shared>> -> memref<1x1x640xf32, #tpu.memory_space<vmem_shared>>
      %dma_start3A_226 = tpu.memref_squeeze %dma_start3A_225 : memref<1x1x640xf32, #tpu.memory_space<vmem_shared>> -> memref<640xf32, #tpu.memory_space<vmem_shared>>
      %dma_start3A_227 = arith.constant 0 : i32
      %dma_start3A_228 = tpu.memref_slice %arg11[%arg1, %run_scoped3A_17, %dma_start3A_227] : memref<16x16x640xf32, #tpu.memory_space<vmem_shared>> -> memref<1x1x640xf32, #tpu.memory_space<vmem_shared>>
      %dma_start3A_229 = tpu.memref_squeeze %dma_start3A_228 : memref<1x1x640xf32, #tpu.memory_space<vmem_shared>> -> memref<640xf32, #tpu.memory_space<vmem_shared>>
      %dma_start3A_230 = arith.constant 6400 : i32
      %dma_start3A_231 = tpu.memref_slice %arg5[%dma_start3A_230] : memref<10240xf32, #tpu.memory_space<vmem>> -> memref<640xf32, #tpu.memory_space<vmem>>
      tpu.enqueue_dma source(%dma_start3A_231 : memref<640xf32, #tpu.memory_space<vmem>>) target(%dma_start3A_229 : memref<640xf32, #tpu.memory_space<vmem_shared>>) target_semaphore(%run_scoped3A_222 : memref<!tpu.dma_semaphore, #tpu.memory_space<semaphore_mem>>)
      %dma_wait3A = arith.constant 6400 : i32
      %dma_wait3A_232 = tpu.memref_slice %arg5[%dma_wait3A] : memref<10240xf32, #tpu.memory_space<vmem>> -> memref<640xf32, #tpu.memory_space<vmem>>
      %dma_wait3A_233 = arith.constant 0 : i32
      %dma_wait3A_234 = tpu.memref_slice %arg11[%arg1, %run_scoped3A_17, %dma_wait3A_233] : memref<16x16x640xf32, #tpu.memory_space<vmem_shared>> -> memref<1x1x640xf32, #tpu.memory_space<vmem_shared>>
      %dma_wait3A_235 = tpu.memref_squeeze %dma_wait3A_234 : memref<1x1x640xf32, #tpu.memory_space<vmem_shared>> -> memref<640xf32, #tpu.memory_space<vmem_shared>>
      %dma_wait3A_236 = arith.constant 0 : i32
      %dma_wait3A_237 = tpu.memref_slice %arg11[%arg1, %run_scoped3A_17, %dma_wait3A_236] : memref<16x16x640xf32, #tpu.memory_space<vmem_shared>> -> memref<1x1x640xf32, #tpu.memory_space<vmem_shared>>
      %dma_wait3A_238 = tpu.memref_squeeze %dma_wait3A_237 : memref<1x1x640xf32, #tpu.memory_space<vmem_shared>> -> memref<640xf32, #tpu.memory_space<vmem_shared>>
      %dma_wait3A_239 = arith.constant 6400 : i32
      %dma_wait3A_240 = tpu.memref_slice %arg5[%dma_wait3A_239] : memref<10240xf32, #tpu.memory_space<vmem>> -> memref<640xf32, #tpu.memory_space<vmem>>
      tpu.wait_dma2 semaphore(%run_scoped3A_222 : memref<!tpu.dma_semaphore, #tpu.memory_space<semaphore_mem>>) src(%dma_wait3A_240 : memref<640xf32, #tpu.memory_space<vmem>>) dst(%dma_wait3A_238 : memref<640xf32, #tpu.memory_space<vmem_shared>>)
      tpu.yield
    }) : () -> ()
    %run_scoped3A_18 = arith.constant 11 : i32
    "tpu.region"() ({
      %run_scoped3A_222 = tpu.sem_alloc : memref<!tpu.dma_semaphore, #tpu.memory_space<semaphore_mem>>
      %dma_start3A = arith.constant 7040 : i32
      %dma_start3A_223 = tpu.memref_slice %arg5[%dma_start3A] : memref<10240xf32, #tpu.memory_space<vmem>> -> memref<640xf32, #tpu.memory_space<vmem>>
      %dma_start3A_224 = arith.constant 0 : i32
      %dma_start3A_225 = tpu.memref_slice %arg11[%arg1, %run_scoped3A_18, %dma_start3A_224] : memref<16x16x640xf32, #tpu.memory_space<vmem_shared>> -> memref<1x1x640xf32, #tpu.memory_space<vmem_shared>>
      %dma_start3A_226 = tpu.memref_squeeze %dma_start3A_225 : memref<1x1x640xf32, #tpu.memory_space<vmem_shared>> -> memref<640xf32, #tpu.memory_space<vmem_shared>>
      %dma_start3A_227 = arith.constant 0 : i32
      %dma_start3A_228 = tpu.memref_slice %arg11[%arg1, %run_scoped3A_18, %dma_start3A_227] : memref<16x16x640xf32, #tpu.memory_space<vmem_shared>> -> memref<1x1x640xf32, #tpu.memory_space<vmem_shared>>
      %dma_start3A_229 = tpu.memref_squeeze %dma_start3A_228 : memref<1x1x640xf32, #tpu.memory_space<vmem_shared>> -> memref<640xf32, #tpu.memory_space<vmem_shared>>
      %dma_start3A_230 = arith.constant 7040 : i32
      %dma_start3A_231 = tpu.memref_slice %arg5[%dma_start3A_230] : memref<10240xf32, #tpu.memory_space<vmem>> -> memref<640xf32, #tpu.memory_space<vmem>>
      tpu.enqueue_dma source(%dma_start3A_231 : memref<640xf32, #tpu.memory_space<vmem>>) target(%dma_start3A_229 : memref<640xf32, #tpu.memory_space<vmem_shared>>) target_semaphore(%run_scoped3A_222 : memref<!tpu.dma_semaphore, #tpu.memory_space<semaphore_mem>>)
      %dma_wait3A = arith.constant 7040 : i32
      %dma_wait3A_232 = tpu.memref_slice %arg5[%dma_wait3A] : memref<10240xf32, #tpu.memory_space<vmem>> -> memref<640xf32, #tpu.memory_space<vmem>>
      %dma_wait3A_233 = arith.constant 0 : i32
      %dma_wait3A_234 = tpu.memref_slice %arg11[%arg1, %run_scoped3A_18, %dma_wait3A_233] : memref<16x16x640xf32, #tpu.memory_space<vmem_shared>> -> memref<1x1x640xf32, #tpu.memory_space<vmem_shared>>
      %dma_wait3A_235 = tpu.memref_squeeze %dma_wait3A_234 : memref<1x1x640xf32, #tpu.memory_space<vmem_shared>> -> memref<640xf32, #tpu.memory_space<vmem_shared>>
      %dma_wait3A_236 = arith.constant 0 : i32
      %dma_wait3A_237 = tpu.memref_slice %arg11[%arg1, %run_scoped3A_18, %dma_wait3A_236] : memref<16x16x640xf32, #tpu.memory_space<vmem_shared>> -> memref<1x1x640xf32, #tpu.memory_space<vmem_shared>>
      %dma_wait3A_238 = tpu.memref_squeeze %dma_wait3A_237 : memref<1x1x640xf32, #tpu.memory_space<vmem_shared>> -> memref<640xf32, #tpu.memory_space<vmem_shared>>
      %dma_wait3A_239 = arith.constant 7040 : i32
      %dma_wait3A_240 = tpu.memref_slice %arg5[%dma_wait3A_239] : memref<10240xf32, #tpu.memory_space<vmem>> -> memref<640xf32, #tpu.memory_space<vmem>>
      tpu.wait_dma2 semaphore(%run_scoped3A_222 : memref<!tpu.dma_semaphore, #tpu.memory_space<semaphore_mem>>) src(%dma_wait3A_240 : memref<640xf32, #tpu.memory_space<vmem>>) dst(%dma_wait3A_238 : memref<640xf32, #tpu.memory_space<vmem_shared>>)
      tpu.yield
    }) : () -> ()
    %run_scoped3A_19 = arith.constant 12 : i32
    "tpu.region"() ({
      %run_scoped3A_222 = tpu.sem_alloc : memref<!tpu.dma_semaphore, #tpu.memory_space<semaphore_mem>>
      %dma_start3A = arith.constant 7680 : i32
      %dma_start3A_223 = tpu.memref_slice %arg5[%dma_start3A] : memref<10240xf32, #tpu.memory_space<vmem>> -> memref<640xf32, #tpu.memory_space<vmem>>
      %dma_start3A_224 = arith.constant 0 : i32
      %dma_start3A_225 = tpu.memref_slice %arg11[%arg1, %run_scoped3A_19, %dma_start3A_224] : memref<16x16x640xf32, #tpu.memory_space<vmem_shared>> -> memref<1x1x640xf32, #tpu.memory_space<vmem_shared>>
      %dma_start3A_226 = tpu.memref_squeeze %dma_start3A_225 : memref<1x1x640xf32, #tpu.memory_space<vmem_shared>> -> memref<640xf32, #tpu.memory_space<vmem_shared>>
      %dma_start3A_227 = arith.constant 0 : i32
      %dma_start3A_228 = tpu.memref_slice %arg11[%arg1, %run_scoped3A_19, %dma_start3A_227] : memref<16x16x640xf32, #tpu.memory_space<vmem_shared>> -> memref<1x1x640xf32, #tpu.memory_space<vmem_shared>>
      %dma_start3A_229 = tpu.memref_squeeze %dma_start3A_228 : memref<1x1x640xf32, #tpu.memory_space<vmem_shared>> -> memref<640xf32, #tpu.memory_space<vmem_shared>>
      %dma_start3A_230 = arith.constant 7680 : i32
      %dma_start3A_231 = tpu.memref_slice %arg5[%dma_start3A_230] : memref<10240xf32, #tpu.memory_space<vmem>> -> memref<640xf32, #tpu.memory_space<vmem>>
      tpu.enqueue_dma source(%dma_start3A_231 : memref<640xf32, #tpu.memory_space<vmem>>) target(%dma_start3A_229 : memref<640xf32, #tpu.memory_space<vmem_shared>>) target_semaphore(%run_scoped3A_222 : memref<!tpu.dma_semaphore, #tpu.memory_space<semaphore_mem>>)
      %dma_wait3A = arith.constant 7680 : i32
      %dma_wait3A_232 = tpu.memref_slice %arg5[%dma_wait3A] : memref<10240xf32, #tpu.memory_space<vmem>> -> memref<640xf32, #tpu.memory_space<vmem>>
      %dma_wait3A_233 = arith.constant 0 : i32
      %dma_wait3A_234 = tpu.memref_slice %arg11[%arg1, %run_scoped3A_19, %dma_wait3A_233] : memref<16x16x640xf32, #tpu.memory_space<vmem_shared>> -> memref<1x1x640xf32, #tpu.memory_space<vmem_shared>>
      %dma_wait3A_235 = tpu.memref_squeeze %dma_wait3A_234 : memref<1x1x640xf32, #tpu.memory_space<vmem_shared>> -> memref<640xf32, #tpu.memory_space<vmem_shared>>
      %dma_wait3A_236 = arith.constant 0 : i32
      %dma_wait3A_237 = tpu.memref_slice %arg11[%arg1, %run_scoped3A_19, %dma_wait3A_236] : memref<16x16x640xf32, #tpu.memory_space<vmem_shared>> -> memref<1x1x640xf32, #tpu.memory_space<vmem_shared>>
      %dma_wait3A_238 = tpu.memref_squeeze %dma_wait3A_237 : memref<1x1x640xf32, #tpu.memory_space<vmem_shared>> -> memref<640xf32, #tpu.memory_space<vmem_shared>>
      %dma_wait3A_239 = arith.constant 7680 : i32
      %dma_wait3A_240 = tpu.memref_slice %arg5[%dma_wait3A_239] : memref<10240xf32, #tpu.memory_space<vmem>> -> memref<640xf32, #tpu.memory_space<vmem>>
      tpu.wait_dma2 semaphore(%run_scoped3A_222 : memref<!tpu.dma_semaphore, #tpu.memory_space<semaphore_mem>>) src(%dma_wait3A_240 : memref<640xf32, #tpu.memory_space<vmem>>) dst(%dma_wait3A_238 : memref<640xf32, #tpu.memory_space<vmem_shared>>)
      tpu.yield
    }) : () -> ()
    %run_scoped3A_20 = arith.constant 13 : i32
    "tpu.region"() ({
      %run_scoped3A_222 = tpu.sem_alloc : memref<!tpu.dma_semaphore, #tpu.memory_space<semaphore_mem>>
      %dma_start3A = arith.constant 8320 : i32
      %dma_start3A_223 = tpu.memref_slice %arg5[%dma_start3A] : memref<10240xf32, #tpu.memory_space<vmem>> -> memref<640xf32, #tpu.memory_space<vmem>>
      %dma_start3A_224 = arith.constant 0 : i32
      %dma_start3A_225 = tpu.memref_slice %arg11[%arg1, %run_scoped3A_20, %dma_start3A_224] : memref<16x16x640xf32, #tpu.memory_space<vmem_shared>> -> memref<1x1x640xf32, #tpu.memory_space<vmem_shared>>
      %dma_start3A_226 = tpu.memref_squeeze %dma_start3A_225 : memref<1x1x640xf32, #tpu.memory_space<vmem_shared>> -> memref<640xf32, #tpu.memory_space<vmem_shared>>
      %dma_start3A_227 = arith.constant 0 : i32
      %dma_start3A_228 = tpu.memref_slice %arg11[%arg1, %run_scoped3A_20, %dma_start3A_227] : memref<16x16x640xf32, #tpu.memory_space<vmem_shared>> -> memref<1x1x640xf32, #tpu.memory_space<vmem_shared>>
      %dma_start3A_229 = tpu.memref_squeeze %dma_start3A_228 : memref<1x1x640xf32, #tpu.memory_space<vmem_shared>> -> memref<640xf32, #tpu.memory_space<vmem_shared>>
      %dma_start3A_230 = arith.constant 8320 : i32
      %dma_start3A_231 = tpu.memref_slice %arg5[%dma_start3A_230] : memref<10240xf32, #tpu.memory_space<vmem>> -> memref<640xf32, #tpu.memory_space<vmem>>
      tpu.enqueue_dma source(%dma_start3A_231 : memref<640xf32, #tpu.memory_space<vmem>>) target(%dma_start3A_229 : memref<640xf32, #tpu.memory_space<vmem_shared>>) target_semaphore(%run_scoped3A_222 : memref<!tpu.dma_semaphore, #tpu.memory_space<semaphore_mem>>)
      %dma_wait3A = arith.constant 8320 : i32
      %dma_wait3A_232 = tpu.memref_slice %arg5[%dma_wait3A] : memref<10240xf32, #tpu.memory_space<vmem>> -> memref<640xf32, #tpu.memory_space<vmem>>
      %dma_wait3A_233 = arith.constant 0 : i32
      %dma_wait3A_234 = tpu.memref_slice %arg11[%arg1, %run_scoped3A_20, %dma_wait3A_233] : memref<16x16x640xf32, #tpu.memory_space<vmem_shared>> -> memref<1x1x640xf32, #tpu.memory_space<vmem_shared>>
      %dma_wait3A_235 = tpu.memref_squeeze %dma_wait3A_234 : memref<1x1x640xf32, #tpu.memory_space<vmem_shared>> -> memref<640xf32, #tpu.memory_space<vmem_shared>>
      %dma_wait3A_236 = arith.constant 0 : i32
      %dma_wait3A_237 = tpu.memref_slice %arg11[%arg1, %run_scoped3A_20, %dma_wait3A_236] : memref<16x16x640xf32, #tpu.memory_space<vmem_shared>> -> memref<1x1x640xf32, #tpu.memory_space<vmem_shared>>
      %dma_wait3A_238 = tpu.memref_squeeze %dma_wait3A_237 : memref<1x1x640xf32, #tpu.memory_space<vmem_shared>> -> memref<640xf32, #tpu.memory_space<vmem_shared>>
      %dma_wait3A_239 = arith.constant 8320 : i32
      %dma_wait3A_240 = tpu.memref_slice %arg5[%dma_wait3A_239] : memref<10240xf32, #tpu.memory_space<vmem>> -> memref<640xf32, #tpu.memory_space<vmem>>
      tpu.wait_dma2 semaphore(%run_scoped3A_222 : memref<!tpu.dma_semaphore, #tpu.memory_space<semaphore_mem>>) src(%dma_wait3A_240 : memref<640xf32, #tpu.memory_space<vmem>>) dst(%dma_wait3A_238 : memref<640xf32, #tpu.memory_space<vmem_shared>>)
      tpu.yield
    }) : () -> ()
    %run_scoped3A_21 = arith.constant 14 : i32
    "tpu.region"() ({
      %run_scoped3A_222 = tpu.sem_alloc : memref<!tpu.dma_semaphore, #tpu.memory_space<semaphore_mem>>
      %dma_start3A = arith.constant 8960 : i32
      %dma_start3A_223 = tpu.memref_slice %arg5[%dma_start3A] : memref<10240xf32, #tpu.memory_space<vmem>> -> memref<640xf32, #tpu.memory_space<vmem>>
      %dma_start3A_224 = arith.constant 0 : i32
      %dma_start3A_225 = tpu.memref_slice %arg11[%arg1, %run_scoped3A_21, %dma_start3A_224] : memref<16x16x640xf32, #tpu.memory_space<vmem_shared>> -> memref<1x1x640xf32, #tpu.memory_space<vmem_shared>>
      %dma_start3A_226 = tpu.memref_squeeze %dma_start3A_225 : memref<1x1x640xf32, #tpu.memory_space<vmem_shared>> -> memref<640xf32, #tpu.memory_space<vmem_shared>>
      %dma_start3A_227 = arith.constant 0 : i32
      %dma_start3A_228 = tpu.memref_slice %arg11[%arg1, %run_scoped3A_21, %dma_start3A_227] : memref<16x16x640xf32, #tpu.memory_space<vmem_shared>> -> memref<1x1x640xf32, #tpu.memory_space<vmem_shared>>
      %dma_start3A_229 = tpu.memref_squeeze %dma_start3A_228 : memref<1x1x640xf32, #tpu.memory_space<vmem_shared>> -> memref<640xf32, #tpu.memory_space<vmem_shared>>
      %dma_start3A_230 = arith.constant 8960 : i32
      %dma_start3A_231 = tpu.memref_slice %arg5[%dma_start3A_230] : memref<10240xf32, #tpu.memory_space<vmem>> -> memref<640xf32, #tpu.memory_space<vmem>>
      tpu.enqueue_dma source(%dma_start3A_231 : memref<640xf32, #tpu.memory_space<vmem>>) target(%dma_start3A_229 : memref<640xf32, #tpu.memory_space<vmem_shared>>) target_semaphore(%run_scoped3A_222 : memref<!tpu.dma_semaphore, #tpu.memory_space<semaphore_mem>>)
      %dma_wait3A = arith.constant 8960 : i32
      %dma_wait3A_232 = tpu.memref_slice %arg5[%dma_wait3A] : memref<10240xf32, #tpu.memory_space<vmem>> -> memref<640xf32, #tpu.memory_space<vmem>>
      %dma_wait3A_233 = arith.constant 0 : i32
      %dma_wait3A_234 = tpu.memref_slice %arg11[%arg1, %run_scoped3A_21, %dma_wait3A_233] : memref<16x16x640xf32, #tpu.memory_space<vmem_shared>> -> memref<1x1x640xf32, #tpu.memory_space<vmem_shared>>
      %dma_wait3A_235 = tpu.memref_squeeze %dma_wait3A_234 : memref<1x1x640xf32, #tpu.memory_space<vmem_shared>> -> memref<640xf32, #tpu.memory_space<vmem_shared>>
      %dma_wait3A_236 = arith.constant 0 : i32
      %dma_wait3A_237 = tpu.memref_slice %arg11[%arg1, %run_scoped3A_21, %dma_wait3A_236] : memref<16x16x640xf32, #tpu.memory_space<vmem_shared>> -> memref<1x1x640xf32, #tpu.memory_space<vmem_shared>>
      %dma_wait3A_238 = tpu.memref_squeeze %dma_wait3A_237 : memref<1x1x640xf32, #tpu.memory_space<vmem_shared>> -> memref<640xf32, #tpu.memory_space<vmem_shared>>
      %dma_wait3A_239 = arith.constant 8960 : i32
      %dma_wait3A_240 = tpu.memref_slice %arg5[%dma_wait3A_239] : memref<10240xf32, #tpu.memory_space<vmem>> -> memref<640xf32, #tpu.memory_space<vmem>>
      tpu.wait_dma2 semaphore(%run_scoped3A_222 : memref<!tpu.dma_semaphore, #tpu.memory_space<semaphore_mem>>) src(%dma_wait3A_240 : memref<640xf32, #tpu.memory_space<vmem>>) dst(%dma_wait3A_238 : memref<640xf32, #tpu.memory_space<vmem_shared>>)
      tpu.yield
    }) : () -> ()
    %run_scoped3A_22 = arith.constant 15 : i32
    "tpu.region"() ({
      %run_scoped3A_222 = tpu.sem_alloc : memref<!tpu.dma_semaphore, #tpu.memory_space<semaphore_mem>>
      %dma_start3A = arith.constant 9600 : i32
      %dma_start3A_223 = tpu.memref_slice %arg5[%dma_start3A] : memref<10240xf32, #tpu.memory_space<vmem>> -> memref<640xf32, #tpu.memory_space<vmem>>
      %dma_start3A_224 = arith.constant 0 : i32
      %dma_start3A_225 = tpu.memref_slice %arg11[%arg1, %run_scoped3A_22, %dma_start3A_224] : memref<16x16x640xf32, #tpu.memory_space<vmem_shared>> -> memref<1x1x640xf32, #tpu.memory_space<vmem_shared>>
      %dma_start3A_226 = tpu.memref_squeeze %dma_start3A_225 : memref<1x1x640xf32, #tpu.memory_space<vmem_shared>> -> memref<640xf32, #tpu.memory_space<vmem_shared>>
      %dma_start3A_227 = arith.constant 0 : i32
      %dma_start3A_228 = tpu.memref_slice %arg11[%arg1, %run_scoped3A_22, %dma_start3A_227] : memref<16x16x640xf32, #tpu.memory_space<vmem_shared>> -> memref<1x1x640xf32, #tpu.memory_space<vmem_shared>>
      %dma_start3A_229 = tpu.memref_squeeze %dma_start3A_228 : memref<1x1x640xf32, #tpu.memory_space<vmem_shared>> -> memref<640xf32, #tpu.memory_space<vmem_shared>>
      %dma_start3A_230 = arith.constant 9600 : i32
      %dma_start3A_231 = tpu.memref_slice %arg5[%dma_start3A_230] : memref<10240xf32, #tpu.memory_space<vmem>> -> memref<640xf32, #tpu.memory_space<vmem>>
      tpu.enqueue_dma source(%dma_start3A_231 : memref<640xf32, #tpu.memory_space<vmem>>) target(%dma_start3A_229 : memref<640xf32, #tpu.memory_space<vmem_shared>>) target_semaphore(%run_scoped3A_222 : memref<!tpu.dma_semaphore, #tpu.memory_space<semaphore_mem>>)
      %dma_wait3A = arith.constant 9600 : i32
      %dma_wait3A_232 = tpu.memref_slice %arg5[%dma_wait3A] : memref<10240xf32, #tpu.memory_space<vmem>> -> memref<640xf32, #tpu.memory_space<vmem>>
      %dma_wait3A_233 = arith.constant 0 : i32
      %dma_wait3A_234 = tpu.memref_slice %arg11[%arg1, %run_scoped3A_22, %dma_wait3A_233] : memref<16x16x640xf32, #tpu.memory_space<vmem_shared>> -> memref<1x1x640xf32, #tpu.memory_space<vmem_shared>>
      %dma_wait3A_235 = tpu.memref_squeeze %dma_wait3A_234 : memref<1x1x640xf32, #tpu.memory_space<vmem_shared>> -> memref<640xf32, #tpu.memory_space<vmem_shared>>
      %dma_wait3A_236 = arith.constant 0 : i32
      %dma_wait3A_237 = tpu.memref_slice %arg11[%arg1, %run_scoped3A_22, %dma_wait3A_236] : memref<16x16x640xf32, #tpu.memory_space<vmem_shared>> -> memref<1x1x640xf32, #tpu.memory_space<vmem_shared>>
      %dma_wait3A_238 = tpu.memref_squeeze %dma_wait3A_237 : memref<1x1x640xf32, #tpu.memory_space<vmem_shared>> -> memref<640xf32, #tpu.memory_space<vmem_shared>>
      %dma_wait3A_239 = arith.constant 9600 : i32
      %dma_wait3A_240 = tpu.memref_slice %arg5[%dma_wait3A_239] : memref<10240xf32, #tpu.memory_space<vmem>> -> memref<640xf32, #tpu.memory_space<vmem>>
      tpu.wait_dma2 semaphore(%run_scoped3A_222 : memref<!tpu.dma_semaphore, #tpu.memory_space<semaphore_mem>>) src(%dma_wait3A_240 : memref<640xf32, #tpu.memory_space<vmem>>) dst(%dma_wait3A_238 : memref<640xf32, #tpu.memory_space<vmem_shared>>)
      tpu.yield
    }) : () -> ()
    %barrier3A = arith.constant 0 : index
    tpu.barrier barrier_id(%barrier3A)
    %run_scoped3A_23 = arith.constant 0 : i32
    %run_scoped3A_24 = arith.constant 0 : i32
    "tpu.region"() ({
      %run_scoped3A_222 = tpu.sem_alloc : memref<!tpu.dma_semaphore, #tpu.memory_space<semaphore_mem>>
      %dma_start3A = arith.constant 0 : i32
      %dma_start3A_223 = tpu.memref_slice %arg7[%run_scoped3A_24, %dma_start3A] : memref<16x640xf32, #tpu.memory_space<vmem>> -> memref<1x640xf32, #tpu.memory_space<vmem>>
      %dma_start3A_224 = tpu.memref_squeeze %dma_start3A_223 : memref<1x640xf32, #tpu.memory_space<vmem>> -> memref<640xf32, #tpu.memory_space<vmem>>
      %dma_start3A_225 = arith.constant 0 : i32
      %dma_start3A_226 = tpu.memref_slice %arg11[%run_scoped3A_23, %arg1, %dma_start3A_225] : memref<16x16x640xf32, #tpu.memory_space<vmem_shared>> -> memref<1x1x640xf32, #tpu.memory_space<vmem_shared>>
      %dma_start3A_227 = tpu.memref_squeeze %dma_start3A_226 : memref<1x1x640xf32, #tpu.memory_space<vmem_shared>> -> memref<640xf32, #tpu.memory_space<vmem_shared>>
      %dma_start3A_228 = arith.constant 0 : i32
      %dma_start3A_229 = tpu.memref_slice %arg7[%run_scoped3A_24, %dma_start3A_228] : memref<16x640xf32, #tpu.memory_space<vmem>> -> memref<1x640xf32, #tpu.memory_space<vmem>>
      %dma_start3A_230 = tpu.memref_squeeze %dma_start3A_229 : memref<1x640xf32, #tpu.memory_space<vmem>> -> memref<640xf32, #tpu.memory_space<vmem>>
      %dma_start3A_231 = arith.constant 0 : i32
      %dma_start3A_232 = tpu.memref_slice %arg11[%run_scoped3A_23, %arg1, %dma_start3A_231] : memref<16x16x640xf32, #tpu.memory_space<vmem_shared>> -> memref<1x1x640xf32, #tpu.memory_space<vmem_shared>>
      %dma_start3A_233 = tpu.memref_squeeze %dma_start3A_232 : memref<1x1x640xf32, #tpu.memory_space<vmem_shared>> -> memref<640xf32, #tpu.memory_space<vmem_shared>>
      tpu.enqueue_dma source(%dma_start3A_233 : memref<640xf32, #tpu.memory_space<vmem_shared>>) target(%dma_start3A_230 : memref<640xf32, #tpu.memory_space<vmem>>) target_semaphore(%run_scoped3A_222 : memref<!tpu.dma_semaphore, #tpu.memory_space<semaphore_mem>>)
      %dma_wait3A = arith.constant 0 : i32
      %dma_wait3A_234 = tpu.memref_slice %arg7[%run_scoped3A_24, %dma_wait3A] : memref<16x640xf32, #tpu.memory_space<vmem>> -> memref<1x640xf32, #tpu.memory_space<vmem>>
      %dma_wait3A_235 = tpu.memref_squeeze %dma_wait3A_234 : memref<1x640xf32, #tpu.memory_space<vmem>> -> memref<640xf32, #tpu.memory_space<vmem>>
      %dma_wait3A_236 = arith.constant 0 : i32
      %dma_wait3A_237 = tpu.memref_slice %arg11[%run_scoped3A_23, %arg1, %dma_wait3A_236] : memref<16x16x640xf32, #tpu.memory_space<vmem_shared>> -> memref<1x1x640xf32, #tpu.memory_space<vmem_shared>>
      %dma_wait3A_238 = tpu.memref_squeeze %dma_wait3A_237 : memref<1x1x640xf32, #tpu.memory_space<vmem_shared>> -> memref<640xf32, #tpu.memory_space<vmem_shared>>
      %dma_wait3A_239 = arith.constant 0 : i32
      %dma_wait3A_240 = tpu.memref_slice %arg7[%run_scoped3A_24, %dma_wait3A_239] : memref<16x640xf32, #tpu.memory_space<vmem>> -> memref<1x640xf32, #tpu.memory_space<vmem>>
      %dma_wait3A_241 = tpu.memref_squeeze %dma_wait3A_240 : memref<1x640xf32, #tpu.memory_space<vmem>> -> memref<640xf32, #tpu.memory_space<vmem>>
      %dma_wait3A_242 = arith.constant 0 : i32
      %dma_wait3A_243 = tpu.memref_slice %arg11[%run_scoped3A_23, %arg1, %dma_wait3A_242] : memref<16x16x640xf32, #tpu.memory_space<vmem_shared>> -> memref<1x1x640xf32, #tpu.memory_space<vmem_shared>>
      %dma_wait3A_244 = tpu.memref_squeeze %dma_wait3A_243 : memref<1x1x640xf32, #tpu.memory_space<vmem_shared>> -> memref<640xf32, #tpu.memory_space<vmem_shared>>
      tpu.wait_dma2 semaphore(%run_scoped3A_222 : memref<!tpu.dma_semaphore, #tpu.memory_space<semaphore_mem>>) src(%dma_wait3A_244 : memref<640xf32, #tpu.memory_space<vmem_shared>>) dst(%dma_wait3A_241 : memref<640xf32, #tpu.memory_space<vmem>>)
      tpu.yield
    }) : () -> ()
    %run_scoped3A_25 = arith.constant 1 : i32
    %run_scoped3A_26 = arith.constant 1 : i32
    "tpu.region"() ({
      %run_scoped3A_222 = tpu.sem_alloc : memref<!tpu.dma_semaphore, #tpu.memory_space<semaphore_mem>>
      %dma_start3A = arith.constant 0 : i32
      %dma_start3A_223 = tpu.memref_slice %arg7[%run_scoped3A_26, %dma_start3A] : memref<16x640xf32, #tpu.memory_space<vmem>> -> memref<1x640xf32, #tpu.memory_space<vmem>>
      %dma_start3A_224 = tpu.memref_squeeze %dma_start3A_223 : memref<1x640xf32, #tpu.memory_space<vmem>> -> memref<640xf32, #tpu.memory_space<vmem>>
      %dma_start3A_225 = arith.constant 0 : i32
      %dma_start3A_226 = tpu.memref_slice %arg11[%run_scoped3A_25, %arg1, %dma_start3A_225] : memref<16x16x640xf32, #tpu.memory_space<vmem_shared>> -> memref<1x1x640xf32, #tpu.memory_space<vmem_shared>>
      %dma_start3A_227 = tpu.memref_squeeze %dma_start3A_226 : memref<1x1x640xf32, #tpu.memory_space<vmem_shared>> -> memref<640xf32, #tpu.memory_space<vmem_shared>>
      %dma_start3A_228 = arith.constant 0 : i32
      %dma_start3A_229 = tpu.memref_slice %arg7[%run_scoped3A_26, %dma_start3A_228] : memref<16x640xf32, #tpu.memory_space<vmem>> -> memref<1x640xf32, #tpu.memory_space<vmem>>
      %dma_start3A_230 = tpu.memref_squeeze %dma_start3A_229 : memref<1x640xf32, #tpu.memory_space<vmem>> -> memref<640xf32, #tpu.memory_space<vmem>>
      %dma_start3A_231 = arith.constant 0 : i32
      %dma_start3A_232 = tpu.memref_slice %arg11[%run_scoped3A_25, %arg1, %dma_start3A_231] : memref<16x16x640xf32, #tpu.memory_space<vmem_shared>> -> memref<1x1x640xf32, #tpu.memory_space<vmem_shared>>
      %dma_start3A_233 = tpu.memref_squeeze %dma_start3A_232 : memref<1x1x640xf32, #tpu.memory_space<vmem_shared>> -> memref<640xf32, #tpu.memory_space<vmem_shared>>
      tpu.enqueue_dma source(%dma_start3A_233 : memref<640xf32, #tpu.memory_space<vmem_shared>>) target(%dma_start3A_230 : memref<640xf32, #tpu.memory_space<vmem>>) target_semaphore(%run_scoped3A_222 : memref<!tpu.dma_semaphore, #tpu.memory_space<semaphore_mem>>)
      %dma_wait3A = arith.constant 0 : i32
      %dma_wait3A_234 = tpu.memref_slice %arg7[%run_scoped3A_26, %dma_wait3A] : memref<16x640xf32, #tpu.memory_space<vmem>> -> memref<1x640xf32, #tpu.memory_space<vmem>>
      %dma_wait3A_235 = tpu.memref_squeeze %dma_wait3A_234 : memref<1x640xf32, #tpu.memory_space<vmem>> -> memref<640xf32, #tpu.memory_space<vmem>>
      %dma_wait3A_236 = arith.constant 0 : i32
      %dma_wait3A_237 = tpu.memref_slice %arg11[%run_scoped3A_25, %arg1, %dma_wait3A_236] : memref<16x16x640xf32, #tpu.memory_space<vmem_shared>> -> memref<1x1x640xf32, #tpu.memory_space<vmem_shared>>
      %dma_wait3A_238 = tpu.memref_squeeze %dma_wait3A_237 : memref<1x1x640xf32, #tpu.memory_space<vmem_shared>> -> memref<640xf32, #tpu.memory_space<vmem_shared>>
      %dma_wait3A_239 = arith.constant 0 : i32
      %dma_wait3A_240 = tpu.memref_slice %arg7[%run_scoped3A_26, %dma_wait3A_239] : memref<16x640xf32, #tpu.memory_space<vmem>> -> memref<1x640xf32, #tpu.memory_space<vmem>>
      %dma_wait3A_241 = tpu.memref_squeeze %dma_wait3A_240 : memref<1x640xf32, #tpu.memory_space<vmem>> -> memref<640xf32, #tpu.memory_space<vmem>>
      %dma_wait3A_242 = arith.constant 0 : i32
      %dma_wait3A_243 = tpu.memref_slice %arg11[%run_scoped3A_25, %arg1, %dma_wait3A_242] : memref<16x16x640xf32, #tpu.memory_space<vmem_shared>> -> memref<1x1x640xf32, #tpu.memory_space<vmem_shared>>
      %dma_wait3A_244 = tpu.memref_squeeze %dma_wait3A_243 : memref<1x1x640xf32, #tpu.memory_space<vmem_shared>> -> memref<640xf32, #tpu.memory_space<vmem_shared>>
      tpu.wait_dma2 semaphore(%run_scoped3A_222 : memref<!tpu.dma_semaphore, #tpu.memory_space<semaphore_mem>>) src(%dma_wait3A_244 : memref<640xf32, #tpu.memory_space<vmem_shared>>) dst(%dma_wait3A_241 : memref<640xf32, #tpu.memory_space<vmem>>)
      tpu.yield
    }) : () -> ()
    %run_scoped3A_27 = arith.constant 2 : i32
    %run_scoped3A_28 = arith.constant 2 : i32
    "tpu.region"() ({
      %run_scoped3A_222 = tpu.sem_alloc : memref<!tpu.dma_semaphore, #tpu.memory_space<semaphore_mem>>
      %dma_start3A = arith.constant 0 : i32
      %dma_start3A_223 = tpu.memref_slice %arg7[%run_scoped3A_28, %dma_start3A] : memref<16x640xf32, #tpu.memory_space<vmem>> -> memref<1x640xf32, #tpu.memory_space<vmem>>
      %dma_start3A_224 = tpu.memref_squeeze %dma_start3A_223 : memref<1x640xf32, #tpu.memory_space<vmem>> -> memref<640xf32, #tpu.memory_space<vmem>>
      %dma_start3A_225 = arith.constant 0 : i32
      %dma_start3A_226 = tpu.memref_slice %arg11[%run_scoped3A_27, %arg1, %dma_start3A_225] : memref<16x16x640xf32, #tpu.memory_space<vmem_shared>> -> memref<1x1x640xf32, #tpu.memory_space<vmem_shared>>
      %dma_start3A_227 = tpu.memref_squeeze %dma_start3A_226 : memref<1x1x640xf32, #tpu.memory_space<vmem_shared>> -> memref<640xf32, #tpu.memory_space<vmem_shared>>
      %dma_start3A_228 = arith.constant 0 : i32
      %dma_start3A_229 = tpu.memref_slice %arg7[%run_scoped3A_28, %dma_start3A_228] : memref<16x640xf32, #tpu.memory_space<vmem>> -> memref<1x640xf32, #tpu.memory_space<vmem>>
      %dma_start3A_230 = tpu.memref_squeeze %dma_start3A_229 : memref<1x640xf32, #tpu.memory_space<vmem>> -> memref<640xf32, #tpu.memory_space<vmem>>
      %dma_start3A_231 = arith.constant 0 : i32
      %dma_start3A_232 = tpu.memref_slice %arg11[%run_scoped3A_27, %arg1, %dma_start3A_231] : memref<16x16x640xf32, #tpu.memory_space<vmem_shared>> -> memref<1x1x640xf32, #tpu.memory_space<vmem_shared>>
      %dma_start3A_233 = tpu.memref_squeeze %dma_start3A_232 : memref<1x1x640xf32, #tpu.memory_space<vmem_shared>> -> memref<640xf32, #tpu.memory_space<vmem_shared>>
      tpu.enqueue_dma source(%dma_start3A_233 : memref<640xf32, #tpu.memory_space<vmem_shared>>) target(%dma_start3A_230 : memref<640xf32, #tpu.memory_space<vmem>>) target_semaphore(%run_scoped3A_222 : memref<!tpu.dma_semaphore, #tpu.memory_space<semaphore_mem>>)
      %dma_wait3A = arith.constant 0 : i32
      %dma_wait3A_234 = tpu.memref_slice %arg7[%run_scoped3A_28, %dma_wait3A] : memref<16x640xf32, #tpu.memory_space<vmem>> -> memref<1x640xf32, #tpu.memory_space<vmem>>
      %dma_wait3A_235 = tpu.memref_squeeze %dma_wait3A_234 : memref<1x640xf32, #tpu.memory_space<vmem>> -> memref<640xf32, #tpu.memory_space<vmem>>
      %dma_wait3A_236 = arith.constant 0 : i32
      %dma_wait3A_237 = tpu.memref_slice %arg11[%run_scoped3A_27, %arg1, %dma_wait3A_236] : memref<16x16x640xf32, #tpu.memory_space<vmem_shared>> -> memref<1x1x640xf32, #tpu.memory_space<vmem_shared>>
      %dma_wait3A_238 = tpu.memref_squeeze %dma_wait3A_237 : memref<1x1x640xf32, #tpu.memory_space<vmem_shared>> -> memref<640xf32, #tpu.memory_space<vmem_shared>>
      %dma_wait3A_239 = arith.constant 0 : i32
      %dma_wait3A_240 = tpu.memref_slice %arg7[%run_scoped3A_28, %dma_wait3A_239] : memref<16x640xf32, #tpu.memory_space<vmem>> -> memref<1x640xf32, #tpu.memory_space<vmem>>
      %dma_wait3A_241 = tpu.memref_squeeze %dma_wait3A_240 : memref<1x640xf32, #tpu.memory_space<vmem>> -> memref<640xf32, #tpu.memory_space<vmem>>
      %dma_wait3A_242 = arith.constant 0 : i32
      %dma_wait3A_243 = tpu.memref_slice %arg11[%run_scoped3A_27, %arg1, %dma_wait3A_242] : memref<16x16x640xf32, #tpu.memory_space<vmem_shared>> -> memref<1x1x640xf32, #tpu.memory_space<vmem_shared>>
      %dma_wait3A_244 = tpu.memref_squeeze %dma_wait3A_243 : memref<1x1x640xf32, #tpu.memory_space<vmem_shared>> -> memref<640xf32, #tpu.memory_space<vmem_shared>>
      tpu.wait_dma2 semaphore(%run_scoped3A_222 : memref<!tpu.dma_semaphore, #tpu.memory_space<semaphore_mem>>) src(%dma_wait3A_244 : memref<640xf32, #tpu.memory_space<vmem_shared>>) dst(%dma_wait3A_241 : memref<640xf32, #tpu.memory_space<vmem>>)
      tpu.yield
    }) : () -> ()
    %run_scoped3A_29 = arith.constant 3 : i32
    %run_scoped3A_30 = arith.constant 3 : i32
    "tpu.region"() ({
      %run_scoped3A_222 = tpu.sem_alloc : memref<!tpu.dma_semaphore, #tpu.memory_space<semaphore_mem>>
      %dma_start3A = arith.constant 0 : i32
      %dma_start3A_223 = tpu.memref_slice %arg7[%run_scoped3A_30, %dma_start3A] : memref<16x640xf32, #tpu.memory_space<vmem>> -> memref<1x640xf32, #tpu.memory_space<vmem>>
      %dma_start3A_224 = tpu.memref_squeeze %dma_start3A_223 : memref<1x640xf32, #tpu.memory_space<vmem>> -> memref<640xf32, #tpu.memory_space<vmem>>
      %dma_start3A_225 = arith.constant 0 : i32
      %dma_start3A_226 = tpu.memref_slice %arg11[%run_scoped3A_29, %arg1, %dma_start3A_225] : memref<16x16x640xf32, #tpu.memory_space<vmem_shared>> -> memref<1x1x640xf32, #tpu.memory_space<vmem_shared>>
      %dma_start3A_227 = tpu.memref_squeeze %dma_start3A_226 : memref<1x1x640xf32, #tpu.memory_space<vmem_shared>> -> memref<640xf32, #tpu.memory_space<vmem_shared>>
      %dma_start3A_228 = arith.constant 0 : i32
      %dma_start3A_229 = tpu.memref_slice %arg7[%run_scoped3A_30, %dma_start3A_228] : memref<16x640xf32, #tpu.memory_space<vmem>> -> memref<1x640xf32, #tpu.memory_space<vmem>>
      %dma_start3A_230 = tpu.memref_squeeze %dma_start3A_229 : memref<1x640xf32, #tpu.memory_space<vmem>> -> memref<640xf32, #tpu.memory_space<vmem>>
      %dma_start3A_231 = arith.constant 0 : i32
      %dma_start3A_232 = tpu.memref_slice %arg11[%run_scoped3A_29, %arg1, %dma_start3A_231] : memref<16x16x640xf32, #tpu.memory_space<vmem_shared>> -> memref<1x1x640xf32, #tpu.memory_space<vmem_shared>>
      %dma_start3A_233 = tpu.memref_squeeze %dma_start3A_232 : memref<1x1x640xf32, #tpu.memory_space<vmem_shared>> -> memref<640xf32, #tpu.memory_space<vmem_shared>>
      tpu.enqueue_dma source(%dma_start3A_233 : memref<640xf32, #tpu.memory_space<vmem_shared>>) target(%dma_start3A_230 : memref<640xf32, #tpu.memory_space<vmem>>) target_semaphore(%run_scoped3A_222 : memref<!tpu.dma_semaphore, #tpu.memory_space<semaphore_mem>>)
      %dma_wait3A = arith.constant 0 : i32
      %dma_wait3A_234 = tpu.memref_slice %arg7[%run_scoped3A_30, %dma_wait3A] : memref<16x640xf32, #tpu.memory_space<vmem>> -> memref<1x640xf32, #tpu.memory_space<vmem>>
      %dma_wait3A_235 = tpu.memref_squeeze %dma_wait3A_234 : memref<1x640xf32, #tpu.memory_space<vmem>> -> memref<640xf32, #tpu.memory_space<vmem>>
      %dma_wait3A_236 = arith.constant 0 : i32
      %dma_wait3A_237 = tpu.memref_slice %arg11[%run_scoped3A_29, %arg1, %dma_wait3A_236] : memref<16x16x640xf32, #tpu.memory_space<vmem_shared>> -> memref<1x1x640xf32, #tpu.memory_space<vmem_shared>>
      %dma_wait3A_238 = tpu.memref_squeeze %dma_wait3A_237 : memref<1x1x640xf32, #tpu.memory_space<vmem_shared>> -> memref<640xf32, #tpu.memory_space<vmem_shared>>
      %dma_wait3A_239 = arith.constant 0 : i32
      %dma_wait3A_240 = tpu.memref_slice %arg7[%run_scoped3A_30, %dma_wait3A_239] : memref<16x640xf32, #tpu.memory_space<vmem>> -> memref<1x640xf32, #tpu.memory_space<vmem>>
      %dma_wait3A_241 = tpu.memref_squeeze %dma_wait3A_240 : memref<1x640xf32, #tpu.memory_space<vmem>> -> memref<640xf32, #tpu.memory_space<vmem>>
      %dma_wait3A_242 = arith.constant 0 : i32
      %dma_wait3A_243 = tpu.memref_slice %arg11[%run_scoped3A_29, %arg1, %dma_wait3A_242] : memref<16x16x640xf32, #tpu.memory_space<vmem_shared>> -> memref<1x1x640xf32, #tpu.memory_space<vmem_shared>>
      %dma_wait3A_244 = tpu.memref_squeeze %dma_wait3A_243 : memref<1x1x640xf32, #tpu.memory_space<vmem_shared>> -> memref<640xf32, #tpu.memory_space<vmem_shared>>
      tpu.wait_dma2 semaphore(%run_scoped3A_222 : memref<!tpu.dma_semaphore, #tpu.memory_space<semaphore_mem>>) src(%dma_wait3A_244 : memref<640xf32, #tpu.memory_space<vmem_shared>>) dst(%dma_wait3A_241 : memref<640xf32, #tpu.memory_space<vmem>>)
      tpu.yield
    }) : () -> ()
    %run_scoped3A_31 = arith.constant 4 : i32
    %run_scoped3A_32 = arith.constant 4 : i32
    "tpu.region"() ({
      %run_scoped3A_222 = tpu.sem_alloc : memref<!tpu.dma_semaphore, #tpu.memory_space<semaphore_mem>>
      %dma_start3A = arith.constant 0 : i32
      %dma_start3A_223 = tpu.memref_slice %arg7[%run_scoped3A_32, %dma_start3A] : memref<16x640xf32, #tpu.memory_space<vmem>> -> memref<1x640xf32, #tpu.memory_space<vmem>>
      %dma_start3A_224 = tpu.memref_squeeze %dma_start3A_223 : memref<1x640xf32, #tpu.memory_space<vmem>> -> memref<640xf32, #tpu.memory_space<vmem>>
      %dma_start3A_225 = arith.constant 0 : i32
      %dma_start3A_226 = tpu.memref_slice %arg11[%run_scoped3A_31, %arg1, %dma_start3A_225] : memref<16x16x640xf32, #tpu.memory_space<vmem_shared>> -> memref<1x1x640xf32, #tpu.memory_space<vmem_shared>>
      %dma_start3A_227 = tpu.memref_squeeze %dma_start3A_226 : memref<1x1x640xf32, #tpu.memory_space<vmem_shared>> -> memref<640xf32, #tpu.memory_space<vmem_shared>>
      %dma_start3A_228 = arith.constant 0 : i32
      %dma_start3A_229 = tpu.memref_slice %arg7[%run_scoped3A_32, %dma_start3A_228] : memref<16x640xf32, #tpu.memory_space<vmem>> -> memref<1x640xf32, #tpu.memory_space<vmem>>
      %dma_start3A_230 = tpu.memref_squeeze %dma_start3A_229 : memref<1x640xf32, #tpu.memory_space<vmem>> -> memref<640xf32, #tpu.memory_space<vmem>>
      %dma_start3A_231 = arith.constant 0 : i32
      %dma_start3A_232 = tpu.memref_slice %arg11[%run_scoped3A_31, %arg1, %dma_start3A_231] : memref<16x16x640xf32, #tpu.memory_space<vmem_shared>> -> memref<1x1x640xf32, #tpu.memory_space<vmem_shared>>
      %dma_start3A_233 = tpu.memref_squeeze %dma_start3A_232 : memref<1x1x640xf32, #tpu.memory_space<vmem_shared>> -> memref<640xf32, #tpu.memory_space<vmem_shared>>
      tpu.enqueue_dma source(%dma_start3A_233 : memref<640xf32, #tpu.memory_space<vmem_shared>>) target(%dma_start3A_230 : memref<640xf32, #tpu.memory_space<vmem>>) target_semaphore(%run_scoped3A_222 : memref<!tpu.dma_semaphore, #tpu.memory_space<semaphore_mem>>)
      %dma_wait3A = arith.constant 0 : i32
      %dma_wait3A_234 = tpu.memref_slice %arg7[%run_scoped3A_32, %dma_wait3A] : memref<16x640xf32, #tpu.memory_space<vmem>> -> memref<1x640xf32, #tpu.memory_space<vmem>>
      %dma_wait3A_235 = tpu.memref_squeeze %dma_wait3A_234 : memref<1x640xf32, #tpu.memory_space<vmem>> -> memref<640xf32, #tpu.memory_space<vmem>>
      %dma_wait3A_236 = arith.constant 0 : i32
      %dma_wait3A_237 = tpu.memref_slice %arg11[%run_scoped3A_31, %arg1, %dma_wait3A_236] : memref<16x16x640xf32, #tpu.memory_space<vmem_shared>> -> memref<1x1x640xf32, #tpu.memory_space<vmem_shared>>
      %dma_wait3A_238 = tpu.memref_squeeze %dma_wait3A_237 : memref<1x1x640xf32, #tpu.memory_space<vmem_shared>> -> memref<640xf32, #tpu.memory_space<vmem_shared>>
      %dma_wait3A_239 = arith.constant 0 : i32
      %dma_wait3A_240 = tpu.memref_slice %arg7[%run_scoped3A_32, %dma_wait3A_239] : memref<16x640xf32, #tpu.memory_space<vmem>> -> memref<1x640xf32, #tpu.memory_space<vmem>>
      %dma_wait3A_241 = tpu.memref_squeeze %dma_wait3A_240 : memref<1x640xf32, #tpu.memory_space<vmem>> -> memref<640xf32, #tpu.memory_space<vmem>>
      %dma_wait3A_242 = arith.constant 0 : i32
      %dma_wait3A_243 = tpu.memref_slice %arg11[%run_scoped3A_31, %arg1, %dma_wait3A_242] : memref<16x16x640xf32, #tpu.memory_space<vmem_shared>> -> memref<1x1x640xf32, #tpu.memory_space<vmem_shared>>
      %dma_wait3A_244 = tpu.memref_squeeze %dma_wait3A_243 : memref<1x1x640xf32, #tpu.memory_space<vmem_shared>> -> memref<640xf32, #tpu.memory_space<vmem_shared>>
      tpu.wait_dma2 semaphore(%run_scoped3A_222 : memref<!tpu.dma_semaphore, #tpu.memory_space<semaphore_mem>>) src(%dma_wait3A_244 : memref<640xf32, #tpu.memory_space<vmem_shared>>) dst(%dma_wait3A_241 : memref<640xf32, #tpu.memory_space<vmem>>)
      tpu.yield
    }) : () -> ()
    %run_scoped3A_33 = arith.constant 5 : i32
    %run_scoped3A_34 = arith.constant 5 : i32
    "tpu.region"() ({
      %run_scoped3A_222 = tpu.sem_alloc : memref<!tpu.dma_semaphore, #tpu.memory_space<semaphore_mem>>
      %dma_start3A = arith.constant 0 : i32
      %dma_start3A_223 = tpu.memref_slice %arg7[%run_scoped3A_34, %dma_start3A] : memref<16x640xf32, #tpu.memory_space<vmem>> -> memref<1x640xf32, #tpu.memory_space<vmem>>
      %dma_start3A_224 = tpu.memref_squeeze %dma_start3A_223 : memref<1x640xf32, #tpu.memory_space<vmem>> -> memref<640xf32, #tpu.memory_space<vmem>>
      %dma_start3A_225 = arith.constant 0 : i32
      %dma_start3A_226 = tpu.memref_slice %arg11[%run_scoped3A_33, %arg1, %dma_start3A_225] : memref<16x16x640xf32, #tpu.memory_space<vmem_shared>> -> memref<1x1x640xf32, #tpu.memory_space<vmem_shared>>
      %dma_start3A_227 = tpu.memref_squeeze %dma_start3A_226 : memref<1x1x640xf32, #tpu.memory_space<vmem_shared>> -> memref<640xf32, #tpu.memory_space<vmem_shared>>
      %dma_start3A_228 = arith.constant 0 : i32
      %dma_start3A_229 = tpu.memref_slice %arg7[%run_scoped3A_34, %dma_start3A_228] : memref<16x640xf32, #tpu.memory_space<vmem>> -> memref<1x640xf32, #tpu.memory_space<vmem>>
      %dma_start3A_230 = tpu.memref_squeeze %dma_start3A_229 : memref<1x640xf32, #tpu.memory_space<vmem>> -> memref<640xf32, #tpu.memory_space<vmem>>
      %dma_start3A_231 = arith.constant 0 : i32
      %dma_start3A_232 = tpu.memref_slice %arg11[%run_scoped3A_33, %arg1, %dma_start3A_231] : memref<16x16x640xf32, #tpu.memory_space<vmem_shared>> -> memref<1x1x640xf32, #tpu.memory_space<vmem_shared>>
      %dma_start3A_233 = tpu.memref_squeeze %dma_start3A_232 : memref<1x1x640xf32, #tpu.memory_space<vmem_shared>> -> memref<640xf32, #tpu.memory_space<vmem_shared>>
      tpu.enqueue_dma source(%dma_start3A_233 : memref<640xf32, #tpu.memory_space<vmem_shared>>) target(%dma_start3A_230 : memref<640xf32, #tpu.memory_space<vmem>>) target_semaphore(%run_scoped3A_222 : memref<!tpu.dma_semaphore, #tpu.memory_space<semaphore_mem>>)
      %dma_wait3A = arith.constant 0 : i32
      %dma_wait3A_234 = tpu.memref_slice %arg7[%run_scoped3A_34, %dma_wait3A] : memref<16x640xf32, #tpu.memory_space<vmem>> -> memref<1x640xf32, #tpu.memory_space<vmem>>
      %dma_wait3A_235 = tpu.memref_squeeze %dma_wait3A_234 : memref<1x640xf32, #tpu.memory_space<vmem>> -> memref<640xf32, #tpu.memory_space<vmem>>
      %dma_wait3A_236 = arith.constant 0 : i32
      %dma_wait3A_237 = tpu.memref_slice %arg11[%run_scoped3A_33, %arg1, %dma_wait3A_236] : memref<16x16x640xf32, #tpu.memory_space<vmem_shared>> -> memref<1x1x640xf32, #tpu.memory_space<vmem_shared>>
      %dma_wait3A_238 = tpu.memref_squeeze %dma_wait3A_237 : memref<1x1x640xf32, #tpu.memory_space<vmem_shared>> -> memref<640xf32, #tpu.memory_space<vmem_shared>>
      %dma_wait3A_239 = arith.constant 0 : i32
      %dma_wait3A_240 = tpu.memref_slice %arg7[%run_scoped3A_34, %dma_wait3A_239] : memref<16x640xf32, #tpu.memory_space<vmem>> -> memref<1x640xf32, #tpu.memory_space<vmem>>
      %dma_wait3A_241 = tpu.memref_squeeze %dma_wait3A_240 : memref<1x640xf32, #tpu.memory_space<vmem>> -> memref<640xf32, #tpu.memory_space<vmem>>
      %dma_wait3A_242 = arith.constant 0 : i32
      %dma_wait3A_243 = tpu.memref_slice %arg11[%run_scoped3A_33, %arg1, %dma_wait3A_242] : memref<16x16x640xf32, #tpu.memory_space<vmem_shared>> -> memref<1x1x640xf32, #tpu.memory_space<vmem_shared>>
      %dma_wait3A_244 = tpu.memref_squeeze %dma_wait3A_243 : memref<1x1x640xf32, #tpu.memory_space<vmem_shared>> -> memref<640xf32, #tpu.memory_space<vmem_shared>>
      tpu.wait_dma2 semaphore(%run_scoped3A_222 : memref<!tpu.dma_semaphore, #tpu.memory_space<semaphore_mem>>) src(%dma_wait3A_244 : memref<640xf32, #tpu.memory_space<vmem_shared>>) dst(%dma_wait3A_241 : memref<640xf32, #tpu.memory_space<vmem>>)
      tpu.yield
    }) : () -> ()
    %run_scoped3A_35 = arith.constant 6 : i32
    %run_scoped3A_36 = arith.constant 6 : i32
    "tpu.region"() ({
      %run_scoped3A_222 = tpu.sem_alloc : memref<!tpu.dma_semaphore, #tpu.memory_space<semaphore_mem>>
      %dma_start3A = arith.constant 0 : i32
      %dma_start3A_223 = tpu.memref_slice %arg7[%run_scoped3A_36, %dma_start3A] : memref<16x640xf32, #tpu.memory_space<vmem>> -> memref<1x640xf32, #tpu.memory_space<vmem>>
      %dma_start3A_224 = tpu.memref_squeeze %dma_start3A_223 : memref<1x640xf32, #tpu.memory_space<vmem>> -> memref<640xf32, #tpu.memory_space<vmem>>
      %dma_start3A_225 = arith.constant 0 : i32
      %dma_start3A_226 = tpu.memref_slice %arg11[%run_scoped3A_35, %arg1, %dma_start3A_225] : memref<16x16x640xf32, #tpu.memory_space<vmem_shared>> -> memref<1x1x640xf32, #tpu.memory_space<vmem_shared>>
      %dma_start3A_227 = tpu.memref_squeeze %dma_start3A_226 : memref<1x1x640xf32, #tpu.memory_space<vmem_shared>> -> memref<640xf32, #tpu.memory_space<vmem_shared>>
      %dma_start3A_228 = arith.constant 0 : i32
      %dma_start3A_229 = tpu.memref_slice %arg7[%run_scoped3A_36, %dma_start3A_228] : memref<16x640xf32, #tpu.memory_space<vmem>> -> memref<1x640xf32, #tpu.memory_space<vmem>>
      %dma_start3A_230 = tpu.memref_squeeze %dma_start3A_229 : memref<1x640xf32, #tpu.memory_space<vmem>> -> memref<640xf32, #tpu.memory_space<vmem>>
      %dma_start3A_231 = arith.constant 0 : i32
      %dma_start3A_232 = tpu.memref_slice %arg11[%run_scoped3A_35, %arg1, %dma_start3A_231] : memref<16x16x640xf32, #tpu.memory_space<vmem_shared>> -> memref<1x1x640xf32, #tpu.memory_space<vmem_shared>>
      %dma_start3A_233 = tpu.memref_squeeze %dma_start3A_232 : memref<1x1x640xf32, #tpu.memory_space<vmem_shared>> -> memref<640xf32, #tpu.memory_space<vmem_shared>>
      tpu.enqueue_dma source(%dma_start3A_233 : memref<640xf32, #tpu.memory_space<vmem_shared>>) target(%dma_start3A_230 : memref<640xf32, #tpu.memory_space<vmem>>) target_semaphore(%run_scoped3A_222 : memref<!tpu.dma_semaphore, #tpu.memory_space<semaphore_mem>>)
      %dma_wait3A = arith.constant 0 : i32
      %dma_wait3A_234 = tpu.memref_slice %arg7[%run_scoped3A_36, %dma_wait3A] : memref<16x640xf32, #tpu.memory_space<vmem>> -> memref<1x640xf32, #tpu.memory_space<vmem>>
      %dma_wait3A_235 = tpu.memref_squeeze %dma_wait3A_234 : memref<1x640xf32, #tpu.memory_space<vmem>> -> memref<640xf32, #tpu.memory_space<vmem>>
      %dma_wait3A_236 = arith.constant 0 : i32
      %dma_wait3A_237 = tpu.memref_slice %arg11[%run_scoped3A_35, %arg1, %dma_wait3A_236] : memref<16x16x640xf32, #tpu.memory_space<vmem_shared>> -> memref<1x1x640xf32, #tpu.memory_space<vmem_shared>>
      %dma_wait3A_238 = tpu.memref_squeeze %dma_wait3A_237 : memref<1x1x640xf32, #tpu.memory_space<vmem_shared>> -> memref<640xf32, #tpu.memory_space<vmem_shared>>
      %dma_wait3A_239 = arith.constant 0 : i32
      %dma_wait3A_240 = tpu.memref_slice %arg7[%run_scoped3A_36, %dma_wait3A_239] : memref<16x640xf32, #tpu.memory_space<vmem>> -> memref<1x640xf32, #tpu.memory_space<vmem>>
      %dma_wait3A_241 = tpu.memref_squeeze %dma_wait3A_240 : memref<1x640xf32, #tpu.memory_space<vmem>> -> memref<640xf32, #tpu.memory_space<vmem>>
      %dma_wait3A_242 = arith.constant 0 : i32
      %dma_wait3A_243 = tpu.memref_slice %arg11[%run_scoped3A_35, %arg1, %dma_wait3A_242] : memref<16x16x640xf32, #tpu.memory_space<vmem_shared>> -> memref<1x1x640xf32, #tpu.memory_space<vmem_shared>>
      %dma_wait3A_244 = tpu.memref_squeeze %dma_wait3A_243 : memref<1x1x640xf32, #tpu.memory_space<vmem_shared>> -> memref<640xf32, #tpu.memory_space<vmem_shared>>
      tpu.wait_dma2 semaphore(%run_scoped3A_222 : memref<!tpu.dma_semaphore, #tpu.memory_space<semaphore_mem>>) src(%dma_wait3A_244 : memref<640xf32, #tpu.memory_space<vmem_shared>>) dst(%dma_wait3A_241 : memref<640xf32, #tpu.memory_space<vmem>>)
      tpu.yield
    }) : () -> ()
    %run_scoped3A_37 = arith.constant 7 : i32
    %run_scoped3A_38 = arith.constant 7 : i32
    "tpu.region"() ({
      %run_scoped3A_222 = tpu.sem_alloc : memref<!tpu.dma_semaphore, #tpu.memory_space<semaphore_mem>>
      %dma_start3A = arith.constant 0 : i32
      %dma_start3A_223 = tpu.memref_slice %arg7[%run_scoped3A_38, %dma_start3A] : memref<16x640xf32, #tpu.memory_space<vmem>> -> memref<1x640xf32, #tpu.memory_space<vmem>>
      %dma_start3A_224 = tpu.memref_squeeze %dma_start3A_223 : memref<1x640xf32, #tpu.memory_space<vmem>> -> memref<640xf32, #tpu.memory_space<vmem>>
      %dma_start3A_225 = arith.constant 0 : i32
      %dma_start3A_226 = tpu.memref_slice %arg11[%run_scoped3A_37, %arg1, %dma_start3A_225] : memref<16x16x640xf32, #tpu.memory_space<vmem_shared>> -> memref<1x1x640xf32, #tpu.memory_space<vmem_shared>>
      %dma_start3A_227 = tpu.memref_squeeze %dma_start3A_226 : memref<1x1x640xf32, #tpu.memory_space<vmem_shared>> -> memref<640xf32, #tpu.memory_space<vmem_shared>>
      %dma_start3A_228 = arith.constant 0 : i32
      %dma_start3A_229 = tpu.memref_slice %arg7[%run_scoped3A_38, %dma_start3A_228] : memref<16x640xf32, #tpu.memory_space<vmem>> -> memref<1x640xf32, #tpu.memory_space<vmem>>
      %dma_start3A_230 = tpu.memref_squeeze %dma_start3A_229 : memref<1x640xf32, #tpu.memory_space<vmem>> -> memref<640xf32, #tpu.memory_space<vmem>>
      %dma_start3A_231 = arith.constant 0 : i32
      %dma_start3A_232 = tpu.memref_slice %arg11[%run_scoped3A_37, %arg1, %dma_start3A_231] : memref<16x16x640xf32, #tpu.memory_space<vmem_shared>> -> memref<1x1x640xf32, #tpu.memory_space<vmem_shared>>
      %dma_start3A_233 = tpu.memref_squeeze %dma_start3A_232 : memref<1x1x640xf32, #tpu.memory_space<vmem_shared>> -> memref<640xf32, #tpu.memory_space<vmem_shared>>
      tpu.enqueue_dma source(%dma_start3A_233 : memref<640xf32, #tpu.memory_space<vmem_shared>>) target(%dma_start3A_230 : memref<640xf32, #tpu.memory_space<vmem>>) target_semaphore(%run_scoped3A_222 : memref<!tpu.dma_semaphore, #tpu.memory_space<semaphore_mem>>)
      %dma_wait3A = arith.constant 0 : i32
      %dma_wait3A_234 = tpu.memref_slice %arg7[%run_scoped3A_38, %dma_wait3A] : memref<16x640xf32, #tpu.memory_space<vmem>> -> memref<1x640xf32, #tpu.memory_space<vmem>>
      %dma_wait3A_235 = tpu.memref_squeeze %dma_wait3A_234 : memref<1x640xf32, #tpu.memory_space<vmem>> -> memref<640xf32, #tpu.memory_space<vmem>>
      %dma_wait3A_236 = arith.constant 0 : i32
      %dma_wait3A_237 = tpu.memref_slice %arg11[%run_scoped3A_37, %arg1, %dma_wait3A_236] : memref<16x16x640xf32, #tpu.memory_space<vmem_shared>> -> memref<1x1x640xf32, #tpu.memory_space<vmem_shared>>
      %dma_wait3A_238 = tpu.memref_squeeze %dma_wait3A_237 : memref<1x1x640xf32, #tpu.memory_space<vmem_shared>> -> memref<640xf32, #tpu.memory_space<vmem_shared>>
      %dma_wait3A_239 = arith.constant 0 : i32
      %dma_wait3A_240 = tpu.memref_slice %arg7[%run_scoped3A_38, %dma_wait3A_239] : memref<16x640xf32, #tpu.memory_space<vmem>> -> memref<1x640xf32, #tpu.memory_space<vmem>>
      %dma_wait3A_241 = tpu.memref_squeeze %dma_wait3A_240 : memref<1x640xf32, #tpu.memory_space<vmem>> -> memref<640xf32, #tpu.memory_space<vmem>>
      %dma_wait3A_242 = arith.constant 0 : i32
      %dma_wait3A_243 = tpu.memref_slice %arg11[%run_scoped3A_37, %arg1, %dma_wait3A_242] : memref<16x16x640xf32, #tpu.memory_space<vmem_shared>> -> memref<1x1x640xf32, #tpu.memory_space<vmem_shared>>
      %dma_wait3A_244 = tpu.memref_squeeze %dma_wait3A_243 : memref<1x1x640xf32, #tpu.memory_space<vmem_shared>> -> memref<640xf32, #tpu.memory_space<vmem_shared>>
      tpu.wait_dma2 semaphore(%run_scoped3A_222 : memref<!tpu.dma_semaphore, #tpu.memory_space<semaphore_mem>>) src(%dma_wait3A_244 : memref<640xf32, #tpu.memory_space<vmem_shared>>) dst(%dma_wait3A_241 : memref<640xf32, #tpu.memory_space<vmem>>)
      tpu.yield
    }) : () -> ()
    %run_scoped3A_39 = arith.constant 8 : i32
    %run_scoped3A_40 = arith.constant 8 : i32
    "tpu.region"() ({
      %run_scoped3A_222 = tpu.sem_alloc : memref<!tpu.dma_semaphore, #tpu.memory_space<semaphore_mem>>
      %dma_start3A = arith.constant 0 : i32
      %dma_start3A_223 = tpu.memref_slice %arg7[%run_scoped3A_40, %dma_start3A] : memref<16x640xf32, #tpu.memory_space<vmem>> -> memref<1x640xf32, #tpu.memory_space<vmem>>
      %dma_start3A_224 = tpu.memref_squeeze %dma_start3A_223 : memref<1x640xf32, #tpu.memory_space<vmem>> -> memref<640xf32, #tpu.memory_space<vmem>>
      %dma_start3A_225 = arith.constant 0 : i32
      %dma_start3A_226 = tpu.memref_slice %arg11[%run_scoped3A_39, %arg1, %dma_start3A_225] : memref<16x16x640xf32, #tpu.memory_space<vmem_shared>> -> memref<1x1x640xf32, #tpu.memory_space<vmem_shared>>
      %dma_start3A_227 = tpu.memref_squeeze %dma_start3A_226 : memref<1x1x640xf32, #tpu.memory_space<vmem_shared>> -> memref<640xf32, #tpu.memory_space<vmem_shared>>
      %dma_start3A_228 = arith.constant 0 : i32
      %dma_start3A_229 = tpu.memref_slice %arg7[%run_scoped3A_40, %dma_start3A_228] : memref<16x640xf32, #tpu.memory_space<vmem>> -> memref<1x640xf32, #tpu.memory_space<vmem>>
      %dma_start3A_230 = tpu.memref_squeeze %dma_start3A_229 : memref<1x640xf32, #tpu.memory_space<vmem>> -> memref<640xf32, #tpu.memory_space<vmem>>
      %dma_start3A_231 = arith.constant 0 : i32
      %dma_start3A_232 = tpu.memref_slice %arg11[%run_scoped3A_39, %arg1, %dma_start3A_231] : memref<16x16x640xf32, #tpu.memory_space<vmem_shared>> -> memref<1x1x640xf32, #tpu.memory_space<vmem_shared>>
      %dma_start3A_233 = tpu.memref_squeeze %dma_start3A_232 : memref<1x1x640xf32, #tpu.memory_space<vmem_shared>> -> memref<640xf32, #tpu.memory_space<vmem_shared>>
      tpu.enqueue_dma source(%dma_start3A_233 : memref<640xf32, #tpu.memory_space<vmem_shared>>) target(%dma_start3A_230 : memref<640xf32, #tpu.memory_space<vmem>>) target_semaphore(%run_scoped3A_222 : memref<!tpu.dma_semaphore, #tpu.memory_space<semaphore_mem>>)
      %dma_wait3A = arith.constant 0 : i32
      %dma_wait3A_234 = tpu.memref_slice %arg7[%run_scoped3A_40, %dma_wait3A] : memref<16x640xf32, #tpu.memory_space<vmem>> -> memref<1x640xf32, #tpu.memory_space<vmem>>
      %dma_wait3A_235 = tpu.memref_squeeze %dma_wait3A_234 : memref<1x640xf32, #tpu.memory_space<vmem>> -> memref<640xf32, #tpu.memory_space<vmem>>
      %dma_wait3A_236 = arith.constant 0 : i32
      %dma_wait3A_237 = tpu.memref_slice %arg11[%run_scoped3A_39, %arg1, %dma_wait3A_236] : memref<16x16x640xf32, #tpu.memory_space<vmem_shared>> -> memref<1x1x640xf32, #tpu.memory_space<vmem_shared>>
      %dma_wait3A_238 = tpu.memref_squeeze %dma_wait3A_237 : memref<1x1x640xf32, #tpu.memory_space<vmem_shared>> -> memref<640xf32, #tpu.memory_space<vmem_shared>>
      %dma_wait3A_239 = arith.constant 0 : i32
      %dma_wait3A_240 = tpu.memref_slice %arg7[%run_scoped3A_40, %dma_wait3A_239] : memref<16x640xf32, #tpu.memory_space<vmem>> -> memref<1x640xf32, #tpu.memory_space<vmem>>
      %dma_wait3A_241 = tpu.memref_squeeze %dma_wait3A_240 : memref<1x640xf32, #tpu.memory_space<vmem>> -> memref<640xf32, #tpu.memory_space<vmem>>
      %dma_wait3A_242 = arith.constant 0 : i32
      %dma_wait3A_243 = tpu.memref_slice %arg11[%run_scoped3A_39, %arg1, %dma_wait3A_242] : memref<16x16x640xf32, #tpu.memory_space<vmem_shared>> -> memref<1x1x640xf32, #tpu.memory_space<vmem_shared>>
      %dma_wait3A_244 = tpu.memref_squeeze %dma_wait3A_243 : memref<1x1x640xf32, #tpu.memory_space<vmem_shared>> -> memref<640xf32, #tpu.memory_space<vmem_shared>>
      tpu.wait_dma2 semaphore(%run_scoped3A_222 : memref<!tpu.dma_semaphore, #tpu.memory_space<semaphore_mem>>) src(%dma_wait3A_244 : memref<640xf32, #tpu.memory_space<vmem_shared>>) dst(%dma_wait3A_241 : memref<640xf32, #tpu.memory_space<vmem>>)
      tpu.yield
    }) : () -> ()
    %run_scoped3A_41 = arith.constant 9 : i32
    %run_scoped3A_42 = arith.constant 9 : i32
    "tpu.region"() ({
      %run_scoped3A_222 = tpu.sem_alloc : memref<!tpu.dma_semaphore, #tpu.memory_space<semaphore_mem>>
      %dma_start3A = arith.constant 0 : i32
      %dma_start3A_223 = tpu.memref_slice %arg7[%run_scoped3A_42, %dma_start3A] : memref<16x640xf32, #tpu.memory_space<vmem>> -> memref<1x640xf32, #tpu.memory_space<vmem>>
      %dma_start3A_224 = tpu.memref_squeeze %dma_start3A_223 : memref<1x640xf32, #tpu.memory_space<vmem>> -> memref<640xf32, #tpu.memory_space<vmem>>
      %dma_start3A_225 = arith.constant 0 : i32
      %dma_start3A_226 = tpu.memref_slice %arg11[%run_scoped3A_41, %arg1, %dma_start3A_225] : memref<16x16x640xf32, #tpu.memory_space<vmem_shared>> -> memref<1x1x640xf32, #tpu.memory_space<vmem_shared>>
      %dma_start3A_227 = tpu.memref_squeeze %dma_start3A_226 : memref<1x1x640xf32, #tpu.memory_space<vmem_shared>> -> memref<640xf32, #tpu.memory_space<vmem_shared>>
      %dma_start3A_228 = arith.constant 0 : i32
      %dma_start3A_229 = tpu.memref_slice %arg7[%run_scoped3A_42, %dma_start3A_228] : memref<16x640xf32, #tpu.memory_space<vmem>> -> memref<1x640xf32, #tpu.memory_space<vmem>>
      %dma_start3A_230 = tpu.memref_squeeze %dma_start3A_229 : memref<1x640xf32, #tpu.memory_space<vmem>> -> memref<640xf32, #tpu.memory_space<vmem>>
      %dma_start3A_231 = arith.constant 0 : i32
      %dma_start3A_232 = tpu.memref_slice %arg11[%run_scoped3A_41, %arg1, %dma_start3A_231] : memref<16x16x640xf32, #tpu.memory_space<vmem_shared>> -> memref<1x1x640xf32, #tpu.memory_space<vmem_shared>>
      %dma_start3A_233 = tpu.memref_squeeze %dma_start3A_232 : memref<1x1x640xf32, #tpu.memory_space<vmem_shared>> -> memref<640xf32, #tpu.memory_space<vmem_shared>>
      tpu.enqueue_dma source(%dma_start3A_233 : memref<640xf32, #tpu.memory_space<vmem_shared>>) target(%dma_start3A_230 : memref<640xf32, #tpu.memory_space<vmem>>) target_semaphore(%run_scoped3A_222 : memref<!tpu.dma_semaphore, #tpu.memory_space<semaphore_mem>>)
      %dma_wait3A = arith.constant 0 : i32
      %dma_wait3A_234 = tpu.memref_slice %arg7[%run_scoped3A_42, %dma_wait3A] : memref<16x640xf32, #tpu.memory_space<vmem>> -> memref<1x640xf32, #tpu.memory_space<vmem>>
      %dma_wait3A_235 = tpu.memref_squeeze %dma_wait3A_234 : memref<1x640xf32, #tpu.memory_space<vmem>> -> memref<640xf32, #tpu.memory_space<vmem>>
      %dma_wait3A_236 = arith.constant 0 : i32
      %dma_wait3A_237 = tpu.memref_slice %arg11[%run_scoped3A_41, %arg1, %dma_wait3A_236] : memref<16x16x640xf32, #tpu.memory_space<vmem_shared>> -> memref<1x1x640xf32, #tpu.memory_space<vmem_shared>>
      %dma_wait3A_238 = tpu.memref_squeeze %dma_wait3A_237 : memref<1x1x640xf32, #tpu.memory_space<vmem_shared>> -> memref<640xf32, #tpu.memory_space<vmem_shared>>
      %dma_wait3A_239 = arith.constant 0 : i32
      %dma_wait3A_240 = tpu.memref_slice %arg7[%run_scoped3A_42, %dma_wait3A_239] : memref<16x640xf32, #tpu.memory_space<vmem>> -> memref<1x640xf32, #tpu.memory_space<vmem>>
      %dma_wait3A_241 = tpu.memref_squeeze %dma_wait3A_240 : memref<1x640xf32, #tpu.memory_space<vmem>> -> memref<640xf32, #tpu.memory_space<vmem>>
      %dma_wait3A_242 = arith.constant 0 : i32
      %dma_wait3A_243 = tpu.memref_slice %arg11[%run_scoped3A_41, %arg1, %dma_wait3A_242] : memref<16x16x640xf32, #tpu.memory_space<vmem_shared>> -> memref<1x1x640xf32, #tpu.memory_space<vmem_shared>>
      %dma_wait3A_244 = tpu.memref_squeeze %dma_wait3A_243 : memref<1x1x640xf32, #tpu.memory_space<vmem_shared>> -> memref<640xf32, #tpu.memory_space<vmem_shared>>
      tpu.wait_dma2 semaphore(%run_scoped3A_222 : memref<!tpu.dma_semaphore, #tpu.memory_space<semaphore_mem>>) src(%dma_wait3A_244 : memref<640xf32, #tpu.memory_space<vmem_shared>>) dst(%dma_wait3A_241 : memref<640xf32, #tpu.memory_space<vmem>>)
      tpu.yield
    }) : () -> ()
    %run_scoped3A_43 = arith.constant 10 : i32
    %run_scoped3A_44 = arith.constant 10 : i32
    "tpu.region"() ({
      %run_scoped3A_222 = tpu.sem_alloc : memref<!tpu.dma_semaphore, #tpu.memory_space<semaphore_mem>>
      %dma_start3A = arith.constant 0 : i32
      %dma_start3A_223 = tpu.memref_slice %arg7[%run_scoped3A_44, %dma_start3A] : memref<16x640xf32, #tpu.memory_space<vmem>> -> memref<1x640xf32, #tpu.memory_space<vmem>>
      %dma_start3A_224 = tpu.memref_squeeze %dma_start3A_223 : memref<1x640xf32, #tpu.memory_space<vmem>> -> memref<640xf32, #tpu.memory_space<vmem>>
      %dma_start3A_225 = arith.constant 0 : i32
      %dma_start3A_226 = tpu.memref_slice %arg11[%run_scoped3A_43, %arg1, %dma_start3A_225] : memref<16x16x640xf32, #tpu.memory_space<vmem_shared>> -> memref<1x1x640xf32, #tpu.memory_space<vmem_shared>>
      %dma_start3A_227 = tpu.memref_squeeze %dma_start3A_226 : memref<1x1x640xf32, #tpu.memory_space<vmem_shared>> -> memref<640xf32, #tpu.memory_space<vmem_shared>>
      %dma_start3A_228 = arith.constant 0 : i32
      %dma_start3A_229 = tpu.memref_slice %arg7[%run_scoped3A_44, %dma_start3A_228] : memref<16x640xf32, #tpu.memory_space<vmem>> -> memref<1x640xf32, #tpu.memory_space<vmem>>
      %dma_start3A_230 = tpu.memref_squeeze %dma_start3A_229 : memref<1x640xf32, #tpu.memory_space<vmem>> -> memref<640xf32, #tpu.memory_space<vmem>>
      %dma_start3A_231 = arith.constant 0 : i32
      %dma_start3A_232 = tpu.memref_slice %arg11[%run_scoped3A_43, %arg1, %dma_start3A_231] : memref<16x16x640xf32, #tpu.memory_space<vmem_shared>> -> memref<1x1x640xf32, #tpu.memory_space<vmem_shared>>
      %dma_start3A_233 = tpu.memref_squeeze %dma_start3A_232 : memref<1x1x640xf32, #tpu.memory_space<vmem_shared>> -> memref<640xf32, #tpu.memory_space<vmem_shared>>
      tpu.enqueue_dma source(%dma_start3A_233 : memref<640xf32, #tpu.memory_space<vmem_shared>>) target(%dma_start3A_230 : memref<640xf32, #tpu.memory_space<vmem>>) target_semaphore(%run_scoped3A_222 : memref<!tpu.dma_semaphore, #tpu.memory_space<semaphore_mem>>)
      %dma_wait3A = arith.constant 0 : i32
      %dma_wait3A_234 = tpu.memref_slice %arg7[%run_scoped3A_44, %dma_wait3A] : memref<16x640xf32, #tpu.memory_space<vmem>> -> memref<1x640xf32, #tpu.memory_space<vmem>>
      %dma_wait3A_235 = tpu.memref_squeeze %dma_wait3A_234 : memref<1x640xf32, #tpu.memory_space<vmem>> -> memref<640xf32, #tpu.memory_space<vmem>>
      %dma_wait3A_236 = arith.constant 0 : i32
      %dma_wait3A_237 = tpu.memref_slice %arg11[%run_scoped3A_43, %arg1, %dma_wait3A_236] : memref<16x16x640xf32, #tpu.memory_space<vmem_shared>> -> memref<1x1x640xf32, #tpu.memory_space<vmem_shared>>
      %dma_wait3A_238 = tpu.memref_squeeze %dma_wait3A_237 : memref<1x1x640xf32, #tpu.memory_space<vmem_shared>> -> memref<640xf32, #tpu.memory_space<vmem_shared>>
      %dma_wait3A_239 = arith.constant 0 : i32
      %dma_wait3A_240 = tpu.memref_slice %arg7[%run_scoped3A_44, %dma_wait3A_239] : memref<16x640xf32, #tpu.memory_space<vmem>> -> memref<1x640xf32, #tpu.memory_space<vmem>>
      %dma_wait3A_241 = tpu.memref_squeeze %dma_wait3A_240 : memref<1x640xf32, #tpu.memory_space<vmem>> -> memref<640xf32, #tpu.memory_space<vmem>>
      %dma_wait3A_242 = arith.constant 0 : i32
      %dma_wait3A_243 = tpu.memref_slice %arg11[%run_scoped3A_43, %arg1, %dma_wait3A_242] : memref<16x16x640xf32, #tpu.memory_space<vmem_shared>> -> memref<1x1x640xf32, #tpu.memory_space<vmem_shared>>
      %dma_wait3A_244 = tpu.memref_squeeze %dma_wait3A_243 : memref<1x1x640xf32, #tpu.memory_space<vmem_shared>> -> memref<640xf32, #tpu.memory_space<vmem_shared>>
      tpu.wait_dma2 semaphore(%run_scoped3A_222 : memref<!tpu.dma_semaphore, #tpu.memory_space<semaphore_mem>>) src(%dma_wait3A_244 : memref<640xf32, #tpu.memory_space<vmem_shared>>) dst(%dma_wait3A_241 : memref<640xf32, #tpu.memory_space<vmem>>)
      tpu.yield
    }) : () -> ()
    %run_scoped3A_45 = arith.constant 11 : i32
    %run_scoped3A_46 = arith.constant 11 : i32
    "tpu.region"() ({
      %run_scoped3A_222 = tpu.sem_alloc : memref<!tpu.dma_semaphore, #tpu.memory_space<semaphore_mem>>
      %dma_start3A = arith.constant 0 : i32
      %dma_start3A_223 = tpu.memref_slice %arg7[%run_scoped3A_46, %dma_start3A] : memref<16x640xf32, #tpu.memory_space<vmem>> -> memref<1x640xf32, #tpu.memory_space<vmem>>
      %dma_start3A_224 = tpu.memref_squeeze %dma_start3A_223 : memref<1x640xf32, #tpu.memory_space<vmem>> -> memref<640xf32, #tpu.memory_space<vmem>>
      %dma_start3A_225 = arith.constant 0 : i32
      %dma_start3A_226 = tpu.memref_slice %arg11[%run_scoped3A_45, %arg1, %dma_start3A_225] : memref<16x16x640xf32, #tpu.memory_space<vmem_shared>> -> memref<1x1x640xf32, #tpu.memory_space<vmem_shared>>
      %dma_start3A_227 = tpu.memref_squeeze %dma_start3A_226 : memref<1x1x640xf32, #tpu.memory_space<vmem_shared>> -> memref<640xf32, #tpu.memory_space<vmem_shared>>
      %dma_start3A_228 = arith.constant 0 : i32
      %dma_start3A_229 = tpu.memref_slice %arg7[%run_scoped3A_46, %dma_start3A_228] : memref<16x640xf32, #tpu.memory_space<vmem>> -> memref<1x640xf32, #tpu.memory_space<vmem>>
      %dma_start3A_230 = tpu.memref_squeeze %dma_start3A_229 : memref<1x640xf32, #tpu.memory_space<vmem>> -> memref<640xf32, #tpu.memory_space<vmem>>
      %dma_start3A_231 = arith.constant 0 : i32
      %dma_start3A_232 = tpu.memref_slice %arg11[%run_scoped3A_45, %arg1, %dma_start3A_231] : memref<16x16x640xf32, #tpu.memory_space<vmem_shared>> -> memref<1x1x640xf32, #tpu.memory_space<vmem_shared>>
      %dma_start3A_233 = tpu.memref_squeeze %dma_start3A_232 : memref<1x1x640xf32, #tpu.memory_space<vmem_shared>> -> memref<640xf32, #tpu.memory_space<vmem_shared>>
      tpu.enqueue_dma source(%dma_start3A_233 : memref<640xf32, #tpu.memory_space<vmem_shared>>) target(%dma_start3A_230 : memref<640xf32, #tpu.memory_space<vmem>>) target_semaphore(%run_scoped3A_222 : memref<!tpu.dma_semaphore, #tpu.memory_space<semaphore_mem>>)
      %dma_wait3A = arith.constant 0 : i32
      %dma_wait3A_234 = tpu.memref_slice %arg7[%run_scoped3A_46, %dma_wait3A] : memref<16x640xf32, #tpu.memory_space<vmem>> -> memref<1x640xf32, #tpu.memory_space<vmem>>
      %dma_wait3A_235 = tpu.memref_squeeze %dma_wait3A_234 : memref<1x640xf32, #tpu.memory_space<vmem>> -> memref<640xf32, #tpu.memory_space<vmem>>
      %dma_wait3A_236 = arith.constant 0 : i32
      %dma_wait3A_237 = tpu.memref_slice %arg11[%run_scoped3A_45, %arg1, %dma_wait3A_236] : memref<16x16x640xf32, #tpu.memory_space<vmem_shared>> -> memref<1x1x640xf32, #tpu.memory_space<vmem_shared>>
      %dma_wait3A_238 = tpu.memref_squeeze %dma_wait3A_237 : memref<1x1x640xf32, #tpu.memory_space<vmem_shared>> -> memref<640xf32, #tpu.memory_space<vmem_shared>>
      %dma_wait3A_239 = arith.constant 0 : i32
      %dma_wait3A_240 = tpu.memref_slice %arg7[%run_scoped3A_46, %dma_wait3A_239] : memref<16x640xf32, #tpu.memory_space<vmem>> -> memref<1x640xf32, #tpu.memory_space<vmem>>
      %dma_wait3A_241 = tpu.memref_squeeze %dma_wait3A_240 : memref<1x640xf32, #tpu.memory_space<vmem>> -> memref<640xf32, #tpu.memory_space<vmem>>
      %dma_wait3A_242 = arith.constant 0 : i32
      %dma_wait3A_243 = tpu.memref_slice %arg11[%run_scoped3A_45, %arg1, %dma_wait3A_242] : memref<16x16x640xf32, #tpu.memory_space<vmem_shared>> -> memref<1x1x640xf32, #tpu.memory_space<vmem_shared>>
      %dma_wait3A_244 = tpu.memref_squeeze %dma_wait3A_243 : memref<1x1x640xf32, #tpu.memory_space<vmem_shared>> -> memref<640xf32, #tpu.memory_space<vmem_shared>>
      tpu.wait_dma2 semaphore(%run_scoped3A_222 : memref<!tpu.dma_semaphore, #tpu.memory_space<semaphore_mem>>) src(%dma_wait3A_244 : memref<640xf32, #tpu.memory_space<vmem_shared>>) dst(%dma_wait3A_241 : memref<640xf32, #tpu.memory_space<vmem>>)
      tpu.yield
    }) : () -> ()
    %run_scoped3A_47 = arith.constant 12 : i32
    %run_scoped3A_48 = arith.constant 12 : i32
    "tpu.region"() ({
      %run_scoped3A_222 = tpu.sem_alloc : memref<!tpu.dma_semaphore, #tpu.memory_space<semaphore_mem>>
      %dma_start3A = arith.constant 0 : i32
      %dma_start3A_223 = tpu.memref_slice %arg7[%run_scoped3A_48, %dma_start3A] : memref<16x640xf32, #tpu.memory_space<vmem>> -> memref<1x640xf32, #tpu.memory_space<vmem>>
      %dma_start3A_224 = tpu.memref_squeeze %dma_start3A_223 : memref<1x640xf32, #tpu.memory_space<vmem>> -> memref<640xf32, #tpu.memory_space<vmem>>
      %dma_start3A_225 = arith.constant 0 : i32
      %dma_start3A_226 = tpu.memref_slice %arg11[%run_scoped3A_47, %arg1, %dma_start3A_225] : memref<16x16x640xf32, #tpu.memory_space<vmem_shared>> -> memref<1x1x640xf32, #tpu.memory_space<vmem_shared>>
      %dma_start3A_227 = tpu.memref_squeeze %dma_start3A_226 : memref<1x1x640xf32, #tpu.memory_space<vmem_shared>> -> memref<640xf32, #tpu.memory_space<vmem_shared>>
      %dma_start3A_228 = arith.constant 0 : i32
      %dma_start3A_229 = tpu.memref_slice %arg7[%run_scoped3A_48, %dma_start3A_228] : memref<16x640xf32, #tpu.memory_space<vmem>> -> memref<1x640xf32, #tpu.memory_space<vmem>>
      %dma_start3A_230 = tpu.memref_squeeze %dma_start3A_229 : memref<1x640xf32, #tpu.memory_space<vmem>> -> memref<640xf32, #tpu.memory_space<vmem>>
      %dma_start3A_231 = arith.constant 0 : i32
      %dma_start3A_232 = tpu.memref_slice %arg11[%run_scoped3A_47, %arg1, %dma_start3A_231] : memref<16x16x640xf32, #tpu.memory_space<vmem_shared>> -> memref<1x1x640xf32, #tpu.memory_space<vmem_shared>>
      %dma_start3A_233 = tpu.memref_squeeze %dma_start3A_232 : memref<1x1x640xf32, #tpu.memory_space<vmem_shared>> -> memref<640xf32, #tpu.memory_space<vmem_shared>>
      tpu.enqueue_dma source(%dma_start3A_233 : memref<640xf32, #tpu.memory_space<vmem_shared>>) target(%dma_start3A_230 : memref<640xf32, #tpu.memory_space<vmem>>) target_semaphore(%run_scoped3A_222 : memref<!tpu.dma_semaphore, #tpu.memory_space<semaphore_mem>>)
      %dma_wait3A = arith.constant 0 : i32
      %dma_wait3A_234 = tpu.memref_slice %arg7[%run_scoped3A_48, %dma_wait3A] : memref<16x640xf32, #tpu.memory_space<vmem>> -> memref<1x640xf32, #tpu.memory_space<vmem>>
      %dma_wait3A_235 = tpu.memref_squeeze %dma_wait3A_234 : memref<1x640xf32, #tpu.memory_space<vmem>> -> memref<640xf32, #tpu.memory_space<vmem>>
      %dma_wait3A_236 = arith.constant 0 : i32
      %dma_wait3A_237 = tpu.memref_slice %arg11[%run_scoped3A_47, %arg1, %dma_wait3A_236] : memref<16x16x640xf32, #tpu.memory_space<vmem_shared>> -> memref<1x1x640xf32, #tpu.memory_space<vmem_shared>>
      %dma_wait3A_238 = tpu.memref_squeeze %dma_wait3A_237 : memref<1x1x640xf32, #tpu.memory_space<vmem_shared>> -> memref<640xf32, #tpu.memory_space<vmem_shared>>
      %dma_wait3A_239 = arith.constant 0 : i32
      %dma_wait3A_240 = tpu.memref_slice %arg7[%run_scoped3A_48, %dma_wait3A_239] : memref<16x640xf32, #tpu.memory_space<vmem>> -> memref<1x640xf32, #tpu.memory_space<vmem>>
      %dma_wait3A_241 = tpu.memref_squeeze %dma_wait3A_240 : memref<1x640xf32, #tpu.memory_space<vmem>> -> memref<640xf32, #tpu.memory_space<vmem>>
      %dma_wait3A_242 = arith.constant 0 : i32
      %dma_wait3A_243 = tpu.memref_slice %arg11[%run_scoped3A_47, %arg1, %dma_wait3A_242] : memref<16x16x640xf32, #tpu.memory_space<vmem_shared>> -> memref<1x1x640xf32, #tpu.memory_space<vmem_shared>>
      %dma_wait3A_244 = tpu.memref_squeeze %dma_wait3A_243 : memref<1x1x640xf32, #tpu.memory_space<vmem_shared>> -> memref<640xf32, #tpu.memory_space<vmem_shared>>
      tpu.wait_dma2 semaphore(%run_scoped3A_222 : memref<!tpu.dma_semaphore, #tpu.memory_space<semaphore_mem>>) src(%dma_wait3A_244 : memref<640xf32, #tpu.memory_space<vmem_shared>>) dst(%dma_wait3A_241 : memref<640xf32, #tpu.memory_space<vmem>>)
      tpu.yield
    }) : () -> ()
    %run_scoped3A_49 = arith.constant 13 : i32
    %run_scoped3A_50 = arith.constant 13 : i32
    "tpu.region"() ({
      %run_scoped3A_222 = tpu.sem_alloc : memref<!tpu.dma_semaphore, #tpu.memory_space<semaphore_mem>>
      %dma_start3A = arith.constant 0 : i32
      %dma_start3A_223 = tpu.memref_slice %arg7[%run_scoped3A_50, %dma_start3A] : memref<16x640xf32, #tpu.memory_space<vmem>> -> memref<1x640xf32, #tpu.memory_space<vmem>>
      %dma_start3A_224 = tpu.memref_squeeze %dma_start3A_223 : memref<1x640xf32, #tpu.memory_space<vmem>> -> memref<640xf32, #tpu.memory_space<vmem>>
      %dma_start3A_225 = arith.constant 0 : i32
      %dma_start3A_226 = tpu.memref_slice %arg11[%run_scoped3A_49, %arg1, %dma_start3A_225] : memref<16x16x640xf32, #tpu.memory_space<vmem_shared>> -> memref<1x1x640xf32, #tpu.memory_space<vmem_shared>>
      %dma_start3A_227 = tpu.memref_squeeze %dma_start3A_226 : memref<1x1x640xf32, #tpu.memory_space<vmem_shared>> -> memref<640xf32, #tpu.memory_space<vmem_shared>>
      %dma_start3A_228 = arith.constant 0 : i32
      %dma_start3A_229 = tpu.memref_slice %arg7[%run_scoped3A_50, %dma_start3A_228] : memref<16x640xf32, #tpu.memory_space<vmem>> -> memref<1x640xf32, #tpu.memory_space<vmem>>
      %dma_start3A_230 = tpu.memref_squeeze %dma_start3A_229 : memref<1x640xf32, #tpu.memory_space<vmem>> -> memref<640xf32, #tpu.memory_space<vmem>>
      %dma_start3A_231 = arith.constant 0 : i32
      %dma_start3A_232 = tpu.memref_slice %arg11[%run_scoped3A_49, %arg1, %dma_start3A_231] : memref<16x16x640xf32, #tpu.memory_space<vmem_shared>> -> memref<1x1x640xf32, #tpu.memory_space<vmem_shared>>
      %dma_start3A_233 = tpu.memref_squeeze %dma_start3A_232 : memref<1x1x640xf32, #tpu.memory_space<vmem_shared>> -> memref<640xf32, #tpu.memory_space<vmem_shared>>
      tpu.enqueue_dma source(%dma_start3A_233 : memref<640xf32, #tpu.memory_space<vmem_shared>>) target(%dma_start3A_230 : memref<640xf32, #tpu.memory_space<vmem>>) target_semaphore(%run_scoped3A_222 : memref<!tpu.dma_semaphore, #tpu.memory_space<semaphore_mem>>)
      %dma_wait3A = arith.constant 0 : i32
      %dma_wait3A_234 = tpu.memref_slice %arg7[%run_scoped3A_50, %dma_wait3A] : memref<16x640xf32, #tpu.memory_space<vmem>> -> memref<1x640xf32, #tpu.memory_space<vmem>>
      %dma_wait3A_235 = tpu.memref_squeeze %dma_wait3A_234 : memref<1x640xf32, #tpu.memory_space<vmem>> -> memref<640xf32, #tpu.memory_space<vmem>>
      %dma_wait3A_236 = arith.constant 0 : i32
      %dma_wait3A_237 = tpu.memref_slice %arg11[%run_scoped3A_49, %arg1, %dma_wait3A_236] : memref<16x16x640xf32, #tpu.memory_space<vmem_shared>> -> memref<1x1x640xf32, #tpu.memory_space<vmem_shared>>
      %dma_wait3A_238 = tpu.memref_squeeze %dma_wait3A_237 : memref<1x1x640xf32, #tpu.memory_space<vmem_shared>> -> memref<640xf32, #tpu.memory_space<vmem_shared>>
      %dma_wait3A_239 = arith.constant 0 : i32
      %dma_wait3A_240 = tpu.memref_slice %arg7[%run_scoped3A_50, %dma_wait3A_239] : memref<16x640xf32, #tpu.memory_space<vmem>> -> memref<1x640xf32, #tpu.memory_space<vmem>>
      %dma_wait3A_241 = tpu.memref_squeeze %dma_wait3A_240 : memref<1x640xf32, #tpu.memory_space<vmem>> -> memref<640xf32, #tpu.memory_space<vmem>>
      %dma_wait3A_242 = arith.constant 0 : i32
      %dma_wait3A_243 = tpu.memref_slice %arg11[%run_scoped3A_49, %arg1, %dma_wait3A_242] : memref<16x16x640xf32, #tpu.memory_space<vmem_shared>> -> memref<1x1x640xf32, #tpu.memory_space<vmem_shared>>
      %dma_wait3A_244 = tpu.memref_squeeze %dma_wait3A_243 : memref<1x1x640xf32, #tpu.memory_space<vmem_shared>> -> memref<640xf32, #tpu.memory_space<vmem_shared>>
      tpu.wait_dma2 semaphore(%run_scoped3A_222 : memref<!tpu.dma_semaphore, #tpu.memory_space<semaphore_mem>>) src(%dma_wait3A_244 : memref<640xf32, #tpu.memory_space<vmem_shared>>) dst(%dma_wait3A_241 : memref<640xf32, #tpu.memory_space<vmem>>)
      tpu.yield
    }) : () -> ()
    %run_scoped3A_51 = arith.constant 14 : i32
    %run_scoped3A_52 = arith.constant 14 : i32
    "tpu.region"() ({
      %run_scoped3A_222 = tpu.sem_alloc : memref<!tpu.dma_semaphore, #tpu.memory_space<semaphore_mem>>
      %dma_start3A = arith.constant 0 : i32
      %dma_start3A_223 = tpu.memref_slice %arg7[%run_scoped3A_52, %dma_start3A] : memref<16x640xf32, #tpu.memory_space<vmem>> -> memref<1x640xf32, #tpu.memory_space<vmem>>
      %dma_start3A_224 = tpu.memref_squeeze %dma_start3A_223 : memref<1x640xf32, #tpu.memory_space<vmem>> -> memref<640xf32, #tpu.memory_space<vmem>>
      %dma_start3A_225 = arith.constant 0 : i32
      %dma_start3A_226 = tpu.memref_slice %arg11[%run_scoped3A_51, %arg1, %dma_start3A_225] : memref<16x16x640xf32, #tpu.memory_space<vmem_shared>> -> memref<1x1x640xf32, #tpu.memory_space<vmem_shared>>
      %dma_start3A_227 = tpu.memref_squeeze %dma_start3A_226 : memref<1x1x640xf32, #tpu.memory_space<vmem_shared>> -> memref<640xf32, #tpu.memory_space<vmem_shared>>
      %dma_start3A_228 = arith.constant 0 : i32
      %dma_start3A_229 = tpu.memref_slice %arg7[%run_scoped3A_52, %dma_start3A_228] : memref<16x640xf32, #tpu.memory_space<vmem>> -> memref<1x640xf32, #tpu.memory_space<vmem>>
      %dma_start3A_230 = tpu.memref_squeeze %dma_start3A_229 : memref<1x640xf32, #tpu.memory_space<vmem>> -> memref<640xf32, #tpu.memory_space<vmem>>
      %dma_start3A_231 = arith.constant 0 : i32
      %dma_start3A_232 = tpu.memref_slice %arg11[%run_scoped3A_51, %arg1, %dma_start3A_231] : memref<16x16x640xf32, #tpu.memory_space<vmem_shared>> -> memref<1x1x640xf32, #tpu.memory_space<vmem_shared>>
      %dma_start3A_233 = tpu.memref_squeeze %dma_start3A_232 : memref<1x1x640xf32, #tpu.memory_space<vmem_shared>> -> memref<640xf32, #tpu.memory_space<vmem_shared>>
      tpu.enqueue_dma source(%dma_start3A_233 : memref<640xf32, #tpu.memory_space<vmem_shared>>) target(%dma_start3A_230 : memref<640xf32, #tpu.memory_space<vmem>>) target_semaphore(%run_scoped3A_222 : memref<!tpu.dma_semaphore, #tpu.memory_space<semaphore_mem>>)
      %dma_wait3A = arith.constant 0 : i32
      %dma_wait3A_234 = tpu.memref_slice %arg7[%run_scoped3A_52, %dma_wait3A] : memref<16x640xf32, #tpu.memory_space<vmem>> -> memref<1x640xf32, #tpu.memory_space<vmem>>
      %dma_wait3A_235 = tpu.memref_squeeze %dma_wait3A_234 : memref<1x640xf32, #tpu.memory_space<vmem>> -> memref<640xf32, #tpu.memory_space<vmem>>
      %dma_wait3A_236 = arith.constant 0 : i32
      %dma_wait3A_237 = tpu.memref_slice %arg11[%run_scoped3A_51, %arg1, %dma_wait3A_236] : memref<16x16x640xf32, #tpu.memory_space<vmem_shared>> -> memref<1x1x640xf32, #tpu.memory_space<vmem_shared>>
      %dma_wait3A_238 = tpu.memref_squeeze %dma_wait3A_237 : memref<1x1x640xf32, #tpu.memory_space<vmem_shared>> -> memref<640xf32, #tpu.memory_space<vmem_shared>>
      %dma_wait3A_239 = arith.constant 0 : i32
      %dma_wait3A_240 = tpu.memref_slice %arg7[%run_scoped3A_52, %dma_wait3A_239] : memref<16x640xf32, #tpu.memory_space<vmem>> -> memref<1x640xf32, #tpu.memory_space<vmem>>
      %dma_wait3A_241 = tpu.memref_squeeze %dma_wait3A_240 : memref<1x640xf32, #tpu.memory_space<vmem>> -> memref<640xf32, #tpu.memory_space<vmem>>
      %dma_wait3A_242 = arith.constant 0 : i32
      %dma_wait3A_243 = tpu.memref_slice %arg11[%run_scoped3A_51, %arg1, %dma_wait3A_242] : memref<16x16x640xf32, #tpu.memory_space<vmem_shared>> -> memref<1x1x640xf32, #tpu.memory_space<vmem_shared>>
      %dma_wait3A_244 = tpu.memref_squeeze %dma_wait3A_243 : memref<1x1x640xf32, #tpu.memory_space<vmem_shared>> -> memref<640xf32, #tpu.memory_space<vmem_shared>>
      tpu.wait_dma2 semaphore(%run_scoped3A_222 : memref<!tpu.dma_semaphore, #tpu.memory_space<semaphore_mem>>) src(%dma_wait3A_244 : memref<640xf32, #tpu.memory_space<vmem_shared>>) dst(%dma_wait3A_241 : memref<640xf32, #tpu.memory_space<vmem>>)
      tpu.yield
    }) : () -> ()
    %run_scoped3A_53 = arith.constant 15 : i32
    %run_scoped3A_54 = arith.constant 15 : i32
    "tpu.region"() ({
      %run_scoped3A_222 = tpu.sem_alloc : memref<!tpu.dma_semaphore, #tpu.memory_space<semaphore_mem>>
      %dma_start3A = arith.constant 0 : i32
      %dma_start3A_223 = tpu.memref_slice %arg7[%run_scoped3A_54, %dma_start3A] : memref<16x640xf32, #tpu.memory_space<vmem>> -> memref<1x640xf32, #tpu.memory_space<vmem>>
      %dma_start3A_224 = tpu.memref_squeeze %dma_start3A_223 : memref<1x640xf32, #tpu.memory_space<vmem>> -> memref<640xf32, #tpu.memory_space<vmem>>
      %dma_start3A_225 = arith.constant 0 : i32
      %dma_start3A_226 = tpu.memref_slice %arg11[%run_scoped3A_53, %arg1, %dma_start3A_225] : memref<16x16x640xf32, #tpu.memory_space<vmem_shared>> -> memref<1x1x640xf32, #tpu.memory_space<vmem_shared>>
      %dma_start3A_227 = tpu.memref_squeeze %dma_start3A_226 : memref<1x1x640xf32, #tpu.memory_space<vmem_shared>> -> memref<640xf32, #tpu.memory_space<vmem_shared>>
      %dma_start3A_228 = arith.constant 0 : i32
      %dma_start3A_229 = tpu.memref_slice %arg7[%run_scoped3A_54, %dma_start3A_228] : memref<16x640xf32, #tpu.memory_space<vmem>> -> memref<1x640xf32, #tpu.memory_space<vmem>>
      %dma_start3A_230 = tpu.memref_squeeze %dma_start3A_229 : memref<1x640xf32, #tpu.memory_space<vmem>> -> memref<640xf32, #tpu.memory_space<vmem>>
      %dma_start3A_231 = arith.constant 0 : i32
      %dma_start3A_232 = tpu.memref_slice %arg11[%run_scoped3A_53, %arg1, %dma_start3A_231] : memref<16x16x640xf32, #tpu.memory_space<vmem_shared>> -> memref<1x1x640xf32, #tpu.memory_space<vmem_shared>>
      %dma_start3A_233 = tpu.memref_squeeze %dma_start3A_232 : memref<1x1x640xf32, #tpu.memory_space<vmem_shared>> -> memref<640xf32, #tpu.memory_space<vmem_shared>>
      tpu.enqueue_dma source(%dma_start3A_233 : memref<640xf32, #tpu.memory_space<vmem_shared>>) target(%dma_start3A_230 : memref<640xf32, #tpu.memory_space<vmem>>) target_semaphore(%run_scoped3A_222 : memref<!tpu.dma_semaphore, #tpu.memory_space<semaphore_mem>>)
      %dma_wait3A = arith.constant 0 : i32
      %dma_wait3A_234 = tpu.memref_slice %arg7[%run_scoped3A_54, %dma_wait3A] : memref<16x640xf32, #tpu.memory_space<vmem>> -> memref<1x640xf32, #tpu.memory_space<vmem>>
      %dma_wait3A_235 = tpu.memref_squeeze %dma_wait3A_234 : memref<1x640xf32, #tpu.memory_space<vmem>> -> memref<640xf32, #tpu.memory_space<vmem>>
      %dma_wait3A_236 = arith.constant 0 : i32
      %dma_wait3A_237 = tpu.memref_slice %arg11[%run_scoped3A_53, %arg1, %dma_wait3A_236] : memref<16x16x640xf32, #tpu.memory_space<vmem_shared>> -> memref<1x1x640xf32, #tpu.memory_space<vmem_shared>>
      %dma_wait3A_238 = tpu.memref_squeeze %dma_wait3A_237 : memref<1x1x640xf32, #tpu.memory_space<vmem_shared>> -> memref<640xf32, #tpu.memory_space<vmem_shared>>
      %dma_wait3A_239 = arith.constant 0 : i32
      %dma_wait3A_240 = tpu.memref_slice %arg7[%run_scoped3A_54, %dma_wait3A_239] : memref<16x640xf32, #tpu.memory_space<vmem>> -> memref<1x640xf32, #tpu.memory_space<vmem>>
      %dma_wait3A_241 = tpu.memref_squeeze %dma_wait3A_240 : memref<1x640xf32, #tpu.memory_space<vmem>> -> memref<640xf32, #tpu.memory_space<vmem>>
      %dma_wait3A_242 = arith.constant 0 : i32
      %dma_wait3A_243 = tpu.memref_slice %arg11[%run_scoped3A_53, %arg1, %dma_wait3A_242] : memref<16x16x640xf32, #tpu.memory_space<vmem_shared>> -> memref<1x1x640xf32, #tpu.memory_space<vmem_shared>>
      %dma_wait3A_244 = tpu.memref_squeeze %dma_wait3A_243 : memref<1x1x640xf32, #tpu.memory_space<vmem_shared>> -> memref<640xf32, #tpu.memory_space<vmem_shared>>
      tpu.wait_dma2 semaphore(%run_scoped3A_222 : memref<!tpu.dma_semaphore, #tpu.memory_space<semaphore_mem>>) src(%dma_wait3A_244 : memref<640xf32, #tpu.memory_space<vmem_shared>>) dst(%dma_wait3A_241 : memref<640xf32, #tpu.memory_space<vmem>>)
      tpu.yield
    }) : () -> ()
    %iota3A = tpu.iota {dimensions = array<i32: 0>} : vector<16xi32>
    %mul3A_55 = arith.constant 0 : i32
    %mul3A_56 = vector.broadcast %mul3A_55 : i32 to vector<16xi32>
    %mul3A_57 = arith.muli %iota3A, %mul3A_56 : vector<16xi32>
    %add3A_58 = arith.constant 0 : i32
    %add3A_59 = vector.broadcast %add3A_58 : i32 to vector<16xi32>
    %add3A_60 = arith.addi %mul3A_57, %add3A_59 : vector<16xi32>
    %swap3A = arith.constant 0 : i32
    %swap3A_61 = arith.index_cast %swap3A : i32 to index
    %swap3A_62 = arith.constant 0 : index
    %swap3A_63 = tpu.vector_load %arg10[%swap3A_61, %swap3A_62] {strides = array<i32>} : memref<16x16xi32, #tpu.memory_space<vmem>>, vector<16xi32>,
    tpu.vector_store %arg10[%swap3A_61, %swap3A_62], %add3A_60 {strides = array<i32>} : memref<16x16xi32, #tpu.memory_space<vmem>>, vector<16xi32>,
    %mul3A_64 = arith.constant 0 : i32
    %mul3A_65 = vector.broadcast %mul3A_64 : i32 to vector<16xi32>
    %mul3A_66 = arith.muli %iota3A, %mul3A_65 : vector<16xi32>
    %add3A_67 = arith.constant 1 : i32
    %add3A_68 = vector.broadcast %add3A_67 : i32 to vector<16xi32>
    %add3A_69 = arith.addi %mul3A_66, %add3A_68 : vector<16xi32>
    %swap3A_70 = arith.constant 1 : i32
    %swap3A_71 = arith.index_cast %swap3A_70 : i32 to index
    %swap3A_72 = arith.constant 0 : index
    %swap3A_73 = tpu.vector_load %arg10[%swap3A_71, %swap3A_72] {strides = array<i32>} : memref<16x16xi32, #tpu.memory_space<vmem>>, vector<16xi32>,
    tpu.vector_store %arg10[%swap3A_71, %swap3A_72], %add3A_69 {strides = array<i32>} : memref<16x16xi32, #tpu.memory_space<vmem>>, vector<16xi32>,
    %mul3A_74 = arith.constant 0 : i32
    %mul3A_75 = vector.broadcast %mul3A_74 : i32 to vector<16xi32>
    %mul3A_76 = arith.muli %iota3A, %mul3A_75 : vector<16xi32>
    %add3A_77 = arith.constant 2 : i32
    %add3A_78 = vector.broadcast %add3A_77 : i32 to vector<16xi32>
    %add3A_79 = arith.addi %mul3A_76, %add3A_78 : vector<16xi32>
    %swap3A_80 = arith.constant 2 : i32
    %swap3A_81 = arith.index_cast %swap3A_80 : i32 to index
    %swap3A_82 = arith.constant 0 : index
    %swap3A_83 = tpu.vector_load %arg10[%swap3A_81, %swap3A_82] {strides = array<i32>} : memref<16x16xi32, #tpu.memory_space<vmem>>, vector<16xi32>,
    tpu.vector_store %arg10[%swap3A_81, %swap3A_82], %add3A_79 {strides = array<i32>} : memref<16x16xi32, #tpu.memory_space<vmem>>, vector<16xi32>,
    %mul3A_84 = arith.constant 0 : i32
    %mul3A_85 = vector.broadcast %mul3A_84 : i32 to vector<16xi32>
    %mul3A_86 = arith.muli %iota3A, %mul3A_85 : vector<16xi32>
    %add3A_87 = arith.constant 3 : i32
    %add3A_88 = vector.broadcast %add3A_87 : i32 to vector<16xi32>
    %add3A_89 = arith.addi %mul3A_86, %add3A_88 : vector<16xi32>
    %swap3A_90 = arith.constant 3 : i32
    %swap3A_91 = arith.index_cast %swap3A_90 : i32 to index
    %swap3A_92 = arith.constant 0 : index
    %swap3A_93 = tpu.vector_load %arg10[%swap3A_91, %swap3A_92] {strides = array<i32>} : memref<16x16xi32, #tpu.memory_space<vmem>>, vector<16xi32>,
    tpu.vector_store %arg10[%swap3A_91, %swap3A_92], %add3A_89 {strides = array<i32>} : memref<16x16xi32, #tpu.memory_space<vmem>>, vector<16xi32>,
    %mul3A_94 = arith.constant 0 : i32
    %mul3A_95 = vector.broadcast %mul3A_94 : i32 to vector<16xi32>
    %mul3A_96 = arith.muli %iota3A, %mul3A_95 : vector<16xi32>
    %add3A_97 = arith.constant 4 : i32
    %add3A_98 = vector.broadcast %add3A_97 : i32 to vector<16xi32>
    %add3A_99 = arith.addi %mul3A_96, %add3A_98 : vector<16xi32>
    %swap3A_100 = arith.constant 4 : i32
    %swap3A_101 = arith.index_cast %swap3A_100 : i32 to index
    %swap3A_102 = arith.constant 0 : index
    %swap3A_103 = tpu.vector_load %arg10[%swap3A_101, %swap3A_102] {strides = array<i32>} : memref<16x16xi32, #tpu.memory_space<vmem>>, vector<16xi32>,
    tpu.vector_store %arg10[%swap3A_101, %swap3A_102], %add3A_99 {strides = array<i32>} : memref<16x16xi32, #tpu.memory_space<vmem>>, vector<16xi32>,
    %mul3A_104 = arith.constant 0 : i32
    %mul3A_105 = vector.broadcast %mul3A_104 : i32 to vector<16xi32>
    %mul3A_106 = arith.muli %iota3A, %mul3A_105 : vector<16xi32>
    %add3A_107 = arith.constant 5 : i32
    %add3A_108 = vector.broadcast %add3A_107 : i32 to vector<16xi32>
    %add3A_109 = arith.addi %mul3A_106, %add3A_108 : vector<16xi32>
    %swap3A_110 = arith.constant 5 : i32
    %swap3A_111 = arith.index_cast %swap3A_110 : i32 to index
    %swap3A_112 = arith.constant 0 : index
    %swap3A_113 = tpu.vector_load %arg10[%swap3A_111, %swap3A_112] {strides = array<i32>} : memref<16x16xi32, #tpu.memory_space<vmem>>, vector<16xi32>,
    tpu.vector_store %arg10[%swap3A_111, %swap3A_112], %add3A_109 {strides = array<i32>} : memref<16x16xi32, #tpu.memory_space<vmem>>, vector<16xi32>,
    %mul3A_114 = arith.constant 0 : i32
    %mul3A_115 = vector.broadcast %mul3A_114 : i32 to vector<16xi32>
    %mul3A_116 = arith.muli %iota3A, %mul3A_115 : vector<16xi32>
    %add3A_117 = arith.constant 6 : i32
    %add3A_118 = vector.broadcast %add3A_117 : i32 to vector<16xi32>
    %add3A_119 = arith.addi %mul3A_116, %add3A_118 : vector<16xi32>
    %swap3A_120 = arith.constant 6 : i32
    %swap3A_121 = arith.index_cast %swap3A_120 : i32 to index
    %swap3A_122 = arith.constant 0 : index
    %swap3A_123 = tpu.vector_load %arg10[%swap3A_121, %swap3A_122] {strides = array<i32>} : memref<16x16xi32, #tpu.memory_space<vmem>>, vector<16xi32>,
    tpu.vector_store %arg10[%swap3A_121, %swap3A_122], %add3A_119 {strides = array<i32>} : memref<16x16xi32, #tpu.memory_space<vmem>>, vector<16xi32>,
    %mul3A_124 = arith.constant 0 : i32
    %mul3A_125 = vector.broadcast %mul3A_124 : i32 to vector<16xi32>
    %mul3A_126 = arith.muli %iota3A, %mul3A_125 : vector<16xi32>
    %add3A_127 = arith.constant 7 : i32
    %add3A_128 = vector.broadcast %add3A_127 : i32 to vector<16xi32>
    %add3A_129 = arith.addi %mul3A_126, %add3A_128 : vector<16xi32>
    %swap3A_130 = arith.constant 7 : i32
    %swap3A_131 = arith.index_cast %swap3A_130 : i32 to index
    %swap3A_132 = arith.constant 0 : index
    %swap3A_133 = tpu.vector_load %arg10[%swap3A_131, %swap3A_132] {strides = array<i32>} : memref<16x16xi32, #tpu.memory_space<vmem>>, vector<16xi32>,
    tpu.vector_store %arg10[%swap3A_131, %swap3A_132], %add3A_129 {strides = array<i32>} : memref<16x16xi32, #tpu.memory_space<vmem>>, vector<16xi32>,
    %mul3A_134 = arith.constant 0 : i32
    %mul3A_135 = vector.broadcast %mul3A_134 : i32 to vector<16xi32>
    %mul3A_136 = arith.muli %iota3A, %mul3A_135 : vector<16xi32>
    %add3A_137 = arith.constant 8 : i32
    %add3A_138 = vector.broadcast %add3A_137 : i32 to vector<16xi32>
    %add3A_139 = arith.addi %mul3A_136, %add3A_138 : vector<16xi32>
    %swap3A_140 = arith.constant 8 : i32
    %swap3A_141 = arith.index_cast %swap3A_140 : i32 to index
    %swap3A_142 = arith.constant 0 : index
    %swap3A_143 = tpu.vector_load %arg10[%swap3A_141, %swap3A_142] {strides = array<i32>} : memref<16x16xi32, #tpu.memory_space<vmem>>, vector<16xi32>,
    tpu.vector_store %arg10[%swap3A_141, %swap3A_142], %add3A_139 {strides = array<i32>} : memref<16x16xi32, #tpu.memory_space<vmem>>, vector<16xi32>,
    %mul3A_144 = arith.constant 0 : i32
    %mul3A_145 = vector.broadcast %mul3A_144 : i32 to vector<16xi32>
    %mul3A_146 = arith.muli %iota3A, %mul3A_145 : vector<16xi32>
    %add3A_147 = arith.constant 9 : i32
    %add3A_148 = vector.broadcast %add3A_147 : i32 to vector<16xi32>
    %add3A_149 = arith.addi %mul3A_146, %add3A_148 : vector<16xi32>
    %swap3A_150 = arith.constant 9 : i32
    %swap3A_151 = arith.index_cast %swap3A_150 : i32 to index
    %swap3A_152 = arith.constant 0 : index
    %swap3A_153 = tpu.vector_load %arg10[%swap3A_151, %swap3A_152] {strides = array<i32>} : memref<16x16xi32, #tpu.memory_space<vmem>>, vector<16xi32>,
    tpu.vector_store %arg10[%swap3A_151, %swap3A_152], %add3A_149 {strides = array<i32>} : memref<16x16xi32, #tpu.memory_space<vmem>>, vector<16xi32>,
    %mul3A_154 = arith.constant 0 : i32
    %mul3A_155 = vector.broadcast %mul3A_154 : i32 to vector<16xi32>
    %mul3A_156 = arith.muli %iota3A, %mul3A_155 : vector<16xi32>
    %add3A_157 = arith.constant 10 : i32
    %add3A_158 = vector.broadcast %add3A_157 : i32 to vector<16xi32>
    %add3A_159 = arith.addi %mul3A_156, %add3A_158 : vector<16xi32>
    %swap3A_160 = arith.constant 10 : i32
    %swap3A_161 = arith.index_cast %swap3A_160 : i32 to index
    %swap3A_162 = arith.constant 0 : index
    %swap3A_163 = tpu.vector_load %arg10[%swap3A_161, %swap3A_162] {strides = array<i32>} : memref<16x16xi32, #tpu.memory_space<vmem>>, vector<16xi32>,
    tpu.vector_store %arg10[%swap3A_161, %swap3A_162], %add3A_159 {strides = array<i32>} : memref<16x16xi32, #tpu.memory_space<vmem>>, vector<16xi32>,
    %mul3A_164 = arith.constant 0 : i32
    %mul3A_165 = vector.broadcast %mul3A_164 : i32 to vector<16xi32>
    %mul3A_166 = arith.muli %iota3A, %mul3A_165 : vector<16xi32>
    %add3A_167 = arith.constant 11 : i32
    %add3A_168 = vector.broadcast %add3A_167 : i32 to vector<16xi32>
    %add3A_169 = arith.addi %mul3A_166, %add3A_168 : vector<16xi32>
    %swap3A_170 = arith.constant 11 : i32
    %swap3A_171 = arith.index_cast %swap3A_170 : i32 to index
    %swap3A_172 = arith.constant 0 : index
    %swap3A_173 = tpu.vector_load %arg10[%swap3A_171, %swap3A_172] {strides = array<i32>} : memref<16x16xi32, #tpu.memory_space<vmem>>, vector<16xi32>,
    tpu.vector_store %arg10[%swap3A_171, %swap3A_172], %add3A_169 {strides = array<i32>} : memref<16x16xi32, #tpu.memory_space<vmem>>, vector<16xi32>,
    %mul3A_174 = arith.constant 0 : i32
    %mul3A_175 = vector.broadcast %mul3A_174 : i32 to vector<16xi32>
    %mul3A_176 = arith.muli %iota3A, %mul3A_175 : vector<16xi32>
    %add3A_177 = arith.constant 12 : i32
    %add3A_178 = vector.broadcast %add3A_177 : i32 to vector<16xi32>
    %add3A_179 = arith.addi %mul3A_176, %add3A_178 : vector<16xi32>
    %swap3A_180 = arith.constant 12 : i32
    %swap3A_181 = arith.index_cast %swap3A_180 : i32 to index
    %swap3A_182 = arith.constant 0 : index
    %swap3A_183 = tpu.vector_load %arg10[%swap3A_181, %swap3A_182] {strides = array<i32>} : memref<16x16xi32, #tpu.memory_space<vmem>>, vector<16xi32>,
    tpu.vector_store %arg10[%swap3A_181, %swap3A_182], %add3A_179 {strides = array<i32>} : memref<16x16xi32, #tpu.memory_space<vmem>>, vector<16xi32>,
    %mul3A_184 = arith.constant 0 : i32
    %mul3A_185 = vector.broadcast %mul3A_184 : i32 to vector<16xi32>
    %mul3A_186 = arith.muli %iota3A, %mul3A_185 : vector<16xi32>
    %add3A_187 = arith.constant 13 : i32
    %add3A_188 = vector.broadcast %add3A_187 : i32 to vector<16xi32>
    %add3A_189 = arith.addi %mul3A_186, %add3A_188 : vector<16xi32>
    %swap3A_190 = arith.constant 13 : i32
    %swap3A_191 = arith.index_cast %swap3A_190 : i32 to index
    %swap3A_192 = arith.constant 0 : index
    %swap3A_193 = tpu.vector_load %arg10[%swap3A_191, %swap3A_192] {strides = array<i32>} : memref<16x16xi32, #tpu.memory_space<vmem>>, vector<16xi32>,
    tpu.vector_store %arg10[%swap3A_191, %swap3A_192], %add3A_189 {strides = array<i32>} : memref<16x16xi32, #tpu.memory_space<vmem>>, vector<16xi32>,
    %mul3A_194 = arith.constant 0 : i32
    %mul3A_195 = vector.broadcast %mul3A_194 : i32 to vector<16xi32>
    %mul3A_196 = arith.muli %iota3A, %mul3A_195 : vector<16xi32>
    %add3A_197 = arith.constant 14 : i32
    %add3A_198 = vector.broadcast %add3A_197 : i32 to vector<16xi32>
    %add3A_199 = arith.addi %mul3A_196, %add3A_198 : vector<16xi32>
    %swap3A_200 = arith.constant 14 : i32
    %swap3A_201 = arith.index_cast %swap3A_200 : i32 to index
    %swap3A_202 = arith.constant 0 : index
    %swap3A_203 = tpu.vector_load %arg10[%swap3A_201, %swap3A_202] {strides = array<i32>} : memref<16x16xi32, #tpu.memory_space<vmem>>, vector<16xi32>,
    tpu.vector_store %arg10[%swap3A_201, %swap3A_202], %add3A_199 {strides = array<i32>} : memref<16x16xi32, #tpu.memory_space<vmem>>, vector<16xi32>,
    %mul3A_204 = arith.constant 0 : i32
    %mul3A_205 = vector.broadcast %mul3A_204 : i32 to vector<16xi32>
    %mul3A_206 = arith.muli %iota3A, %mul3A_205 : vector<16xi32>
    %add3A_207 = arith.constant 15 : i32
    %add3A_208 = vector.broadcast %add3A_207 : i32 to vector<16xi32>
    %add3A_209 = arith.addi %mul3A_206, %add3A_208 : vector<16xi32>
    %swap3A_210 = arith.constant 15 : i32
    %swap3A_211 = arith.index_cast %swap3A_210 : i32 to index
    %swap3A_212 = arith.constant 0 : index
    %swap3A_213 = tpu.vector_load %arg10[%swap3A_211, %swap3A_212] {strides = array<i32>} : memref<16x16xi32, #tpu.memory_space<vmem>>, vector<16xi32>,
    tpu.vector_store %arg10[%swap3A_211, %swap3A_212], %add3A_209 {strides = array<i32>} : memref<16x16xi32, #tpu.memory_space<vmem>>, vector<16xi32>,
    %scan3A_214 = arith.constant 0 : i32
    %scan3A_215 = arith.constant 0 : i32
    %scan3A_216 = arith.constant 40 : i32
    %scan3A_217 = arith.addi %scan3A_215, %scan3A_216 : i32
    %scan3A_218 = arith.constant 1 : i32
    scf.for %scan3A_222 = %scan3A_215 to %scan3A_217 step %scan3A_218  : i32 {
      %broadcast_in_dim3A_223 = arith.constant 0.000000e+00 : f32
      %broadcast_in_dim3A_224 = vector.broadcast %broadcast_in_dim3A_223 : f32 to vector<16xf32>
      %mul3A_225 = arith.constant 16 : i32
      %mul3A_226 = arith.muli %scan3A_222, %mul3A_225 : i32
      %get3A = arith.constant 0 : i32
      %get3A_227 = arith.index_cast %get3A : i32 to index
      %get3A_228 = arith.index_cast %mul3A_226 : i32 to index
      %get3A_229 = tpu.vector_load %arg7[%get3A_227, %get3A_228] {strides = array<i32>} : memref<16x640xf32, #tpu.memory_space<vmem>>, vector<16xf32>,
      %add3A_230 = arith.addf %broadcast_in_dim3A_224, %get3A_229 : vector<16xf32>
      %mul3A_231 = arith.constant 16 : i32
      %mul3A_232 = arith.muli %scan3A_222, %mul3A_231 : i32
      %get3A_233 = arith.constant 1 : i32
      %get3A_234 = arith.index_cast %get3A_233 : i32 to index
      %get3A_235 = arith.index_cast %mul3A_232 : i32 to index
      %get3A_236 = tpu.vector_load %arg7[%get3A_234, %get3A_235] {strides = array<i32>} : memref<16x640xf32, #tpu.memory_space<vmem>>, vector<16xf32>,
      %add3A_237 = arith.addf %add3A_230, %get3A_236 : vector<16xf32>
      %mul3A_238 = arith.constant 16 : i32
      %mul3A_239 = arith.muli %scan3A_222, %mul3A_238 : i32
      %get3A_240 = arith.constant 2 : i32
      %get3A_241 = arith.index_cast %get3A_240 : i32 to index
      %get3A_242 = arith.index_cast %mul3A_239 : i32 to index
      %get3A_243 = tpu.vector_load %arg7[%get3A_241, %get3A_242] {strides = array<i32>} : memref<16x640xf32, #tpu.memory_space<vmem>>, vector<16xf32>,
      %add3A_244 = arith.addf %add3A_237, %get3A_243 : vector<16xf32>
      %mul3A_245 = arith.constant 16 : i32
      %mul3A_246 = arith.muli %scan3A_222, %mul3A_245 : i32
      %get3A_247 = arith.constant 3 : i32
      %get3A_248 = arith.index_cast %get3A_247 : i32 to index
      %get3A_249 = arith.index_cast %mul3A_246 : i32 to index
      %get3A_250 = tpu.vector_load %arg7[%get3A_248, %get3A_249] {strides = array<i32>} : memref<16x640xf32, #tpu.memory_space<vmem>>, vector<16xf32>,
      %add3A_251 = arith.addf %add3A_244, %get3A_250 : vector<16xf32>
      %mul3A_252 = arith.constant 16 : i32
      %mul3A_253 = arith.muli %scan3A_222, %mul3A_252 : i32
      %get3A_254 = arith.constant 4 : i32
      %get3A_255 = arith.index_cast %get3A_254 : i32 to index
      %get3A_256 = arith.index_cast %mul3A_253 : i32 to index
      %get3A_257 = tpu.vector_load %arg7[%get3A_255, %get3A_256] {strides = array<i32>} : memref<16x640xf32, #tpu.memory_space<vmem>>, vector<16xf32>,
      %add3A_258 = arith.addf %add3A_251, %get3A_257 : vector<16xf32>
      %mul3A_259 = arith.constant 16 : i32
      %mul3A_260 = arith.muli %scan3A_222, %mul3A_259 : i32
      %get3A_261 = arith.constant 5 : i32
      %get3A_262 = arith.index_cast %get3A_261 : i32 to index
      %get3A_263 = arith.index_cast %mul3A_260 : i32 to index
      %get3A_264 = tpu.vector_load %arg7[%get3A_262, %get3A_263] {strides = array<i32>} : memref<16x640xf32, #tpu.memory_space<vmem>>, vector<16xf32>,
      %add3A_265 = arith.addf %add3A_258, %get3A_264 : vector<16xf32>
      %mul3A_266 = arith.constant 16 : i32
      %mul3A_267 = arith.muli %scan3A_222, %mul3A_266 : i32
      %get3A_268 = arith.constant 6 : i32
      %get3A_269 = arith.index_cast %get3A_268 : i32 to index
      %get3A_270 = arith.index_cast %mul3A_267 : i32 to index
      %get3A_271 = tpu.vector_load %arg7[%get3A_269, %get3A_270] {strides = array<i32>} : memref<16x640xf32, #tpu.memory_space<vmem>>, vector<16xf32>,
      %add3A_272 = arith.addf %add3A_265, %get3A_271 : vector<16xf32>
      %mul3A_273 = arith.constant 16 : i32
      %mul3A_274 = arith.muli %scan3A_222, %mul3A_273 : i32
      %get3A_275 = arith.constant 7 : i32
      %get3A_276 = arith.index_cast %get3A_275 : i32 to index
      %get3A_277 = arith.index_cast %mul3A_274 : i32 to index
      %get3A_278 = tpu.vector_load %arg7[%get3A_276, %get3A_277] {strides = array<i32>} : memref<16x640xf32, #tpu.memory_space<vmem>>, vector<16xf32>,
      %add3A_279 = arith.addf %add3A_272, %get3A_278 : vector<16xf32>
      %mul3A_280 = arith.constant 16 : i32
      %mul3A_281 = arith.muli %scan3A_222, %mul3A_280 : i32
      %get3A_282 = arith.constant 8 : i32
      %get3A_283 = arith.index_cast %get3A_282 : i32 to index
      %get3A_284 = arith.index_cast %mul3A_281 : i32 to index
      %get3A_285 = tpu.vector_load %arg7[%get3A_283, %get3A_284] {strides = array<i32>} : memref<16x640xf32, #tpu.memory_space<vmem>>, vector<16xf32>,
      %add3A_286 = arith.addf %add3A_279, %get3A_285 : vector<16xf32>
      %mul3A_287 = arith.constant 16 : i32
      %mul3A_288 = arith.muli %scan3A_222, %mul3A_287 : i32
      %get3A_289 = arith.constant 9 : i32
      %get3A_290 = arith.index_cast %get3A_289 : i32 to index
      %get3A_291 = arith.index_cast %mul3A_288 : i32 to index
      %get3A_292 = tpu.vector_load %arg7[%get3A_290, %get3A_291] {strides = array<i32>} : memref<16x640xf32, #tpu.memory_space<vmem>>, vector<16xf32>,
      %add3A_293 = arith.addf %add3A_286, %get3A_292 : vector<16xf32>
      %mul3A_294 = arith.constant 16 : i32
      %mul3A_295 = arith.muli %scan3A_222, %mul3A_294 : i32
      %get3A_296 = arith.constant 10 : i32
      %get3A_297 = arith.index_cast %get3A_296 : i32 to index
      %get3A_298 = arith.index_cast %mul3A_295 : i32 to index
      %get3A_299 = tpu.vector_load %arg7[%get3A_297, %get3A_298] {strides = array<i32>} : memref<16x640xf32, #tpu.memory_space<vmem>>, vector<16xf32>,
      %add3A_300 = arith.addf %add3A_293, %get3A_299 : vector<16xf32>
      %mul3A_301 = arith.constant 16 : i32
      %mul3A_302 = arith.muli %scan3A_222, %mul3A_301 : i32
      %get3A_303 = arith.constant 11 : i32
      %get3A_304 = arith.index_cast %get3A_303 : i32 to index
      %get3A_305 = arith.index_cast %mul3A_302 : i32 to index
      %get3A_306 = tpu.vector_load %arg7[%get3A_304, %get3A_305] {strides = array<i32>} : memref<16x640xf32, #tpu.memory_space<vmem>>, vector<16xf32>,
      %add3A_307 = arith.addf %add3A_300, %get3A_306 : vector<16xf32>
      %mul3A_308 = arith.constant 16 : i32
      %mul3A_309 = arith.muli %scan3A_222, %mul3A_308 : i32
      %get3A_310 = arith.constant 12 : i32
      %get3A_311 = arith.index_cast %get3A_310 : i32 to index
      %get3A_312 = arith.index_cast %mul3A_309 : i32 to index
      %get3A_313 = tpu.vector_load %arg7[%get3A_311, %get3A_312] {strides = array<i32>} : memref<16x640xf32, #tpu.memory_space<vmem>>, vector<16xf32>,
      %add3A_314 = arith.addf %add3A_307, %get3A_313 : vector<16xf32>
      %mul3A_315 = arith.constant 16 : i32
      %mul3A_316 = arith.muli %scan3A_222, %mul3A_315 : i32
      %get3A_317 = arith.constant 13 : i32
      %get3A_318 = arith.index_cast %get3A_317 : i32 to index
      %get3A_319 = arith.index_cast %mul3A_316 : i32 to index
      %get3A_320 = tpu.vector_load %arg7[%get3A_318, %get3A_319] {strides = array<i32>} : memref<16x640xf32, #tpu.memory_space<vmem>>, vector<16xf32>,
      %add3A_321 = arith.addf %add3A_314, %get3A_320 : vector<16xf32>
      %mul3A_322 = arith.constant 16 : i32
      %mul3A_323 = arith.muli %scan3A_222, %mul3A_322 : i32
      %get3A_324 = arith.constant 14 : i32
      %get3A_325 = arith.index_cast %get3A_324 : i32 to index
      %get3A_326 = arith.index_cast %mul3A_323 : i32 to index
      %get3A_327 = tpu.vector_load %arg7[%get3A_325, %get3A_326] {strides = array<i32>} : memref<16x640xf32, #tpu.memory_space<vmem>>, vector<16xf32>,
      %add3A_328 = arith.addf %add3A_321, %get3A_327 : vector<16xf32>
      %mul3A_329 = arith.constant 16 : i32
      %mul3A_330 = arith.muli %scan3A_222, %mul3A_329 : i32
      %get3A_331 = arith.constant 15 : i32
      %get3A_332 = arith.index_cast %get3A_331 : i32 to index
      %get3A_333 = arith.index_cast %mul3A_330 : i32 to index
      %get3A_334 = tpu.vector_load %arg7[%get3A_332, %get3A_333] {strides = array<i32>} : memref<16x640xf32, #tpu.memory_space<vmem>>, vector<16xf32>,
      %add3A_335 = arith.addf %add3A_328, %get3A_334 : vector<16xf32>
      %swap3A_336 = arith.constant 0 : index
      %swap3A_337 = tpu.vector_load %arg8[%swap3A_336] {strides = array<i32>} : memref<16xf32, #tpu.memory_space<vmem>>, vector<16xf32>,
      tpu.vector_store %arg8[%swap3A_336], %add3A_335 {strides = array<i32>} : memref<16xf32, #tpu.memory_space<vmem>>, vector<16xf32>,
      %get3A_338 = arith.constant 0 : i32
      %get3A_339 = arith.index_cast %get3A_338 : i32 to index
      %get3A_340 = arith.constant 0 : index
      %get3A_341 = tpu.vector_load %arg10[%get3A_339, %get3A_340] {strides = array<i32>} : memref<16x16xi32, #tpu.memory_space<vmem>>, vector<16xi32>,
      %gather3A = tpu.vector_load_idx %arg8[%get3A_341] : memref<16xf32, #tpu.memory_space<vmem>>[vector<16xi32>], vector<16xf32>,
      %mul3A_342 = arith.constant 16 : i32
      %mul3A_343 = arith.muli %scan3A_222, %mul3A_342 : i32
      %add3A_344 = arith.constant 0 : i32
      %add3A_345 = arith.addi %mul3A_343, %add3A_344 : i32
      %swap3A_346 = arith.index_cast %add3A_345 : i32 to index
      %swap3A_347 = arith.constant 0 : index
      %swap3A_348 = tpu.vector_load %arg9[%swap3A_346, %swap3A_347] {strides = array<i32>} : memref<640x64xf32, #tpu.memory_space<vmem>>, vector<16xf32>,
      tpu.vector_store %arg9[%swap3A_346, %swap3A_347], %gather3A {strides = array<i32>} : memref<640x64xf32, #tpu.memory_space<vmem>>, vector<16xf32>,
      %mul3A_349 = arith.constant 16 : i32
      %mul3A_350 = arith.muli %scan3A_222, %mul3A_349 : i32
      %add3A_351 = arith.constant 0 : i32
      %add3A_352 = arith.addi %mul3A_350, %add3A_351 : i32
      %swap3A_353 = arith.index_cast %add3A_352 : i32 to index
      %swap3A_354 = arith.constant 16 : index
      %swap3A_355 = tpu.vector_load %arg9[%swap3A_353, %swap3A_354] {strides = array<i32>} : memref<640x64xf32, #tpu.memory_space<vmem>>, vector<16xf32>,
      tpu.vector_store %arg9[%swap3A_353, %swap3A_354], %gather3A {strides = array<i32>} : memref<640x64xf32, #tpu.memory_space<vmem>>, vector<16xf32>,
      %mul3A_356 = arith.constant 16 : i32
      %mul3A_357 = arith.muli %scan3A_222, %mul3A_356 : i32
      %add3A_358 = arith.constant 0 : i32
      %add3A_359 = arith.addi %mul3A_357, %add3A_358 : i32
      %swap3A_360 = arith.index_cast %add3A_359 : i32 to index
      %swap3A_361 = arith.constant 32 : index
      %swap3A_362 = tpu.vector_load %arg9[%swap3A_360, %swap3A_361] {strides = array<i32>} : memref<640x64xf32, #tpu.memory_space<vmem>>, vector<16xf32>,
      tpu.vector_store %arg9[%swap3A_360, %swap3A_361], %gather3A {strides = array<i32>} : memref<640x64xf32, #tpu.memory_space<vmem>>, vector<16xf32>,
      %mul3A_363 = arith.constant 16 : i32
      %mul3A_364 = arith.muli %scan3A_222, %mul3A_363 : i32
      %add3A_365 = arith.constant 0 : i32
      %add3A_366 = arith.addi %mul3A_364, %add3A_365 : i32
      %swap3A_367 = arith.index_cast %add3A_366 : i32 to index
      %swap3A_368 = arith.constant 48 : index
      %swap3A_369 = tpu.vector_load %arg9[%swap3A_367, %swap3A_368] {strides = array<i32>} : memref<640x64xf32, #tpu.memory_space<vmem>>, vector<16xf32>,
      tpu.vector_store %arg9[%swap3A_367, %swap3A_368], %gather3A {strides = array<i32>} : memref<640x64xf32, #tpu.memory_space<vmem>>, vector<16xf32>,
      %get3A_370 = arith.constant 1 : i32
      %get3A_371 = arith.index_cast %get3A_370 : i32 to index
      %get3A_372 = arith.constant 0 : index
      %get3A_373 = tpu.vector_load %arg10[%get3A_371, %get3A_372] {strides = array<i32>} : memref<16x16xi32, #tpu.memory_space<vmem>>, vector<16xi32>,
      %gather3A_374 = tpu.vector_load_idx %arg8[%get3A_373] : memref<16xf32, #tpu.memory_space<vmem>>[vector<16xi32>], vector<16xf32>,
      %mul3A_375 = arith.constant 16 : i32
      %mul3A_376 = arith.muli %scan3A_222, %mul3A_375 : i32
      %add3A_377 = arith.constant 1 : i32
      %add3A_378 = arith.addi %mul3A_376, %add3A_377 : i32
      %swap3A_379 = arith.index_cast %add3A_378 : i32 to index
      %swap3A_380 = arith.constant 0 : index
      %swap3A_381 = tpu.vector_load %arg9[%swap3A_379, %swap3A_380] {strides = array<i32>} : memref<640x64xf32, #tpu.memory_space<vmem>>, vector<16xf32>,
      tpu.vector_store %arg9[%swap3A_379, %swap3A_380], %gather3A_374 {strides = array<i32>} : memref<640x64xf32, #tpu.memory_space<vmem>>, vector<16xf32>,
      %mul3A_382 = arith.constant 16 : i32
      %mul3A_383 = arith.muli %scan3A_222, %mul3A_382 : i32
      %add3A_384 = arith.constant 1 : i32
      %add3A_385 = arith.addi %mul3A_383, %add3A_384 : i32
      %swap3A_386 = arith.index_cast %add3A_385 : i32 to index
      %swap3A_387 = arith.constant 16 : index
      %swap3A_388 = tpu.vector_load %arg9[%swap3A_386, %swap3A_387] {strides = array<i32>} : memref<640x64xf32, #tpu.memory_space<vmem>>, vector<16xf32>,
      tpu.vector_store %arg9[%swap3A_386, %swap3A_387], %gather3A_374 {strides = array<i32>} : memref<640x64xf32, #tpu.memory_space<vmem>>, vector<16xf32>,
      %mul3A_389 = arith.constant 16 : i32
      %mul3A_390 = arith.muli %scan3A_222, %mul3A_389 : i32
      %add3A_391 = arith.constant 1 : i32
      %add3A_392 = arith.addi %mul3A_390, %add3A_391 : i32
      %swap3A_393 = arith.index_cast %add3A_392 : i32 to index
      %swap3A_394 = arith.constant 32 : index
      %swap3A_395 = tpu.vector_load %arg9[%swap3A_393, %swap3A_394] {strides = array<i32>} : memref<640x64xf32, #tpu.memory_space<vmem>>, vector<16xf32>,
      tpu.vector_store %arg9[%swap3A_393, %swap3A_394], %gather3A_374 {strides = array<i32>} : memref<640x64xf32, #tpu.memory_space<vmem>>, vector<16xf32>,
      %mul3A_396 = arith.constant 16 : i32
      %mul3A_397 = arith.muli %scan3A_222, %mul3A_396 : i32
      %add3A_398 = arith.constant 1 : i32
      %add3A_399 = arith.addi %mul3A_397, %add3A_398 : i32
      %swap3A_400 = arith.index_cast %add3A_399 : i32 to index
      %swap3A_401 = arith.constant 48 : index
      %swap3A_402 = tpu.vector_load %arg9[%swap3A_400, %swap3A_401] {strides = array<i32>} : memref<640x64xf32, #tpu.memory_space<vmem>>, vector<16xf32>,
      tpu.vector_store %arg9[%swap3A_400, %swap3A_401], %gather3A_374 {strides = array<i32>} : memref<640x64xf32, #tpu.memory_space<vmem>>, vector<16xf32>,
      %get3A_403 = arith.constant 2 : i32
      %get3A_404 = arith.index_cast %get3A_403 : i32 to index
      %get3A_405 = arith.constant 0 : index
      %get3A_406 = tpu.vector_load %arg10[%get3A_404, %get3A_405] {strides = array<i32>} : memref<16x16xi32, #tpu.memory_space<vmem>>, vector<16xi32>,
      %gather3A_407 = tpu.vector_load_idx %arg8[%get3A_406] : memref<16xf32, #tpu.memory_space<vmem>>[vector<16xi32>], vector<16xf32>,
      %mul3A_408 = arith.constant 16 : i32
      %mul3A_409 = arith.muli %scan3A_222, %mul3A_408 : i32
      %add3A_410 = arith.constant 2 : i32
      %add3A_411 = arith.addi %mul3A_409, %add3A_410 : i32
      %swap3A_412 = arith.index_cast %add3A_411 : i32 to index
      %swap3A_413 = arith.constant 0 : index
      %swap3A_414 = tpu.vector_load %arg9[%swap3A_412, %swap3A_413] {strides = array<i32>} : memref<640x64xf32, #tpu.memory_space<vmem>>, vector<16xf32>,
      tpu.vector_store %arg9[%swap3A_412, %swap3A_413], %gather3A_407 {strides = array<i32>} : memref<640x64xf32, #tpu.memory_space<vmem>>, vector<16xf32>,
      %mul3A_415 = arith.constant 16 : i32
      %mul3A_416 = arith.muli %scan3A_222, %mul3A_415 : i32
      %add3A_417 = arith.constant 2 : i32
      %add3A_418 = arith.addi %mul3A_416, %add3A_417 : i32
      %swap3A_419 = arith.index_cast %add3A_418 : i32 to index
      %swap3A_420 = arith.constant 16 : index
      %swap3A_421 = tpu.vector_load %arg9[%swap3A_419, %swap3A_420] {strides = array<i32>} : memref<640x64xf32, #tpu.memory_space<vmem>>, vector<16xf32>,
      tpu.vector_store %arg9[%swap3A_419, %swap3A_420], %gather3A_407 {strides = array<i32>} : memref<640x64xf32, #tpu.memory_space<vmem>>, vector<16xf32>,
      %mul3A_422 = arith.constant 16 : i32
      %mul3A_423 = arith.muli %scan3A_222, %mul3A_422 : i32
      %add3A_424 = arith.constant 2 : i32
      %add3A_425 = arith.addi %mul3A_423, %add3A_424 : i32
      %swap3A_426 = arith.index_cast %add3A_425 : i32 to index
      %swap3A_427 = arith.constant 32 : index
      %swap3A_428 = tpu.vector_load %arg9[%swap3A_426, %swap3A_427] {strides = array<i32>} : memref<640x64xf32, #tpu.memory_space<vmem>>, vector<16xf32>,
      tpu.vector_store %arg9[%swap3A_426, %swap3A_427], %gather3A_407 {strides = array<i32>} : memref<640x64xf32, #tpu.memory_space<vmem>>, vector<16xf32>,
      %mul3A_429 = arith.constant 16 : i32
      %mul3A_430 = arith.muli %scan3A_222, %mul3A_429 : i32
      %add3A_431 = arith.constant 2 : i32
      %add3A_432 = arith.addi %mul3A_430, %add3A_431 : i32
      %swap3A_433 = arith.index_cast %add3A_432 : i32 to index
      %swap3A_434 = arith.constant 48 : index
      %swap3A_435 = tpu.vector_load %arg9[%swap3A_433, %swap3A_434] {strides = array<i32>} : memref<640x64xf32, #tpu.memory_space<vmem>>, vector<16xf32>,
      tpu.vector_store %arg9[%swap3A_433, %swap3A_434], %gather3A_407 {strides = array<i32>} : memref<640x64xf32, #tpu.memory_space<vmem>>, vector<16xf32>,
      %get3A_436 = arith.constant 3 : i32
      %get3A_437 = arith.index_cast %get3A_436 : i32 to index
      %get3A_438 = arith.constant 0 : index
      %get3A_439 = tpu.vector_load %arg10[%get3A_437, %get3A_438] {strides = array<i32>} : memref<16x16xi32, #tpu.memory_space<vmem>>, vector<16xi32>,
      %gather3A_440 = tpu.vector_load_idx %arg8[%get3A_439] : memref<16xf32, #tpu.memory_space<vmem>>[vector<16xi32>], vector<16xf32>,
      %mul3A_441 = arith.constant 16 : i32
      %mul3A_442 = arith.muli %scan3A_222, %mul3A_441 : i32
      %add3A_443 = arith.constant 3 : i32
      %add3A_444 = arith.addi %mul3A_442, %add3A_443 : i32
      %swap3A_445 = arith.index_cast %add3A_444 : i32 to index
      %swap3A_446 = arith.constant 0 : index
      %swap3A_447 = tpu.vector_load %arg9[%swap3A_445, %swap3A_446] {strides = array<i32>} : memref<640x64xf32, #tpu.memory_space<vmem>>, vector<16xf32>,
      tpu.vector_store %arg9[%swap3A_445, %swap3A_446], %gather3A_440 {strides = array<i32>} : memref<640x64xf32, #tpu.memory_space<vmem>>, vector<16xf32>,
      %mul3A_448 = arith.constant 16 : i32
      %mul3A_449 = arith.muli %scan3A_222, %mul3A_448 : i32
      %add3A_450 = arith.constant 3 : i32
      %add3A_451 = arith.addi %mul3A_449, %add3A_450 : i32
      %swap3A_452 = arith.index_cast %add3A_451 : i32 to index
      %swap3A_453 = arith.constant 16 : index
      %swap3A_454 = tpu.vector_load %arg9[%swap3A_452, %swap3A_453] {strides = array<i32>} : memref<640x64xf32, #tpu.memory_space<vmem>>, vector<16xf32>,
      tpu.vector_store %arg9[%swap3A_452, %swap3A_453], %gather3A_440 {strides = array<i32>} : memref<640x64xf32, #tpu.memory_space<vmem>>, vector<16xf32>,
      %mul3A_455 = arith.constant 16 : i32
      %mul3A_456 = arith.muli %scan3A_222, %mul3A_455 : i32
      %add3A_457 = arith.constant 3 : i32
      %add3A_458 = arith.addi %mul3A_456, %add3A_457 : i32
      %swap3A_459 = arith.index_cast %add3A_458 : i32 to index
      %swap3A_460 = arith.constant 32 : index
      %swap3A_461 = tpu.vector_load %arg9[%swap3A_459, %swap3A_460] {strides = array<i32>} : memref<640x64xf32, #tpu.memory_space<vmem>>, vector<16xf32>,
      tpu.vector_store %arg9[%swap3A_459, %swap3A_460], %gather3A_440 {strides = array<i32>} : memref<640x64xf32, #tpu.memory_space<vmem>>, vector<16xf32>,
      %mul3A_462 = arith.constant 16 : i32
      %mul3A_463 = arith.muli %scan3A_222, %mul3A_462 : i32
      %add3A_464 = arith.constant 3 : i32
      %add3A_465 = arith.addi %mul3A_463, %add3A_464 : i32
      %swap3A_466 = arith.index_cast %add3A_465 : i32 to index
      %swap3A_467 = arith.constant 48 : index
      %swap3A_468 = tpu.vector_load %arg9[%swap3A_466, %swap3A_467] {strides = array<i32>} : memref<640x64xf32, #tpu.memory_space<vmem>>, vector<16xf32>,
      tpu.vector_store %arg9[%swap3A_466, %swap3A_467], %gather3A_440 {strides = array<i32>} : memref<640x64xf32, #tpu.memory_space<vmem>>, vector<16xf32>,
      %get3A_469 = arith.constant 4 : i32
      %get3A_470 = arith.index_cast %get3A_469 : i32 to index
      %get3A_471 = arith.constant 0 : index
      %get3A_472 = tpu.vector_load %arg10[%get3A_470, %get3A_471] {strides = array<i32>} : memref<16x16xi32, #tpu.memory_space<vmem>>, vector<16xi32>,
      %gather3A_473 = tpu.vector_load_idx %arg8[%get3A_472] : memref<16xf32, #tpu.memory_space<vmem>>[vector<16xi32>], vector<16xf32>,
      %mul3A_474 = arith.constant 16 : i32
      %mul3A_475 = arith.muli %scan3A_222, %mul3A_474 : i32
      %add3A_476 = arith.constant 4 : i32
      %add3A_477 = arith.addi %mul3A_475, %add3A_476 : i32
      %swap3A_478 = arith.index_cast %add3A_477 : i32 to index
      %swap3A_479 = arith.constant 0 : index
      %swap3A_480 = tpu.vector_load %arg9[%swap3A_478, %swap3A_479] {strides = array<i32>} : memref<640x64xf32, #tpu.memory_space<vmem>>, vector<16xf32>,
      tpu.vector_store %arg9[%swap3A_478, %swap3A_479], %gather3A_473 {strides = array<i32>} : memref<640x64xf32, #tpu.memory_space<vmem>>, vector<16xf32>,
      %mul3A_481 = arith.constant 16 : i32
      %mul3A_482 = arith.muli %scan3A_222, %mul3A_481 : i32
      %add3A_483 = arith.constant 4 : i32
      %add3A_484 = arith.addi %mul3A_482, %add3A_483 : i32
      %swap3A_485 = arith.index_cast %add3A_484 : i32 to index
      %swap3A_486 = arith.constant 16 : index
      %swap3A_487 = tpu.vector_load %arg9[%swap3A_485, %swap3A_486] {strides = array<i32>} : memref<640x64xf32, #tpu.memory_space<vmem>>, vector<16xf32>,
      tpu.vector_store %arg9[%swap3A_485, %swap3A_486], %gather3A_473 {strides = array<i32>} : memref<640x64xf32, #tpu.memory_space<vmem>>, vector<16xf32>,
      %mul3A_488 = arith.constant 16 : i32
      %mul3A_489 = arith.muli %scan3A_222, %mul3A_488 : i32
      %add3A_490 = arith.constant 4 : i32
      %add3A_491 = arith.addi %mul3A_489, %add3A_490 : i32
      %swap3A_492 = arith.index_cast %add3A_491 : i32 to index
      %swap3A_493 = arith.constant 32 : index
      %swap3A_494 = tpu.vector_load %arg9[%swap3A_492, %swap3A_493] {strides = array<i32>} : memref<640x64xf32, #tpu.memory_space<vmem>>, vector<16xf32>,
      tpu.vector_store %arg9[%swap3A_492, %swap3A_493], %gather3A_473 {strides = array<i32>} : memref<640x64xf32, #tpu.memory_space<vmem>>, vector<16xf32>,
      %mul3A_495 = arith.constant 16 : i32
      %mul3A_496 = arith.muli %scan3A_222, %mul3A_495 : i32
      %add3A_497 = arith.constant 4 : i32
      %add3A_498 = arith.addi %mul3A_496, %add3A_497 : i32
      %swap3A_499 = arith.index_cast %add3A_498 : i32 to index
      %swap3A_500 = arith.constant 48 : index
      %swap3A_501 = tpu.vector_load %arg9[%swap3A_499, %swap3A_500] {strides = array<i32>} : memref<640x64xf32, #tpu.memory_space<vmem>>, vector<16xf32>,
      tpu.vector_store %arg9[%swap3A_499, %swap3A_500], %gather3A_473 {strides = array<i32>} : memref<640x64xf32, #tpu.memory_space<vmem>>, vector<16xf32>,
      %get3A_502 = arith.constant 5 : i32
      %get3A_503 = arith.index_cast %get3A_502 : i32 to index
      %get3A_504 = arith.constant 0 : index
      %get3A_505 = tpu.vector_load %arg10[%get3A_503, %get3A_504] {strides = array<i32>} : memref<16x16xi32, #tpu.memory_space<vmem>>, vector<16xi32>,
      %gather3A_506 = tpu.vector_load_idx %arg8[%get3A_505] : memref<16xf32, #tpu.memory_space<vmem>>[vector<16xi32>], vector<16xf32>,
      %mul3A_507 = arith.constant 16 : i32
      %mul3A_508 = arith.muli %scan3A_222, %mul3A_507 : i32
      %add3A_509 = arith.constant 5 : i32
      %add3A_510 = arith.addi %mul3A_508, %add3A_509 : i32
      %swap3A_511 = arith.index_cast %add3A_510 : i32 to index
      %swap3A_512 = arith.constant 0 : index
      %swap3A_513 = tpu.vector_load %arg9[%swap3A_511, %swap3A_512] {strides = array<i32>} : memref<640x64xf32, #tpu.memory_space<vmem>>, vector<16xf32>,
      tpu.vector_store %arg9[%swap3A_511, %swap3A_512], %gather3A_506 {strides = array<i32>} : memref<640x64xf32, #tpu.memory_space<vmem>>, vector<16xf32>,
      %mul3A_514 = arith.constant 16 : i32
      %mul3A_515 = arith.muli %scan3A_222, %mul3A_514 : i32
      %add3A_516 = arith.constant 5 : i32
      %add3A_517 = arith.addi %mul3A_515, %add3A_516 : i32
      %swap3A_518 = arith.index_cast %add3A_517 : i32 to index
      %swap3A_519 = arith.constant 16 : index
      %swap3A_520 = tpu.vector_load %arg9[%swap3A_518, %swap3A_519] {strides = array<i32>} : memref<640x64xf32, #tpu.memory_space<vmem>>, vector<16xf32>,
      tpu.vector_store %arg9[%swap3A_518, %swap3A_519], %gather3A_506 {strides = array<i32>} : memref<640x64xf32, #tpu.memory_space<vmem>>, vector<16xf32>,
      %mul3A_521 = arith.constant 16 : i32
      %mul3A_522 = arith.muli %scan3A_222, %mul3A_521 : i32
      %add3A_523 = arith.constant 5 : i32
      %add3A_524 = arith.addi %mul3A_522, %add3A_523 : i32
      %swap3A_525 = arith.index_cast %add3A_524 : i32 to index
      %swap3A_526 = arith.constant 32 : index
      %swap3A_527 = tpu.vector_load %arg9[%swap3A_525, %swap3A_526] {strides = array<i32>} : memref<640x64xf32, #tpu.memory_space<vmem>>, vector<16xf32>,
      tpu.vector_store %arg9[%swap3A_525, %swap3A_526], %gather3A_506 {strides = array<i32>} : memref<640x64xf32, #tpu.memory_space<vmem>>, vector<16xf32>,
      %mul3A_528 = arith.constant 16 : i32
      %mul3A_529 = arith.muli %scan3A_222, %mul3A_528 : i32
      %add3A_530 = arith.constant 5 : i32
      %add3A_531 = arith.addi %mul3A_529, %add3A_530 : i32
      %swap3A_532 = arith.index_cast %add3A_531 : i32 to index
      %swap3A_533 = arith.constant 48 : index
      %swap3A_534 = tpu.vector_load %arg9[%swap3A_532, %swap3A_533] {strides = array<i32>} : memref<640x64xf32, #tpu.memory_space<vmem>>, vector<16xf32>,
      tpu.vector_store %arg9[%swap3A_532, %swap3A_533], %gather3A_506 {strides = array<i32>} : memref<640x64xf32, #tpu.memory_space<vmem>>, vector<16xf32>,
      %get3A_535 = arith.constant 6 : i32
      %get3A_536 = arith.index_cast %get3A_535 : i32 to index
      %get3A_537 = arith.constant 0 : index
      %get3A_538 = tpu.vector_load %arg10[%get3A_536, %get3A_537] {strides = array<i32>} : memref<16x16xi32, #tpu.memory_space<vmem>>, vector<16xi32>,
      %gather3A_539 = tpu.vector_load_idx %arg8[%get3A_538] : memref<16xf32, #tpu.memory_space<vmem>>[vector<16xi32>], vector<16xf32>,
      %mul3A_540 = arith.constant 16 : i32
      %mul3A_541 = arith.muli %scan3A_222, %mul3A_540 : i32
      %add3A_542 = arith.constant 6 : i32
      %add3A_543 = arith.addi %mul3A_541, %add3A_542 : i32
      %swap3A_544 = arith.index_cast %add3A_543 : i32 to index
      %swap3A_545 = arith.constant 0 : index
      %swap3A_546 = tpu.vector_load %arg9[%swap3A_544, %swap3A_545] {strides = array<i32>} : memref<640x64xf32, #tpu.memory_space<vmem>>, vector<16xf32>,
      tpu.vector_store %arg9[%swap3A_544, %swap3A_545], %gather3A_539 {strides = array<i32>} : memref<640x64xf32, #tpu.memory_space<vmem>>, vector<16xf32>,
      %mul3A_547 = arith.constant 16 : i32
      %mul3A_548 = arith.muli %scan3A_222, %mul3A_547 : i32
      %add3A_549 = arith.constant 6 : i32
      %add3A_550 = arith.addi %mul3A_548, %add3A_549 : i32
      %swap3A_551 = arith.index_cast %add3A_550 : i32 to index
      %swap3A_552 = arith.constant 16 : index
      %swap3A_553 = tpu.vector_load %arg9[%swap3A_551, %swap3A_552] {strides = array<i32>} : memref<640x64xf32, #tpu.memory_space<vmem>>, vector<16xf32>,
      tpu.vector_store %arg9[%swap3A_551, %swap3A_552], %gather3A_539 {strides = array<i32>} : memref<640x64xf32, #tpu.memory_space<vmem>>, vector<16xf32>,
      %mul3A_554 = arith.constant 16 : i32
      %mul3A_555 = arith.muli %scan3A_222, %mul3A_554 : i32
      %add3A_556 = arith.constant 6 : i32
      %add3A_557 = arith.addi %mul3A_555, %add3A_556 : i32
      %swap3A_558 = arith.index_cast %add3A_557 : i32 to index
      %swap3A_559 = arith.constant 32 : index
      %swap3A_560 = tpu.vector_load %arg9[%swap3A_558, %swap3A_559] {strides = array<i32>} : memref<640x64xf32, #tpu.memory_space<vmem>>, vector<16xf32>,
      tpu.vector_store %arg9[%swap3A_558, %swap3A_559], %gather3A_539 {strides = array<i32>} : memref<640x64xf32, #tpu.memory_space<vmem>>, vector<16xf32>,
      %mul3A_561 = arith.constant 16 : i32
      %mul3A_562 = arith.muli %scan3A_222, %mul3A_561 : i32
      %add3A_563 = arith.constant 6 : i32
      %add3A_564 = arith.addi %mul3A_562, %add3A_563 : i32
      %swap3A_565 = arith.index_cast %add3A_564 : i32 to index
      %swap3A_566 = arith.constant 48 : index
      %swap3A_567 = tpu.vector_load %arg9[%swap3A_565, %swap3A_566] {strides = array<i32>} : memref<640x64xf32, #tpu.memory_space<vmem>>, vector<16xf32>,
      tpu.vector_store %arg9[%swap3A_565, %swap3A_566], %gather3A_539 {strides = array<i32>} : memref<640x64xf32, #tpu.memory_space<vmem>>, vector<16xf32>,
      %get3A_568 = arith.constant 7 : i32
      %get3A_569 = arith.index_cast %get3A_568 : i32 to index
      %get3A_570 = arith.constant 0 : index
      %get3A_571 = tpu.vector_load %arg10[%get3A_569, %get3A_570] {strides = array<i32>} : memref<16x16xi32, #tpu.memory_space<vmem>>, vector<16xi32>,
      %gather3A_572 = tpu.vector_load_idx %arg8[%get3A_571] : memref<16xf32, #tpu.memory_space<vmem>>[vector<16xi32>], vector<16xf32>,
      %mul3A_573 = arith.constant 16 : i32
      %mul3A_574 = arith.muli %scan3A_222, %mul3A_573 : i32
      %add3A_575 = arith.constant 7 : i32
      %add3A_576 = arith.addi %mul3A_574, %add3A_575 : i32
      %swap3A_577 = arith.index_cast %add3A_576 : i32 to index
      %swap3A_578 = arith.constant 0 : index
      %swap3A_579 = tpu.vector_load %arg9[%swap3A_577, %swap3A_578] {strides = array<i32>} : memref<640x64xf32, #tpu.memory_space<vmem>>, vector<16xf32>,
      tpu.vector_store %arg9[%swap3A_577, %swap3A_578], %gather3A_572 {strides = array<i32>} : memref<640x64xf32, #tpu.memory_space<vmem>>, vector<16xf32>,
      %mul3A_580 = arith.constant 16 : i32
      %mul3A_581 = arith.muli %scan3A_222, %mul3A_580 : i32
      %add3A_582 = arith.constant 7 : i32
      %add3A_583 = arith.addi %mul3A_581, %add3A_582 : i32
      %swap3A_584 = arith.index_cast %add3A_583 : i32 to index
      %swap3A_585 = arith.constant 16 : index
      %swap3A_586 = tpu.vector_load %arg9[%swap3A_584, %swap3A_585] {strides = array<i32>} : memref<640x64xf32, #tpu.memory_space<vmem>>, vector<16xf32>,
      tpu.vector_store %arg9[%swap3A_584, %swap3A_585], %gather3A_572 {strides = array<i32>} : memref<640x64xf32, #tpu.memory_space<vmem>>, vector<16xf32>,
      %mul3A_587 = arith.constant 16 : i32
      %mul3A_588 = arith.muli %scan3A_222, %mul3A_587 : i32
      %add3A_589 = arith.constant 7 : i32
      %add3A_590 = arith.addi %mul3A_588, %add3A_589 : i32
      %swap3A_591 = arith.index_cast %add3A_590 : i32 to index
      %swap3A_592 = arith.constant 32 : index
      %swap3A_593 = tpu.vector_load %arg9[%swap3A_591, %swap3A_592] {strides = array<i32>} : memref<640x64xf32, #tpu.memory_space<vmem>>, vector<16xf32>,
      tpu.vector_store %arg9[%swap3A_591, %swap3A_592], %gather3A_572 {strides = array<i32>} : memref<640x64xf32, #tpu.memory_space<vmem>>, vector<16xf32>,
      %mul3A_594 = arith.constant 16 : i32
      %mul3A_595 = arith.muli %scan3A_222, %mul3A_594 : i32
      %add3A_596 = arith.constant 7 : i32
      %add3A_597 = arith.addi %mul3A_595, %add3A_596 : i32
      %swap3A_598 = arith.index_cast %add3A_597 : i32 to index
      %swap3A_599 = arith.constant 48 : index
      %swap3A_600 = tpu.vector_load %arg9[%swap3A_598, %swap3A_599] {strides = array<i32>} : memref<640x64xf32, #tpu.memory_space<vmem>>, vector<16xf32>,
      tpu.vector_store %arg9[%swap3A_598, %swap3A_599], %gather3A_572 {strides = array<i32>} : memref<640x64xf32, #tpu.memory_space<vmem>>, vector<16xf32>,
      %get3A_601 = arith.constant 8 : i32
      %get3A_602 = arith.index_cast %get3A_601 : i32 to index
      %get3A_603 = arith.constant 0 : index
      %get3A_604 = tpu.vector_load %arg10[%get3A_602, %get3A_603] {strides = array<i32>} : memref<16x16xi32, #tpu.memory_space<vmem>>, vector<16xi32>,
      %gather3A_605 = tpu.vector_load_idx %arg8[%get3A_604] : memref<16xf32, #tpu.memory_space<vmem>>[vector<16xi32>], vector<16xf32>,
      %mul3A_606 = arith.constant 16 : i32
      %mul3A_607 = arith.muli %scan3A_222, %mul3A_606 : i32
      %add3A_608 = arith.constant 8 : i32
      %add3A_609 = arith.addi %mul3A_607, %add3A_608 : i32
      %swap3A_610 = arith.index_cast %add3A_609 : i32 to index
      %swap3A_611 = arith.constant 0 : index
      %swap3A_612 = tpu.vector_load %arg9[%swap3A_610, %swap3A_611] {strides = array<i32>} : memref<640x64xf32, #tpu.memory_space<vmem>>, vector<16xf32>,
      tpu.vector_store %arg9[%swap3A_610, %swap3A_611], %gather3A_605 {strides = array<i32>} : memref<640x64xf32, #tpu.memory_space<vmem>>, vector<16xf32>,
      %mul3A_613 = arith.constant 16 : i32
      %mul3A_614 = arith.muli %scan3A_222, %mul3A_613 : i32
      %add3A_615 = arith.constant 8 : i32
      %add3A_616 = arith.addi %mul3A_614, %add3A_615 : i32
      %swap3A_617 = arith.index_cast %add3A_616 : i32 to index
      %swap3A_618 = arith.constant 16 : index
      %swap3A_619 = tpu.vector_load %arg9[%swap3A_617, %swap3A_618] {strides = array<i32>} : memref<640x64xf32, #tpu.memory_space<vmem>>, vector<16xf32>,
      tpu.vector_store %arg9[%swap3A_617, %swap3A_618], %gather3A_605 {strides = array<i32>} : memref<640x64xf32, #tpu.memory_space<vmem>>, vector<16xf32>,
      %mul3A_620 = arith.constant 16 : i32
      %mul3A_621 = arith.muli %scan3A_222, %mul3A_620 : i32
      %add3A_622 = arith.constant 8 : i32
      %add3A_623 = arith.addi %mul3A_621, %add3A_622 : i32
      %swap3A_624 = arith.index_cast %add3A_623 : i32 to index
      %swap3A_625 = arith.constant 32 : index
      %swap3A_626 = tpu.vector_load %arg9[%swap3A_624, %swap3A_625] {strides = array<i32>} : memref<640x64xf32, #tpu.memory_space<vmem>>, vector<16xf32>,
      tpu.vector_store %arg9[%swap3A_624, %swap3A_625], %gather3A_605 {strides = array<i32>} : memref<640x64xf32, #tpu.memory_space<vmem>>, vector<16xf32>,
      %mul3A_627 = arith.constant 16 : i32
      %mul3A_628 = arith.muli %scan3A_222, %mul3A_627 : i32
      %add3A_629 = arith.constant 8 : i32
      %add3A_630 = arith.addi %mul3A_628, %add3A_629 : i32
      %swap3A_631 = arith.index_cast %add3A_630 : i32 to index
      %swap3A_632 = arith.constant 48 : index
      %swap3A_633 = tpu.vector_load %arg9[%swap3A_631, %swap3A_632] {strides = array<i32>} : memref<640x64xf32, #tpu.memory_space<vmem>>, vector<16xf32>,
      tpu.vector_store %arg9[%swap3A_631, %swap3A_632], %gather3A_605 {strides = array<i32>} : memref<640x64xf32, #tpu.memory_space<vmem>>, vector<16xf32>,
      %get3A_634 = arith.constant 9 : i32
      %get3A_635 = arith.index_cast %get3A_634 : i32 to index
      %get3A_636 = arith.constant 0 : index
      %get3A_637 = tpu.vector_load %arg10[%get3A_635, %get3A_636] {strides = array<i32>} : memref<16x16xi32, #tpu.memory_space<vmem>>, vector<16xi32>,
      %gather3A_638 = tpu.vector_load_idx %arg8[%get3A_637] : memref<16xf32, #tpu.memory_space<vmem>>[vector<16xi32>], vector<16xf32>,
      %mul3A_639 = arith.constant 16 : i32
      %mul3A_640 = arith.muli %scan3A_222, %mul3A_639 : i32
      %add3A_641 = arith.constant 9 : i32
      %add3A_642 = arith.addi %mul3A_640, %add3A_641 : i32
      %swap3A_643 = arith.index_cast %add3A_642 : i32 to index
      %swap3A_644 = arith.constant 0 : index
      %swap3A_645 = tpu.vector_load %arg9[%swap3A_643, %swap3A_644] {strides = array<i32>} : memref<640x64xf32, #tpu.memory_space<vmem>>, vector<16xf32>,
      tpu.vector_store %arg9[%swap3A_643, %swap3A_644], %gather3A_638 {strides = array<i32>} : memref<640x64xf32, #tpu.memory_space<vmem>>, vector<16xf32>,
      %mul3A_646 = arith.constant 16 : i32
      %mul3A_647 = arith.muli %scan3A_222, %mul3A_646 : i32
      %add3A_648 = arith.constant 9 : i32
      %add3A_649 = arith.addi %mul3A_647, %add3A_648 : i32
      %swap3A_650 = arith.index_cast %add3A_649 : i32 to index
      %swap3A_651 = arith.constant 16 : index
      %swap3A_652 = tpu.vector_load %arg9[%swap3A_650, %swap3A_651] {strides = array<i32>} : memref<640x64xf32, #tpu.memory_space<vmem>>, vector<16xf32>,
      tpu.vector_store %arg9[%swap3A_650, %swap3A_651], %gather3A_638 {strides = array<i32>} : memref<640x64xf32, #tpu.memory_space<vmem>>, vector<16xf32>,
      %mul3A_653 = arith.constant 16 : i32
      %mul3A_654 = arith.muli %scan3A_222, %mul3A_653 : i32
      %add3A_655 = arith.constant 9 : i32
      %add3A_656 = arith.addi %mul3A_654, %add3A_655 : i32
      %swap3A_657 = arith.index_cast %add3A_656 : i32 to index
      %swap3A_658 = arith.constant 32 : index
      %swap3A_659 = tpu.vector_load %arg9[%swap3A_657, %swap3A_658] {strides = array<i32>} : memref<640x64xf32, #tpu.memory_space<vmem>>, vector<16xf32>,
      tpu.vector_store %arg9[%swap3A_657, %swap3A_658], %gather3A_638 {strides = array<i32>} : memref<640x64xf32, #tpu.memory_space<vmem>>, vector<16xf32>,
      %mul3A_660 = arith.constant 16 : i32
      %mul3A_661 = arith.muli %scan3A_222, %mul3A_660 : i32
      %add3A_662 = arith.constant 9 : i32
      %add3A_663 = arith.addi %mul3A_661, %add3A_662 : i32
      %swap3A_664 = arith.index_cast %add3A_663 : i32 to index
      %swap3A_665 = arith.constant 48 : index
      %swap3A_666 = tpu.vector_load %arg9[%swap3A_664, %swap3A_665] {strides = array<i32>} : memref<640x64xf32, #tpu.memory_space<vmem>>, vector<16xf32>,
      tpu.vector_store %arg9[%swap3A_664, %swap3A_665], %gather3A_638 {strides = array<i32>} : memref<640x64xf32, #tpu.memory_space<vmem>>, vector<16xf32>,
      %get3A_667 = arith.constant 10 : i32
      %get3A_668 = arith.index_cast %get3A_667 : i32 to index
      %get3A_669 = arith.constant 0 : index
      %get3A_670 = tpu.vector_load %arg10[%get3A_668, %get3A_669] {strides = array<i32>} : memref<16x16xi32, #tpu.memory_space<vmem>>, vector<16xi32>,
      %gather3A_671 = tpu.vector_load_idx %arg8[%get3A_670] : memref<16xf32, #tpu.memory_space<vmem>>[vector<16xi32>], vector<16xf32>,
      %mul3A_672 = arith.constant 16 : i32
      %mul3A_673 = arith.muli %scan3A_222, %mul3A_672 : i32
      %add3A_674 = arith.constant 10 : i32
      %add3A_675 = arith.addi %mul3A_673, %add3A_674 : i32
      %swap3A_676 = arith.index_cast %add3A_675 : i32 to index
      %swap3A_677 = arith.constant 0 : index
      %swap3A_678 = tpu.vector_load %arg9[%swap3A_676, %swap3A_677] {strides = array<i32>} : memref<640x64xf32, #tpu.memory_space<vmem>>, vector<16xf32>,
      tpu.vector_store %arg9[%swap3A_676, %swap3A_677], %gather3A_671 {strides = array<i32>} : memref<640x64xf32, #tpu.memory_space<vmem>>, vector<16xf32>,
      %mul3A_679 = arith.constant 16 : i32
      %mul3A_680 = arith.muli %scan3A_222, %mul3A_679 : i32
      %add3A_681 = arith.constant 10 : i32
      %add3A_682 = arith.addi %mul3A_680, %add3A_681 : i32
      %swap3A_683 = arith.index_cast %add3A_682 : i32 to index
      %swap3A_684 = arith.constant 16 : index
      %swap3A_685 = tpu.vector_load %arg9[%swap3A_683, %swap3A_684] {strides = array<i32>} : memref<640x64xf32, #tpu.memory_space<vmem>>, vector<16xf32>,
      tpu.vector_store %arg9[%swap3A_683, %swap3A_684], %gather3A_671 {strides = array<i32>} : memref<640x64xf32, #tpu.memory_space<vmem>>, vector<16xf32>,
      %mul3A_686 = arith.constant 16 : i32
      %mul3A_687 = arith.muli %scan3A_222, %mul3A_686 : i32
      %add3A_688 = arith.constant 10 : i32
      %add3A_689 = arith.addi %mul3A_687, %add3A_688 : i32
      %swap3A_690 = arith.index_cast %add3A_689 : i32 to index
      %swap3A_691 = arith.constant 32 : index
      %swap3A_692 = tpu.vector_load %arg9[%swap3A_690, %swap3A_691] {strides = array<i32>} : memref<640x64xf32, #tpu.memory_space<vmem>>, vector<16xf32>,
      tpu.vector_store %arg9[%swap3A_690, %swap3A_691], %gather3A_671 {strides = array<i32>} : memref<640x64xf32, #tpu.memory_space<vmem>>, vector<16xf32>,
      %mul3A_693 = arith.constant 16 : i32
      %mul3A_694 = arith.muli %scan3A_222, %mul3A_693 : i32
      %add3A_695 = arith.constant 10 : i32
      %add3A_696 = arith.addi %mul3A_694, %add3A_695 : i32
      %swap3A_697 = arith.index_cast %add3A_696 : i32 to index
      %swap3A_698 = arith.constant 48 : index
      %swap3A_699 = tpu.vector_load %arg9[%swap3A_697, %swap3A_698] {strides = array<i32>} : memref<640x64xf32, #tpu.memory_space<vmem>>, vector<16xf32>,
      tpu.vector_store %arg9[%swap3A_697, %swap3A_698], %gather3A_671 {strides = array<i32>} : memref<640x64xf32, #tpu.memory_space<vmem>>, vector<16xf32>,
      %get3A_700 = arith.constant 11 : i32
      %get3A_701 = arith.index_cast %get3A_700 : i32 to index
      %get3A_702 = arith.constant 0 : index
      %get3A_703 = tpu.vector_load %arg10[%get3A_701, %get3A_702] {strides = array<i32>} : memref<16x16xi32, #tpu.memory_space<vmem>>, vector<16xi32>,
      %gather3A_704 = tpu.vector_load_idx %arg8[%get3A_703] : memref<16xf32, #tpu.memory_space<vmem>>[vector<16xi32>], vector<16xf32>,
      %mul3A_705 = arith.constant 16 : i32
      %mul3A_706 = arith.muli %scan3A_222, %mul3A_705 : i32
      %add3A_707 = arith.constant 11 : i32
      %add3A_708 = arith.addi %mul3A_706, %add3A_707 : i32
      %swap3A_709 = arith.index_cast %add3A_708 : i32 to index
      %swap3A_710 = arith.constant 0 : index
      %swap3A_711 = tpu.vector_load %arg9[%swap3A_709, %swap3A_710] {strides = array<i32>} : memref<640x64xf32, #tpu.memory_space<vmem>>, vector<16xf32>,
      tpu.vector_store %arg9[%swap3A_709, %swap3A_710], %gather3A_704 {strides = array<i32>} : memref<640x64xf32, #tpu.memory_space<vmem>>, vector<16xf32>,
      %mul3A_712 = arith.constant 16 : i32
      %mul3A_713 = arith.muli %scan3A_222, %mul3A_712 : i32
      %add3A_714 = arith.constant 11 : i32
      %add3A_715 = arith.addi %mul3A_713, %add3A_714 : i32
      %swap3A_716 = arith.index_cast %add3A_715 : i32 to index
      %swap3A_717 = arith.constant 16 : index
      %swap3A_718 = tpu.vector_load %arg9[%swap3A_716, %swap3A_717] {strides = array<i32>} : memref<640x64xf32, #tpu.memory_space<vmem>>, vector<16xf32>,
      tpu.vector_store %arg9[%swap3A_716, %swap3A_717], %gather3A_704 {strides = array<i32>} : memref<640x64xf32, #tpu.memory_space<vmem>>, vector<16xf32>,
      %mul3A_719 = arith.constant 16 : i32
      %mul3A_720 = arith.muli %scan3A_222, %mul3A_719 : i32
      %add3A_721 = arith.constant 11 : i32
      %add3A_722 = arith.addi %mul3A_720, %add3A_721 : i32
      %swap3A_723 = arith.index_cast %add3A_722 : i32 to index
      %swap3A_724 = arith.constant 32 : index
      %swap3A_725 = tpu.vector_load %arg9[%swap3A_723, %swap3A_724] {strides = array<i32>} : memref<640x64xf32, #tpu.memory_space<vmem>>, vector<16xf32>,
      tpu.vector_store %arg9[%swap3A_723, %swap3A_724], %gather3A_704 {strides = array<i32>} : memref<640x64xf32, #tpu.memory_space<vmem>>, vector<16xf32>,
      %mul3A_726 = arith.constant 16 : i32
      %mul3A_727 = arith.muli %scan3A_222, %mul3A_726 : i32
      %add3A_728 = arith.constant 11 : i32
      %add3A_729 = arith.addi %mul3A_727, %add3A_728 : i32
      %swap3A_730 = arith.index_cast %add3A_729 : i32 to index
      %swap3A_731 = arith.constant 48 : index
      %swap3A_732 = tpu.vector_load %arg9[%swap3A_730, %swap3A_731] {strides = array<i32>} : memref<640x64xf32, #tpu.memory_space<vmem>>, vector<16xf32>,
      tpu.vector_store %arg9[%swap3A_730, %swap3A_731], %gather3A_704 {strides = array<i32>} : memref<640x64xf32, #tpu.memory_space<vmem>>, vector<16xf32>,
      %get3A_733 = arith.constant 12 : i32
      %get3A_734 = arith.index_cast %get3A_733 : i32 to index
      %get3A_735 = arith.constant 0 : index
      %get3A_736 = tpu.vector_load %arg10[%get3A_734, %get3A_735] {strides = array<i32>} : memref<16x16xi32, #tpu.memory_space<vmem>>, vector<16xi32>,
      %gather3A_737 = tpu.vector_load_idx %arg8[%get3A_736] : memref<16xf32, #tpu.memory_space<vmem>>[vector<16xi32>], vector<16xf32>,
      %mul3A_738 = arith.constant 16 : i32
      %mul3A_739 = arith.muli %scan3A_222, %mul3A_738 : i32
      %add3A_740 = arith.constant 12 : i32
      %add3A_741 = arith.addi %mul3A_739, %add3A_740 : i32
      %swap3A_742 = arith.index_cast %add3A_741 : i32 to index
      %swap3A_743 = arith.constant 0 : index
      %swap3A_744 = tpu.vector_load %arg9[%swap3A_742, %swap3A_743] {strides = array<i32>} : memref<640x64xf32, #tpu.memory_space<vmem>>, vector<16xf32>,
      tpu.vector_store %arg9[%swap3A_742, %swap3A_743], %gather3A_737 {strides = array<i32>} : memref<640x64xf32, #tpu.memory_space<vmem>>, vector<16xf32>,
      %mul3A_745 = arith.constant 16 : i32
      %mul3A_746 = arith.muli %scan3A_222, %mul3A_745 : i32
      %add3A_747 = arith.constant 12 : i32
      %add3A_748 = arith.addi %mul3A_746, %add3A_747 : i32
      %swap3A_749 = arith.index_cast %add3A_748 : i32 to index
      %swap3A_750 = arith.constant 16 : index
      %swap3A_751 = tpu.vector_load %arg9[%swap3A_749, %swap3A_750] {strides = array<i32>} : memref<640x64xf32, #tpu.memory_space<vmem>>, vector<16xf32>,
      tpu.vector_store %arg9[%swap3A_749, %swap3A_750], %gather3A_737 {strides = array<i32>} : memref<640x64xf32, #tpu.memory_space<vmem>>, vector<16xf32>,
      %mul3A_752 = arith.constant 16 : i32
      %mul3A_753 = arith.muli %scan3A_222, %mul3A_752 : i32
      %add3A_754 = arith.constant 12 : i32
      %add3A_755 = arith.addi %mul3A_753, %add3A_754 : i32
      %swap3A_756 = arith.index_cast %add3A_755 : i32 to index
      %swap3A_757 = arith.constant 32 : index
      %swap3A_758 = tpu.vector_load %arg9[%swap3A_756, %swap3A_757] {strides = array<i32>} : memref<640x64xf32, #tpu.memory_space<vmem>>, vector<16xf32>,
      tpu.vector_store %arg9[%swap3A_756, %swap3A_757], %gather3A_737 {strides = array<i32>} : memref<640x64xf32, #tpu.memory_space<vmem>>, vector<16xf32>,
      %mul3A_759 = arith.constant 16 : i32
      %mul3A_760 = arith.muli %scan3A_222, %mul3A_759 : i32
      %add3A_761 = arith.constant 12 : i32
      %add3A_762 = arith.addi %mul3A_760, %add3A_761 : i32
      %swap3A_763 = arith.index_cast %add3A_762 : i32 to index
      %swap3A_764 = arith.constant 48 : index
      %swap3A_765 = tpu.vector_load %arg9[%swap3A_763, %swap3A_764] {strides = array<i32>} : memref<640x64xf32, #tpu.memory_space<vmem>>, vector<16xf32>,
      tpu.vector_store %arg9[%swap3A_763, %swap3A_764], %gather3A_737 {strides = array<i32>} : memref<640x64xf32, #tpu.memory_space<vmem>>, vector<16xf32>,
      %get3A_766 = arith.constant 13 : i32
      %get3A_767 = arith.index_cast %get3A_766 : i32 to index
      %get3A_768 = arith.constant 0 : index
      %get3A_769 = tpu.vector_load %arg10[%get3A_767, %get3A_768] {strides = array<i32>} : memref<16x16xi32, #tpu.memory_space<vmem>>, vector<16xi32>,
      %gather3A_770 = tpu.vector_load_idx %arg8[%get3A_769] : memref<16xf32, #tpu.memory_space<vmem>>[vector<16xi32>], vector<16xf32>,
      %mul3A_771 = arith.constant 16 : i32
      %mul3A_772 = arith.muli %scan3A_222, %mul3A_771 : i32
      %add3A_773 = arith.constant 13 : i32
      %add3A_774 = arith.addi %mul3A_772, %add3A_773 : i32
      %swap3A_775 = arith.index_cast %add3A_774 : i32 to index
      %swap3A_776 = arith.constant 0 : index
      %swap3A_777 = tpu.vector_load %arg9[%swap3A_775, %swap3A_776] {strides = array<i32>} : memref<640x64xf32, #tpu.memory_space<vmem>>, vector<16xf32>,
      tpu.vector_store %arg9[%swap3A_775, %swap3A_776], %gather3A_770 {strides = array<i32>} : memref<640x64xf32, #tpu.memory_space<vmem>>, vector<16xf32>,
      %mul3A_778 = arith.constant 16 : i32
      %mul3A_779 = arith.muli %scan3A_222, %mul3A_778 : i32
      %add3A_780 = arith.constant 13 : i32
      %add3A_781 = arith.addi %mul3A_779, %add3A_780 : i32
      %swap3A_782 = arith.index_cast %add3A_781 : i32 to index
      %swap3A_783 = arith.constant 16 : index
      %swap3A_784 = tpu.vector_load %arg9[%swap3A_782, %swap3A_783] {strides = array<i32>} : memref<640x64xf32, #tpu.memory_space<vmem>>, vector<16xf32>,
      tpu.vector_store %arg9[%swap3A_782, %swap3A_783], %gather3A_770 {strides = array<i32>} : memref<640x64xf32, #tpu.memory_space<vmem>>, vector<16xf32>,
      %mul3A_785 = arith.constant 16 : i32
      %mul3A_786 = arith.muli %scan3A_222, %mul3A_785 : i32
      %add3A_787 = arith.constant 13 : i32
      %add3A_788 = arith.addi %mul3A_786, %add3A_787 : i32
      %swap3A_789 = arith.index_cast %add3A_788 : i32 to index
      %swap3A_790 = arith.constant 32 : index
      %swap3A_791 = tpu.vector_load %arg9[%swap3A_789, %swap3A_790] {strides = array<i32>} : memref<640x64xf32, #tpu.memory_space<vmem>>, vector<16xf32>,
      tpu.vector_store %arg9[%swap3A_789, %swap3A_790], %gather3A_770 {strides = array<i32>} : memref<640x64xf32, #tpu.memory_space<vmem>>, vector<16xf32>,
      %mul3A_792 = arith.constant 16 : i32
      %mul3A_793 = arith.muli %scan3A_222, %mul3A_792 : i32
      %add3A_794 = arith.constant 13 : i32
      %add3A_795 = arith.addi %mul3A_793, %add3A_794 : i32
      %swap3A_796 = arith.index_cast %add3A_795 : i32 to index
      %swap3A_797 = arith.constant 48 : index
      %swap3A_798 = tpu.vector_load %arg9[%swap3A_796, %swap3A_797] {strides = array<i32>} : memref<640x64xf32, #tpu.memory_space<vmem>>, vector<16xf32>,
      tpu.vector_store %arg9[%swap3A_796, %swap3A_797], %gather3A_770 {strides = array<i32>} : memref<640x64xf32, #tpu.memory_space<vmem>>, vector<16xf32>,
      %get3A_799 = arith.constant 14 : i32
      %get3A_800 = arith.index_cast %get3A_799 : i32 to index
      %get3A_801 = arith.constant 0 : index
      %get3A_802 = tpu.vector_load %arg10[%get3A_800, %get3A_801] {strides = array<i32>} : memref<16x16xi32, #tpu.memory_space<vmem>>, vector<16xi32>,
      %gather3A_803 = tpu.vector_load_idx %arg8[%get3A_802] : memref<16xf32, #tpu.memory_space<vmem>>[vector<16xi32>], vector<16xf32>,
      %mul3A_804 = arith.constant 16 : i32
      %mul3A_805 = arith.muli %scan3A_222, %mul3A_804 : i32
      %add3A_806 = arith.constant 14 : i32
      %add3A_807 = arith.addi %mul3A_805, %add3A_806 : i32
      %swap3A_808 = arith.index_cast %add3A_807 : i32 to index
      %swap3A_809 = arith.constant 0 : index
      %swap3A_810 = tpu.vector_load %arg9[%swap3A_808, %swap3A_809] {strides = array<i32>} : memref<640x64xf32, #tpu.memory_space<vmem>>, vector<16xf32>,
      tpu.vector_store %arg9[%swap3A_808, %swap3A_809], %gather3A_803 {strides = array<i32>} : memref<640x64xf32, #tpu.memory_space<vmem>>, vector<16xf32>,
      %mul3A_811 = arith.constant 16 : i32
      %mul3A_812 = arith.muli %scan3A_222, %mul3A_811 : i32
      %add3A_813 = arith.constant 14 : i32
      %add3A_814 = arith.addi %mul3A_812, %add3A_813 : i32
      %swap3A_815 = arith.index_cast %add3A_814 : i32 to index
      %swap3A_816 = arith.constant 16 : index
      %swap3A_817 = tpu.vector_load %arg9[%swap3A_815, %swap3A_816] {strides = array<i32>} : memref<640x64xf32, #tpu.memory_space<vmem>>, vector<16xf32>,
      tpu.vector_store %arg9[%swap3A_815, %swap3A_816], %gather3A_803 {strides = array<i32>} : memref<640x64xf32, #tpu.memory_space<vmem>>, vector<16xf32>,
      %mul3A_818 = arith.constant 16 : i32
      %mul3A_819 = arith.muli %scan3A_222, %mul3A_818 : i32
      %add3A_820 = arith.constant 14 : i32
      %add3A_821 = arith.addi %mul3A_819, %add3A_820 : i32
      %swap3A_822 = arith.index_cast %add3A_821 : i32 to index
      %swap3A_823 = arith.constant 32 : index
      %swap3A_824 = tpu.vector_load %arg9[%swap3A_822, %swap3A_823] {strides = array<i32>} : memref<640x64xf32, #tpu.memory_space<vmem>>, vector<16xf32>,
      tpu.vector_store %arg9[%swap3A_822, %swap3A_823], %gather3A_803 {strides = array<i32>} : memref<640x64xf32, #tpu.memory_space<vmem>>, vector<16xf32>,
      %mul3A_825 = arith.constant 16 : i32
      %mul3A_826 = arith.muli %scan3A_222, %mul3A_825 : i32
      %add3A_827 = arith.constant 14 : i32
      %add3A_828 = arith.addi %mul3A_826, %add3A_827 : i32
      %swap3A_829 = arith.index_cast %add3A_828 : i32 to index
      %swap3A_830 = arith.constant 48 : index
      %swap3A_831 = tpu.vector_load %arg9[%swap3A_829, %swap3A_830] {strides = array<i32>} : memref<640x64xf32, #tpu.memory_space<vmem>>, vector<16xf32>,
      tpu.vector_store %arg9[%swap3A_829, %swap3A_830], %gather3A_803 {strides = array<i32>} : memref<640x64xf32, #tpu.memory_space<vmem>>, vector<16xf32>,
      %get3A_832 = arith.constant 15 : i32
      %get3A_833 = arith.index_cast %get3A_832 : i32 to index
      %get3A_834 = arith.constant 0 : index
      %get3A_835 = tpu.vector_load %arg10[%get3A_833, %get3A_834] {strides = array<i32>} : memref<16x16xi32, #tpu.memory_space<vmem>>, vector<16xi32>,
      %gather3A_836 = tpu.vector_load_idx %arg8[%get3A_835] : memref<16xf32, #tpu.memory_space<vmem>>[vector<16xi32>], vector<16xf32>,
      %mul3A_837 = arith.constant 16 : i32
      %mul3A_838 = arith.muli %scan3A_222, %mul3A_837 : i32
      %add3A_839 = arith.constant 15 : i32
      %add3A_840 = arith.addi %mul3A_838, %add3A_839 : i32
      %swap3A_841 = arith.index_cast %add3A_840 : i32 to index
      %swap3A_842 = arith.constant 0 : index
      %swap3A_843 = tpu.vector_load %arg9[%swap3A_841, %swap3A_842] {strides = array<i32>} : memref<640x64xf32, #tpu.memory_space<vmem>>, vector<16xf32>,
      tpu.vector_store %arg9[%swap3A_841, %swap3A_842], %gather3A_836 {strides = array<i32>} : memref<640x64xf32, #tpu.memory_space<vmem>>, vector<16xf32>,
      %mul3A_844 = arith.constant 16 : i32
      %mul3A_845 = arith.muli %scan3A_222, %mul3A_844 : i32
      %add3A_846 = arith.constant 15 : i32
      %add3A_847 = arith.addi %mul3A_845, %add3A_846 : i32
      %swap3A_848 = arith.index_cast %add3A_847 : i32 to index
      %swap3A_849 = arith.constant 16 : index
      %swap3A_850 = tpu.vector_load %arg9[%swap3A_848, %swap3A_849] {strides = array<i32>} : memref<640x64xf32, #tpu.memory_space<vmem>>, vector<16xf32>,
      tpu.vector_store %arg9[%swap3A_848, %swap3A_849], %gather3A_836 {strides = array<i32>} : memref<640x64xf32, #tpu.memory_space<vmem>>, vector<16xf32>,
      %mul3A_851 = arith.constant 16 : i32
      %mul3A_852 = arith.muli %scan3A_222, %mul3A_851 : i32
      %add3A_853 = arith.constant 15 : i32
      %add3A_854 = arith.addi %mul3A_852, %add3A_853 : i32
      %swap3A_855 = arith.index_cast %add3A_854 : i32 to index
      %swap3A_856 = arith.constant 32 : index
      %swap3A_857 = tpu.vector_load %arg9[%swap3A_855, %swap3A_856] {strides = array<i32>} : memref<640x64xf32, #tpu.memory_space<vmem>>, vector<16xf32>,
      tpu.vector_store %arg9[%swap3A_855, %swap3A_856], %gather3A_836 {strides = array<i32>} : memref<640x64xf32, #tpu.memory_space<vmem>>, vector<16xf32>,
      %mul3A_858 = arith.constant 16 : i32
      %mul3A_859 = arith.muli %scan3A_222, %mul3A_858 : i32
      %add3A_860 = arith.constant 15 : i32
      %add3A_861 = arith.addi %mul3A_859, %add3A_860 : i32
      %swap3A_862 = arith.index_cast %add3A_861 : i32 to index
      %swap3A_863 = arith.constant 48 : index
      %swap3A_864 = tpu.vector_load %arg9[%swap3A_862, %swap3A_863] {strides = array<i32>} : memref<640x64xf32, #tpu.memory_space<vmem>>, vector<16xf32>,
      tpu.vector_store %arg9[%swap3A_862, %swap3A_863], %gather3A_836 {strides = array<i32>} : memref<640x64xf32, #tpu.memory_space<vmem>>, vector<16xf32>,
    }
    %scan3A_219 = arith.constant 40 : i32
    %mul3A_220 = arith.constant 640 : i32
    %mul3A_221 = arith.muli %arg1, %mul3A_220 : i32
    "tpu.region"() ({
      %run_scoped3A_222 = tpu.sem_alloc : memref<!tpu.dma_semaphore, #tpu.memory_space<semaphore_mem>>
      %dma_start3A = arith.constant 0 : i32
      %dma_start3A_223 = tpu.memref_slice %arg4[%arg0, %mul3A_221, %dma_start3A] : memref<2x10240x64xf32, #tpu.memory_space<hbm>> -> memref<1x640x64xf32, #tpu.memory_space<hbm>>
      %dma_start3A_224 = tpu.memref_squeeze %dma_start3A_223 : memref<1x640x64xf32, #tpu.memory_space<hbm>> -> memref<640x64xf32, #tpu.memory_space<hbm>>
      %dma_start3A_225 = arith.constant 0 : i32
      %dma_start3A_226 = tpu.memref_slice %arg4[%arg0, %mul3A_221, %dma_start3A_225] : memref<2x10240x64xf32, #tpu.memory_space<hbm>> -> memref<1x640x64xf32, #tpu.memory_space<hbm>>
      %dma_start3A_227 = tpu.memref_squeeze %dma_start3A_226 : memref<1x640x64xf32, #tpu.memory_space<hbm>> -> memref<640x64xf32, #tpu.memory_space<hbm>>
      tpu.enqueue_dma source(%arg9 : memref<640x64xf32, #tpu.memory_space<vmem>>) target(%dma_start3A_227 : memref<640x64xf32, #tpu.memory_space<hbm>>) target_semaphore(%run_scoped3A_222 : memref<!tpu.dma_semaphore, #tpu.memory_space<semaphore_mem>>)
      %dma_wait3A = arith.constant 0 : i32
      %dma_wait3A_228 = tpu.memref_slice %arg4[%arg0, %mul3A_221, %dma_wait3A] : memref<2x10240x64xf32, #tpu.memory_space<hbm>> -> memref<1x640x64xf32, #tpu.memory_space<hbm>>
      %dma_wait3A_229 = tpu.memref_squeeze %dma_wait3A_228 : memref<1x640x64xf32, #tpu.memory_space<hbm>> -> memref<640x64xf32, #tpu.memory_space<hbm>>
      %dma_wait3A_230 = arith.constant 0 : i32
      %dma_wait3A_231 = tpu.memref_slice %arg4[%arg0, %mul3A_221, %dma_wait3A_230] : memref<2x10240x64xf32, #tpu.memory_space<hbm>> -> memref<1x640x64xf32, #tpu.memory_space<hbm>>
      %dma_wait3A_232 = tpu.memref_squeeze %dma_wait3A_231 : memref<1x640x64xf32, #tpu.memory_space<hbm>> -> memref<640x64xf32, #tpu.memory_space<hbm>>
      tpu.wait_dma2 semaphore(%run_scoped3A_222 : memref<!tpu.dma_semaphore, #tpu.memory_space<semaphore_mem>>) src(%arg9 : memref<640x64xf32, #tpu.memory_space<vmem>>) dst(%dma_wait3A_232 : memref<640x64xf32, #tpu.memory_space<hbm>>)
      tpu.yield
    }) : () -> ()
    return
  }
}

#map = affine_map<(d0, d1) -> (0, 0)>
#map1 = affine_map<(d0, d1) -> (0, 0, 0, 0)>
#map2 = affine_map<(d0, d1) -> (0, 0, 0)>
module attributes {stable_mosaic.version = 14 : i64} {
  func.func @_mp_body(%arg0: i32, %arg1: i32, %arg2: memref<10240x64xf32, #tpu.memory_space<hbm>>, %arg3: memref<2x32x125x80xi32, #tpu.memory_space<hbm>>, %arg4: memref<2x10240x64xf32, #tpu.memory_space<hbm>>, %arg5: memref<125x80xi32, #tpu.memory_space<vmem>>, %arg6: memref<125x80xi32, #tpu.memory_space<vmem>>, %arg7: memref<5x80x64xf32, #tpu.memory_space<vmem>>, %arg8: memref<10240x64xf32, #tpu.memory_space<vmem_shared>>, %arg9: memref<5x!tpu.dma_semaphore, #tpu.memory_space<semaphore_mem>>, %arg10: memref<5x!tpu.dma_semaphore, #tpu.memory_space<semaphore_mem>>) attributes {dimension_semantics = [#tpu.dimension_semantics<core_parallel>, #tpu.dimension_semantics<subcore_parallel>], iteration_bounds = array<i64: 2, 16>, scalar_prefetch = 0 : i64, scratch_operands = 6 : i64, tpu.core_type = #tpu.core_type<sc_vector_subcore>, window_params = [{transform_indices = #map}, {transform_indices = #map1}, {transform_indices = #map2}]} {
    %mul3A = arith.constant 16 : i32
    %mul3A_0 = arith.muli %arg0, %mul3A : i32
    %add3A = arith.addi %mul3A_0, %arg1 : i32
    %mul3A_1 = arith.constant 640 : i32
    %mul3A_2 = arith.muli %arg1, %mul3A_1 : i32
    %eq3A = arith.constant 0 : i32
    %eq3A_3 = arith.cmpi eq, %arg0, %eq3A : i32
    %convert_element_type3A = arith.extui %eq3A_3 : i1 to i32
    %cond3A = arith.constant 0 : i32
    %cond3A_4 = arith.cmpi ne, %convert_element_type3A, %cond3A : i32
    scf.if %cond3A_4 {
      "tpu.region"() ({
        %run_scoped3A_165 = tpu.sem_alloc : memref<!tpu.dma_semaphore, #tpu.memory_space<semaphore_mem>>
        %dma_start3A_166 = arith.constant 0 : i32
        %dma_start3A_167 = tpu.memref_slice %arg8[%mul3A_2, %dma_start3A_166] : memref<10240x64xf32, #tpu.memory_space<vmem_shared>> -> memref<640x64xf32, #tpu.memory_space<vmem_shared>>
        %dma_start3A_168 = arith.constant 0 : i32
        %dma_start3A_169 = tpu.memref_slice %arg2[%mul3A_2, %dma_start3A_168] : memref<10240x64xf32, #tpu.memory_space<hbm>> -> memref<640x64xf32, #tpu.memory_space<hbm>>
        tpu.enqueue_dma source(%dma_start3A_169 : memref<640x64xf32, #tpu.memory_space<hbm>>) target(%dma_start3A_167 : memref<640x64xf32, #tpu.memory_space<vmem_shared>>) target_semaphore(%run_scoped3A_165 : memref<!tpu.dma_semaphore, #tpu.memory_space<semaphore_mem>>)
        %dma_wait3A_170 = arith.constant 0 : i32
        %dma_wait3A_171 = tpu.memref_slice %arg8[%mul3A_2, %dma_wait3A_170] : memref<10240x64xf32, #tpu.memory_space<vmem_shared>> -> memref<640x64xf32, #tpu.memory_space<vmem_shared>>
        %dma_wait3A_172 = arith.constant 0 : i32
        %dma_wait3A_173 = tpu.memref_slice %arg2[%mul3A_2, %dma_wait3A_172] : memref<10240x64xf32, #tpu.memory_space<hbm>> -> memref<640x64xf32, #tpu.memory_space<hbm>>
        tpu.wait_dma2 semaphore(%run_scoped3A_165 : memref<!tpu.dma_semaphore, #tpu.memory_space<semaphore_mem>>) src(%dma_wait3A_173 : memref<640x64xf32, #tpu.memory_space<hbm>>) dst(%dma_wait3A_171 : memref<640x64xf32, #tpu.memory_space<vmem_shared>>)
        tpu.yield
      }) : () -> ()
    } else {
    }
    %eq3A_5 = arith.constant 1 : i32
    %eq3A_6 = arith.cmpi eq, %arg0, %eq3A_5 : i32
    %convert_element_type3A_7 = arith.extui %eq3A_6 : i1 to i32
    %cond3A_8 = arith.constant 0 : i32
    %cond3A_9 = arith.cmpi ne, %convert_element_type3A_7, %cond3A_8 : i32
    scf.if %cond3A_9 {
      %broadcast_in_dim3A = arith.constant 0.000000e+00 : f32
      %broadcast_in_dim3A_165 = vector.broadcast %broadcast_in_dim3A : f32 to vector<16xf32>
      %scan3A_166 = arith.constant 0 : i32
      %scan3A_167 = arith.constant 0 : i32
      %scan3A_168 = arith.constant 80 : i32
      %scan3A_169 = arith.addi %scan3A_167, %scan3A_168 : i32
      %scan3A_170 = arith.constant 1 : i32
      scf.for %scan3A_196 = %scan3A_167 to %scan3A_169 step %scan3A_170  : i32 {
        %swap3A = arith.constant 0 : i32
        %swap3A_197 = arith.index_cast %swap3A : i32 to index
        %swap3A_198 = arith.index_cast %scan3A_196 : i32 to index
        %swap3A_199 = arith.constant 0 : index
        %swap3A_200 = tpu.vector_load %arg7[%swap3A_197, %swap3A_198, %swap3A_199] {strides = array<i32>} : memref<5x80x64xf32, #tpu.memory_space<vmem>>, vector<16xf32>,
        tpu.vector_store %arg7[%swap3A_197, %swap3A_198, %swap3A_199], %broadcast_in_dim3A_165 {strides = array<i32>} : memref<5x80x64xf32, #tpu.memory_space<vmem>>, vector<16xf32>,
        %swap3A_201 = arith.constant 0 : i32
        %swap3A_202 = arith.index_cast %swap3A_201 : i32 to index
        %swap3A_203 = arith.index_cast %scan3A_196 : i32 to index
        %swap3A_204 = arith.constant 16 : index
        %swap3A_205 = tpu.vector_load %arg7[%swap3A_202, %swap3A_203, %swap3A_204] {strides = array<i32>} : memref<5x80x64xf32, #tpu.memory_space<vmem>>, vector<16xf32>,
        tpu.vector_store %arg7[%swap3A_202, %swap3A_203, %swap3A_204], %broadcast_in_dim3A_165 {strides = array<i32>} : memref<5x80x64xf32, #tpu.memory_space<vmem>>, vector<16xf32>,
        %swap3A_206 = arith.constant 0 : i32
        %swap3A_207 = arith.index_cast %swap3A_206 : i32 to index
        %swap3A_208 = arith.index_cast %scan3A_196 : i32 to index
        %swap3A_209 = arith.constant 32 : index
        %swap3A_210 = tpu.vector_load %arg7[%swap3A_207, %swap3A_208, %swap3A_209] {strides = array<i32>} : memref<5x80x64xf32, #tpu.memory_space<vmem>>, vector<16xf32>,
        tpu.vector_store %arg7[%swap3A_207, %swap3A_208, %swap3A_209], %broadcast_in_dim3A_165 {strides = array<i32>} : memref<5x80x64xf32, #tpu.memory_space<vmem>>, vector<16xf32>,
        %swap3A_211 = arith.constant 0 : i32
        %swap3A_212 = arith.index_cast %swap3A_211 : i32 to index
        %swap3A_213 = arith.index_cast %scan3A_196 : i32 to index
        %swap3A_214 = arith.constant 48 : index
        %swap3A_215 = tpu.vector_load %arg7[%swap3A_212, %swap3A_213, %swap3A_214] {strides = array<i32>} : memref<5x80x64xf32, #tpu.memory_space<vmem>>, vector<16xf32>,
        tpu.vector_store %arg7[%swap3A_212, %swap3A_213, %swap3A_214], %broadcast_in_dim3A_165 {strides = array<i32>} : memref<5x80x64xf32, #tpu.memory_space<vmem>>, vector<16xf32>,
      }
      %scan3A_171 = arith.constant 80 : i32
      %add3A_172 = arith.constant 0 : i32
      %add3A_173 = arith.addi %mul3A_2, %add3A_172 : i32
      %run_scoped3A_174 = arith.constant 0 : i32
      "tpu.region"() ({
        %run_scoped3A_196 = tpu.sem_alloc : memref<!tpu.dma_semaphore, #tpu.memory_space<semaphore_mem>>
        %dma_start3A_197 = arith.constant 0 : i32
        %dma_start3A_198 = arith.constant 0 : i32
        %dma_start3A_199 = tpu.memref_slice %arg7[%run_scoped3A_174, %dma_start3A_197, %dma_start3A_198] : memref<5x80x64xf32, #tpu.memory_space<vmem>> -> memref<1x80x64xf32, #tpu.memory_space<vmem>>
        %dma_start3A_200 = tpu.memref_squeeze %dma_start3A_199 : memref<1x80x64xf32, #tpu.memory_space<vmem>> -> memref<80x64xf32, #tpu.memory_space<vmem>>
        %dma_start3A_201 = arith.constant 0 : i32
        %dma_start3A_202 = tpu.memref_slice %arg8[%add3A_173, %dma_start3A_201] : memref<10240x64xf32, #tpu.memory_space<vmem_shared>> -> memref<80x64xf32, #tpu.memory_space<vmem_shared>>
        %dma_start3A_203 = arith.constant 0 : i32
        %dma_start3A_204 = tpu.memref_slice %arg8[%add3A_173, %dma_start3A_203] : memref<10240x64xf32, #tpu.memory_space<vmem_shared>> -> memref<80x64xf32, #tpu.memory_space<vmem_shared>>
        %dma_start3A_205 = arith.constant 0 : i32
        %dma_start3A_206 = arith.constant 0 : i32
        %dma_start3A_207 = tpu.memref_slice %arg7[%run_scoped3A_174, %dma_start3A_205, %dma_start3A_206] : memref<5x80x64xf32, #tpu.memory_space<vmem>> -> memref<1x80x64xf32, #tpu.memory_space<vmem>>
        %dma_start3A_208 = tpu.memref_squeeze %dma_start3A_207 : memref<1x80x64xf32, #tpu.memory_space<vmem>> -> memref<80x64xf32, #tpu.memory_space<vmem>>
        tpu.enqueue_dma source(%dma_start3A_208 : memref<80x64xf32, #tpu.memory_space<vmem>>) target(%dma_start3A_204 : memref<80x64xf32, #tpu.memory_space<vmem_shared>>) target_semaphore(%run_scoped3A_196 : memref<!tpu.dma_semaphore, #tpu.memory_space<semaphore_mem>>)
        %dma_wait3A_209 = arith.constant 0 : i32
        %dma_wait3A_210 = arith.constant 0 : i32
        %dma_wait3A_211 = tpu.memref_slice %arg7[%run_scoped3A_174, %dma_wait3A_209, %dma_wait3A_210] : memref<5x80x64xf32, #tpu.memory_space<vmem>> -> memref<1x80x64xf32, #tpu.memory_space<vmem>>
        %dma_wait3A_212 = tpu.memref_squeeze %dma_wait3A_211 : memref<1x80x64xf32, #tpu.memory_space<vmem>> -> memref<80x64xf32, #tpu.memory_space<vmem>>
        %dma_wait3A_213 = arith.constant 0 : i32
        %dma_wait3A_214 = tpu.memref_slice %arg8[%add3A_173, %dma_wait3A_213] : memref<10240x64xf32, #tpu.memory_space<vmem_shared>> -> memref<80x64xf32, #tpu.memory_space<vmem_shared>>
        %dma_wait3A_215 = arith.constant 0 : i32
        %dma_wait3A_216 = tpu.memref_slice %arg8[%add3A_173, %dma_wait3A_215] : memref<10240x64xf32, #tpu.memory_space<vmem_shared>> -> memref<80x64xf32, #tpu.memory_space<vmem_shared>>
        %dma_wait3A_217 = arith.constant 0 : i32
        %dma_wait3A_218 = arith.constant 0 : i32
        %dma_wait3A_219 = tpu.memref_slice %arg7[%run_scoped3A_174, %dma_wait3A_217, %dma_wait3A_218] : memref<5x80x64xf32, #tpu.memory_space<vmem>> -> memref<1x80x64xf32, #tpu.memory_space<vmem>>
        %dma_wait3A_220 = tpu.memref_squeeze %dma_wait3A_219 : memref<1x80x64xf32, #tpu.memory_space<vmem>> -> memref<80x64xf32, #tpu.memory_space<vmem>>
        tpu.wait_dma2 semaphore(%run_scoped3A_196 : memref<!tpu.dma_semaphore, #tpu.memory_space<semaphore_mem>>) src(%dma_wait3A_220 : memref<80x64xf32, #tpu.memory_space<vmem>>) dst(%dma_wait3A_216 : memref<80x64xf32, #tpu.memory_space<vmem_shared>>)
        tpu.yield
      }) : () -> ()
      %add3A_175 = arith.constant 80 : i32
      %add3A_176 = arith.addi %mul3A_2, %add3A_175 : i32
      %run_scoped3A_177 = arith.constant 0 : i32
      "tpu.region"() ({
        %run_scoped3A_196 = tpu.sem_alloc : memref<!tpu.dma_semaphore, #tpu.memory_space<semaphore_mem>>
        %dma_start3A_197 = arith.constant 0 : i32
        %dma_start3A_198 = arith.constant 0 : i32
        %dma_start3A_199 = tpu.memref_slice %arg7[%run_scoped3A_177, %dma_start3A_197, %dma_start3A_198] : memref<5x80x64xf32, #tpu.memory_space<vmem>> -> memref<1x80x64xf32, #tpu.memory_space<vmem>>
        %dma_start3A_200 = tpu.memref_squeeze %dma_start3A_199 : memref<1x80x64xf32, #tpu.memory_space<vmem>> -> memref<80x64xf32, #tpu.memory_space<vmem>>
        %dma_start3A_201 = arith.constant 0 : i32
        %dma_start3A_202 = tpu.memref_slice %arg8[%add3A_176, %dma_start3A_201] : memref<10240x64xf32, #tpu.memory_space<vmem_shared>> -> memref<80x64xf32, #tpu.memory_space<vmem_shared>>
        %dma_start3A_203 = arith.constant 0 : i32
        %dma_start3A_204 = tpu.memref_slice %arg8[%add3A_176, %dma_start3A_203] : memref<10240x64xf32, #tpu.memory_space<vmem_shared>> -> memref<80x64xf32, #tpu.memory_space<vmem_shared>>
        %dma_start3A_205 = arith.constant 0 : i32
        %dma_start3A_206 = arith.constant 0 : i32
        %dma_start3A_207 = tpu.memref_slice %arg7[%run_scoped3A_177, %dma_start3A_205, %dma_start3A_206] : memref<5x80x64xf32, #tpu.memory_space<vmem>> -> memref<1x80x64xf32, #tpu.memory_space<vmem>>
        %dma_start3A_208 = tpu.memref_squeeze %dma_start3A_207 : memref<1x80x64xf32, #tpu.memory_space<vmem>> -> memref<80x64xf32, #tpu.memory_space<vmem>>
        tpu.enqueue_dma source(%dma_start3A_208 : memref<80x64xf32, #tpu.memory_space<vmem>>) target(%dma_start3A_204 : memref<80x64xf32, #tpu.memory_space<vmem_shared>>) target_semaphore(%run_scoped3A_196 : memref<!tpu.dma_semaphore, #tpu.memory_space<semaphore_mem>>)
        %dma_wait3A_209 = arith.constant 0 : i32
        %dma_wait3A_210 = arith.constant 0 : i32
        %dma_wait3A_211 = tpu.memref_slice %arg7[%run_scoped3A_177, %dma_wait3A_209, %dma_wait3A_210] : memref<5x80x64xf32, #tpu.memory_space<vmem>> -> memref<1x80x64xf32, #tpu.memory_space<vmem>>
        %dma_wait3A_212 = tpu.memref_squeeze %dma_wait3A_211 : memref<1x80x64xf32, #tpu.memory_space<vmem>> -> memref<80x64xf32, #tpu.memory_space<vmem>>
        %dma_wait3A_213 = arith.constant 0 : i32
        %dma_wait3A_214 = tpu.memref_slice %arg8[%add3A_176, %dma_wait3A_213] : memref<10240x64xf32, #tpu.memory_space<vmem_shared>> -> memref<80x64xf32, #tpu.memory_space<vmem_shared>>
        %dma_wait3A_215 = arith.constant 0 : i32
        %dma_wait3A_216 = tpu.memref_slice %arg8[%add3A_176, %dma_wait3A_215] : memref<10240x64xf32, #tpu.memory_space<vmem_shared>> -> memref<80x64xf32, #tpu.memory_space<vmem_shared>>
        %dma_wait3A_217 = arith.constant 0 : i32
        %dma_wait3A_218 = arith.constant 0 : i32
        %dma_wait3A_219 = tpu.memref_slice %arg7[%run_scoped3A_177, %dma_wait3A_217, %dma_wait3A_218] : memref<5x80x64xf32, #tpu.memory_space<vmem>> -> memref<1x80x64xf32, #tpu.memory_space<vmem>>
        %dma_wait3A_220 = tpu.memref_squeeze %dma_wait3A_219 : memref<1x80x64xf32, #tpu.memory_space<vmem>> -> memref<80x64xf32, #tpu.memory_space<vmem>>
        tpu.wait_dma2 semaphore(%run_scoped3A_196 : memref<!tpu.dma_semaphore, #tpu.memory_space<semaphore_mem>>) src(%dma_wait3A_220 : memref<80x64xf32, #tpu.memory_space<vmem>>) dst(%dma_wait3A_216 : memref<80x64xf32, #tpu.memory_space<vmem_shared>>)
        tpu.yield
      }) : () -> ()
      %add3A_178 = arith.constant 160 : i32
      %add3A_179 = arith.addi %mul3A_2, %add3A_178 : i32
      %run_scoped3A_180 = arith.constant 0 : i32
      "tpu.region"() ({
        %run_scoped3A_196 = tpu.sem_alloc : memref<!tpu.dma_semaphore, #tpu.memory_space<semaphore_mem>>
        %dma_start3A_197 = arith.constant 0 : i32
        %dma_start3A_198 = arith.constant 0 : i32
        %dma_start3A_199 = tpu.memref_slice %arg7[%run_scoped3A_180, %dma_start3A_197, %dma_start3A_198] : memref<5x80x64xf32, #tpu.memory_space<vmem>> -> memref<1x80x64xf32, #tpu.memory_space<vmem>>
        %dma_start3A_200 = tpu.memref_squeeze %dma_start3A_199 : memref<1x80x64xf32, #tpu.memory_space<vmem>> -> memref<80x64xf32, #tpu.memory_space<vmem>>
        %dma_start3A_201 = arith.constant 0 : i32
        %dma_start3A_202 = tpu.memref_slice %arg8[%add3A_179, %dma_start3A_201] : memref<10240x64xf32, #tpu.memory_space<vmem_shared>> -> memref<80x64xf32, #tpu.memory_space<vmem_shared>>
        %dma_start3A_203 = arith.constant 0 : i32
        %dma_start3A_204 = tpu.memref_slice %arg8[%add3A_179, %dma_start3A_203] : memref<10240x64xf32, #tpu.memory_space<vmem_shared>> -> memref<80x64xf32, #tpu.memory_space<vmem_shared>>
        %dma_start3A_205 = arith.constant 0 : i32
        %dma_start3A_206 = arith.constant 0 : i32
        %dma_start3A_207 = tpu.memref_slice %arg7[%run_scoped3A_180, %dma_start3A_205, %dma_start3A_206] : memref<5x80x64xf32, #tpu.memory_space<vmem>> -> memref<1x80x64xf32, #tpu.memory_space<vmem>>
        %dma_start3A_208 = tpu.memref_squeeze %dma_start3A_207 : memref<1x80x64xf32, #tpu.memory_space<vmem>> -> memref<80x64xf32, #tpu.memory_space<vmem>>
        tpu.enqueue_dma source(%dma_start3A_208 : memref<80x64xf32, #tpu.memory_space<vmem>>) target(%dma_start3A_204 : memref<80x64xf32, #tpu.memory_space<vmem_shared>>) target_semaphore(%run_scoped3A_196 : memref<!tpu.dma_semaphore, #tpu.memory_space<semaphore_mem>>)
        %dma_wait3A_209 = arith.constant 0 : i32
        %dma_wait3A_210 = arith.constant 0 : i32
        %dma_wait3A_211 = tpu.memref_slice %arg7[%run_scoped3A_180, %dma_wait3A_209, %dma_wait3A_210] : memref<5x80x64xf32, #tpu.memory_space<vmem>> -> memref<1x80x64xf32, #tpu.memory_space<vmem>>
        %dma_wait3A_212 = tpu.memref_squeeze %dma_wait3A_211 : memref<1x80x64xf32, #tpu.memory_space<vmem>> -> memref<80x64xf32, #tpu.memory_space<vmem>>
        %dma_wait3A_213 = arith.constant 0 : i32
        %dma_wait3A_214 = tpu.memref_slice %arg8[%add3A_179, %dma_wait3A_213] : memref<10240x64xf32, #tpu.memory_space<vmem_shared>> -> memref<80x64xf32, #tpu.memory_space<vmem_shared>>
        %dma_wait3A_215 = arith.constant 0 : i32
        %dma_wait3A_216 = tpu.memref_slice %arg8[%add3A_179, %dma_wait3A_215] : memref<10240x64xf32, #tpu.memory_space<vmem_shared>> -> memref<80x64xf32, #tpu.memory_space<vmem_shared>>
        %dma_wait3A_217 = arith.constant 0 : i32
        %dma_wait3A_218 = arith.constant 0 : i32
        %dma_wait3A_219 = tpu.memref_slice %arg7[%run_scoped3A_180, %dma_wait3A_217, %dma_wait3A_218] : memref<5x80x64xf32, #tpu.memory_space<vmem>> -> memref<1x80x64xf32, #tpu.memory_space<vmem>>
        %dma_wait3A_220 = tpu.memref_squeeze %dma_wait3A_219 : memref<1x80x64xf32, #tpu.memory_space<vmem>> -> memref<80x64xf32, #tpu.memory_space<vmem>>
        tpu.wait_dma2 semaphore(%run_scoped3A_196 : memref<!tpu.dma_semaphore, #tpu.memory_space<semaphore_mem>>) src(%dma_wait3A_220 : memref<80x64xf32, #tpu.memory_space<vmem>>) dst(%dma_wait3A_216 : memref<80x64xf32, #tpu.memory_space<vmem_shared>>)
        tpu.yield
      }) : () -> ()
      %add3A_181 = arith.constant 240 : i32
      %add3A_182 = arith.addi %mul3A_2, %add3A_181 : i32
      %run_scoped3A_183 = arith.constant 0 : i32
      "tpu.region"() ({
        %run_scoped3A_196 = tpu.sem_alloc : memref<!tpu.dma_semaphore, #tpu.memory_space<semaphore_mem>>
        %dma_start3A_197 = arith.constant 0 : i32
        %dma_start3A_198 = arith.constant 0 : i32
        %dma_start3A_199 = tpu.memref_slice %arg7[%run_scoped3A_183, %dma_start3A_197, %dma_start3A_198] : memref<5x80x64xf32, #tpu.memory_space<vmem>> -> memref<1x80x64xf32, #tpu.memory_space<vmem>>
        %dma_start3A_200 = tpu.memref_squeeze %dma_start3A_199 : memref<1x80x64xf32, #tpu.memory_space<vmem>> -> memref<80x64xf32, #tpu.memory_space<vmem>>
        %dma_start3A_201 = arith.constant 0 : i32
        %dma_start3A_202 = tpu.memref_slice %arg8[%add3A_182, %dma_start3A_201] : memref<10240x64xf32, #tpu.memory_space<vmem_shared>> -> memref<80x64xf32, #tpu.memory_space<vmem_shared>>
        %dma_start3A_203 = arith.constant 0 : i32
        %dma_start3A_204 = tpu.memref_slice %arg8[%add3A_182, %dma_start3A_203] : memref<10240x64xf32, #tpu.memory_space<vmem_shared>> -> memref<80x64xf32, #tpu.memory_space<vmem_shared>>
        %dma_start3A_205 = arith.constant 0 : i32
        %dma_start3A_206 = arith.constant 0 : i32
        %dma_start3A_207 = tpu.memref_slice %arg7[%run_scoped3A_183, %dma_start3A_205, %dma_start3A_206] : memref<5x80x64xf32, #tpu.memory_space<vmem>> -> memref<1x80x64xf32, #tpu.memory_space<vmem>>
        %dma_start3A_208 = tpu.memref_squeeze %dma_start3A_207 : memref<1x80x64xf32, #tpu.memory_space<vmem>> -> memref<80x64xf32, #tpu.memory_space<vmem>>
        tpu.enqueue_dma source(%dma_start3A_208 : memref<80x64xf32, #tpu.memory_space<vmem>>) target(%dma_start3A_204 : memref<80x64xf32, #tpu.memory_space<vmem_shared>>) target_semaphore(%run_scoped3A_196 : memref<!tpu.dma_semaphore, #tpu.memory_space<semaphore_mem>>)
        %dma_wait3A_209 = arith.constant 0 : i32
        %dma_wait3A_210 = arith.constant 0 : i32
        %dma_wait3A_211 = tpu.memref_slice %arg7[%run_scoped3A_183, %dma_wait3A_209, %dma_wait3A_210] : memref<5x80x64xf32, #tpu.memory_space<vmem>> -> memref<1x80x64xf32, #tpu.memory_space<vmem>>
        %dma_wait3A_212 = tpu.memref_squeeze %dma_wait3A_211 : memref<1x80x64xf32, #tpu.memory_space<vmem>> -> memref<80x64xf32, #tpu.memory_space<vmem>>
        %dma_wait3A_213 = arith.constant 0 : i32
        %dma_wait3A_214 = tpu.memref_slice %arg8[%add3A_182, %dma_wait3A_213] : memref<10240x64xf32, #tpu.memory_space<vmem_shared>> -> memref<80x64xf32, #tpu.memory_space<vmem_shared>>
        %dma_wait3A_215 = arith.constant 0 : i32
        %dma_wait3A_216 = tpu.memref_slice %arg8[%add3A_182, %dma_wait3A_215] : memref<10240x64xf32, #tpu.memory_space<vmem_shared>> -> memref<80x64xf32, #tpu.memory_space<vmem_shared>>
        %dma_wait3A_217 = arith.constant 0 : i32
        %dma_wait3A_218 = arith.constant 0 : i32
        %dma_wait3A_219 = tpu.memref_slice %arg7[%run_scoped3A_183, %dma_wait3A_217, %dma_wait3A_218] : memref<5x80x64xf32, #tpu.memory_space<vmem>> -> memref<1x80x64xf32, #tpu.memory_space<vmem>>
        %dma_wait3A_220 = tpu.memref_squeeze %dma_wait3A_219 : memref<1x80x64xf32, #tpu.memory_space<vmem>> -> memref<80x64xf32, #tpu.memory_space<vmem>>
        tpu.wait_dma2 semaphore(%run_scoped3A_196 : memref<!tpu.dma_semaphore, #tpu.memory_space<semaphore_mem>>) src(%dma_wait3A_220 : memref<80x64xf32, #tpu.memory_space<vmem>>) dst(%dma_wait3A_216 : memref<80x64xf32, #tpu.memory_space<vmem_shared>>)
        tpu.yield
      }) : () -> ()
      %add3A_184 = arith.constant 320 : i32
      %add3A_185 = arith.addi %mul3A_2, %add3A_184 : i32
      %run_scoped3A_186 = arith.constant 0 : i32
      "tpu.region"() ({
        %run_scoped3A_196 = tpu.sem_alloc : memref<!tpu.dma_semaphore, #tpu.memory_space<semaphore_mem>>
        %dma_start3A_197 = arith.constant 0 : i32
        %dma_start3A_198 = arith.constant 0 : i32
        %dma_start3A_199 = tpu.memref_slice %arg7[%run_scoped3A_186, %dma_start3A_197, %dma_start3A_198] : memref<5x80x64xf32, #tpu.memory_space<vmem>> -> memref<1x80x64xf32, #tpu.memory_space<vmem>>
        %dma_start3A_200 = tpu.memref_squeeze %dma_start3A_199 : memref<1x80x64xf32, #tpu.memory_space<vmem>> -> memref<80x64xf32, #tpu.memory_space<vmem>>
        %dma_start3A_201 = arith.constant 0 : i32
        %dma_start3A_202 = tpu.memref_slice %arg8[%add3A_185, %dma_start3A_201] : memref<10240x64xf32, #tpu.memory_space<vmem_shared>> -> memref<80x64xf32, #tpu.memory_space<vmem_shared>>
        %dma_start3A_203 = arith.constant 0 : i32
        %dma_start3A_204 = tpu.memref_slice %arg8[%add3A_185, %dma_start3A_203] : memref<10240x64xf32, #tpu.memory_space<vmem_shared>> -> memref<80x64xf32, #tpu.memory_space<vmem_shared>>
        %dma_start3A_205 = arith.constant 0 : i32
        %dma_start3A_206 = arith.constant 0 : i32
        %dma_start3A_207 = tpu.memref_slice %arg7[%run_scoped3A_186, %dma_start3A_205, %dma_start3A_206] : memref<5x80x64xf32, #tpu.memory_space<vmem>> -> memref<1x80x64xf32, #tpu.memory_space<vmem>>
        %dma_start3A_208 = tpu.memref_squeeze %dma_start3A_207 : memref<1x80x64xf32, #tpu.memory_space<vmem>> -> memref<80x64xf32, #tpu.memory_space<vmem>>
        tpu.enqueue_dma source(%dma_start3A_208 : memref<80x64xf32, #tpu.memory_space<vmem>>) target(%dma_start3A_204 : memref<80x64xf32, #tpu.memory_space<vmem_shared>>) target_semaphore(%run_scoped3A_196 : memref<!tpu.dma_semaphore, #tpu.memory_space<semaphore_mem>>)
        %dma_wait3A_209 = arith.constant 0 : i32
        %dma_wait3A_210 = arith.constant 0 : i32
        %dma_wait3A_211 = tpu.memref_slice %arg7[%run_scoped3A_186, %dma_wait3A_209, %dma_wait3A_210] : memref<5x80x64xf32, #tpu.memory_space<vmem>> -> memref<1x80x64xf32, #tpu.memory_space<vmem>>
        %dma_wait3A_212 = tpu.memref_squeeze %dma_wait3A_211 : memref<1x80x64xf32, #tpu.memory_space<vmem>> -> memref<80x64xf32, #tpu.memory_space<vmem>>
        %dma_wait3A_213 = arith.constant 0 : i32
        %dma_wait3A_214 = tpu.memref_slice %arg8[%add3A_185, %dma_wait3A_213] : memref<10240x64xf32, #tpu.memory_space<vmem_shared>> -> memref<80x64xf32, #tpu.memory_space<vmem_shared>>
        %dma_wait3A_215 = arith.constant 0 : i32
        %dma_wait3A_216 = tpu.memref_slice %arg8[%add3A_185, %dma_wait3A_215] : memref<10240x64xf32, #tpu.memory_space<vmem_shared>> -> memref<80x64xf32, #tpu.memory_space<vmem_shared>>
        %dma_wait3A_217 = arith.constant 0 : i32
        %dma_wait3A_218 = arith.constant 0 : i32
        %dma_wait3A_219 = tpu.memref_slice %arg7[%run_scoped3A_186, %dma_wait3A_217, %dma_wait3A_218] : memref<5x80x64xf32, #tpu.memory_space<vmem>> -> memref<1x80x64xf32, #tpu.memory_space<vmem>>
        %dma_wait3A_220 = tpu.memref_squeeze %dma_wait3A_219 : memref<1x80x64xf32, #tpu.memory_space<vmem>> -> memref<80x64xf32, #tpu.memory_space<vmem>>
        tpu.wait_dma2 semaphore(%run_scoped3A_196 : memref<!tpu.dma_semaphore, #tpu.memory_space<semaphore_mem>>) src(%dma_wait3A_220 : memref<80x64xf32, #tpu.memory_space<vmem>>) dst(%dma_wait3A_216 : memref<80x64xf32, #tpu.memory_space<vmem_shared>>)
        tpu.yield
      }) : () -> ()
      %add3A_187 = arith.constant 400 : i32
      %add3A_188 = arith.addi %mul3A_2, %add3A_187 : i32
      %run_scoped3A_189 = arith.constant 0 : i32
      "tpu.region"() ({
        %run_scoped3A_196 = tpu.sem_alloc : memref<!tpu.dma_semaphore, #tpu.memory_space<semaphore_mem>>
        %dma_start3A_197 = arith.constant 0 : i32
        %dma_start3A_198 = arith.constant 0 : i32
        %dma_start3A_199 = tpu.memref_slice %arg7[%run_scoped3A_189, %dma_start3A_197, %dma_start3A_198] : memref<5x80x64xf32, #tpu.memory_space<vmem>> -> memref<1x80x64xf32, #tpu.memory_space<vmem>>
        %dma_start3A_200 = tpu.memref_squeeze %dma_start3A_199 : memref<1x80x64xf32, #tpu.memory_space<vmem>> -> memref<80x64xf32, #tpu.memory_space<vmem>>
        %dma_start3A_201 = arith.constant 0 : i32
        %dma_start3A_202 = tpu.memref_slice %arg8[%add3A_188, %dma_start3A_201] : memref<10240x64xf32, #tpu.memory_space<vmem_shared>> -> memref<80x64xf32, #tpu.memory_space<vmem_shared>>
        %dma_start3A_203 = arith.constant 0 : i32
        %dma_start3A_204 = tpu.memref_slice %arg8[%add3A_188, %dma_start3A_203] : memref<10240x64xf32, #tpu.memory_space<vmem_shared>> -> memref<80x64xf32, #tpu.memory_space<vmem_shared>>
        %dma_start3A_205 = arith.constant 0 : i32
        %dma_start3A_206 = arith.constant 0 : i32
        %dma_start3A_207 = tpu.memref_slice %arg7[%run_scoped3A_189, %dma_start3A_205, %dma_start3A_206] : memref<5x80x64xf32, #tpu.memory_space<vmem>> -> memref<1x80x64xf32, #tpu.memory_space<vmem>>
        %dma_start3A_208 = tpu.memref_squeeze %dma_start3A_207 : memref<1x80x64xf32, #tpu.memory_space<vmem>> -> memref<80x64xf32, #tpu.memory_space<vmem>>
        tpu.enqueue_dma source(%dma_start3A_208 : memref<80x64xf32, #tpu.memory_space<vmem>>) target(%dma_start3A_204 : memref<80x64xf32, #tpu.memory_space<vmem_shared>>) target_semaphore(%run_scoped3A_196 : memref<!tpu.dma_semaphore, #tpu.memory_space<semaphore_mem>>)
        %dma_wait3A_209 = arith.constant 0 : i32
        %dma_wait3A_210 = arith.constant 0 : i32
        %dma_wait3A_211 = tpu.memref_slice %arg7[%run_scoped3A_189, %dma_wait3A_209, %dma_wait3A_210] : memref<5x80x64xf32, #tpu.memory_space<vmem>> -> memref<1x80x64xf32, #tpu.memory_space<vmem>>
        %dma_wait3A_212 = tpu.memref_squeeze %dma_wait3A_211 : memref<1x80x64xf32, #tpu.memory_space<vmem>> -> memref<80x64xf32, #tpu.memory_space<vmem>>
        %dma_wait3A_213 = arith.constant 0 : i32
        %dma_wait3A_214 = tpu.memref_slice %arg8[%add3A_188, %dma_wait3A_213] : memref<10240x64xf32, #tpu.memory_space<vmem_shared>> -> memref<80x64xf32, #tpu.memory_space<vmem_shared>>
        %dma_wait3A_215 = arith.constant 0 : i32
        %dma_wait3A_216 = tpu.memref_slice %arg8[%add3A_188, %dma_wait3A_215] : memref<10240x64xf32, #tpu.memory_space<vmem_shared>> -> memref<80x64xf32, #tpu.memory_space<vmem_shared>>
        %dma_wait3A_217 = arith.constant 0 : i32
        %dma_wait3A_218 = arith.constant 0 : i32
        %dma_wait3A_219 = tpu.memref_slice %arg7[%run_scoped3A_189, %dma_wait3A_217, %dma_wait3A_218] : memref<5x80x64xf32, #tpu.memory_space<vmem>> -> memref<1x80x64xf32, #tpu.memory_space<vmem>>
        %dma_wait3A_220 = tpu.memref_squeeze %dma_wait3A_219 : memref<1x80x64xf32, #tpu.memory_space<vmem>> -> memref<80x64xf32, #tpu.memory_space<vmem>>
        tpu.wait_dma2 semaphore(%run_scoped3A_196 : memref<!tpu.dma_semaphore, #tpu.memory_space<semaphore_mem>>) src(%dma_wait3A_220 : memref<80x64xf32, #tpu.memory_space<vmem>>) dst(%dma_wait3A_216 : memref<80x64xf32, #tpu.memory_space<vmem_shared>>)
        tpu.yield
      }) : () -> ()
      %add3A_190 = arith.constant 480 : i32
      %add3A_191 = arith.addi %mul3A_2, %add3A_190 : i32
      %run_scoped3A_192 = arith.constant 0 : i32
      "tpu.region"() ({
        %run_scoped3A_196 = tpu.sem_alloc : memref<!tpu.dma_semaphore, #tpu.memory_space<semaphore_mem>>
        %dma_start3A_197 = arith.constant 0 : i32
        %dma_start3A_198 = arith.constant 0 : i32
        %dma_start3A_199 = tpu.memref_slice %arg7[%run_scoped3A_192, %dma_start3A_197, %dma_start3A_198] : memref<5x80x64xf32, #tpu.memory_space<vmem>> -> memref<1x80x64xf32, #tpu.memory_space<vmem>>
        %dma_start3A_200 = tpu.memref_squeeze %dma_start3A_199 : memref<1x80x64xf32, #tpu.memory_space<vmem>> -> memref<80x64xf32, #tpu.memory_space<vmem>>
        %dma_start3A_201 = arith.constant 0 : i32
        %dma_start3A_202 = tpu.memref_slice %arg8[%add3A_191, %dma_start3A_201] : memref<10240x64xf32, #tpu.memory_space<vmem_shared>> -> memref<80x64xf32, #tpu.memory_space<vmem_shared>>
        %dma_start3A_203 = arith.constant 0 : i32
        %dma_start3A_204 = tpu.memref_slice %arg8[%add3A_191, %dma_start3A_203] : memref<10240x64xf32, #tpu.memory_space<vmem_shared>> -> memref<80x64xf32, #tpu.memory_space<vmem_shared>>
        %dma_start3A_205 = arith.constant 0 : i32
        %dma_start3A_206 = arith.constant 0 : i32
        %dma_start3A_207 = tpu.memref_slice %arg7[%run_scoped3A_192, %dma_start3A_205, %dma_start3A_206] : memref<5x80x64xf32, #tpu.memory_space<vmem>> -> memref<1x80x64xf32, #tpu.memory_space<vmem>>
        %dma_start3A_208 = tpu.memref_squeeze %dma_start3A_207 : memref<1x80x64xf32, #tpu.memory_space<vmem>> -> memref<80x64xf32, #tpu.memory_space<vmem>>
        tpu.enqueue_dma source(%dma_start3A_208 : memref<80x64xf32, #tpu.memory_space<vmem>>) target(%dma_start3A_204 : memref<80x64xf32, #tpu.memory_space<vmem_shared>>) target_semaphore(%run_scoped3A_196 : memref<!tpu.dma_semaphore, #tpu.memory_space<semaphore_mem>>)
        %dma_wait3A_209 = arith.constant 0 : i32
        %dma_wait3A_210 = arith.constant 0 : i32
        %dma_wait3A_211 = tpu.memref_slice %arg7[%run_scoped3A_192, %dma_wait3A_209, %dma_wait3A_210] : memref<5x80x64xf32, #tpu.memory_space<vmem>> -> memref<1x80x64xf32, #tpu.memory_space<vmem>>
        %dma_wait3A_212 = tpu.memref_squeeze %dma_wait3A_211 : memref<1x80x64xf32, #tpu.memory_space<vmem>> -> memref<80x64xf32, #tpu.memory_space<vmem>>
        %dma_wait3A_213 = arith.constant 0 : i32
        %dma_wait3A_214 = tpu.memref_slice %arg8[%add3A_191, %dma_wait3A_213] : memref<10240x64xf32, #tpu.memory_space<vmem_shared>> -> memref<80x64xf32, #tpu.memory_space<vmem_shared>>
        %dma_wait3A_215 = arith.constant 0 : i32
        %dma_wait3A_216 = tpu.memref_slice %arg8[%add3A_191, %dma_wait3A_215] : memref<10240x64xf32, #tpu.memory_space<vmem_shared>> -> memref<80x64xf32, #tpu.memory_space<vmem_shared>>
        %dma_wait3A_217 = arith.constant 0 : i32
        %dma_wait3A_218 = arith.constant 0 : i32
        %dma_wait3A_219 = tpu.memref_slice %arg7[%run_scoped3A_192, %dma_wait3A_217, %dma_wait3A_218] : memref<5x80x64xf32, #tpu.memory_space<vmem>> -> memref<1x80x64xf32, #tpu.memory_space<vmem>>
        %dma_wait3A_220 = tpu.memref_squeeze %dma_wait3A_219 : memref<1x80x64xf32, #tpu.memory_space<vmem>> -> memref<80x64xf32, #tpu.memory_space<vmem>>
        tpu.wait_dma2 semaphore(%run_scoped3A_196 : memref<!tpu.dma_semaphore, #tpu.memory_space<semaphore_mem>>) src(%dma_wait3A_220 : memref<80x64xf32, #tpu.memory_space<vmem>>) dst(%dma_wait3A_216 : memref<80x64xf32, #tpu.memory_space<vmem_shared>>)
        tpu.yield
      }) : () -> ()
      %add3A_193 = arith.constant 560 : i32
      %add3A_194 = arith.addi %mul3A_2, %add3A_193 : i32
      %run_scoped3A_195 = arith.constant 0 : i32
      "tpu.region"() ({
        %run_scoped3A_196 = tpu.sem_alloc : memref<!tpu.dma_semaphore, #tpu.memory_space<semaphore_mem>>
        %dma_start3A_197 = arith.constant 0 : i32
        %dma_start3A_198 = arith.constant 0 : i32
        %dma_start3A_199 = tpu.memref_slice %arg7[%run_scoped3A_195, %dma_start3A_197, %dma_start3A_198] : memref<5x80x64xf32, #tpu.memory_space<vmem>> -> memref<1x80x64xf32, #tpu.memory_space<vmem>>
        %dma_start3A_200 = tpu.memref_squeeze %dma_start3A_199 : memref<1x80x64xf32, #tpu.memory_space<vmem>> -> memref<80x64xf32, #tpu.memory_space<vmem>>
        %dma_start3A_201 = arith.constant 0 : i32
        %dma_start3A_202 = tpu.memref_slice %arg8[%add3A_194, %dma_start3A_201] : memref<10240x64xf32, #tpu.memory_space<vmem_shared>> -> memref<80x64xf32, #tpu.memory_space<vmem_shared>>
        %dma_start3A_203 = arith.constant 0 : i32
        %dma_start3A_204 = tpu.memref_slice %arg8[%add3A_194, %dma_start3A_203] : memref<10240x64xf32, #tpu.memory_space<vmem_shared>> -> memref<80x64xf32, #tpu.memory_space<vmem_shared>>
        %dma_start3A_205 = arith.constant 0 : i32
        %dma_start3A_206 = arith.constant 0 : i32
        %dma_start3A_207 = tpu.memref_slice %arg7[%run_scoped3A_195, %dma_start3A_205, %dma_start3A_206] : memref<5x80x64xf32, #tpu.memory_space<vmem>> -> memref<1x80x64xf32, #tpu.memory_space<vmem>>
        %dma_start3A_208 = tpu.memref_squeeze %dma_start3A_207 : memref<1x80x64xf32, #tpu.memory_space<vmem>> -> memref<80x64xf32, #tpu.memory_space<vmem>>
        tpu.enqueue_dma source(%dma_start3A_208 : memref<80x64xf32, #tpu.memory_space<vmem>>) target(%dma_start3A_204 : memref<80x64xf32, #tpu.memory_space<vmem_shared>>) target_semaphore(%run_scoped3A_196 : memref<!tpu.dma_semaphore, #tpu.memory_space<semaphore_mem>>)
        %dma_wait3A_209 = arith.constant 0 : i32
        %dma_wait3A_210 = arith.constant 0 : i32
        %dma_wait3A_211 = tpu.memref_slice %arg7[%run_scoped3A_195, %dma_wait3A_209, %dma_wait3A_210] : memref<5x80x64xf32, #tpu.memory_space<vmem>> -> memref<1x80x64xf32, #tpu.memory_space<vmem>>
        %dma_wait3A_212 = tpu.memref_squeeze %dma_wait3A_211 : memref<1x80x64xf32, #tpu.memory_space<vmem>> -> memref<80x64xf32, #tpu.memory_space<vmem>>
        %dma_wait3A_213 = arith.constant 0 : i32
        %dma_wait3A_214 = tpu.memref_slice %arg8[%add3A_194, %dma_wait3A_213] : memref<10240x64xf32, #tpu.memory_space<vmem_shared>> -> memref<80x64xf32, #tpu.memory_space<vmem_shared>>
        %dma_wait3A_215 = arith.constant 0 : i32
        %dma_wait3A_216 = tpu.memref_slice %arg8[%add3A_194, %dma_wait3A_215] : memref<10240x64xf32, #tpu.memory_space<vmem_shared>> -> memref<80x64xf32, #tpu.memory_space<vmem_shared>>
        %dma_wait3A_217 = arith.constant 0 : i32
        %dma_wait3A_218 = arith.constant 0 : i32
        %dma_wait3A_219 = tpu.memref_slice %arg7[%run_scoped3A_195, %dma_wait3A_217, %dma_wait3A_218] : memref<5x80x64xf32, #tpu.memory_space<vmem>> -> memref<1x80x64xf32, #tpu.memory_space<vmem>>
        %dma_wait3A_220 = tpu.memref_squeeze %dma_wait3A_219 : memref<1x80x64xf32, #tpu.memory_space<vmem>> -> memref<80x64xf32, #tpu.memory_space<vmem>>
        tpu.wait_dma2 semaphore(%run_scoped3A_196 : memref<!tpu.dma_semaphore, #tpu.memory_space<semaphore_mem>>) src(%dma_wait3A_220 : memref<80x64xf32, #tpu.memory_space<vmem>>) dst(%dma_wait3A_216 : memref<80x64xf32, #tpu.memory_space<vmem_shared>>)
        tpu.yield
      }) : () -> ()
    } else {
    }
    %run_scoped3A = arith.constant 0 : i32
    "tpu.region"() ({
      %run_scoped3A_165 = tpu.sem_alloc : memref<!tpu.dma_semaphore, #tpu.memory_space<semaphore_mem>>
      %dma_start3A_166 = arith.constant 0 : i32
      %dma_start3A_167 = arith.constant 0 : i32
      %dma_start3A_168 = tpu.memref_slice %arg3[%run_scoped3A, %add3A, %dma_start3A_166, %dma_start3A_167] : memref<2x32x125x80xi32, #tpu.memory_space<hbm>> -> memref<1x1x125x80xi32, #tpu.memory_space<hbm>>
      %dma_start3A_169 = tpu.memref_squeeze %dma_start3A_168 : memref<1x1x125x80xi32, #tpu.memory_space<hbm>> -> memref<125x80xi32, #tpu.memory_space<hbm>>
      %dma_start3A_170 = arith.constant 0 : i32
      %dma_start3A_171 = arith.constant 0 : i32
      %dma_start3A_172 = tpu.memref_slice %arg3[%run_scoped3A, %add3A, %dma_start3A_170, %dma_start3A_171] : memref<2x32x125x80xi32, #tpu.memory_space<hbm>> -> memref<1x1x125x80xi32, #tpu.memory_space<hbm>>
      %dma_start3A_173 = tpu.memref_squeeze %dma_start3A_172 : memref<1x1x125x80xi32, #tpu.memory_space<hbm>> -> memref<125x80xi32, #tpu.memory_space<hbm>>
      tpu.enqueue_dma source(%dma_start3A_173 : memref<125x80xi32, #tpu.memory_space<hbm>>) target(%arg5 : memref<125x80xi32, #tpu.memory_space<vmem>>) target_semaphore(%run_scoped3A_165 : memref<!tpu.dma_semaphore, #tpu.memory_space<semaphore_mem>>)
      %dma_wait3A_174 = arith.constant 0 : i32
      %dma_wait3A_175 = arith.constant 0 : i32
      %dma_wait3A_176 = tpu.memref_slice %arg3[%run_scoped3A, %add3A, %dma_wait3A_174, %dma_wait3A_175] : memref<2x32x125x80xi32, #tpu.memory_space<hbm>> -> memref<1x1x125x80xi32, #tpu.memory_space<hbm>>
      %dma_wait3A_177 = tpu.memref_squeeze %dma_wait3A_176 : memref<1x1x125x80xi32, #tpu.memory_space<hbm>> -> memref<125x80xi32, #tpu.memory_space<hbm>>
      %dma_wait3A_178 = arith.constant 0 : i32
      %dma_wait3A_179 = arith.constant 0 : i32
      %dma_wait3A_180 = tpu.memref_slice %arg3[%run_scoped3A, %add3A, %dma_wait3A_178, %dma_wait3A_179] : memref<2x32x125x80xi32, #tpu.memory_space<hbm>> -> memref<1x1x125x80xi32, #tpu.memory_space<hbm>>
      %dma_wait3A_181 = tpu.memref_squeeze %dma_wait3A_180 : memref<1x1x125x80xi32, #tpu.memory_space<hbm>> -> memref<125x80xi32, #tpu.memory_space<hbm>>
      tpu.wait_dma2 semaphore(%run_scoped3A_165 : memref<!tpu.dma_semaphore, #tpu.memory_space<semaphore_mem>>) src(%dma_wait3A_181 : memref<125x80xi32, #tpu.memory_space<hbm>>) dst(%arg5 : memref<125x80xi32, #tpu.memory_space<vmem>>)
      tpu.yield
    }) : () -> ()
    %run_scoped3A_10 = arith.constant 1 : i32
    "tpu.region"() ({
      %run_scoped3A_165 = tpu.sem_alloc : memref<!tpu.dma_semaphore, #tpu.memory_space<semaphore_mem>>
      %dma_start3A_166 = arith.constant 0 : i32
      %dma_start3A_167 = arith.constant 0 : i32
      %dma_start3A_168 = tpu.memref_slice %arg3[%run_scoped3A_10, %add3A, %dma_start3A_166, %dma_start3A_167] : memref<2x32x125x80xi32, #tpu.memory_space<hbm>> -> memref<1x1x125x80xi32, #tpu.memory_space<hbm>>
      %dma_start3A_169 = tpu.memref_squeeze %dma_start3A_168 : memref<1x1x125x80xi32, #tpu.memory_space<hbm>> -> memref<125x80xi32, #tpu.memory_space<hbm>>
      %dma_start3A_170 = arith.constant 0 : i32
      %dma_start3A_171 = arith.constant 0 : i32
      %dma_start3A_172 = tpu.memref_slice %arg3[%run_scoped3A_10, %add3A, %dma_start3A_170, %dma_start3A_171] : memref<2x32x125x80xi32, #tpu.memory_space<hbm>> -> memref<1x1x125x80xi32, #tpu.memory_space<hbm>>
      %dma_start3A_173 = tpu.memref_squeeze %dma_start3A_172 : memref<1x1x125x80xi32, #tpu.memory_space<hbm>> -> memref<125x80xi32, #tpu.memory_space<hbm>>
      tpu.enqueue_dma source(%dma_start3A_173 : memref<125x80xi32, #tpu.memory_space<hbm>>) target(%arg6 : memref<125x80xi32, #tpu.memory_space<vmem>>) target_semaphore(%run_scoped3A_165 : memref<!tpu.dma_semaphore, #tpu.memory_space<semaphore_mem>>)
      %dma_wait3A_174 = arith.constant 0 : i32
      %dma_wait3A_175 = arith.constant 0 : i32
      %dma_wait3A_176 = tpu.memref_slice %arg3[%run_scoped3A_10, %add3A, %dma_wait3A_174, %dma_wait3A_175] : memref<2x32x125x80xi32, #tpu.memory_space<hbm>> -> memref<1x1x125x80xi32, #tpu.memory_space<hbm>>
      %dma_wait3A_177 = tpu.memref_squeeze %dma_wait3A_176 : memref<1x1x125x80xi32, #tpu.memory_space<hbm>> -> memref<125x80xi32, #tpu.memory_space<hbm>>
      %dma_wait3A_178 = arith.constant 0 : i32
      %dma_wait3A_179 = arith.constant 0 : i32
      %dma_wait3A_180 = tpu.memref_slice %arg3[%run_scoped3A_10, %add3A, %dma_wait3A_178, %dma_wait3A_179] : memref<2x32x125x80xi32, #tpu.memory_space<hbm>> -> memref<1x1x125x80xi32, #tpu.memory_space<hbm>>
      %dma_wait3A_181 = tpu.memref_squeeze %dma_wait3A_180 : memref<1x1x125x80xi32, #tpu.memory_space<hbm>> -> memref<125x80xi32, #tpu.memory_space<hbm>>
      tpu.wait_dma2 semaphore(%run_scoped3A_165 : memref<!tpu.dma_semaphore, #tpu.memory_space<semaphore_mem>>) src(%dma_wait3A_181 : memref<125x80xi32, #tpu.memory_space<hbm>>) dst(%arg6 : memref<125x80xi32, #tpu.memory_space<vmem>>)
      tpu.yield
    }) : () -> ()
    %barrier3A = arith.constant 0 : index
    tpu.barrier barrier_id(%barrier3A)
    %dma_start3A = arith.constant 0 : i32
    %dma_start3A_11 = arith.constant 0 : i32
    %dma_start3A_12 = arith.constant 0 : i32
    %dma_start3A_13 = arith.constant 0 : i32
    %dma_start3A_14 = arith.constant 0 : i32
    %dma_start3A_15 = tpu.memref_slice %arg7[%dma_start3A_11, %dma_start3A_13, %dma_start3A_14] : memref<5x80x64xf32, #tpu.memory_space<vmem>> -> memref<1x80x64xf32, #tpu.memory_space<vmem>>
    %dma_start3A_16 = tpu.memref_squeeze %dma_start3A_15 : memref<1x80x64xf32, #tpu.memory_space<vmem>> -> memref<80x64xf32, #tpu.memory_space<vmem>>
    %dma_start3A_17 = arith.constant 0 : i32
    %dma_start3A_18 = tpu.memref_slice %arg5[%dma_start3A, %dma_start3A_17] : memref<125x80xi32, #tpu.memory_space<vmem>> -> memref<1x80xi32, #tpu.memory_space<vmem>>
    %dma_start3A_19 = tpu.memref_squeeze %dma_start3A_18 : memref<1x80xi32, #tpu.memory_space<vmem>> -> memref<80xi32, #tpu.memory_space<vmem>>
    %dma_start3A_20 = arith.constant 0 : i32
    %dma_start3A_21 = arith.constant 0 : i32
    %dma_start3A_22 = tpu.memref_slice %arg2[%dma_start3A_20, %dma_start3A_21] : memref<10240x64xf32, #tpu.memory_space<hbm>> -> memref<10240x64xf32, #tpu.memory_space<hbm>>
    %dma_start3A_23 = tpu.memref_slice %arg9[%dma_start3A_12] : memref<5x!tpu.dma_semaphore, #tpu.memory_space<semaphore_mem>> -> memref<1x!tpu.dma_semaphore, #tpu.memory_space<semaphore_mem>>
    %dma_start3A_24 = tpu.memref_squeeze %dma_start3A_23 : memref<1x!tpu.dma_semaphore, #tpu.memory_space<semaphore_mem>> -> memref<!tpu.dma_semaphore, #tpu.memory_space<semaphore_mem>>
    tpu.enqueue_indirect_dma source(%dma_start3A_22 : memref<10240x64xf32, #tpu.memory_space<hbm>>) target(%dma_start3A_16 : memref<80x64xf32, #tpu.memory_space<vmem>>) offsets(%dma_start3A_19 : memref<80xi32, #tpu.memory_space<vmem>>) semaphore(%dma_start3A_24 : memref<!tpu.dma_semaphore, #tpu.memory_space<semaphore_mem>>)
    %dma_start3A_25 = arith.constant 1 : i32
    %dma_start3A_26 = arith.constant 1 : i32
    %dma_start3A_27 = arith.constant 1 : i32
    %dma_start3A_28 = arith.constant 0 : i32
    %dma_start3A_29 = arith.constant 0 : i32
    %dma_start3A_30 = tpu.memref_slice %arg7[%dma_start3A_26, %dma_start3A_28, %dma_start3A_29] : memref<5x80x64xf32, #tpu.memory_space<vmem>> -> memref<1x80x64xf32, #tpu.memory_space<vmem>>
    %dma_start3A_31 = tpu.memref_squeeze %dma_start3A_30 : memref<1x80x64xf32, #tpu.memory_space<vmem>> -> memref<80x64xf32, #tpu.memory_space<vmem>>
    %dma_start3A_32 = arith.constant 0 : i32
    %dma_start3A_33 = tpu.memref_slice %arg5[%dma_start3A_25, %dma_start3A_32] : memref<125x80xi32, #tpu.memory_space<vmem>> -> memref<1x80xi32, #tpu.memory_space<vmem>>
    %dma_start3A_34 = tpu.memref_squeeze %dma_start3A_33 : memref<1x80xi32, #tpu.memory_space<vmem>> -> memref<80xi32, #tpu.memory_space<vmem>>
    %dma_start3A_35 = arith.constant 0 : i32
    %dma_start3A_36 = arith.constant 0 : i32
    %dma_start3A_37 = tpu.memref_slice %arg2[%dma_start3A_35, %dma_start3A_36] : memref<10240x64xf32, #tpu.memory_space<hbm>> -> memref<10240x64xf32, #tpu.memory_space<hbm>>
    %dma_start3A_38 = tpu.memref_slice %arg9[%dma_start3A_27] : memref<5x!tpu.dma_semaphore, #tpu.memory_space<semaphore_mem>> -> memref<1x!tpu.dma_semaphore, #tpu.memory_space<semaphore_mem>>
    %dma_start3A_39 = tpu.memref_squeeze %dma_start3A_38 : memref<1x!tpu.dma_semaphore, #tpu.memory_space<semaphore_mem>> -> memref<!tpu.dma_semaphore, #tpu.memory_space<semaphore_mem>>
    tpu.enqueue_indirect_dma source(%dma_start3A_37 : memref<10240x64xf32, #tpu.memory_space<hbm>>) target(%dma_start3A_31 : memref<80x64xf32, #tpu.memory_space<vmem>>) offsets(%dma_start3A_34 : memref<80xi32, #tpu.memory_space<vmem>>) semaphore(%dma_start3A_39 : memref<!tpu.dma_semaphore, #tpu.memory_space<semaphore_mem>>)
    %dma_start3A_40 = arith.constant 2 : i32
    %dma_start3A_41 = arith.constant 2 : i32
    %dma_start3A_42 = arith.constant 2 : i32
    %dma_start3A_43 = arith.constant 0 : i32
    %dma_start3A_44 = arith.constant 0 : i32
    %dma_start3A_45 = tpu.memref_slice %arg7[%dma_start3A_41, %dma_start3A_43, %dma_start3A_44] : memref<5x80x64xf32, #tpu.memory_space<vmem>> -> memref<1x80x64xf32, #tpu.memory_space<vmem>>
    %dma_start3A_46 = tpu.memref_squeeze %dma_start3A_45 : memref<1x80x64xf32, #tpu.memory_space<vmem>> -> memref<80x64xf32, #tpu.memory_space<vmem>>
    %dma_start3A_47 = arith.constant 0 : i32
    %dma_start3A_48 = tpu.memref_slice %arg5[%dma_start3A_40, %dma_start3A_47] : memref<125x80xi32, #tpu.memory_space<vmem>> -> memref<1x80xi32, #tpu.memory_space<vmem>>
    %dma_start3A_49 = tpu.memref_squeeze %dma_start3A_48 : memref<1x80xi32, #tpu.memory_space<vmem>> -> memref<80xi32, #tpu.memory_space<vmem>>
    %dma_start3A_50 = arith.constant 0 : i32
    %dma_start3A_51 = arith.constant 0 : i32
    %dma_start3A_52 = tpu.memref_slice %arg2[%dma_start3A_50, %dma_start3A_51] : memref<10240x64xf32, #tpu.memory_space<hbm>> -> memref<10240x64xf32, #tpu.memory_space<hbm>>
    %dma_start3A_53 = tpu.memref_slice %arg9[%dma_start3A_42] : memref<5x!tpu.dma_semaphore, #tpu.memory_space<semaphore_mem>> -> memref<1x!tpu.dma_semaphore, #tpu.memory_space<semaphore_mem>>
    %dma_start3A_54 = tpu.memref_squeeze %dma_start3A_53 : memref<1x!tpu.dma_semaphore, #tpu.memory_space<semaphore_mem>> -> memref<!tpu.dma_semaphore, #tpu.memory_space<semaphore_mem>>
    tpu.enqueue_indirect_dma source(%dma_start3A_52 : memref<10240x64xf32, #tpu.memory_space<hbm>>) target(%dma_start3A_46 : memref<80x64xf32, #tpu.memory_space<vmem>>) offsets(%dma_start3A_49 : memref<80xi32, #tpu.memory_space<vmem>>) semaphore(%dma_start3A_54 : memref<!tpu.dma_semaphore, #tpu.memory_space<semaphore_mem>>)
    %dma_start3A_55 = arith.constant 3 : i32
    %dma_start3A_56 = arith.constant 3 : i32
    %dma_start3A_57 = arith.constant 3 : i32
    %dma_start3A_58 = arith.constant 0 : i32
    %dma_start3A_59 = arith.constant 0 : i32
    %dma_start3A_60 = tpu.memref_slice %arg7[%dma_start3A_56, %dma_start3A_58, %dma_start3A_59] : memref<5x80x64xf32, #tpu.memory_space<vmem>> -> memref<1x80x64xf32, #tpu.memory_space<vmem>>
    %dma_start3A_61 = tpu.memref_squeeze %dma_start3A_60 : memref<1x80x64xf32, #tpu.memory_space<vmem>> -> memref<80x64xf32, #tpu.memory_space<vmem>>
    %dma_start3A_62 = arith.constant 0 : i32
    %dma_start3A_63 = tpu.memref_slice %arg5[%dma_start3A_55, %dma_start3A_62] : memref<125x80xi32, #tpu.memory_space<vmem>> -> memref<1x80xi32, #tpu.memory_space<vmem>>
    %dma_start3A_64 = tpu.memref_squeeze %dma_start3A_63 : memref<1x80xi32, #tpu.memory_space<vmem>> -> memref<80xi32, #tpu.memory_space<vmem>>
    %dma_start3A_65 = arith.constant 0 : i32
    %dma_start3A_66 = arith.constant 0 : i32
    %dma_start3A_67 = tpu.memref_slice %arg2[%dma_start3A_65, %dma_start3A_66] : memref<10240x64xf32, #tpu.memory_space<hbm>> -> memref<10240x64xf32, #tpu.memory_space<hbm>>
    %dma_start3A_68 = tpu.memref_slice %arg9[%dma_start3A_57] : memref<5x!tpu.dma_semaphore, #tpu.memory_space<semaphore_mem>> -> memref<1x!tpu.dma_semaphore, #tpu.memory_space<semaphore_mem>>
    %dma_start3A_69 = tpu.memref_squeeze %dma_start3A_68 : memref<1x!tpu.dma_semaphore, #tpu.memory_space<semaphore_mem>> -> memref<!tpu.dma_semaphore, #tpu.memory_space<semaphore_mem>>
    tpu.enqueue_indirect_dma source(%dma_start3A_67 : memref<10240x64xf32, #tpu.memory_space<hbm>>) target(%dma_start3A_61 : memref<80x64xf32, #tpu.memory_space<vmem>>) offsets(%dma_start3A_64 : memref<80xi32, #tpu.memory_space<vmem>>) semaphore(%dma_start3A_69 : memref<!tpu.dma_semaphore, #tpu.memory_space<semaphore_mem>>)
    %dma_start3A_70 = arith.constant 4 : i32
    %dma_start3A_71 = arith.constant 4 : i32
    %dma_start3A_72 = arith.constant 4 : i32
    %dma_start3A_73 = arith.constant 0 : i32
    %dma_start3A_74 = arith.constant 0 : i32
    %dma_start3A_75 = tpu.memref_slice %arg7[%dma_start3A_71, %dma_start3A_73, %dma_start3A_74] : memref<5x80x64xf32, #tpu.memory_space<vmem>> -> memref<1x80x64xf32, #tpu.memory_space<vmem>>
    %dma_start3A_76 = tpu.memref_squeeze %dma_start3A_75 : memref<1x80x64xf32, #tpu.memory_space<vmem>> -> memref<80x64xf32, #tpu.memory_space<vmem>>
    %dma_start3A_77 = arith.constant 0 : i32
    %dma_start3A_78 = tpu.memref_slice %arg5[%dma_start3A_70, %dma_start3A_77] : memref<125x80xi32, #tpu.memory_space<vmem>> -> memref<1x80xi32, #tpu.memory_space<vmem>>
    %dma_start3A_79 = tpu.memref_squeeze %dma_start3A_78 : memref<1x80xi32, #tpu.memory_space<vmem>> -> memref<80xi32, #tpu.memory_space<vmem>>
    %dma_start3A_80 = arith.constant 0 : i32
    %dma_start3A_81 = arith.constant 0 : i32
    %dma_start3A_82 = tpu.memref_slice %arg2[%dma_start3A_80, %dma_start3A_81] : memref<10240x64xf32, #tpu.memory_space<hbm>> -> memref<10240x64xf32, #tpu.memory_space<hbm>>
    %dma_start3A_83 = tpu.memref_slice %arg9[%dma_start3A_72] : memref<5x!tpu.dma_semaphore, #tpu.memory_space<semaphore_mem>> -> memref<1x!tpu.dma_semaphore, #tpu.memory_space<semaphore_mem>>
    %dma_start3A_84 = tpu.memref_squeeze %dma_start3A_83 : memref<1x!tpu.dma_semaphore, #tpu.memory_space<semaphore_mem>> -> memref<!tpu.dma_semaphore, #tpu.memory_space<semaphore_mem>>
    tpu.enqueue_indirect_dma source(%dma_start3A_82 : memref<10240x64xf32, #tpu.memory_space<hbm>>) target(%dma_start3A_76 : memref<80x64xf32, #tpu.memory_space<vmem>>) offsets(%dma_start3A_79 : memref<80xi32, #tpu.memory_space<vmem>>) semaphore(%dma_start3A_84 : memref<!tpu.dma_semaphore, #tpu.memory_space<semaphore_mem>>)
    %scan3A = arith.constant 0 : i32
    %scan3A_85 = arith.constant 0 : i32
    %scan3A_86 = arith.constant 25 : i32
    %scan3A_87 = arith.addi %scan3A_85, %scan3A_86 : i32
    %scan3A_88 = arith.constant 1 : i32
    scf.for %scan3A_165 = %scan3A_85 to %scan3A_87 step %scan3A_88  : i32 {
      %mul3A_166 = arith.constant 5 : i32
      %mul3A_167 = arith.muli %scan3A_165, %mul3A_166 : i32
      %add3A_168 = arith.constant 0 : i32
      %add3A_169 = arith.addi %mul3A_167, %add3A_168 : i32
      %dma_wait3A_170 = arith.constant 0 : i32
      %dma_wait3A_171 = arith.constant 0 : i32
      %dma_wait3A_172 = arith.constant 0 : i32
      %dma_wait3A_173 = arith.constant 0 : i32
      %dma_wait3A_174 = tpu.memref_slice %arg7[%dma_wait3A_170, %dma_wait3A_172, %dma_wait3A_173] : memref<5x80x64xf32, #tpu.memory_space<vmem>> -> memref<1x80x64xf32, #tpu.memory_space<vmem>>
      %dma_wait3A_175 = tpu.memref_squeeze %dma_wait3A_174 : memref<1x80x64xf32, #tpu.memory_space<vmem>> -> memref<80x64xf32, #tpu.memory_space<vmem>>
      %dma_wait3A_176 = arith.constant 0 : i32
      %dma_wait3A_177 = tpu.memref_slice %arg5[%add3A_169, %dma_wait3A_176] : memref<125x80xi32, #tpu.memory_space<vmem>> -> memref<1x80xi32, #tpu.memory_space<vmem>>
      %dma_wait3A_178 = tpu.memref_squeeze %dma_wait3A_177 : memref<1x80xi32, #tpu.memory_space<vmem>> -> memref<80xi32, #tpu.memory_space<vmem>>
      %dma_wait3A_179 = arith.constant 0 : i32
      %dma_wait3A_180 = arith.constant 0 : i32
      %dma_wait3A_181 = tpu.memref_slice %arg2[%dma_wait3A_179, %dma_wait3A_180] : memref<10240x64xf32, #tpu.memory_space<hbm>> -> memref<10240x64xf32, #tpu.memory_space<hbm>>
      %dma_wait3A_182 = tpu.memref_slice %arg9[%dma_wait3A_171] : memref<5x!tpu.dma_semaphore, #tpu.memory_space<semaphore_mem>> -> memref<1x!tpu.dma_semaphore, #tpu.memory_space<semaphore_mem>>
      %dma_wait3A_183 = tpu.memref_squeeze %dma_wait3A_182 : memref<1x!tpu.dma_semaphore, #tpu.memory_space<semaphore_mem>> -> memref<!tpu.dma_semaphore, #tpu.memory_space<semaphore_mem>>
      tpu.wait_indirect_dma semaphore(%dma_wait3A_183 : memref<!tpu.dma_semaphore, #tpu.memory_space<semaphore_mem>>) src(%dma_wait3A_181 : memref<10240x64xf32, #tpu.memory_space<hbm>>) dst(%dma_wait3A_175 : memref<80x64xf32, #tpu.memory_space<vmem>>)
      %dma_start3A_184 = arith.constant 0 : i32
      %dma_start3A_185 = arith.constant 0 : i32
      %dma_start3A_186 = arith.constant 0 : i32
      %dma_start3A_187 = arith.constant 0 : i32
      %dma_start3A_188 = tpu.memref_slice %arg7[%dma_start3A_184, %dma_start3A_186, %dma_start3A_187] : memref<5x80x64xf32, #tpu.memory_space<vmem>> -> memref<1x80x64xf32, #tpu.memory_space<vmem>>
      %dma_start3A_189 = tpu.memref_squeeze %dma_start3A_188 : memref<1x80x64xf32, #tpu.memory_space<vmem>> -> memref<80x64xf32, #tpu.memory_space<vmem>>
      %dma_start3A_190 = arith.constant 0 : i32
      %dma_start3A_191 = tpu.memref_slice %arg6[%add3A_169, %dma_start3A_190] : memref<125x80xi32, #tpu.memory_space<vmem>> -> memref<1x80xi32, #tpu.memory_space<vmem>>
      %dma_start3A_192 = tpu.memref_squeeze %dma_start3A_191 : memref<1x80xi32, #tpu.memory_space<vmem>> -> memref<80xi32, #tpu.memory_space<vmem>>
      %dma_start3A_193 = arith.constant 0 : i32
      %dma_start3A_194 = arith.constant 0 : i32
      %dma_start3A_195 = tpu.memref_slice %arg8[%dma_start3A_193, %dma_start3A_194] : memref<10240x64xf32, #tpu.memory_space<vmem_shared>> -> memref<10240x64xf32, #tpu.memory_space<vmem_shared>>
      %dma_start3A_196 = tpu.memref_slice %arg10[%dma_start3A_185] : memref<5x!tpu.dma_semaphore, #tpu.memory_space<semaphore_mem>> -> memref<1x!tpu.dma_semaphore, #tpu.memory_space<semaphore_mem>>
      %dma_start3A_197 = tpu.memref_squeeze %dma_start3A_196 : memref<1x!tpu.dma_semaphore, #tpu.memory_space<semaphore_mem>> -> memref<!tpu.dma_semaphore, #tpu.memory_space<semaphore_mem>>
      tpu.enqueue_indirect_dma source(%dma_start3A_189 : memref<80x64xf32, #tpu.memory_space<vmem>>) target(%dma_start3A_195 : memref<10240x64xf32, #tpu.memory_space<vmem_shared>>) offsets(%dma_start3A_192 : memref<80xi32, #tpu.memory_space<vmem>>) semaphore(%dma_start3A_197 : memref<!tpu.dma_semaphore, #tpu.memory_space<semaphore_mem>>) {add = true}
      %mul3A_198 = arith.constant 5 : i32
      %mul3A_199 = arith.muli %scan3A_165, %mul3A_198 : i32
      %add3A_200 = arith.constant 1 : i32
      %add3A_201 = arith.addi %mul3A_199, %add3A_200 : i32
      %dma_wait3A_202 = arith.constant 1 : i32
      %dma_wait3A_203 = arith.constant 1 : i32
      %dma_wait3A_204 = arith.constant 0 : i32
      %dma_wait3A_205 = arith.constant 0 : i32
      %dma_wait3A_206 = tpu.memref_slice %arg7[%dma_wait3A_202, %dma_wait3A_204, %dma_wait3A_205] : memref<5x80x64xf32, #tpu.memory_space<vmem>> -> memref<1x80x64xf32, #tpu.memory_space<vmem>>
      %dma_wait3A_207 = tpu.memref_squeeze %dma_wait3A_206 : memref<1x80x64xf32, #tpu.memory_space<vmem>> -> memref<80x64xf32, #tpu.memory_space<vmem>>
      %dma_wait3A_208 = arith.constant 0 : i32
      %dma_wait3A_209 = tpu.memref_slice %arg5[%add3A_201, %dma_wait3A_208] : memref<125x80xi32, #tpu.memory_space<vmem>> -> memref<1x80xi32, #tpu.memory_space<vmem>>
      %dma_wait3A_210 = tpu.memref_squeeze %dma_wait3A_209 : memref<1x80xi32, #tpu.memory_space<vmem>> -> memref<80xi32, #tpu.memory_space<vmem>>
      %dma_wait3A_211 = arith.constant 0 : i32
      %dma_wait3A_212 = arith.constant 0 : i32
      %dma_wait3A_213 = tpu.memref_slice %arg2[%dma_wait3A_211, %dma_wait3A_212] : memref<10240x64xf32, #tpu.memory_space<hbm>> -> memref<10240x64xf32, #tpu.memory_space<hbm>>
      %dma_wait3A_214 = tpu.memref_slice %arg9[%dma_wait3A_203] : memref<5x!tpu.dma_semaphore, #tpu.memory_space<semaphore_mem>> -> memref<1x!tpu.dma_semaphore, #tpu.memory_space<semaphore_mem>>
      %dma_wait3A_215 = tpu.memref_squeeze %dma_wait3A_214 : memref<1x!tpu.dma_semaphore, #tpu.memory_space<semaphore_mem>> -> memref<!tpu.dma_semaphore, #tpu.memory_space<semaphore_mem>>
      tpu.wait_indirect_dma semaphore(%dma_wait3A_215 : memref<!tpu.dma_semaphore, #tpu.memory_space<semaphore_mem>>) src(%dma_wait3A_213 : memref<10240x64xf32, #tpu.memory_space<hbm>>) dst(%dma_wait3A_207 : memref<80x64xf32, #tpu.memory_space<vmem>>)
      %dma_start3A_216 = arith.constant 1 : i32
      %dma_start3A_217 = arith.constant 1 : i32
      %dma_start3A_218 = arith.constant 0 : i32
      %dma_start3A_219 = arith.constant 0 : i32
      %dma_start3A_220 = tpu.memref_slice %arg7[%dma_start3A_216, %dma_start3A_218, %dma_start3A_219] : memref<5x80x64xf32, #tpu.memory_space<vmem>> -> memref<1x80x64xf32, #tpu.memory_space<vmem>>
      %dma_start3A_221 = tpu.memref_squeeze %dma_start3A_220 : memref<1x80x64xf32, #tpu.memory_space<vmem>> -> memref<80x64xf32, #tpu.memory_space<vmem>>
      %dma_start3A_222 = arith.constant 0 : i32
      %dma_start3A_223 = tpu.memref_slice %arg6[%add3A_201, %dma_start3A_222] : memref<125x80xi32, #tpu.memory_space<vmem>> -> memref<1x80xi32, #tpu.memory_space<vmem>>
      %dma_start3A_224 = tpu.memref_squeeze %dma_start3A_223 : memref<1x80xi32, #tpu.memory_space<vmem>> -> memref<80xi32, #tpu.memory_space<vmem>>
      %dma_start3A_225 = arith.constant 0 : i32
      %dma_start3A_226 = arith.constant 0 : i32
      %dma_start3A_227 = tpu.memref_slice %arg8[%dma_start3A_225, %dma_start3A_226] : memref<10240x64xf32, #tpu.memory_space<vmem_shared>> -> memref<10240x64xf32, #tpu.memory_space<vmem_shared>>
      %dma_start3A_228 = tpu.memref_slice %arg10[%dma_start3A_217] : memref<5x!tpu.dma_semaphore, #tpu.memory_space<semaphore_mem>> -> memref<1x!tpu.dma_semaphore, #tpu.memory_space<semaphore_mem>>
      %dma_start3A_229 = tpu.memref_squeeze %dma_start3A_228 : memref<1x!tpu.dma_semaphore, #tpu.memory_space<semaphore_mem>> -> memref<!tpu.dma_semaphore, #tpu.memory_space<semaphore_mem>>
      tpu.enqueue_indirect_dma source(%dma_start3A_221 : memref<80x64xf32, #tpu.memory_space<vmem>>) target(%dma_start3A_227 : memref<10240x64xf32, #tpu.memory_space<vmem_shared>>) offsets(%dma_start3A_224 : memref<80xi32, #tpu.memory_space<vmem>>) semaphore(%dma_start3A_229 : memref<!tpu.dma_semaphore, #tpu.memory_space<semaphore_mem>>) {add = true}
      %mul3A_230 = arith.constant 5 : i32
      %mul3A_231 = arith.muli %scan3A_165, %mul3A_230 : i32
      %add3A_232 = arith.constant 2 : i32
      %add3A_233 = arith.addi %mul3A_231, %add3A_232 : i32
      %dma_wait3A_234 = arith.constant 2 : i32
      %dma_wait3A_235 = arith.constant 2 : i32
      %dma_wait3A_236 = arith.constant 0 : i32
      %dma_wait3A_237 = arith.constant 0 : i32
      %dma_wait3A_238 = tpu.memref_slice %arg7[%dma_wait3A_234, %dma_wait3A_236, %dma_wait3A_237] : memref<5x80x64xf32, #tpu.memory_space<vmem>> -> memref<1x80x64xf32, #tpu.memory_space<vmem>>
      %dma_wait3A_239 = tpu.memref_squeeze %dma_wait3A_238 : memref<1x80x64xf32, #tpu.memory_space<vmem>> -> memref<80x64xf32, #tpu.memory_space<vmem>>
      %dma_wait3A_240 = arith.constant 0 : i32
      %dma_wait3A_241 = tpu.memref_slice %arg5[%add3A_233, %dma_wait3A_240] : memref<125x80xi32, #tpu.memory_space<vmem>> -> memref<1x80xi32, #tpu.memory_space<vmem>>
      %dma_wait3A_242 = tpu.memref_squeeze %dma_wait3A_241 : memref<1x80xi32, #tpu.memory_space<vmem>> -> memref<80xi32, #tpu.memory_space<vmem>>
      %dma_wait3A_243 = arith.constant 0 : i32
      %dma_wait3A_244 = arith.constant 0 : i32
      %dma_wait3A_245 = tpu.memref_slice %arg2[%dma_wait3A_243, %dma_wait3A_244] : memref<10240x64xf32, #tpu.memory_space<hbm>> -> memref<10240x64xf32, #tpu.memory_space<hbm>>
      %dma_wait3A_246 = tpu.memref_slice %arg9[%dma_wait3A_235] : memref<5x!tpu.dma_semaphore, #tpu.memory_space<semaphore_mem>> -> memref<1x!tpu.dma_semaphore, #tpu.memory_space<semaphore_mem>>
      %dma_wait3A_247 = tpu.memref_squeeze %dma_wait3A_246 : memref<1x!tpu.dma_semaphore, #tpu.memory_space<semaphore_mem>> -> memref<!tpu.dma_semaphore, #tpu.memory_space<semaphore_mem>>
      tpu.wait_indirect_dma semaphore(%dma_wait3A_247 : memref<!tpu.dma_semaphore, #tpu.memory_space<semaphore_mem>>) src(%dma_wait3A_245 : memref<10240x64xf32, #tpu.memory_space<hbm>>) dst(%dma_wait3A_239 : memref<80x64xf32, #tpu.memory_space<vmem>>)
      %dma_start3A_248 = arith.constant 2 : i32
      %dma_start3A_249 = arith.constant 2 : i32
      %dma_start3A_250 = arith.constant 0 : i32
      %dma_start3A_251 = arith.constant 0 : i32
      %dma_start3A_252 = tpu.memref_slice %arg7[%dma_start3A_248, %dma_start3A_250, %dma_start3A_251] : memref<5x80x64xf32, #tpu.memory_space<vmem>> -> memref<1x80x64xf32, #tpu.memory_space<vmem>>
      %dma_start3A_253 = tpu.memref_squeeze %dma_start3A_252 : memref<1x80x64xf32, #tpu.memory_space<vmem>> -> memref<80x64xf32, #tpu.memory_space<vmem>>
      %dma_start3A_254 = arith.constant 0 : i32
      %dma_start3A_255 = tpu.memref_slice %arg6[%add3A_233, %dma_start3A_254] : memref<125x80xi32, #tpu.memory_space<vmem>> -> memref<1x80xi32, #tpu.memory_space<vmem>>
      %dma_start3A_256 = tpu.memref_squeeze %dma_start3A_255 : memref<1x80xi32, #tpu.memory_space<vmem>> -> memref<80xi32, #tpu.memory_space<vmem>>
      %dma_start3A_257 = arith.constant 0 : i32
      %dma_start3A_258 = arith.constant 0 : i32
      %dma_start3A_259 = tpu.memref_slice %arg8[%dma_start3A_257, %dma_start3A_258] : memref<10240x64xf32, #tpu.memory_space<vmem_shared>> -> memref<10240x64xf32, #tpu.memory_space<vmem_shared>>
      %dma_start3A_260 = tpu.memref_slice %arg10[%dma_start3A_249] : memref<5x!tpu.dma_semaphore, #tpu.memory_space<semaphore_mem>> -> memref<1x!tpu.dma_semaphore, #tpu.memory_space<semaphore_mem>>
      %dma_start3A_261 = tpu.memref_squeeze %dma_start3A_260 : memref<1x!tpu.dma_semaphore, #tpu.memory_space<semaphore_mem>> -> memref<!tpu.dma_semaphore, #tpu.memory_space<semaphore_mem>>
      tpu.enqueue_indirect_dma source(%dma_start3A_253 : memref<80x64xf32, #tpu.memory_space<vmem>>) target(%dma_start3A_259 : memref<10240x64xf32, #tpu.memory_space<vmem_shared>>) offsets(%dma_start3A_256 : memref<80xi32, #tpu.memory_space<vmem>>) semaphore(%dma_start3A_261 : memref<!tpu.dma_semaphore, #tpu.memory_space<semaphore_mem>>) {add = true}
      %mul3A_262 = arith.constant 5 : i32
      %mul3A_263 = arith.muli %scan3A_165, %mul3A_262 : i32
      %add3A_264 = arith.constant 3 : i32
      %add3A_265 = arith.addi %mul3A_263, %add3A_264 : i32
      %dma_wait3A_266 = arith.constant 3 : i32
      %dma_wait3A_267 = arith.constant 3 : i32
      %dma_wait3A_268 = arith.constant 0 : i32
      %dma_wait3A_269 = arith.constant 0 : i32
      %dma_wait3A_270 = tpu.memref_slice %arg7[%dma_wait3A_266, %dma_wait3A_268, %dma_wait3A_269] : memref<5x80x64xf32, #tpu.memory_space<vmem>> -> memref<1x80x64xf32, #tpu.memory_space<vmem>>
      %dma_wait3A_271 = tpu.memref_squeeze %dma_wait3A_270 : memref<1x80x64xf32, #tpu.memory_space<vmem>> -> memref<80x64xf32, #tpu.memory_space<vmem>>
      %dma_wait3A_272 = arith.constant 0 : i32
      %dma_wait3A_273 = tpu.memref_slice %arg5[%add3A_265, %dma_wait3A_272] : memref<125x80xi32, #tpu.memory_space<vmem>> -> memref<1x80xi32, #tpu.memory_space<vmem>>
      %dma_wait3A_274 = tpu.memref_squeeze %dma_wait3A_273 : memref<1x80xi32, #tpu.memory_space<vmem>> -> memref<80xi32, #tpu.memory_space<vmem>>
      %dma_wait3A_275 = arith.constant 0 : i32
      %dma_wait3A_276 = arith.constant 0 : i32
      %dma_wait3A_277 = tpu.memref_slice %arg2[%dma_wait3A_275, %dma_wait3A_276] : memref<10240x64xf32, #tpu.memory_space<hbm>> -> memref<10240x64xf32, #tpu.memory_space<hbm>>
      %dma_wait3A_278 = tpu.memref_slice %arg9[%dma_wait3A_267] : memref<5x!tpu.dma_semaphore, #tpu.memory_space<semaphore_mem>> -> memref<1x!tpu.dma_semaphore, #tpu.memory_space<semaphore_mem>>
      %dma_wait3A_279 = tpu.memref_squeeze %dma_wait3A_278 : memref<1x!tpu.dma_semaphore, #tpu.memory_space<semaphore_mem>> -> memref<!tpu.dma_semaphore, #tpu.memory_space<semaphore_mem>>
      tpu.wait_indirect_dma semaphore(%dma_wait3A_279 : memref<!tpu.dma_semaphore, #tpu.memory_space<semaphore_mem>>) src(%dma_wait3A_277 : memref<10240x64xf32, #tpu.memory_space<hbm>>) dst(%dma_wait3A_271 : memref<80x64xf32, #tpu.memory_space<vmem>>)
      %dma_start3A_280 = arith.constant 3 : i32
      %dma_start3A_281 = arith.constant 3 : i32
      %dma_start3A_282 = arith.constant 0 : i32
      %dma_start3A_283 = arith.constant 0 : i32
      %dma_start3A_284 = tpu.memref_slice %arg7[%dma_start3A_280, %dma_start3A_282, %dma_start3A_283] : memref<5x80x64xf32, #tpu.memory_space<vmem>> -> memref<1x80x64xf32, #tpu.memory_space<vmem>>
      %dma_start3A_285 = tpu.memref_squeeze %dma_start3A_284 : memref<1x80x64xf32, #tpu.memory_space<vmem>> -> memref<80x64xf32, #tpu.memory_space<vmem>>
      %dma_start3A_286 = arith.constant 0 : i32
      %dma_start3A_287 = tpu.memref_slice %arg6[%add3A_265, %dma_start3A_286] : memref<125x80xi32, #tpu.memory_space<vmem>> -> memref<1x80xi32, #tpu.memory_space<vmem>>
      %dma_start3A_288 = tpu.memref_squeeze %dma_start3A_287 : memref<1x80xi32, #tpu.memory_space<vmem>> -> memref<80xi32, #tpu.memory_space<vmem>>
      %dma_start3A_289 = arith.constant 0 : i32
      %dma_start3A_290 = arith.constant 0 : i32
      %dma_start3A_291 = tpu.memref_slice %arg8[%dma_start3A_289, %dma_start3A_290] : memref<10240x64xf32, #tpu.memory_space<vmem_shared>> -> memref<10240x64xf32, #tpu.memory_space<vmem_shared>>
      %dma_start3A_292 = tpu.memref_slice %arg10[%dma_start3A_281] : memref<5x!tpu.dma_semaphore, #tpu.memory_space<semaphore_mem>> -> memref<1x!tpu.dma_semaphore, #tpu.memory_space<semaphore_mem>>
      %dma_start3A_293 = tpu.memref_squeeze %dma_start3A_292 : memref<1x!tpu.dma_semaphore, #tpu.memory_space<semaphore_mem>> -> memref<!tpu.dma_semaphore, #tpu.memory_space<semaphore_mem>>
      tpu.enqueue_indirect_dma source(%dma_start3A_285 : memref<80x64xf32, #tpu.memory_space<vmem>>) target(%dma_start3A_291 : memref<10240x64xf32, #tpu.memory_space<vmem_shared>>) offsets(%dma_start3A_288 : memref<80xi32, #tpu.memory_space<vmem>>) semaphore(%dma_start3A_293 : memref<!tpu.dma_semaphore, #tpu.memory_space<semaphore_mem>>) {add = true}
      %mul3A_294 = arith.constant 5 : i32
      %mul3A_295 = arith.muli %scan3A_165, %mul3A_294 : i32
      %add3A_296 = arith.constant 4 : i32
      %add3A_297 = arith.addi %mul3A_295, %add3A_296 : i32
      %dma_wait3A_298 = arith.constant 4 : i32
      %dma_wait3A_299 = arith.constant 4 : i32
      %dma_wait3A_300 = arith.constant 0 : i32
      %dma_wait3A_301 = arith.constant 0 : i32
      %dma_wait3A_302 = tpu.memref_slice %arg7[%dma_wait3A_298, %dma_wait3A_300, %dma_wait3A_301] : memref<5x80x64xf32, #tpu.memory_space<vmem>> -> memref<1x80x64xf32, #tpu.memory_space<vmem>>
      %dma_wait3A_303 = tpu.memref_squeeze %dma_wait3A_302 : memref<1x80x64xf32, #tpu.memory_space<vmem>> -> memref<80x64xf32, #tpu.memory_space<vmem>>
      %dma_wait3A_304 = arith.constant 0 : i32
      %dma_wait3A_305 = tpu.memref_slice %arg5[%add3A_297, %dma_wait3A_304] : memref<125x80xi32, #tpu.memory_space<vmem>> -> memref<1x80xi32, #tpu.memory_space<vmem>>
      %dma_wait3A_306 = tpu.memref_squeeze %dma_wait3A_305 : memref<1x80xi32, #tpu.memory_space<vmem>> -> memref<80xi32, #tpu.memory_space<vmem>>
      %dma_wait3A_307 = arith.constant 0 : i32
      %dma_wait3A_308 = arith.constant 0 : i32
      %dma_wait3A_309 = tpu.memref_slice %arg2[%dma_wait3A_307, %dma_wait3A_308] : memref<10240x64xf32, #tpu.memory_space<hbm>> -> memref<10240x64xf32, #tpu.memory_space<hbm>>
      %dma_wait3A_310 = tpu.memref_slice %arg9[%dma_wait3A_299] : memref<5x!tpu.dma_semaphore, #tpu.memory_space<semaphore_mem>> -> memref<1x!tpu.dma_semaphore, #tpu.memory_space<semaphore_mem>>
      %dma_wait3A_311 = tpu.memref_squeeze %dma_wait3A_310 : memref<1x!tpu.dma_semaphore, #tpu.memory_space<semaphore_mem>> -> memref<!tpu.dma_semaphore, #tpu.memory_space<semaphore_mem>>
      tpu.wait_indirect_dma semaphore(%dma_wait3A_311 : memref<!tpu.dma_semaphore, #tpu.memory_space<semaphore_mem>>) src(%dma_wait3A_309 : memref<10240x64xf32, #tpu.memory_space<hbm>>) dst(%dma_wait3A_303 : memref<80x64xf32, #tpu.memory_space<vmem>>)
      %dma_start3A_312 = arith.constant 4 : i32
      %dma_start3A_313 = arith.constant 4 : i32
      %dma_start3A_314 = arith.constant 0 : i32
      %dma_start3A_315 = arith.constant 0 : i32
      %dma_start3A_316 = tpu.memref_slice %arg7[%dma_start3A_312, %dma_start3A_314, %dma_start3A_315] : memref<5x80x64xf32, #tpu.memory_space<vmem>> -> memref<1x80x64xf32, #tpu.memory_space<vmem>>
      %dma_start3A_317 = tpu.memref_squeeze %dma_start3A_316 : memref<1x80x64xf32, #tpu.memory_space<vmem>> -> memref<80x64xf32, #tpu.memory_space<vmem>>
      %dma_start3A_318 = arith.constant 0 : i32
      %dma_start3A_319 = tpu.memref_slice %arg6[%add3A_297, %dma_start3A_318] : memref<125x80xi32, #tpu.memory_space<vmem>> -> memref<1x80xi32, #tpu.memory_space<vmem>>
      %dma_start3A_320 = tpu.memref_squeeze %dma_start3A_319 : memref<1x80xi32, #tpu.memory_space<vmem>> -> memref<80xi32, #tpu.memory_space<vmem>>
      %dma_start3A_321 = arith.constant 0 : i32
      %dma_start3A_322 = arith.constant 0 : i32
      %dma_start3A_323 = tpu.memref_slice %arg8[%dma_start3A_321, %dma_start3A_322] : memref<10240x64xf32, #tpu.memory_space<vmem_shared>> -> memref<10240x64xf32, #tpu.memory_space<vmem_shared>>
      %dma_start3A_324 = tpu.memref_slice %arg10[%dma_start3A_313] : memref<5x!tpu.dma_semaphore, #tpu.memory_space<semaphore_mem>> -> memref<1x!tpu.dma_semaphore, #tpu.memory_space<semaphore_mem>>
      %dma_start3A_325 = tpu.memref_squeeze %dma_start3A_324 : memref<1x!tpu.dma_semaphore, #tpu.memory_space<semaphore_mem>> -> memref<!tpu.dma_semaphore, #tpu.memory_space<semaphore_mem>>
      tpu.enqueue_indirect_dma source(%dma_start3A_317 : memref<80x64xf32, #tpu.memory_space<vmem>>) target(%dma_start3A_323 : memref<10240x64xf32, #tpu.memory_space<vmem_shared>>) offsets(%dma_start3A_320 : memref<80xi32, #tpu.memory_space<vmem>>) semaphore(%dma_start3A_325 : memref<!tpu.dma_semaphore, #tpu.memory_space<semaphore_mem>>) {add = true}
      %lt3A = arith.constant 24 : i32
      %lt3A_326 = arith.cmpi slt, %scan3A_165, %lt3A : i32
      %convert_element_type3A_327 = arith.extui %lt3A_326 : i1 to i32
      %cond3A_328 = arith.constant 0 : i32
      %cond3A_329 = arith.cmpi ne, %convert_element_type3A_327, %cond3A_328 : i32
      scf.if %cond3A_329 {
        %mul3A_330 = arith.constant 5 : i32
        %mul3A_331 = arith.muli %scan3A_165, %mul3A_330 : i32
        %add3A_332 = arith.constant 0 : i32
        %add3A_333 = arith.addi %mul3A_331, %add3A_332 : i32
        %add3A_334 = arith.constant 5 : i32
        %add3A_335 = arith.addi %add3A_333, %add3A_334 : i32
        %dma_wait3A_336 = arith.constant 0 : i32
        %dma_wait3A_337 = arith.constant 0 : i32
        %dma_wait3A_338 = arith.constant 0 : i32
        %dma_wait3A_339 = arith.constant 0 : i32
        %dma_wait3A_340 = tpu.memref_slice %arg7[%dma_wait3A_336, %dma_wait3A_338, %dma_wait3A_339] : memref<5x80x64xf32, #tpu.memory_space<vmem>> -> memref<1x80x64xf32, #tpu.memory_space<vmem>>
        %dma_wait3A_341 = tpu.memref_squeeze %dma_wait3A_340 : memref<1x80x64xf32, #tpu.memory_space<vmem>> -> memref<80x64xf32, #tpu.memory_space<vmem>>
        %dma_wait3A_342 = arith.constant 0 : i32
        %dma_wait3A_343 = tpu.memref_slice %arg6[%add3A_333, %dma_wait3A_342] : memref<125x80xi32, #tpu.memory_space<vmem>> -> memref<1x80xi32, #tpu.memory_space<vmem>>
        %dma_wait3A_344 = tpu.memref_squeeze %dma_wait3A_343 : memref<1x80xi32, #tpu.memory_space<vmem>> -> memref<80xi32, #tpu.memory_space<vmem>>
        %dma_wait3A_345 = arith.constant 0 : i32
        %dma_wait3A_346 = arith.constant 0 : i32
        %dma_wait3A_347 = tpu.memref_slice %arg8[%dma_wait3A_345, %dma_wait3A_346] : memref<10240x64xf32, #tpu.memory_space<vmem_shared>> -> memref<10240x64xf32, #tpu.memory_space<vmem_shared>>
        %dma_wait3A_348 = tpu.memref_slice %arg10[%dma_wait3A_337] : memref<5x!tpu.dma_semaphore, #tpu.memory_space<semaphore_mem>> -> memref<1x!tpu.dma_semaphore, #tpu.memory_space<semaphore_mem>>
        %dma_wait3A_349 = tpu.memref_squeeze %dma_wait3A_348 : memref<1x!tpu.dma_semaphore, #tpu.memory_space<semaphore_mem>> -> memref<!tpu.dma_semaphore, #tpu.memory_space<semaphore_mem>>
        tpu.wait_indirect_dma semaphore(%dma_wait3A_349 : memref<!tpu.dma_semaphore, #tpu.memory_space<semaphore_mem>>) src(%dma_wait3A_341 : memref<80x64xf32, #tpu.memory_space<vmem>>) dst(%dma_wait3A_347 : memref<10240x64xf32, #tpu.memory_space<vmem_shared>>)
        %dma_start3A_350 = arith.constant 0 : i32
        %dma_start3A_351 = arith.constant 0 : i32
        %dma_start3A_352 = arith.constant 0 : i32
        %dma_start3A_353 = arith.constant 0 : i32
        %dma_start3A_354 = tpu.memref_slice %arg7[%dma_start3A_350, %dma_start3A_352, %dma_start3A_353] : memref<5x80x64xf32, #tpu.memory_space<vmem>> -> memref<1x80x64xf32, #tpu.memory_space<vmem>>
        %dma_start3A_355 = tpu.memref_squeeze %dma_start3A_354 : memref<1x80x64xf32, #tpu.memory_space<vmem>> -> memref<80x64xf32, #tpu.memory_space<vmem>>
        %dma_start3A_356 = arith.constant 0 : i32
        %dma_start3A_357 = tpu.memref_slice %arg5[%add3A_335, %dma_start3A_356] : memref<125x80xi32, #tpu.memory_space<vmem>> -> memref<1x80xi32, #tpu.memory_space<vmem>>
        %dma_start3A_358 = tpu.memref_squeeze %dma_start3A_357 : memref<1x80xi32, #tpu.memory_space<vmem>> -> memref<80xi32, #tpu.memory_space<vmem>>
        %dma_start3A_359 = arith.constant 0 : i32
        %dma_start3A_360 = arith.constant 0 : i32
        %dma_start3A_361 = tpu.memref_slice %arg2[%dma_start3A_359, %dma_start3A_360] : memref<10240x64xf32, #tpu.memory_space<hbm>> -> memref<10240x64xf32, #tpu.memory_space<hbm>>
        %dma_start3A_362 = tpu.memref_slice %arg9[%dma_start3A_351] : memref<5x!tpu.dma_semaphore, #tpu.memory_space<semaphore_mem>> -> memref<1x!tpu.dma_semaphore, #tpu.memory_space<semaphore_mem>>
        %dma_start3A_363 = tpu.memref_squeeze %dma_start3A_362 : memref<1x!tpu.dma_semaphore, #tpu.memory_space<semaphore_mem>> -> memref<!tpu.dma_semaphore, #tpu.memory_space<semaphore_mem>>
        tpu.enqueue_indirect_dma source(%dma_start3A_361 : memref<10240x64xf32, #tpu.memory_space<hbm>>) target(%dma_start3A_355 : memref<80x64xf32, #tpu.memory_space<vmem>>) offsets(%dma_start3A_358 : memref<80xi32, #tpu.memory_space<vmem>>) semaphore(%dma_start3A_363 : memref<!tpu.dma_semaphore, #tpu.memory_space<semaphore_mem>>)
        %mul3A_364 = arith.constant 5 : i32
        %mul3A_365 = arith.muli %scan3A_165, %mul3A_364 : i32
        %add3A_366 = arith.constant 1 : i32
        %add3A_367 = arith.addi %mul3A_365, %add3A_366 : i32
        %add3A_368 = arith.constant 5 : i32
        %add3A_369 = arith.addi %add3A_367, %add3A_368 : i32
        %dma_wait3A_370 = arith.constant 1 : i32
        %dma_wait3A_371 = arith.constant 1 : i32
        %dma_wait3A_372 = arith.constant 0 : i32
        %dma_wait3A_373 = arith.constant 0 : i32
        %dma_wait3A_374 = tpu.memref_slice %arg7[%dma_wait3A_370, %dma_wait3A_372, %dma_wait3A_373] : memref<5x80x64xf32, #tpu.memory_space<vmem>> -> memref<1x80x64xf32, #tpu.memory_space<vmem>>
        %dma_wait3A_375 = tpu.memref_squeeze %dma_wait3A_374 : memref<1x80x64xf32, #tpu.memory_space<vmem>> -> memref<80x64xf32, #tpu.memory_space<vmem>>
        %dma_wait3A_376 = arith.constant 0 : i32
        %dma_wait3A_377 = tpu.memref_slice %arg6[%add3A_367, %dma_wait3A_376] : memref<125x80xi32, #tpu.memory_space<vmem>> -> memref<1x80xi32, #tpu.memory_space<vmem>>
        %dma_wait3A_378 = tpu.memref_squeeze %dma_wait3A_377 : memref<1x80xi32, #tpu.memory_space<vmem>> -> memref<80xi32, #tpu.memory_space<vmem>>
        %dma_wait3A_379 = arith.constant 0 : i32
        %dma_wait3A_380 = arith.constant 0 : i32
        %dma_wait3A_381 = tpu.memref_slice %arg8[%dma_wait3A_379, %dma_wait3A_380] : memref<10240x64xf32, #tpu.memory_space<vmem_shared>> -> memref<10240x64xf32, #tpu.memory_space<vmem_shared>>
        %dma_wait3A_382 = tpu.memref_slice %arg10[%dma_wait3A_371] : memref<5x!tpu.dma_semaphore, #tpu.memory_space<semaphore_mem>> -> memref<1x!tpu.dma_semaphore, #tpu.memory_space<semaphore_mem>>
        %dma_wait3A_383 = tpu.memref_squeeze %dma_wait3A_382 : memref<1x!tpu.dma_semaphore, #tpu.memory_space<semaphore_mem>> -> memref<!tpu.dma_semaphore, #tpu.memory_space<semaphore_mem>>
        tpu.wait_indirect_dma semaphore(%dma_wait3A_383 : memref<!tpu.dma_semaphore, #tpu.memory_space<semaphore_mem>>) src(%dma_wait3A_375 : memref<80x64xf32, #tpu.memory_space<vmem>>) dst(%dma_wait3A_381 : memref<10240x64xf32, #tpu.memory_space<vmem_shared>>)
        %dma_start3A_384 = arith.constant 1 : i32
        %dma_start3A_385 = arith.constant 1 : i32
        %dma_start3A_386 = arith.constant 0 : i32
        %dma_start3A_387 = arith.constant 0 : i32
        %dma_start3A_388 = tpu.memref_slice %arg7[%dma_start3A_384, %dma_start3A_386, %dma_start3A_387] : memref<5x80x64xf32, #tpu.memory_space<vmem>> -> memref<1x80x64xf32, #tpu.memory_space<vmem>>
        %dma_start3A_389 = tpu.memref_squeeze %dma_start3A_388 : memref<1x80x64xf32, #tpu.memory_space<vmem>> -> memref<80x64xf32, #tpu.memory_space<vmem>>
        %dma_start3A_390 = arith.constant 0 : i32
        %dma_start3A_391 = tpu.memref_slice %arg5[%add3A_369, %dma_start3A_390] : memref<125x80xi32, #tpu.memory_space<vmem>> -> memref<1x80xi32, #tpu.memory_space<vmem>>
        %dma_start3A_392 = tpu.memref_squeeze %dma_start3A_391 : memref<1x80xi32, #tpu.memory_space<vmem>> -> memref<80xi32, #tpu.memory_space<vmem>>
        %dma_start3A_393 = arith.constant 0 : i32
        %dma_start3A_394 = arith.constant 0 : i32
        %dma_start3A_395 = tpu.memref_slice %arg2[%dma_start3A_393, %dma_start3A_394] : memref<10240x64xf32, #tpu.memory_space<hbm>> -> memref<10240x64xf32, #tpu.memory_space<hbm>>
        %dma_start3A_396 = tpu.memref_slice %arg9[%dma_start3A_385] : memref<5x!tpu.dma_semaphore, #tpu.memory_space<semaphore_mem>> -> memref<1x!tpu.dma_semaphore, #tpu.memory_space<semaphore_mem>>
        %dma_start3A_397 = tpu.memref_squeeze %dma_start3A_396 : memref<1x!tpu.dma_semaphore, #tpu.memory_space<semaphore_mem>> -> memref<!tpu.dma_semaphore, #tpu.memory_space<semaphore_mem>>
        tpu.enqueue_indirect_dma source(%dma_start3A_395 : memref<10240x64xf32, #tpu.memory_space<hbm>>) target(%dma_start3A_389 : memref<80x64xf32, #tpu.memory_space<vmem>>) offsets(%dma_start3A_392 : memref<80xi32, #tpu.memory_space<vmem>>) semaphore(%dma_start3A_397 : memref<!tpu.dma_semaphore, #tpu.memory_space<semaphore_mem>>)
        %mul3A_398 = arith.constant 5 : i32
        %mul3A_399 = arith.muli %scan3A_165, %mul3A_398 : i32
        %add3A_400 = arith.constant 2 : i32
        %add3A_401 = arith.addi %mul3A_399, %add3A_400 : i32
        %add3A_402 = arith.constant 5 : i32
        %add3A_403 = arith.addi %add3A_401, %add3A_402 : i32
        %dma_wait3A_404 = arith.constant 2 : i32
        %dma_wait3A_405 = arith.constant 2 : i32
        %dma_wait3A_406 = arith.constant 0 : i32
        %dma_wait3A_407 = arith.constant 0 : i32
        %dma_wait3A_408 = tpu.memref_slice %arg7[%dma_wait3A_404, %dma_wait3A_406, %dma_wait3A_407] : memref<5x80x64xf32, #tpu.memory_space<vmem>> -> memref<1x80x64xf32, #tpu.memory_space<vmem>>
        %dma_wait3A_409 = tpu.memref_squeeze %dma_wait3A_408 : memref<1x80x64xf32, #tpu.memory_space<vmem>> -> memref<80x64xf32, #tpu.memory_space<vmem>>
        %dma_wait3A_410 = arith.constant 0 : i32
        %dma_wait3A_411 = tpu.memref_slice %arg6[%add3A_401, %dma_wait3A_410] : memref<125x80xi32, #tpu.memory_space<vmem>> -> memref<1x80xi32, #tpu.memory_space<vmem>>
        %dma_wait3A_412 = tpu.memref_squeeze %dma_wait3A_411 : memref<1x80xi32, #tpu.memory_space<vmem>> -> memref<80xi32, #tpu.memory_space<vmem>>
        %dma_wait3A_413 = arith.constant 0 : i32
        %dma_wait3A_414 = arith.constant 0 : i32
        %dma_wait3A_415 = tpu.memref_slice %arg8[%dma_wait3A_413, %dma_wait3A_414] : memref<10240x64xf32, #tpu.memory_space<vmem_shared>> -> memref<10240x64xf32, #tpu.memory_space<vmem_shared>>
        %dma_wait3A_416 = tpu.memref_slice %arg10[%dma_wait3A_405] : memref<5x!tpu.dma_semaphore, #tpu.memory_space<semaphore_mem>> -> memref<1x!tpu.dma_semaphore, #tpu.memory_space<semaphore_mem>>
        %dma_wait3A_417 = tpu.memref_squeeze %dma_wait3A_416 : memref<1x!tpu.dma_semaphore, #tpu.memory_space<semaphore_mem>> -> memref<!tpu.dma_semaphore, #tpu.memory_space<semaphore_mem>>
        tpu.wait_indirect_dma semaphore(%dma_wait3A_417 : memref<!tpu.dma_semaphore, #tpu.memory_space<semaphore_mem>>) src(%dma_wait3A_409 : memref<80x64xf32, #tpu.memory_space<vmem>>) dst(%dma_wait3A_415 : memref<10240x64xf32, #tpu.memory_space<vmem_shared>>)
        %dma_start3A_418 = arith.constant 2 : i32
        %dma_start3A_419 = arith.constant 2 : i32
        %dma_start3A_420 = arith.constant 0 : i32
        %dma_start3A_421 = arith.constant 0 : i32
        %dma_start3A_422 = tpu.memref_slice %arg7[%dma_start3A_418, %dma_start3A_420, %dma_start3A_421] : memref<5x80x64xf32, #tpu.memory_space<vmem>> -> memref<1x80x64xf32, #tpu.memory_space<vmem>>
        %dma_start3A_423 = tpu.memref_squeeze %dma_start3A_422 : memref<1x80x64xf32, #tpu.memory_space<vmem>> -> memref<80x64xf32, #tpu.memory_space<vmem>>
        %dma_start3A_424 = arith.constant 0 : i32
        %dma_start3A_425 = tpu.memref_slice %arg5[%add3A_403, %dma_start3A_424] : memref<125x80xi32, #tpu.memory_space<vmem>> -> memref<1x80xi32, #tpu.memory_space<vmem>>
        %dma_start3A_426 = tpu.memref_squeeze %dma_start3A_425 : memref<1x80xi32, #tpu.memory_space<vmem>> -> memref<80xi32, #tpu.memory_space<vmem>>
        %dma_start3A_427 = arith.constant 0 : i32
        %dma_start3A_428 = arith.constant 0 : i32
        %dma_start3A_429 = tpu.memref_slice %arg2[%dma_start3A_427, %dma_start3A_428] : memref<10240x64xf32, #tpu.memory_space<hbm>> -> memref<10240x64xf32, #tpu.memory_space<hbm>>
        %dma_start3A_430 = tpu.memref_slice %arg9[%dma_start3A_419] : memref<5x!tpu.dma_semaphore, #tpu.memory_space<semaphore_mem>> -> memref<1x!tpu.dma_semaphore, #tpu.memory_space<semaphore_mem>>
        %dma_start3A_431 = tpu.memref_squeeze %dma_start3A_430 : memref<1x!tpu.dma_semaphore, #tpu.memory_space<semaphore_mem>> -> memref<!tpu.dma_semaphore, #tpu.memory_space<semaphore_mem>>
        tpu.enqueue_indirect_dma source(%dma_start3A_429 : memref<10240x64xf32, #tpu.memory_space<hbm>>) target(%dma_start3A_423 : memref<80x64xf32, #tpu.memory_space<vmem>>) offsets(%dma_start3A_426 : memref<80xi32, #tpu.memory_space<vmem>>) semaphore(%dma_start3A_431 : memref<!tpu.dma_semaphore, #tpu.memory_space<semaphore_mem>>)
        %mul3A_432 = arith.constant 5 : i32
        %mul3A_433 = arith.muli %scan3A_165, %mul3A_432 : i32
        %add3A_434 = arith.constant 3 : i32
        %add3A_435 = arith.addi %mul3A_433, %add3A_434 : i32
        %add3A_436 = arith.constant 5 : i32
        %add3A_437 = arith.addi %add3A_435, %add3A_436 : i32
        %dma_wait3A_438 = arith.constant 3 : i32
        %dma_wait3A_439 = arith.constant 3 : i32
        %dma_wait3A_440 = arith.constant 0 : i32
        %dma_wait3A_441 = arith.constant 0 : i32
        %dma_wait3A_442 = tpu.memref_slice %arg7[%dma_wait3A_438, %dma_wait3A_440, %dma_wait3A_441] : memref<5x80x64xf32, #tpu.memory_space<vmem>> -> memref<1x80x64xf32, #tpu.memory_space<vmem>>
        %dma_wait3A_443 = tpu.memref_squeeze %dma_wait3A_442 : memref<1x80x64xf32, #tpu.memory_space<vmem>> -> memref<80x64xf32, #tpu.memory_space<vmem>>
        %dma_wait3A_444 = arith.constant 0 : i32
        %dma_wait3A_445 = tpu.memref_slice %arg6[%add3A_435, %dma_wait3A_444] : memref<125x80xi32, #tpu.memory_space<vmem>> -> memref<1x80xi32, #tpu.memory_space<vmem>>
        %dma_wait3A_446 = tpu.memref_squeeze %dma_wait3A_445 : memref<1x80xi32, #tpu.memory_space<vmem>> -> memref<80xi32, #tpu.memory_space<vmem>>
        %dma_wait3A_447 = arith.constant 0 : i32
        %dma_wait3A_448 = arith.constant 0 : i32
        %dma_wait3A_449 = tpu.memref_slice %arg8[%dma_wait3A_447, %dma_wait3A_448] : memref<10240x64xf32, #tpu.memory_space<vmem_shared>> -> memref<10240x64xf32, #tpu.memory_space<vmem_shared>>
        %dma_wait3A_450 = tpu.memref_slice %arg10[%dma_wait3A_439] : memref<5x!tpu.dma_semaphore, #tpu.memory_space<semaphore_mem>> -> memref<1x!tpu.dma_semaphore, #tpu.memory_space<semaphore_mem>>
        %dma_wait3A_451 = tpu.memref_squeeze %dma_wait3A_450 : memref<1x!tpu.dma_semaphore, #tpu.memory_space<semaphore_mem>> -> memref<!tpu.dma_semaphore, #tpu.memory_space<semaphore_mem>>
        tpu.wait_indirect_dma semaphore(%dma_wait3A_451 : memref<!tpu.dma_semaphore, #tpu.memory_space<semaphore_mem>>) src(%dma_wait3A_443 : memref<80x64xf32, #tpu.memory_space<vmem>>) dst(%dma_wait3A_449 : memref<10240x64xf32, #tpu.memory_space<vmem_shared>>)
        %dma_start3A_452 = arith.constant 3 : i32
        %dma_start3A_453 = arith.constant 3 : i32
        %dma_start3A_454 = arith.constant 0 : i32
        %dma_start3A_455 = arith.constant 0 : i32
        %dma_start3A_456 = tpu.memref_slice %arg7[%dma_start3A_452, %dma_start3A_454, %dma_start3A_455] : memref<5x80x64xf32, #tpu.memory_space<vmem>> -> memref<1x80x64xf32, #tpu.memory_space<vmem>>
        %dma_start3A_457 = tpu.memref_squeeze %dma_start3A_456 : memref<1x80x64xf32, #tpu.memory_space<vmem>> -> memref<80x64xf32, #tpu.memory_space<vmem>>
        %dma_start3A_458 = arith.constant 0 : i32
        %dma_start3A_459 = tpu.memref_slice %arg5[%add3A_437, %dma_start3A_458] : memref<125x80xi32, #tpu.memory_space<vmem>> -> memref<1x80xi32, #tpu.memory_space<vmem>>
        %dma_start3A_460 = tpu.memref_squeeze %dma_start3A_459 : memref<1x80xi32, #tpu.memory_space<vmem>> -> memref<80xi32, #tpu.memory_space<vmem>>
        %dma_start3A_461 = arith.constant 0 : i32
        %dma_start3A_462 = arith.constant 0 : i32
        %dma_start3A_463 = tpu.memref_slice %arg2[%dma_start3A_461, %dma_start3A_462] : memref<10240x64xf32, #tpu.memory_space<hbm>> -> memref<10240x64xf32, #tpu.memory_space<hbm>>
        %dma_start3A_464 = tpu.memref_slice %arg9[%dma_start3A_453] : memref<5x!tpu.dma_semaphore, #tpu.memory_space<semaphore_mem>> -> memref<1x!tpu.dma_semaphore, #tpu.memory_space<semaphore_mem>>
        %dma_start3A_465 = tpu.memref_squeeze %dma_start3A_464 : memref<1x!tpu.dma_semaphore, #tpu.memory_space<semaphore_mem>> -> memref<!tpu.dma_semaphore, #tpu.memory_space<semaphore_mem>>
        tpu.enqueue_indirect_dma source(%dma_start3A_463 : memref<10240x64xf32, #tpu.memory_space<hbm>>) target(%dma_start3A_457 : memref<80x64xf32, #tpu.memory_space<vmem>>) offsets(%dma_start3A_460 : memref<80xi32, #tpu.memory_space<vmem>>) semaphore(%dma_start3A_465 : memref<!tpu.dma_semaphore, #tpu.memory_space<semaphore_mem>>)
        %mul3A_466 = arith.constant 5 : i32
        %mul3A_467 = arith.muli %scan3A_165, %mul3A_466 : i32
        %add3A_468 = arith.constant 4 : i32
        %add3A_469 = arith.addi %mul3A_467, %add3A_468 : i32
        %add3A_470 = arith.constant 5 : i32
        %add3A_471 = arith.addi %add3A_469, %add3A_470 : i32
        %dma_wait3A_472 = arith.constant 4 : i32
        %dma_wait3A_473 = arith.constant 4 : i32
        %dma_wait3A_474 = arith.constant 0 : i32
        %dma_wait3A_475 = arith.constant 0 : i32
        %dma_wait3A_476 = tpu.memref_slice %arg7[%dma_wait3A_472, %dma_wait3A_474, %dma_wait3A_475] : memref<5x80x64xf32, #tpu.memory_space<vmem>> -> memref<1x80x64xf32, #tpu.memory_space<vmem>>
        %dma_wait3A_477 = tpu.memref_squeeze %dma_wait3A_476 : memref<1x80x64xf32, #tpu.memory_space<vmem>> -> memref<80x64xf32, #tpu.memory_space<vmem>>
        %dma_wait3A_478 = arith.constant 0 : i32
        %dma_wait3A_479 = tpu.memref_slice %arg6[%add3A_469, %dma_wait3A_478] : memref<125x80xi32, #tpu.memory_space<vmem>> -> memref<1x80xi32, #tpu.memory_space<vmem>>
        %dma_wait3A_480 = tpu.memref_squeeze %dma_wait3A_479 : memref<1x80xi32, #tpu.memory_space<vmem>> -> memref<80xi32, #tpu.memory_space<vmem>>
        %dma_wait3A_481 = arith.constant 0 : i32
        %dma_wait3A_482 = arith.constant 0 : i32
        %dma_wait3A_483 = tpu.memref_slice %arg8[%dma_wait3A_481, %dma_wait3A_482] : memref<10240x64xf32, #tpu.memory_space<vmem_shared>> -> memref<10240x64xf32, #tpu.memory_space<vmem_shared>>
        %dma_wait3A_484 = tpu.memref_slice %arg10[%dma_wait3A_473] : memref<5x!tpu.dma_semaphore, #tpu.memory_space<semaphore_mem>> -> memref<1x!tpu.dma_semaphore, #tpu.memory_space<semaphore_mem>>
        %dma_wait3A_485 = tpu.memref_squeeze %dma_wait3A_484 : memref<1x!tpu.dma_semaphore, #tpu.memory_space<semaphore_mem>> -> memref<!tpu.dma_semaphore, #tpu.memory_space<semaphore_mem>>
        tpu.wait_indirect_dma semaphore(%dma_wait3A_485 : memref<!tpu.dma_semaphore, #tpu.memory_space<semaphore_mem>>) src(%dma_wait3A_477 : memref<80x64xf32, #tpu.memory_space<vmem>>) dst(%dma_wait3A_483 : memref<10240x64xf32, #tpu.memory_space<vmem_shared>>)
        %dma_start3A_486 = arith.constant 4 : i32
        %dma_start3A_487 = arith.constant 4 : i32
        %dma_start3A_488 = arith.constant 0 : i32
        %dma_start3A_489 = arith.constant 0 : i32
        %dma_start3A_490 = tpu.memref_slice %arg7[%dma_start3A_486, %dma_start3A_488, %dma_start3A_489] : memref<5x80x64xf32, #tpu.memory_space<vmem>> -> memref<1x80x64xf32, #tpu.memory_space<vmem>>
        %dma_start3A_491 = tpu.memref_squeeze %dma_start3A_490 : memref<1x80x64xf32, #tpu.memory_space<vmem>> -> memref<80x64xf32, #tpu.memory_space<vmem>>
        %dma_start3A_492 = arith.constant 0 : i32
        %dma_start3A_493 = tpu.memref_slice %arg5[%add3A_471, %dma_start3A_492] : memref<125x80xi32, #tpu.memory_space<vmem>> -> memref<1x80xi32, #tpu.memory_space<vmem>>
        %dma_start3A_494 = tpu.memref_squeeze %dma_start3A_493 : memref<1x80xi32, #tpu.memory_space<vmem>> -> memref<80xi32, #tpu.memory_space<vmem>>
        %dma_start3A_495 = arith.constant 0 : i32
        %dma_start3A_496 = arith.constant 0 : i32
        %dma_start3A_497 = tpu.memref_slice %arg2[%dma_start3A_495, %dma_start3A_496] : memref<10240x64xf32, #tpu.memory_space<hbm>> -> memref<10240x64xf32, #tpu.memory_space<hbm>>
        %dma_start3A_498 = tpu.memref_slice %arg9[%dma_start3A_487] : memref<5x!tpu.dma_semaphore, #tpu.memory_space<semaphore_mem>> -> memref<1x!tpu.dma_semaphore, #tpu.memory_space<semaphore_mem>>
        %dma_start3A_499 = tpu.memref_squeeze %dma_start3A_498 : memref<1x!tpu.dma_semaphore, #tpu.memory_space<semaphore_mem>> -> memref<!tpu.dma_semaphore, #tpu.memory_space<semaphore_mem>>
        tpu.enqueue_indirect_dma source(%dma_start3A_497 : memref<10240x64xf32, #tpu.memory_space<hbm>>) target(%dma_start3A_491 : memref<80x64xf32, #tpu.memory_space<vmem>>) offsets(%dma_start3A_494 : memref<80xi32, #tpu.memory_space<vmem>>) semaphore(%dma_start3A_499 : memref<!tpu.dma_semaphore, #tpu.memory_space<semaphore_mem>>)
      } else {
      }
    }
    %scan3A_89 = arith.constant 25 : i32
    %dma_wait3A = arith.constant 0 : i32
    %dma_wait3A_90 = arith.constant 120 : i32
    %dma_wait3A_91 = arith.constant 0 : i32
    %dma_wait3A_92 = arith.constant 0 : i32
    %dma_wait3A_93 = arith.constant 0 : i32
    %dma_wait3A_94 = tpu.memref_slice %arg7[%dma_wait3A, %dma_wait3A_92, %dma_wait3A_93] : memref<5x80x64xf32, #tpu.memory_space<vmem>> -> memref<1x80x64xf32, #tpu.memory_space<vmem>>
    %dma_wait3A_95 = tpu.memref_squeeze %dma_wait3A_94 : memref<1x80x64xf32, #tpu.memory_space<vmem>> -> memref<80x64xf32, #tpu.memory_space<vmem>>
    %dma_wait3A_96 = arith.constant 0 : i32
    %dma_wait3A_97 = tpu.memref_slice %arg6[%dma_wait3A_90, %dma_wait3A_96] : memref<125x80xi32, #tpu.memory_space<vmem>> -> memref<1x80xi32, #tpu.memory_space<vmem>>
    %dma_wait3A_98 = tpu.memref_squeeze %dma_wait3A_97 : memref<1x80xi32, #tpu.memory_space<vmem>> -> memref<80xi32, #tpu.memory_space<vmem>>
    %dma_wait3A_99 = arith.constant 0 : i32
    %dma_wait3A_100 = arith.constant 0 : i32
    %dma_wait3A_101 = tpu.memref_slice %arg8[%dma_wait3A_99, %dma_wait3A_100] : memref<10240x64xf32, #tpu.memory_space<vmem_shared>> -> memref<10240x64xf32, #tpu.memory_space<vmem_shared>>
    %dma_wait3A_102 = tpu.memref_slice %arg10[%dma_wait3A_91] : memref<5x!tpu.dma_semaphore, #tpu.memory_space<semaphore_mem>> -> memref<1x!tpu.dma_semaphore, #tpu.memory_space<semaphore_mem>>
    %dma_wait3A_103 = tpu.memref_squeeze %dma_wait3A_102 : memref<1x!tpu.dma_semaphore, #tpu.memory_space<semaphore_mem>> -> memref<!tpu.dma_semaphore, #tpu.memory_space<semaphore_mem>>
    tpu.wait_indirect_dma semaphore(%dma_wait3A_103 : memref<!tpu.dma_semaphore, #tpu.memory_space<semaphore_mem>>) src(%dma_wait3A_95 : memref<80x64xf32, #tpu.memory_space<vmem>>) dst(%dma_wait3A_101 : memref<10240x64xf32, #tpu.memory_space<vmem_shared>>)
    %dma_wait3A_104 = arith.constant 1 : i32
    %dma_wait3A_105 = arith.constant 121 : i32
    %dma_wait3A_106 = arith.constant 1 : i32
    %dma_wait3A_107 = arith.constant 0 : i32
    %dma_wait3A_108 = arith.constant 0 : i32
    %dma_wait3A_109 = tpu.memref_slice %arg7[%dma_wait3A_104, %dma_wait3A_107, %dma_wait3A_108] : memref<5x80x64xf32, #tpu.memory_space<vmem>> -> memref<1x80x64xf32, #tpu.memory_space<vmem>>
    %dma_wait3A_110 = tpu.memref_squeeze %dma_wait3A_109 : memref<1x80x64xf32, #tpu.memory_space<vmem>> -> memref<80x64xf32, #tpu.memory_space<vmem>>
    %dma_wait3A_111 = arith.constant 0 : i32
    %dma_wait3A_112 = tpu.memref_slice %arg6[%dma_wait3A_105, %dma_wait3A_111] : memref<125x80xi32, #tpu.memory_space<vmem>> -> memref<1x80xi32, #tpu.memory_space<vmem>>
    %dma_wait3A_113 = tpu.memref_squeeze %dma_wait3A_112 : memref<1x80xi32, #tpu.memory_space<vmem>> -> memref<80xi32, #tpu.memory_space<vmem>>
    %dma_wait3A_114 = arith.constant 0 : i32
    %dma_wait3A_115 = arith.constant 0 : i32
    %dma_wait3A_116 = tpu.memref_slice %arg8[%dma_wait3A_114, %dma_wait3A_115] : memref<10240x64xf32, #tpu.memory_space<vmem_shared>> -> memref<10240x64xf32, #tpu.memory_space<vmem_shared>>
    %dma_wait3A_117 = tpu.memref_slice %arg10[%dma_wait3A_106] : memref<5x!tpu.dma_semaphore, #tpu.memory_space<semaphore_mem>> -> memref<1x!tpu.dma_semaphore, #tpu.memory_space<semaphore_mem>>
    %dma_wait3A_118 = tpu.memref_squeeze %dma_wait3A_117 : memref<1x!tpu.dma_semaphore, #tpu.memory_space<semaphore_mem>> -> memref<!tpu.dma_semaphore, #tpu.memory_space<semaphore_mem>>
    tpu.wait_indirect_dma semaphore(%dma_wait3A_118 : memref<!tpu.dma_semaphore, #tpu.memory_space<semaphore_mem>>) src(%dma_wait3A_110 : memref<80x64xf32, #tpu.memory_space<vmem>>) dst(%dma_wait3A_116 : memref<10240x64xf32, #tpu.memory_space<vmem_shared>>)
    %dma_wait3A_119 = arith.constant 2 : i32
    %dma_wait3A_120 = arith.constant 122 : i32
    %dma_wait3A_121 = arith.constant 2 : i32
    %dma_wait3A_122 = arith.constant 0 : i32
    %dma_wait3A_123 = arith.constant 0 : i32
    %dma_wait3A_124 = tpu.memref_slice %arg7[%dma_wait3A_119, %dma_wait3A_122, %dma_wait3A_123] : memref<5x80x64xf32, #tpu.memory_space<vmem>> -> memref<1x80x64xf32, #tpu.memory_space<vmem>>
    %dma_wait3A_125 = tpu.memref_squeeze %dma_wait3A_124 : memref<1x80x64xf32, #tpu.memory_space<vmem>> -> memref<80x64xf32, #tpu.memory_space<vmem>>
    %dma_wait3A_126 = arith.constant 0 : i32
    %dma_wait3A_127 = tpu.memref_slice %arg6[%dma_wait3A_120, %dma_wait3A_126] : memref<125x80xi32, #tpu.memory_space<vmem>> -> memref<1x80xi32, #tpu.memory_space<vmem>>
    %dma_wait3A_128 = tpu.memref_squeeze %dma_wait3A_127 : memref<1x80xi32, #tpu.memory_space<vmem>> -> memref<80xi32, #tpu.memory_space<vmem>>
    %dma_wait3A_129 = arith.constant 0 : i32
    %dma_wait3A_130 = arith.constant 0 : i32
    %dma_wait3A_131 = tpu.memref_slice %arg8[%dma_wait3A_129, %dma_wait3A_130] : memref<10240x64xf32, #tpu.memory_space<vmem_shared>> -> memref<10240x64xf32, #tpu.memory_space<vmem_shared>>
    %dma_wait3A_132 = tpu.memref_slice %arg10[%dma_wait3A_121] : memref<5x!tpu.dma_semaphore, #tpu.memory_space<semaphore_mem>> -> memref<1x!tpu.dma_semaphore, #tpu.memory_space<semaphore_mem>>
    %dma_wait3A_133 = tpu.memref_squeeze %dma_wait3A_132 : memref<1x!tpu.dma_semaphore, #tpu.memory_space<semaphore_mem>> -> memref<!tpu.dma_semaphore, #tpu.memory_space<semaphore_mem>>
    tpu.wait_indirect_dma semaphore(%dma_wait3A_133 : memref<!tpu.dma_semaphore, #tpu.memory_space<semaphore_mem>>) src(%dma_wait3A_125 : memref<80x64xf32, #tpu.memory_space<vmem>>) dst(%dma_wait3A_131 : memref<10240x64xf32, #tpu.memory_space<vmem_shared>>)
    %dma_wait3A_134 = arith.constant 3 : i32
    %dma_wait3A_135 = arith.constant 123 : i32
    %dma_wait3A_136 = arith.constant 3 : i32
    %dma_wait3A_137 = arith.constant 0 : i32
    %dma_wait3A_138 = arith.constant 0 : i32
    %dma_wait3A_139 = tpu.memref_slice %arg7[%dma_wait3A_134, %dma_wait3A_137, %dma_wait3A_138] : memref<5x80x64xf32, #tpu.memory_space<vmem>> -> memref<1x80x64xf32, #tpu.memory_space<vmem>>
    %dma_wait3A_140 = tpu.memref_squeeze %dma_wait3A_139 : memref<1x80x64xf32, #tpu.memory_space<vmem>> -> memref<80x64xf32, #tpu.memory_space<vmem>>
    %dma_wait3A_141 = arith.constant 0 : i32
    %dma_wait3A_142 = tpu.memref_slice %arg6[%dma_wait3A_135, %dma_wait3A_141] : memref<125x80xi32, #tpu.memory_space<vmem>> -> memref<1x80xi32, #tpu.memory_space<vmem>>
    %dma_wait3A_143 = tpu.memref_squeeze %dma_wait3A_142 : memref<1x80xi32, #tpu.memory_space<vmem>> -> memref<80xi32, #tpu.memory_space<vmem>>
    %dma_wait3A_144 = arith.constant 0 : i32
    %dma_wait3A_145 = arith.constant 0 : i32
    %dma_wait3A_146 = tpu.memref_slice %arg8[%dma_wait3A_144, %dma_wait3A_145] : memref<10240x64xf32, #tpu.memory_space<vmem_shared>> -> memref<10240x64xf32, #tpu.memory_space<vmem_shared>>
    %dma_wait3A_147 = tpu.memref_slice %arg10[%dma_wait3A_136] : memref<5x!tpu.dma_semaphore, #tpu.memory_space<semaphore_mem>> -> memref<1x!tpu.dma_semaphore, #tpu.memory_space<semaphore_mem>>
    %dma_wait3A_148 = tpu.memref_squeeze %dma_wait3A_147 : memref<1x!tpu.dma_semaphore, #tpu.memory_space<semaphore_mem>> -> memref<!tpu.dma_semaphore, #tpu.memory_space<semaphore_mem>>
    tpu.wait_indirect_dma semaphore(%dma_wait3A_148 : memref<!tpu.dma_semaphore, #tpu.memory_space<semaphore_mem>>) src(%dma_wait3A_140 : memref<80x64xf32, #tpu.memory_space<vmem>>) dst(%dma_wait3A_146 : memref<10240x64xf32, #tpu.memory_space<vmem_shared>>)
    %dma_wait3A_149 = arith.constant 4 : i32
    %dma_wait3A_150 = arith.constant 124 : i32
    %dma_wait3A_151 = arith.constant 4 : i32
    %dma_wait3A_152 = arith.constant 0 : i32
    %dma_wait3A_153 = arith.constant 0 : i32
    %dma_wait3A_154 = tpu.memref_slice %arg7[%dma_wait3A_149, %dma_wait3A_152, %dma_wait3A_153] : memref<5x80x64xf32, #tpu.memory_space<vmem>> -> memref<1x80x64xf32, #tpu.memory_space<vmem>>
    %dma_wait3A_155 = tpu.memref_squeeze %dma_wait3A_154 : memref<1x80x64xf32, #tpu.memory_space<vmem>> -> memref<80x64xf32, #tpu.memory_space<vmem>>
    %dma_wait3A_156 = arith.constant 0 : i32
    %dma_wait3A_157 = tpu.memref_slice %arg6[%dma_wait3A_150, %dma_wait3A_156] : memref<125x80xi32, #tpu.memory_space<vmem>> -> memref<1x80xi32, #tpu.memory_space<vmem>>
    %dma_wait3A_158 = tpu.memref_squeeze %dma_wait3A_157 : memref<1x80xi32, #tpu.memory_space<vmem>> -> memref<80xi32, #tpu.memory_space<vmem>>
    %dma_wait3A_159 = arith.constant 0 : i32
    %dma_wait3A_160 = arith.constant 0 : i32
    %dma_wait3A_161 = tpu.memref_slice %arg8[%dma_wait3A_159, %dma_wait3A_160] : memref<10240x64xf32, #tpu.memory_space<vmem_shared>> -> memref<10240x64xf32, #tpu.memory_space<vmem_shared>>
    %dma_wait3A_162 = tpu.memref_slice %arg10[%dma_wait3A_151] : memref<5x!tpu.dma_semaphore, #tpu.memory_space<semaphore_mem>> -> memref<1x!tpu.dma_semaphore, #tpu.memory_space<semaphore_mem>>
    %dma_wait3A_163 = tpu.memref_squeeze %dma_wait3A_162 : memref<1x!tpu.dma_semaphore, #tpu.memory_space<semaphore_mem>> -> memref<!tpu.dma_semaphore, #tpu.memory_space<semaphore_mem>>
    tpu.wait_indirect_dma semaphore(%dma_wait3A_163 : memref<!tpu.dma_semaphore, #tpu.memory_space<semaphore_mem>>) src(%dma_wait3A_155 : memref<80x64xf32, #tpu.memory_space<vmem>>) dst(%dma_wait3A_161 : memref<10240x64xf32, #tpu.memory_space<vmem_shared>>)
    %barrier3A_164 = arith.constant 0 : index
    tpu.barrier barrier_id(%barrier3A_164)
    "tpu.region"() ({
      %run_scoped3A_165 = tpu.sem_alloc : memref<!tpu.dma_semaphore, #tpu.memory_space<semaphore_mem>>
      %dma_start3A_166 = arith.constant 0 : i32
      %dma_start3A_167 = tpu.memref_slice %arg4[%arg0, %mul3A_2, %dma_start3A_166] : memref<2x10240x64xf32, #tpu.memory_space<hbm>> -> memref<1x640x64xf32, #tpu.memory_space<hbm>>
      %dma_start3A_168 = tpu.memref_squeeze %dma_start3A_167 : memref<1x640x64xf32, #tpu.memory_space<hbm>> -> memref<640x64xf32, #tpu.memory_space<hbm>>
      %dma_start3A_169 = arith.constant 0 : i32
      %dma_start3A_170 = tpu.memref_slice %arg8[%mul3A_2, %dma_start3A_169] : memref<10240x64xf32, #tpu.memory_space<vmem_shared>> -> memref<640x64xf32, #tpu.memory_space<vmem_shared>>
      tpu.enqueue_dma source(%dma_start3A_170 : memref<640x64xf32, #tpu.memory_space<vmem_shared>>) target(%dma_start3A_168 : memref<640x64xf32, #tpu.memory_space<hbm>>) target_semaphore(%run_scoped3A_165 : memref<!tpu.dma_semaphore, #tpu.memory_space<semaphore_mem>>)
      %dma_wait3A_171 = arith.constant 0 : i32
      %dma_wait3A_172 = tpu.memref_slice %arg4[%arg0, %mul3A_2, %dma_wait3A_171] : memref<2x10240x64xf32, #tpu.memory_space<hbm>> -> memref<1x640x64xf32, #tpu.memory_space<hbm>>
      %dma_wait3A_173 = tpu.memref_squeeze %dma_wait3A_172 : memref<1x640x64xf32, #tpu.memory_space<hbm>> -> memref<640x64xf32, #tpu.memory_space<hbm>>
      %dma_wait3A_174 = arith.constant 0 : i32
      %dma_wait3A_175 = tpu.memref_slice %arg8[%mul3A_2, %dma_wait3A_174] : memref<10240x64xf32, #tpu.memory_space<vmem_shared>> -> memref<640x64xf32, #tpu.memory_space<vmem_shared>>
      tpu.wait_dma2 semaphore(%run_scoped3A_165 : memref<!tpu.dma_semaphore, #tpu.memory_space<semaphore_mem>>) src(%dma_wait3A_175 : memref<640x64xf32, #tpu.memory_space<vmem_shared>>) dst(%dma_wait3A_173 : memref<640x64xf32, #tpu.memory_space<hbm>>)
      tpu.yield
    }) : () -> ()
    return
  }
}

#map = affine_map<(d0, d1) -> (0, 0)>
#map1 = affine_map<(d0, d1) -> (0, 0, 0, 0)>
#map2 = affine_map<(d0, d1) -> (0, 0, 0)>
module attributes {stable_mosaic.version = 14 : i64} {
  func.func @_mp_body(%arg0: i32, %arg1: i32, %arg2: memref<10240x64xf32, #tpu.memory_space<hbm>>, %arg3: memref<2x32x125x80xi32, #tpu.memory_space<hbm>>, %arg4: memref<2x10240x64xf32, #tpu.memory_space<hbm>>, %arg5: memref<125x80xi32, #tpu.memory_space<vmem>>, %arg6: memref<125x80xi32, #tpu.memory_space<vmem>>, %arg7: memref<5x80x64xf32, #tpu.memory_space<vmem>>, %arg8: memref<10240x64xf32, #tpu.memory_space<vmem_shared>>, %arg9: memref<5x!tpu.dma_semaphore, #tpu.memory_space<semaphore_mem>>, %arg10: memref<5x!tpu.dma_semaphore, #tpu.memory_space<semaphore_mem>>) attributes {dimension_semantics = [#tpu.dimension_semantics<core_parallel>, #tpu.dimension_semantics<subcore_parallel>], iteration_bounds = array<i64: 2, 16>, scalar_prefetch = 0 : i64, scratch_operands = 6 : i64, tpu.core_type = #tpu.core_type<sc_vector_subcore>, window_params = [{transform_indices = #map}, {transform_indices = #map1}, {transform_indices = #map2}]} {
    %mul3A = arith.constant 16 : i32
    %mul3A_0 = arith.muli %arg0, %mul3A : i32
    %add3A = arith.addi %mul3A_0, %arg1 : i32
    %mul3A_1 = arith.constant 640 : i32
    %mul3A_2 = arith.muli %arg1, %mul3A_1 : i32
    %eq3A = arith.constant 0 : i32
    %eq3A_3 = arith.cmpi eq, %arg0, %eq3A : i32
    %convert_element_type3A = arith.extui %eq3A_3 : i1 to i32
    %cond3A = arith.constant 0 : i32
    %cond3A_4 = arith.cmpi ne, %convert_element_type3A, %cond3A : i32
    scf.if %cond3A_4 {
      "tpu.region"() ({
        %run_scoped3A_165 = tpu.sem_alloc : memref<!tpu.dma_semaphore, #tpu.memory_space<semaphore_mem>>
        %dma_start3A_166 = arith.constant 0 : i32
        %dma_start3A_167 = tpu.memref_slice %arg8[%mul3A_2, %dma_start3A_166] : memref<10240x64xf32, #tpu.memory_space<vmem_shared>> -> memref<640x64xf32, #tpu.memory_space<vmem_shared>>
        %dma_start3A_168 = arith.constant 0 : i32
        %dma_start3A_169 = tpu.memref_slice %arg2[%mul3A_2, %dma_start3A_168] : memref<10240x64xf32, #tpu.memory_space<hbm>> -> memref<640x64xf32, #tpu.memory_space<hbm>>
        tpu.enqueue_dma source(%dma_start3A_169 : memref<640x64xf32, #tpu.memory_space<hbm>>) target(%dma_start3A_167 : memref<640x64xf32, #tpu.memory_space<vmem_shared>>) target_semaphore(%run_scoped3A_165 : memref<!tpu.dma_semaphore, #tpu.memory_space<semaphore_mem>>)
        %dma_wait3A_170 = arith.constant 0 : i32
        %dma_wait3A_171 = tpu.memref_slice %arg8[%mul3A_2, %dma_wait3A_170] : memref<10240x64xf32, #tpu.memory_space<vmem_shared>> -> memref<640x64xf32, #tpu.memory_space<vmem_shared>>
        %dma_wait3A_172 = arith.constant 0 : i32
        %dma_wait3A_173 = tpu.memref_slice %arg2[%mul3A_2, %dma_wait3A_172] : memref<10240x64xf32, #tpu.memory_space<hbm>> -> memref<640x64xf32, #tpu.memory_space<hbm>>
        tpu.wait_dma2 semaphore(%run_scoped3A_165 : memref<!tpu.dma_semaphore, #tpu.memory_space<semaphore_mem>>) src(%dma_wait3A_173 : memref<640x64xf32, #tpu.memory_space<hbm>>) dst(%dma_wait3A_171 : memref<640x64xf32, #tpu.memory_space<vmem_shared>>)
        tpu.yield
      }) : () -> ()
    } else {
    }
    %eq3A_5 = arith.constant 1 : i32
    %eq3A_6 = arith.cmpi eq, %arg0, %eq3A_5 : i32
    %convert_element_type3A_7 = arith.extui %eq3A_6 : i1 to i32
    %cond3A_8 = arith.constant 0 : i32
    %cond3A_9 = arith.cmpi ne, %convert_element_type3A_7, %cond3A_8 : i32
    scf.if %cond3A_9 {
      %broadcast_in_dim3A = arith.constant 0.000000e+00 : f32
      %broadcast_in_dim3A_165 = vector.broadcast %broadcast_in_dim3A : f32 to vector<16xf32>
      %scan3A_166 = arith.constant 0 : i32
      %scan3A_167 = arith.constant 0 : i32
      %scan3A_168 = arith.constant 80 : i32
      %scan3A_169 = arith.addi %scan3A_167, %scan3A_168 : i32
      %scan3A_170 = arith.constant 1 : i32
      scf.for %scan3A_196 = %scan3A_167 to %scan3A_169 step %scan3A_170  : i32 {
        %swap3A = arith.constant 0 : i32
        %swap3A_197 = arith.index_cast %swap3A : i32 to index
        %swap3A_198 = arith.index_cast %scan3A_196 : i32 to index
        %swap3A_199 = arith.constant 0 : index
        %swap3A_200 = tpu.vector_load %arg7[%swap3A_197, %swap3A_198, %swap3A_199] {strides = array<i32>} : memref<5x80x64xf32, #tpu.memory_space<vmem>>, vector<16xf32>,
        tpu.vector_store %arg7[%swap3A_197, %swap3A_198, %swap3A_199], %broadcast_in_dim3A_165 {strides = array<i32>} : memref<5x80x64xf32, #tpu.memory_space<vmem>>, vector<16xf32>,
        %swap3A_201 = arith.constant 0 : i32
        %swap3A_202 = arith.index_cast %swap3A_201 : i32 to index
        %swap3A_203 = arith.index_cast %scan3A_196 : i32 to index
        %swap3A_204 = arith.constant 16 : index
        %swap3A_205 = tpu.vector_load %arg7[%swap3A_202, %swap3A_203, %swap3A_204] {strides = array<i32>} : memref<5x80x64xf32, #tpu.memory_space<vmem>>, vector<16xf32>,
        tpu.vector_store %arg7[%swap3A_202, %swap3A_203, %swap3A_204], %broadcast_in_dim3A_165 {strides = array<i32>} : memref<5x80x64xf32, #tpu.memory_space<vmem>>, vector<16xf32>,
        %swap3A_206 = arith.constant 0 : i32
        %swap3A_207 = arith.index_cast %swap3A_206 : i32 to index
        %swap3A_208 = arith.index_cast %scan3A_196 : i32 to index
        %swap3A_209 = arith.constant 32 : index
        %swap3A_210 = tpu.vector_load %arg7[%swap3A_207, %swap3A_208, %swap3A_209] {strides = array<i32>} : memref<5x80x64xf32, #tpu.memory_space<vmem>>, vector<16xf32>,
        tpu.vector_store %arg7[%swap3A_207, %swap3A_208, %swap3A_209], %broadcast_in_dim3A_165 {strides = array<i32>} : memref<5x80x64xf32, #tpu.memory_space<vmem>>, vector<16xf32>,
        %swap3A_211 = arith.constant 0 : i32
        %swap3A_212 = arith.index_cast %swap3A_211 : i32 to index
        %swap3A_213 = arith.index_cast %scan3A_196 : i32 to index
        %swap3A_214 = arith.constant 48 : index
        %swap3A_215 = tpu.vector_load %arg7[%swap3A_212, %swap3A_213, %swap3A_214] {strides = array<i32>} : memref<5x80x64xf32, #tpu.memory_space<vmem>>, vector<16xf32>,
        tpu.vector_store %arg7[%swap3A_212, %swap3A_213, %swap3A_214], %broadcast_in_dim3A_165 {strides = array<i32>} : memref<5x80x64xf32, #tpu.memory_space<vmem>>, vector<16xf32>,
      }
      %scan3A_171 = arith.constant 80 : i32
      %add3A_172 = arith.constant 0 : i32
      %add3A_173 = arith.addi %mul3A_2, %add3A_172 : i32
      %run_scoped3A_174 = arith.constant 0 : i32
      "tpu.region"() ({
        %run_scoped3A_196 = tpu.sem_alloc : memref<!tpu.dma_semaphore, #tpu.memory_space<semaphore_mem>>
        %dma_start3A_197 = arith.constant 0 : i32
        %dma_start3A_198 = arith.constant 0 : i32
        %dma_start3A_199 = tpu.memref_slice %arg7[%run_scoped3A_174, %dma_start3A_197, %dma_start3A_198] : memref<5x80x64xf32, #tpu.memory_space<vmem>> -> memref<1x80x64xf32, #tpu.memory_space<vmem>>
        %dma_start3A_200 = tpu.memref_squeeze %dma_start3A_199 : memref<1x80x64xf32, #tpu.memory_space<vmem>> -> memref<80x64xf32, #tpu.memory_space<vmem>>
        %dma_start3A_201 = arith.constant 0 : i32
        %dma_start3A_202 = tpu.memref_slice %arg8[%add3A_173, %dma_start3A_201] : memref<10240x64xf32, #tpu.memory_space<vmem_shared>> -> memref<80x64xf32, #tpu.memory_space<vmem_shared>>
        %dma_start3A_203 = arith.constant 0 : i32
        %dma_start3A_204 = tpu.memref_slice %arg8[%add3A_173, %dma_start3A_203] : memref<10240x64xf32, #tpu.memory_space<vmem_shared>> -> memref<80x64xf32, #tpu.memory_space<vmem_shared>>
        %dma_start3A_205 = arith.constant 0 : i32
        %dma_start3A_206 = arith.constant 0 : i32
        %dma_start3A_207 = tpu.memref_slice %arg7[%run_scoped3A_174, %dma_start3A_205, %dma_start3A_206] : memref<5x80x64xf32, #tpu.memory_space<vmem>> -> memref<1x80x64xf32, #tpu.memory_space<vmem>>
        %dma_start3A_208 = tpu.memref_squeeze %dma_start3A_207 : memref<1x80x64xf32, #tpu.memory_space<vmem>> -> memref<80x64xf32, #tpu.memory_space<vmem>>
        tpu.enqueue_dma source(%dma_start3A_208 : memref<80x64xf32, #tpu.memory_space<vmem>>) target(%dma_start3A_204 : memref<80x64xf32, #tpu.memory_space<vmem_shared>>) target_semaphore(%run_scoped3A_196 : memref<!tpu.dma_semaphore, #tpu.memory_space<semaphore_mem>>)
        %dma_wait3A_209 = arith.constant 0 : i32
        %dma_wait3A_210 = arith.constant 0 : i32
        %dma_wait3A_211 = tpu.memref_slice %arg7[%run_scoped3A_174, %dma_wait3A_209, %dma_wait3A_210] : memref<5x80x64xf32, #tpu.memory_space<vmem>> -> memref<1x80x64xf32, #tpu.memory_space<vmem>>
        %dma_wait3A_212 = tpu.memref_squeeze %dma_wait3A_211 : memref<1x80x64xf32, #tpu.memory_space<vmem>> -> memref<80x64xf32, #tpu.memory_space<vmem>>
        %dma_wait3A_213 = arith.constant 0 : i32
        %dma_wait3A_214 = tpu.memref_slice %arg8[%add3A_173, %dma_wait3A_213] : memref<10240x64xf32, #tpu.memory_space<vmem_shared>> -> memref<80x64xf32, #tpu.memory_space<vmem_shared>>
        %dma_wait3A_215 = arith.constant 0 : i32
        %dma_wait3A_216 = tpu.memref_slice %arg8[%add3A_173, %dma_wait3A_215] : memref<10240x64xf32, #tpu.memory_space<vmem_shared>> -> memref<80x64xf32, #tpu.memory_space<vmem_shared>>
        %dma_wait3A_217 = arith.constant 0 : i32
        %dma_wait3A_218 = arith.constant 0 : i32
        %dma_wait3A_219 = tpu.memref_slice %arg7[%run_scoped3A_174, %dma_wait3A_217, %dma_wait3A_218] : memref<5x80x64xf32, #tpu.memory_space<vmem>> -> memref<1x80x64xf32, #tpu.memory_space<vmem>>
        %dma_wait3A_220 = tpu.memref_squeeze %dma_wait3A_219 : memref<1x80x64xf32, #tpu.memory_space<vmem>> -> memref<80x64xf32, #tpu.memory_space<vmem>>
        tpu.wait_dma2 semaphore(%run_scoped3A_196 : memref<!tpu.dma_semaphore, #tpu.memory_space<semaphore_mem>>) src(%dma_wait3A_220 : memref<80x64xf32, #tpu.memory_space<vmem>>) dst(%dma_wait3A_216 : memref<80x64xf32, #tpu.memory_space<vmem_shared>>)
        tpu.yield
      }) : () -> ()
      %add3A_175 = arith.constant 80 : i32
      %add3A_176 = arith.addi %mul3A_2, %add3A_175 : i32
      %run_scoped3A_177 = arith.constant 0 : i32
      "tpu.region"() ({
        %run_scoped3A_196 = tpu.sem_alloc : memref<!tpu.dma_semaphore, #tpu.memory_space<semaphore_mem>>
        %dma_start3A_197 = arith.constant 0 : i32
        %dma_start3A_198 = arith.constant 0 : i32
        %dma_start3A_199 = tpu.memref_slice %arg7[%run_scoped3A_177, %dma_start3A_197, %dma_start3A_198] : memref<5x80x64xf32, #tpu.memory_space<vmem>> -> memref<1x80x64xf32, #tpu.memory_space<vmem>>
        %dma_start3A_200 = tpu.memref_squeeze %dma_start3A_199 : memref<1x80x64xf32, #tpu.memory_space<vmem>> -> memref<80x64xf32, #tpu.memory_space<vmem>>
        %dma_start3A_201 = arith.constant 0 : i32
        %dma_start3A_202 = tpu.memref_slice %arg8[%add3A_176, %dma_start3A_201] : memref<10240x64xf32, #tpu.memory_space<vmem_shared>> -> memref<80x64xf32, #tpu.memory_space<vmem_shared>>
        %dma_start3A_203 = arith.constant 0 : i32
        %dma_start3A_204 = tpu.memref_slice %arg8[%add3A_176, %dma_start3A_203] : memref<10240x64xf32, #tpu.memory_space<vmem_shared>> -> memref<80x64xf32, #tpu.memory_space<vmem_shared>>
        %dma_start3A_205 = arith.constant 0 : i32
        %dma_start3A_206 = arith.constant 0 : i32
        %dma_start3A_207 = tpu.memref_slice %arg7[%run_scoped3A_177, %dma_start3A_205, %dma_start3A_206] : memref<5x80x64xf32, #tpu.memory_space<vmem>> -> memref<1x80x64xf32, #tpu.memory_space<vmem>>
        %dma_start3A_208 = tpu.memref_squeeze %dma_start3A_207 : memref<1x80x64xf32, #tpu.memory_space<vmem>> -> memref<80x64xf32, #tpu.memory_space<vmem>>
        tpu.enqueue_dma source(%dma_start3A_208 : memref<80x64xf32, #tpu.memory_space<vmem>>) target(%dma_start3A_204 : memref<80x64xf32, #tpu.memory_space<vmem_shared>>) target_semaphore(%run_scoped3A_196 : memref<!tpu.dma_semaphore, #tpu.memory_space<semaphore_mem>>)
        %dma_wait3A_209 = arith.constant 0 : i32
        %dma_wait3A_210 = arith.constant 0 : i32
        %dma_wait3A_211 = tpu.memref_slice %arg7[%run_scoped3A_177, %dma_wait3A_209, %dma_wait3A_210] : memref<5x80x64xf32, #tpu.memory_space<vmem>> -> memref<1x80x64xf32, #tpu.memory_space<vmem>>
        %dma_wait3A_212 = tpu.memref_squeeze %dma_wait3A_211 : memref<1x80x64xf32, #tpu.memory_space<vmem>> -> memref<80x64xf32, #tpu.memory_space<vmem>>
        %dma_wait3A_213 = arith.constant 0 : i32
        %dma_wait3A_214 = tpu.memref_slice %arg8[%add3A_176, %dma_wait3A_213] : memref<10240x64xf32, #tpu.memory_space<vmem_shared>> -> memref<80x64xf32, #tpu.memory_space<vmem_shared>>
        %dma_wait3A_215 = arith.constant 0 : i32
        %dma_wait3A_216 = tpu.memref_slice %arg8[%add3A_176, %dma_wait3A_215] : memref<10240x64xf32, #tpu.memory_space<vmem_shared>> -> memref<80x64xf32, #tpu.memory_space<vmem_shared>>
        %dma_wait3A_217 = arith.constant 0 : i32
        %dma_wait3A_218 = arith.constant 0 : i32
        %dma_wait3A_219 = tpu.memref_slice %arg7[%run_scoped3A_177, %dma_wait3A_217, %dma_wait3A_218] : memref<5x80x64xf32, #tpu.memory_space<vmem>> -> memref<1x80x64xf32, #tpu.memory_space<vmem>>
        %dma_wait3A_220 = tpu.memref_squeeze %dma_wait3A_219 : memref<1x80x64xf32, #tpu.memory_space<vmem>> -> memref<80x64xf32, #tpu.memory_space<vmem>>
        tpu.wait_dma2 semaphore(%run_scoped3A_196 : memref<!tpu.dma_semaphore, #tpu.memory_space<semaphore_mem>>) src(%dma_wait3A_220 : memref<80x64xf32, #tpu.memory_space<vmem>>) dst(%dma_wait3A_216 : memref<80x64xf32, #tpu.memory_space<vmem_shared>>)
        tpu.yield
      }) : () -> ()
      %add3A_178 = arith.constant 160 : i32
      %add3A_179 = arith.addi %mul3A_2, %add3A_178 : i32
      %run_scoped3A_180 = arith.constant 0 : i32
      "tpu.region"() ({
        %run_scoped3A_196 = tpu.sem_alloc : memref<!tpu.dma_semaphore, #tpu.memory_space<semaphore_mem>>
        %dma_start3A_197 = arith.constant 0 : i32
        %dma_start3A_198 = arith.constant 0 : i32
        %dma_start3A_199 = tpu.memref_slice %arg7[%run_scoped3A_180, %dma_start3A_197, %dma_start3A_198] : memref<5x80x64xf32, #tpu.memory_space<vmem>> -> memref<1x80x64xf32, #tpu.memory_space<vmem>>
        %dma_start3A_200 = tpu.memref_squeeze %dma_start3A_199 : memref<1x80x64xf32, #tpu.memory_space<vmem>> -> memref<80x64xf32, #tpu.memory_space<vmem>>
        %dma_start3A_201 = arith.constant 0 : i32
        %dma_start3A_202 = tpu.memref_slice %arg8[%add3A_179, %dma_start3A_201] : memref<10240x64xf32, #tpu.memory_space<vmem_shared>> -> memref<80x64xf32, #tpu.memory_space<vmem_shared>>
        %dma_start3A_203 = arith.constant 0 : i32
        %dma_start3A_204 = tpu.memref_slice %arg8[%add3A_179, %dma_start3A_203] : memref<10240x64xf32, #tpu.memory_space<vmem_shared>> -> memref<80x64xf32, #tpu.memory_space<vmem_shared>>
        %dma_start3A_205 = arith.constant 0 : i32
        %dma_start3A_206 = arith.constant 0 : i32
        %dma_start3A_207 = tpu.memref_slice %arg7[%run_scoped3A_180, %dma_start3A_205, %dma_start3A_206] : memref<5x80x64xf32, #tpu.memory_space<vmem>> -> memref<1x80x64xf32, #tpu.memory_space<vmem>>
        %dma_start3A_208 = tpu.memref_squeeze %dma_start3A_207 : memref<1x80x64xf32, #tpu.memory_space<vmem>> -> memref<80x64xf32, #tpu.memory_space<vmem>>
        tpu.enqueue_dma source(%dma_start3A_208 : memref<80x64xf32, #tpu.memory_space<vmem>>) target(%dma_start3A_204 : memref<80x64xf32, #tpu.memory_space<vmem_shared>>) target_semaphore(%run_scoped3A_196 : memref<!tpu.dma_semaphore, #tpu.memory_space<semaphore_mem>>)
        %dma_wait3A_209 = arith.constant 0 : i32
        %dma_wait3A_210 = arith.constant 0 : i32
        %dma_wait3A_211 = tpu.memref_slice %arg7[%run_scoped3A_180, %dma_wait3A_209, %dma_wait3A_210] : memref<5x80x64xf32, #tpu.memory_space<vmem>> -> memref<1x80x64xf32, #tpu.memory_space<vmem>>
        %dma_wait3A_212 = tpu.memref_squeeze %dma_wait3A_211 : memref<1x80x64xf32, #tpu.memory_space<vmem>> -> memref<80x64xf32, #tpu.memory_space<vmem>>
        %dma_wait3A_213 = arith.constant 0 : i32
        %dma_wait3A_214 = tpu.memref_slice %arg8[%add3A_179, %dma_wait3A_213] : memref<10240x64xf32, #tpu.memory_space<vmem_shared>> -> memref<80x64xf32, #tpu.memory_space<vmem_shared>>
        %dma_wait3A_215 = arith.constant 0 : i32
        %dma_wait3A_216 = tpu.memref_slice %arg8[%add3A_179, %dma_wait3A_215] : memref<10240x64xf32, #tpu.memory_space<vmem_shared>> -> memref<80x64xf32, #tpu.memory_space<vmem_shared>>
        %dma_wait3A_217 = arith.constant 0 : i32
        %dma_wait3A_218 = arith.constant 0 : i32
        %dma_wait3A_219 = tpu.memref_slice %arg7[%run_scoped3A_180, %dma_wait3A_217, %dma_wait3A_218] : memref<5x80x64xf32, #tpu.memory_space<vmem>> -> memref<1x80x64xf32, #tpu.memory_space<vmem>>
        %dma_wait3A_220 = tpu.memref_squeeze %dma_wait3A_219 : memref<1x80x64xf32, #tpu.memory_space<vmem>> -> memref<80x64xf32, #tpu.memory_space<vmem>>
        tpu.wait_dma2 semaphore(%run_scoped3A_196 : memref<!tpu.dma_semaphore, #tpu.memory_space<semaphore_mem>>) src(%dma_wait3A_220 : memref<80x64xf32, #tpu.memory_space<vmem>>) dst(%dma_wait3A_216 : memref<80x64xf32, #tpu.memory_space<vmem_shared>>)
        tpu.yield
      }) : () -> ()
      %add3A_181 = arith.constant 240 : i32
      %add3A_182 = arith.addi %mul3A_2, %add3A_181 : i32
      %run_scoped3A_183 = arith.constant 0 : i32
      "tpu.region"() ({
        %run_scoped3A_196 = tpu.sem_alloc : memref<!tpu.dma_semaphore, #tpu.memory_space<semaphore_mem>>
        %dma_start3A_197 = arith.constant 0 : i32
        %dma_start3A_198 = arith.constant 0 : i32
        %dma_start3A_199 = tpu.memref_slice %arg7[%run_scoped3A_183, %dma_start3A_197, %dma_start3A_198] : memref<5x80x64xf32, #tpu.memory_space<vmem>> -> memref<1x80x64xf32, #tpu.memory_space<vmem>>
        %dma_start3A_200 = tpu.memref_squeeze %dma_start3A_199 : memref<1x80x64xf32, #tpu.memory_space<vmem>> -> memref<80x64xf32, #tpu.memory_space<vmem>>
        %dma_start3A_201 = arith.constant 0 : i32
        %dma_start3A_202 = tpu.memref_slice %arg8[%add3A_182, %dma_start3A_201] : memref<10240x64xf32, #tpu.memory_space<vmem_shared>> -> memref<80x64xf32, #tpu.memory_space<vmem_shared>>
        %dma_start3A_203 = arith.constant 0 : i32
        %dma_start3A_204 = tpu.memref_slice %arg8[%add3A_182, %dma_start3A_203] : memref<10240x64xf32, #tpu.memory_space<vmem_shared>> -> memref<80x64xf32, #tpu.memory_space<vmem_shared>>
        %dma_start3A_205 = arith.constant 0 : i32
        %dma_start3A_206 = arith.constant 0 : i32
        %dma_start3A_207 = tpu.memref_slice %arg7[%run_scoped3A_183, %dma_start3A_205, %dma_start3A_206] : memref<5x80x64xf32, #tpu.memory_space<vmem>> -> memref<1x80x64xf32, #tpu.memory_space<vmem>>
        %dma_start3A_208 = tpu.memref_squeeze %dma_start3A_207 : memref<1x80x64xf32, #tpu.memory_space<vmem>> -> memref<80x64xf32, #tpu.memory_space<vmem>>
        tpu.enqueue_dma source(%dma_start3A_208 : memref<80x64xf32, #tpu.memory_space<vmem>>) target(%dma_start3A_204 : memref<80x64xf32, #tpu.memory_space<vmem_shared>>) target_semaphore(%run_scoped3A_196 : memref<!tpu.dma_semaphore, #tpu.memory_space<semaphore_mem>>)
        %dma_wait3A_209 = arith.constant 0 : i32
        %dma_wait3A_210 = arith.constant 0 : i32
        %dma_wait3A_211 = tpu.memref_slice %arg7[%run_scoped3A_183, %dma_wait3A_209, %dma_wait3A_210] : memref<5x80x64xf32, #tpu.memory_space<vmem>> -> memref<1x80x64xf32, #tpu.memory_space<vmem>>
        %dma_wait3A_212 = tpu.memref_squeeze %dma_wait3A_211 : memref<1x80x64xf32, #tpu.memory_space<vmem>> -> memref<80x64xf32, #tpu.memory_space<vmem>>
        %dma_wait3A_213 = arith.constant 0 : i32
        %dma_wait3A_214 = tpu.memref_slice %arg8[%add3A_182, %dma_wait3A_213] : memref<10240x64xf32, #tpu.memory_space<vmem_shared>> -> memref<80x64xf32, #tpu.memory_space<vmem_shared>>
        %dma_wait3A_215 = arith.constant 0 : i32
        %dma_wait3A_216 = tpu.memref_slice %arg8[%add3A_182, %dma_wait3A_215] : memref<10240x64xf32, #tpu.memory_space<vmem_shared>> -> memref<80x64xf32, #tpu.memory_space<vmem_shared>>
        %dma_wait3A_217 = arith.constant 0 : i32
        %dma_wait3A_218 = arith.constant 0 : i32
        %dma_wait3A_219 = tpu.memref_slice %arg7[%run_scoped3A_183, %dma_wait3A_217, %dma_wait3A_218] : memref<5x80x64xf32, #tpu.memory_space<vmem>> -> memref<1x80x64xf32, #tpu.memory_space<vmem>>
        %dma_wait3A_220 = tpu.memref_squeeze %dma_wait3A_219 : memref<1x80x64xf32, #tpu.memory_space<vmem>> -> memref<80x64xf32, #tpu.memory_space<vmem>>
        tpu.wait_dma2 semaphore(%run_scoped3A_196 : memref<!tpu.dma_semaphore, #tpu.memory_space<semaphore_mem>>) src(%dma_wait3A_220 : memref<80x64xf32, #tpu.memory_space<vmem>>) dst(%dma_wait3A_216 : memref<80x64xf32, #tpu.memory_space<vmem_shared>>)
        tpu.yield
      }) : () -> ()
      %add3A_184 = arith.constant 320 : i32
      %add3A_185 = arith.addi %mul3A_2, %add3A_184 : i32
      %run_scoped3A_186 = arith.constant 0 : i32
      "tpu.region"() ({
        %run_scoped3A_196 = tpu.sem_alloc : memref<!tpu.dma_semaphore, #tpu.memory_space<semaphore_mem>>
        %dma_start3A_197 = arith.constant 0 : i32
        %dma_start3A_198 = arith.constant 0 : i32
        %dma_start3A_199 = tpu.memref_slice %arg7[%run_scoped3A_186, %dma_start3A_197, %dma_start3A_198] : memref<5x80x64xf32, #tpu.memory_space<vmem>> -> memref<1x80x64xf32, #tpu.memory_space<vmem>>
        %dma_start3A_200 = tpu.memref_squeeze %dma_start3A_199 : memref<1x80x64xf32, #tpu.memory_space<vmem>> -> memref<80x64xf32, #tpu.memory_space<vmem>>
        %dma_start3A_201 = arith.constant 0 : i32
        %dma_start3A_202 = tpu.memref_slice %arg8[%add3A_185, %dma_start3A_201] : memref<10240x64xf32, #tpu.memory_space<vmem_shared>> -> memref<80x64xf32, #tpu.memory_space<vmem_shared>>
        %dma_start3A_203 = arith.constant 0 : i32
        %dma_start3A_204 = tpu.memref_slice %arg8[%add3A_185, %dma_start3A_203] : memref<10240x64xf32, #tpu.memory_space<vmem_shared>> -> memref<80x64xf32, #tpu.memory_space<vmem_shared>>
        %dma_start3A_205 = arith.constant 0 : i32
        %dma_start3A_206 = arith.constant 0 : i32
        %dma_start3A_207 = tpu.memref_slice %arg7[%run_scoped3A_186, %dma_start3A_205, %dma_start3A_206] : memref<5x80x64xf32, #tpu.memory_space<vmem>> -> memref<1x80x64xf32, #tpu.memory_space<vmem>>
        %dma_start3A_208 = tpu.memref_squeeze %dma_start3A_207 : memref<1x80x64xf32, #tpu.memory_space<vmem>> -> memref<80x64xf32, #tpu.memory_space<vmem>>
        tpu.enqueue_dma source(%dma_start3A_208 : memref<80x64xf32, #tpu.memory_space<vmem>>) target(%dma_start3A_204 : memref<80x64xf32, #tpu.memory_space<vmem_shared>>) target_semaphore(%run_scoped3A_196 : memref<!tpu.dma_semaphore, #tpu.memory_space<semaphore_mem>>)
        %dma_wait3A_209 = arith.constant 0 : i32
        %dma_wait3A_210 = arith.constant 0 : i32
        %dma_wait3A_211 = tpu.memref_slice %arg7[%run_scoped3A_186, %dma_wait3A_209, %dma_wait3A_210] : memref<5x80x64xf32, #tpu.memory_space<vmem>> -> memref<1x80x64xf32, #tpu.memory_space<vmem>>
        %dma_wait3A_212 = tpu.memref_squeeze %dma_wait3A_211 : memref<1x80x64xf32, #tpu.memory_space<vmem>> -> memref<80x64xf32, #tpu.memory_space<vmem>>
        %dma_wait3A_213 = arith.constant 0 : i32
        %dma_wait3A_214 = tpu.memref_slice %arg8[%add3A_185, %dma_wait3A_213] : memref<10240x64xf32, #tpu.memory_space<vmem_shared>> -> memref<80x64xf32, #tpu.memory_space<vmem_shared>>
        %dma_wait3A_215 = arith.constant 0 : i32
        %dma_wait3A_216 = tpu.memref_slice %arg8[%add3A_185, %dma_wait3A_215] : memref<10240x64xf32, #tpu.memory_space<vmem_shared>> -> memref<80x64xf32, #tpu.memory_space<vmem_shared>>
        %dma_wait3A_217 = arith.constant 0 : i32
        %dma_wait3A_218 = arith.constant 0 : i32
        %dma_wait3A_219 = tpu.memref_slice %arg7[%run_scoped3A_186, %dma_wait3A_217, %dma_wait3A_218] : memref<5x80x64xf32, #tpu.memory_space<vmem>> -> memref<1x80x64xf32, #tpu.memory_space<vmem>>
        %dma_wait3A_220 = tpu.memref_squeeze %dma_wait3A_219 : memref<1x80x64xf32, #tpu.memory_space<vmem>> -> memref<80x64xf32, #tpu.memory_space<vmem>>
        tpu.wait_dma2 semaphore(%run_scoped3A_196 : memref<!tpu.dma_semaphore, #tpu.memory_space<semaphore_mem>>) src(%dma_wait3A_220 : memref<80x64xf32, #tpu.memory_space<vmem>>) dst(%dma_wait3A_216 : memref<80x64xf32, #tpu.memory_space<vmem_shared>>)
        tpu.yield
      }) : () -> ()
      %add3A_187 = arith.constant 400 : i32
      %add3A_188 = arith.addi %mul3A_2, %add3A_187 : i32
      %run_scoped3A_189 = arith.constant 0 : i32
      "tpu.region"() ({
        %run_scoped3A_196 = tpu.sem_alloc : memref<!tpu.dma_semaphore, #tpu.memory_space<semaphore_mem>>
        %dma_start3A_197 = arith.constant 0 : i32
        %dma_start3A_198 = arith.constant 0 : i32
        %dma_start3A_199 = tpu.memref_slice %arg7[%run_scoped3A_189, %dma_start3A_197, %dma_start3A_198] : memref<5x80x64xf32, #tpu.memory_space<vmem>> -> memref<1x80x64xf32, #tpu.memory_space<vmem>>
        %dma_start3A_200 = tpu.memref_squeeze %dma_start3A_199 : memref<1x80x64xf32, #tpu.memory_space<vmem>> -> memref<80x64xf32, #tpu.memory_space<vmem>>
        %dma_start3A_201 = arith.constant 0 : i32
        %dma_start3A_202 = tpu.memref_slice %arg8[%add3A_188, %dma_start3A_201] : memref<10240x64xf32, #tpu.memory_space<vmem_shared>> -> memref<80x64xf32, #tpu.memory_space<vmem_shared>>
        %dma_start3A_203 = arith.constant 0 : i32
        %dma_start3A_204 = tpu.memref_slice %arg8[%add3A_188, %dma_start3A_203] : memref<10240x64xf32, #tpu.memory_space<vmem_shared>> -> memref<80x64xf32, #tpu.memory_space<vmem_shared>>
        %dma_start3A_205 = arith.constant 0 : i32
        %dma_start3A_206 = arith.constant 0 : i32
        %dma_start3A_207 = tpu.memref_slice %arg7[%run_scoped3A_189, %dma_start3A_205, %dma_start3A_206] : memref<5x80x64xf32, #tpu.memory_space<vmem>> -> memref<1x80x64xf32, #tpu.memory_space<vmem>>
        %dma_start3A_208 = tpu.memref_squeeze %dma_start3A_207 : memref<1x80x64xf32, #tpu.memory_space<vmem>> -> memref<80x64xf32, #tpu.memory_space<vmem>>
        tpu.enqueue_dma source(%dma_start3A_208 : memref<80x64xf32, #tpu.memory_space<vmem>>) target(%dma_start3A_204 : memref<80x64xf32, #tpu.memory_space<vmem_shared>>) target_semaphore(%run_scoped3A_196 : memref<!tpu.dma_semaphore, #tpu.memory_space<semaphore_mem>>)
        %dma_wait3A_209 = arith.constant 0 : i32
        %dma_wait3A_210 = arith.constant 0 : i32
        %dma_wait3A_211 = tpu.memref_slice %arg7[%run_scoped3A_189, %dma_wait3A_209, %dma_wait3A_210] : memref<5x80x64xf32, #tpu.memory_space<vmem>> -> memref<1x80x64xf32, #tpu.memory_space<vmem>>
        %dma_wait3A_212 = tpu.memref_squeeze %dma_wait3A_211 : memref<1x80x64xf32, #tpu.memory_space<vmem>> -> memref<80x64xf32, #tpu.memory_space<vmem>>
        %dma_wait3A_213 = arith.constant 0 : i32
        %dma_wait3A_214 = tpu.memref_slice %arg8[%add3A_188, %dma_wait3A_213] : memref<10240x64xf32, #tpu.memory_space<vmem_shared>> -> memref<80x64xf32, #tpu.memory_space<vmem_shared>>
        %dma_wait3A_215 = arith.constant 0 : i32
        %dma_wait3A_216 = tpu.memref_slice %arg8[%add3A_188, %dma_wait3A_215] : memref<10240x64xf32, #tpu.memory_space<vmem_shared>> -> memref<80x64xf32, #tpu.memory_space<vmem_shared>>
        %dma_wait3A_217 = arith.constant 0 : i32
        %dma_wait3A_218 = arith.constant 0 : i32
        %dma_wait3A_219 = tpu.memref_slice %arg7[%run_scoped3A_189, %dma_wait3A_217, %dma_wait3A_218] : memref<5x80x64xf32, #tpu.memory_space<vmem>> -> memref<1x80x64xf32, #tpu.memory_space<vmem>>
        %dma_wait3A_220 = tpu.memref_squeeze %dma_wait3A_219 : memref<1x80x64xf32, #tpu.memory_space<vmem>> -> memref<80x64xf32, #tpu.memory_space<vmem>>
        tpu.wait_dma2 semaphore(%run_scoped3A_196 : memref<!tpu.dma_semaphore, #tpu.memory_space<semaphore_mem>>) src(%dma_wait3A_220 : memref<80x64xf32, #tpu.memory_space<vmem>>) dst(%dma_wait3A_216 : memref<80x64xf32, #tpu.memory_space<vmem_shared>>)
        tpu.yield
      }) : () -> ()
      %add3A_190 = arith.constant 480 : i32
      %add3A_191 = arith.addi %mul3A_2, %add3A_190 : i32
      %run_scoped3A_192 = arith.constant 0 : i32
      "tpu.region"() ({
        %run_scoped3A_196 = tpu.sem_alloc : memref<!tpu.dma_semaphore, #tpu.memory_space<semaphore_mem>>
        %dma_start3A_197 = arith.constant 0 : i32
        %dma_start3A_198 = arith.constant 0 : i32
        %dma_start3A_199 = tpu.memref_slice %arg7[%run_scoped3A_192, %dma_start3A_197, %dma_start3A_198] : memref<5x80x64xf32, #tpu.memory_space<vmem>> -> memref<1x80x64xf32, #tpu.memory_space<vmem>>
        %dma_start3A_200 = tpu.memref_squeeze %dma_start3A_199 : memref<1x80x64xf32, #tpu.memory_space<vmem>> -> memref<80x64xf32, #tpu.memory_space<vmem>>
        %dma_start3A_201 = arith.constant 0 : i32
        %dma_start3A_202 = tpu.memref_slice %arg8[%add3A_191, %dma_start3A_201] : memref<10240x64xf32, #tpu.memory_space<vmem_shared>> -> memref<80x64xf32, #tpu.memory_space<vmem_shared>>
        %dma_start3A_203 = arith.constant 0 : i32
        %dma_start3A_204 = tpu.memref_slice %arg8[%add3A_191, %dma_start3A_203] : memref<10240x64xf32, #tpu.memory_space<vmem_shared>> -> memref<80x64xf32, #tpu.memory_space<vmem_shared>>
        %dma_start3A_205 = arith.constant 0 : i32
        %dma_start3A_206 = arith.constant 0 : i32
        %dma_start3A_207 = tpu.memref_slice %arg7[%run_scoped3A_192, %dma_start3A_205, %dma_start3A_206] : memref<5x80x64xf32, #tpu.memory_space<vmem>> -> memref<1x80x64xf32, #tpu.memory_space<vmem>>
        %dma_start3A_208 = tpu.memref_squeeze %dma_start3A_207 : memref<1x80x64xf32, #tpu.memory_space<vmem>> -> memref<80x64xf32, #tpu.memory_space<vmem>>
        tpu.enqueue_dma source(%dma_start3A_208 : memref<80x64xf32, #tpu.memory_space<vmem>>) target(%dma_start3A_204 : memref<80x64xf32, #tpu.memory_space<vmem_shared>>) target_semaphore(%run_scoped3A_196 : memref<!tpu.dma_semaphore, #tpu.memory_space<semaphore_mem>>)
        %dma_wait3A_209 = arith.constant 0 : i32
        %dma_wait3A_210 = arith.constant 0 : i32
        %dma_wait3A_211 = tpu.memref_slice %arg7[%run_scoped3A_192, %dma_wait3A_209, %dma_wait3A_210] : memref<5x80x64xf32, #tpu.memory_space<vmem>> -> memref<1x80x64xf32, #tpu.memory_space<vmem>>
        %dma_wait3A_212 = tpu.memref_squeeze %dma_wait3A_211 : memref<1x80x64xf32, #tpu.memory_space<vmem>> -> memref<80x64xf32, #tpu.memory_space<vmem>>
        %dma_wait3A_213 = arith.constant 0 : i32
        %dma_wait3A_214 = tpu.memref_slice %arg8[%add3A_191, %dma_wait3A_213] : memref<10240x64xf32, #tpu.memory_space<vmem_shared>> -> memref<80x64xf32, #tpu.memory_space<vmem_shared>>
        %dma_wait3A_215 = arith.constant 0 : i32
        %dma_wait3A_216 = tpu.memref_slice %arg8[%add3A_191, %dma_wait3A_215] : memref<10240x64xf32, #tpu.memory_space<vmem_shared>> -> memref<80x64xf32, #tpu.memory_space<vmem_shared>>
        %dma_wait3A_217 = arith.constant 0 : i32
        %dma_wait3A_218 = arith.constant 0 : i32
        %dma_wait3A_219 = tpu.memref_slice %arg7[%run_scoped3A_192, %dma_wait3A_217, %dma_wait3A_218] : memref<5x80x64xf32, #tpu.memory_space<vmem>> -> memref<1x80x64xf32, #tpu.memory_space<vmem>>
        %dma_wait3A_220 = tpu.memref_squeeze %dma_wait3A_219 : memref<1x80x64xf32, #tpu.memory_space<vmem>> -> memref<80x64xf32, #tpu.memory_space<vmem>>
        tpu.wait_dma2 semaphore(%run_scoped3A_196 : memref<!tpu.dma_semaphore, #tpu.memory_space<semaphore_mem>>) src(%dma_wait3A_220 : memref<80x64xf32, #tpu.memory_space<vmem>>) dst(%dma_wait3A_216 : memref<80x64xf32, #tpu.memory_space<vmem_shared>>)
        tpu.yield
      }) : () -> ()
      %add3A_193 = arith.constant 560 : i32
      %add3A_194 = arith.addi %mul3A_2, %add3A_193 : i32
      %run_scoped3A_195 = arith.constant 0 : i32
      "tpu.region"() ({
        %run_scoped3A_196 = tpu.sem_alloc : memref<!tpu.dma_semaphore, #tpu.memory_space<semaphore_mem>>
        %dma_start3A_197 = arith.constant 0 : i32
        %dma_start3A_198 = arith.constant 0 : i32
        %dma_start3A_199 = tpu.memref_slice %arg7[%run_scoped3A_195, %dma_start3A_197, %dma_start3A_198] : memref<5x80x64xf32, #tpu.memory_space<vmem>> -> memref<1x80x64xf32, #tpu.memory_space<vmem>>
        %dma_start3A_200 = tpu.memref_squeeze %dma_start3A_199 : memref<1x80x64xf32, #tpu.memory_space<vmem>> -> memref<80x64xf32, #tpu.memory_space<vmem>>
        %dma_start3A_201 = arith.constant 0 : i32
        %dma_start3A_202 = tpu.memref_slice %arg8[%add3A_194, %dma_start3A_201] : memref<10240x64xf32, #tpu.memory_space<vmem_shared>> -> memref<80x64xf32, #tpu.memory_space<vmem_shared>>
        %dma_start3A_203 = arith.constant 0 : i32
        %dma_start3A_204 = tpu.memref_slice %arg8[%add3A_194, %dma_start3A_203] : memref<10240x64xf32, #tpu.memory_space<vmem_shared>> -> memref<80x64xf32, #tpu.memory_space<vmem_shared>>
        %dma_start3A_205 = arith.constant 0 : i32
        %dma_start3A_206 = arith.constant 0 : i32
        %dma_start3A_207 = tpu.memref_slice %arg7[%run_scoped3A_195, %dma_start3A_205, %dma_start3A_206] : memref<5x80x64xf32, #tpu.memory_space<vmem>> -> memref<1x80x64xf32, #tpu.memory_space<vmem>>
        %dma_start3A_208 = tpu.memref_squeeze %dma_start3A_207 : memref<1x80x64xf32, #tpu.memory_space<vmem>> -> memref<80x64xf32, #tpu.memory_space<vmem>>
        tpu.enqueue_dma source(%dma_start3A_208 : memref<80x64xf32, #tpu.memory_space<vmem>>) target(%dma_start3A_204 : memref<80x64xf32, #tpu.memory_space<vmem_shared>>) target_semaphore(%run_scoped3A_196 : memref<!tpu.dma_semaphore, #tpu.memory_space<semaphore_mem>>)
        %dma_wait3A_209 = arith.constant 0 : i32
        %dma_wait3A_210 = arith.constant 0 : i32
        %dma_wait3A_211 = tpu.memref_slice %arg7[%run_scoped3A_195, %dma_wait3A_209, %dma_wait3A_210] : memref<5x80x64xf32, #tpu.memory_space<vmem>> -> memref<1x80x64xf32, #tpu.memory_space<vmem>>
        %dma_wait3A_212 = tpu.memref_squeeze %dma_wait3A_211 : memref<1x80x64xf32, #tpu.memory_space<vmem>> -> memref<80x64xf32, #tpu.memory_space<vmem>>
        %dma_wait3A_213 = arith.constant 0 : i32
        %dma_wait3A_214 = tpu.memref_slice %arg8[%add3A_194, %dma_wait3A_213] : memref<10240x64xf32, #tpu.memory_space<vmem_shared>> -> memref<80x64xf32, #tpu.memory_space<vmem_shared>>
        %dma_wait3A_215 = arith.constant 0 : i32
        %dma_wait3A_216 = tpu.memref_slice %arg8[%add3A_194, %dma_wait3A_215] : memref<10240x64xf32, #tpu.memory_space<vmem_shared>> -> memref<80x64xf32, #tpu.memory_space<vmem_shared>>
        %dma_wait3A_217 = arith.constant 0 : i32
        %dma_wait3A_218 = arith.constant 0 : i32
        %dma_wait3A_219 = tpu.memref_slice %arg7[%run_scoped3A_195, %dma_wait3A_217, %dma_wait3A_218] : memref<5x80x64xf32, #tpu.memory_space<vmem>> -> memref<1x80x64xf32, #tpu.memory_space<vmem>>
        %dma_wait3A_220 = tpu.memref_squeeze %dma_wait3A_219 : memref<1x80x64xf32, #tpu.memory_space<vmem>> -> memref<80x64xf32, #tpu.memory_space<vmem>>
        tpu.wait_dma2 semaphore(%run_scoped3A_196 : memref<!tpu.dma_semaphore, #tpu.memory_space<semaphore_mem>>) src(%dma_wait3A_220 : memref<80x64xf32, #tpu.memory_space<vmem>>) dst(%dma_wait3A_216 : memref<80x64xf32, #tpu.memory_space<vmem_shared>>)
        tpu.yield
      }) : () -> ()
    } else {
    }
    %run_scoped3A = arith.constant 0 : i32
    "tpu.region"() ({
      %run_scoped3A_165 = tpu.sem_alloc : memref<!tpu.dma_semaphore, #tpu.memory_space<semaphore_mem>>
      %dma_start3A_166 = arith.constant 0 : i32
      %dma_start3A_167 = arith.constant 0 : i32
      %dma_start3A_168 = tpu.memref_slice %arg3[%run_scoped3A, %add3A, %dma_start3A_166, %dma_start3A_167] : memref<2x32x125x80xi32, #tpu.memory_space<hbm>> -> memref<1x1x125x80xi32, #tpu.memory_space<hbm>>
      %dma_start3A_169 = tpu.memref_squeeze %dma_start3A_168 : memref<1x1x125x80xi32, #tpu.memory_space<hbm>> -> memref<125x80xi32, #tpu.memory_space<hbm>>
      %dma_start3A_170 = arith.constant 0 : i32
      %dma_start3A_171 = arith.constant 0 : i32
      %dma_start3A_172 = tpu.memref_slice %arg3[%run_scoped3A, %add3A, %dma_start3A_170, %dma_start3A_171] : memref<2x32x125x80xi32, #tpu.memory_space<hbm>> -> memref<1x1x125x80xi32, #tpu.memory_space<hbm>>
      %dma_start3A_173 = tpu.memref_squeeze %dma_start3A_172 : memref<1x1x125x80xi32, #tpu.memory_space<hbm>> -> memref<125x80xi32, #tpu.memory_space<hbm>>
      tpu.enqueue_dma source(%dma_start3A_173 : memref<125x80xi32, #tpu.memory_space<hbm>>) target(%arg5 : memref<125x80xi32, #tpu.memory_space<vmem>>) target_semaphore(%run_scoped3A_165 : memref<!tpu.dma_semaphore, #tpu.memory_space<semaphore_mem>>)
      %dma_wait3A_174 = arith.constant 0 : i32
      %dma_wait3A_175 = arith.constant 0 : i32
      %dma_wait3A_176 = tpu.memref_slice %arg3[%run_scoped3A, %add3A, %dma_wait3A_174, %dma_wait3A_175] : memref<2x32x125x80xi32, #tpu.memory_space<hbm>> -> memref<1x1x125x80xi32, #tpu.memory_space<hbm>>
      %dma_wait3A_177 = tpu.memref_squeeze %dma_wait3A_176 : memref<1x1x125x80xi32, #tpu.memory_space<hbm>> -> memref<125x80xi32, #tpu.memory_space<hbm>>
      %dma_wait3A_178 = arith.constant 0 : i32
      %dma_wait3A_179 = arith.constant 0 : i32
      %dma_wait3A_180 = tpu.memref_slice %arg3[%run_scoped3A, %add3A, %dma_wait3A_178, %dma_wait3A_179] : memref<2x32x125x80xi32, #tpu.memory_space<hbm>> -> memref<1x1x125x80xi32, #tpu.memory_space<hbm>>
      %dma_wait3A_181 = tpu.memref_squeeze %dma_wait3A_180 : memref<1x1x125x80xi32, #tpu.memory_space<hbm>> -> memref<125x80xi32, #tpu.memory_space<hbm>>
      tpu.wait_dma2 semaphore(%run_scoped3A_165 : memref<!tpu.dma_semaphore, #tpu.memory_space<semaphore_mem>>) src(%dma_wait3A_181 : memref<125x80xi32, #tpu.memory_space<hbm>>) dst(%arg5 : memref<125x80xi32, #tpu.memory_space<vmem>>)
      tpu.yield
    }) : () -> ()
    %run_scoped3A_10 = arith.constant 1 : i32
    "tpu.region"() ({
      %run_scoped3A_165 = tpu.sem_alloc : memref<!tpu.dma_semaphore, #tpu.memory_space<semaphore_mem>>
      %dma_start3A_166 = arith.constant 0 : i32
      %dma_start3A_167 = arith.constant 0 : i32
      %dma_start3A_168 = tpu.memref_slice %arg3[%run_scoped3A_10, %add3A, %dma_start3A_166, %dma_start3A_167] : memref<2x32x125x80xi32, #tpu.memory_space<hbm>> -> memref<1x1x125x80xi32, #tpu.memory_space<hbm>>
      %dma_start3A_169 = tpu.memref_squeeze %dma_start3A_168 : memref<1x1x125x80xi32, #tpu.memory_space<hbm>> -> memref<125x80xi32, #tpu.memory_space<hbm>>
      %dma_start3A_170 = arith.constant 0 : i32
      %dma_start3A_171 = arith.constant 0 : i32
      %dma_start3A_172 = tpu.memref_slice %arg3[%run_scoped3A_10, %add3A, %dma_start3A_170, %dma_start3A_171] : memref<2x32x125x80xi32, #tpu.memory_space<hbm>> -> memref<1x1x125x80xi32, #tpu.memory_space<hbm>>
      %dma_start3A_173 = tpu.memref_squeeze %dma_start3A_172 : memref<1x1x125x80xi32, #tpu.memory_space<hbm>> -> memref<125x80xi32, #tpu.memory_space<hbm>>
      tpu.enqueue_dma source(%dma_start3A_173 : memref<125x80xi32, #tpu.memory_space<hbm>>) target(%arg6 : memref<125x80xi32, #tpu.memory_space<vmem>>) target_semaphore(%run_scoped3A_165 : memref<!tpu.dma_semaphore, #tpu.memory_space<semaphore_mem>>)
      %dma_wait3A_174 = arith.constant 0 : i32
      %dma_wait3A_175 = arith.constant 0 : i32
      %dma_wait3A_176 = tpu.memref_slice %arg3[%run_scoped3A_10, %add3A, %dma_wait3A_174, %dma_wait3A_175] : memref<2x32x125x80xi32, #tpu.memory_space<hbm>> -> memref<1x1x125x80xi32, #tpu.memory_space<hbm>>
      %dma_wait3A_177 = tpu.memref_squeeze %dma_wait3A_176 : memref<1x1x125x80xi32, #tpu.memory_space<hbm>> -> memref<125x80xi32, #tpu.memory_space<hbm>>
      %dma_wait3A_178 = arith.constant 0 : i32
      %dma_wait3A_179 = arith.constant 0 : i32
      %dma_wait3A_180 = tpu.memref_slice %arg3[%run_scoped3A_10, %add3A, %dma_wait3A_178, %dma_wait3A_179] : memref<2x32x125x80xi32, #tpu.memory_space<hbm>> -> memref<1x1x125x80xi32, #tpu.memory_space<hbm>>
      %dma_wait3A_181 = tpu.memref_squeeze %dma_wait3A_180 : memref<1x1x125x80xi32, #tpu.memory_space<hbm>> -> memref<125x80xi32, #tpu.memory_space<hbm>>
      tpu.wait_dma2 semaphore(%run_scoped3A_165 : memref<!tpu.dma_semaphore, #tpu.memory_space<semaphore_mem>>) src(%dma_wait3A_181 : memref<125x80xi32, #tpu.memory_space<hbm>>) dst(%arg6 : memref<125x80xi32, #tpu.memory_space<vmem>>)
      tpu.yield
    }) : () -> ()
    %barrier3A = arith.constant 0 : index
    tpu.barrier barrier_id(%barrier3A)
    %dma_start3A = arith.constant 0 : i32
    %dma_start3A_11 = arith.constant 0 : i32
    %dma_start3A_12 = arith.constant 0 : i32
    %dma_start3A_13 = arith.constant 0 : i32
    %dma_start3A_14 = arith.constant 0 : i32
    %dma_start3A_15 = tpu.memref_slice %arg7[%dma_start3A_11, %dma_start3A_13, %dma_start3A_14] : memref<5x80x64xf32, #tpu.memory_space<vmem>> -> memref<1x80x64xf32, #tpu.memory_space<vmem>>
    %dma_start3A_16 = tpu.memref_squeeze %dma_start3A_15 : memref<1x80x64xf32, #tpu.memory_space<vmem>> -> memref<80x64xf32, #tpu.memory_space<vmem>>
    %dma_start3A_17 = arith.constant 0 : i32
    %dma_start3A_18 = tpu.memref_slice %arg5[%dma_start3A, %dma_start3A_17] : memref<125x80xi32, #tpu.memory_space<vmem>> -> memref<1x80xi32, #tpu.memory_space<vmem>>
    %dma_start3A_19 = tpu.memref_squeeze %dma_start3A_18 : memref<1x80xi32, #tpu.memory_space<vmem>> -> memref<80xi32, #tpu.memory_space<vmem>>
    %dma_start3A_20 = arith.constant 0 : i32
    %dma_start3A_21 = arith.constant 0 : i32
    %dma_start3A_22 = tpu.memref_slice %arg2[%dma_start3A_20, %dma_start3A_21] : memref<10240x64xf32, #tpu.memory_space<hbm>> -> memref<10240x64xf32, #tpu.memory_space<hbm>>
    %dma_start3A_23 = tpu.memref_slice %arg9[%dma_start3A_12] : memref<5x!tpu.dma_semaphore, #tpu.memory_space<semaphore_mem>> -> memref<1x!tpu.dma_semaphore, #tpu.memory_space<semaphore_mem>>
    %dma_start3A_24 = tpu.memref_squeeze %dma_start3A_23 : memref<1x!tpu.dma_semaphore, #tpu.memory_space<semaphore_mem>> -> memref<!tpu.dma_semaphore, #tpu.memory_space<semaphore_mem>>
    tpu.enqueue_indirect_dma source(%dma_start3A_22 : memref<10240x64xf32, #tpu.memory_space<hbm>>) target(%dma_start3A_16 : memref<80x64xf32, #tpu.memory_space<vmem>>) offsets(%dma_start3A_19 : memref<80xi32, #tpu.memory_space<vmem>>) semaphore(%dma_start3A_24 : memref<!tpu.dma_semaphore, #tpu.memory_space<semaphore_mem>>)
    %dma_start3A_25 = arith.constant 1 : i32
    %dma_start3A_26 = arith.constant 1 : i32
    %dma_start3A_27 = arith.constant 1 : i32
    %dma_start3A_28 = arith.constant 0 : i32
    %dma_start3A_29 = arith.constant 0 : i32
    %dma_start3A_30 = tpu.memref_slice %arg7[%dma_start3A_26, %dma_start3A_28, %dma_start3A_29] : memref<5x80x64xf32, #tpu.memory_space<vmem>> -> memref<1x80x64xf32, #tpu.memory_space<vmem>>
    %dma_start3A_31 = tpu.memref_squeeze %dma_start3A_30 : memref<1x80x64xf32, #tpu.memory_space<vmem>> -> memref<80x64xf32, #tpu.memory_space<vmem>>
    %dma_start3A_32 = arith.constant 0 : i32
    %dma_start3A_33 = tpu.memref_slice %arg5[%dma_start3A_25, %dma_start3A_32] : memref<125x80xi32, #tpu.memory_space<vmem>> -> memref<1x80xi32, #tpu.memory_space<vmem>>
    %dma_start3A_34 = tpu.memref_squeeze %dma_start3A_33 : memref<1x80xi32, #tpu.memory_space<vmem>> -> memref<80xi32, #tpu.memory_space<vmem>>
    %dma_start3A_35 = arith.constant 0 : i32
    %dma_start3A_36 = arith.constant 0 : i32
    %dma_start3A_37 = tpu.memref_slice %arg2[%dma_start3A_35, %dma_start3A_36] : memref<10240x64xf32, #tpu.memory_space<hbm>> -> memref<10240x64xf32, #tpu.memory_space<hbm>>
    %dma_start3A_38 = tpu.memref_slice %arg9[%dma_start3A_27] : memref<5x!tpu.dma_semaphore, #tpu.memory_space<semaphore_mem>> -> memref<1x!tpu.dma_semaphore, #tpu.memory_space<semaphore_mem>>
    %dma_start3A_39 = tpu.memref_squeeze %dma_start3A_38 : memref<1x!tpu.dma_semaphore, #tpu.memory_space<semaphore_mem>> -> memref<!tpu.dma_semaphore, #tpu.memory_space<semaphore_mem>>
    tpu.enqueue_indirect_dma source(%dma_start3A_37 : memref<10240x64xf32, #tpu.memory_space<hbm>>) target(%dma_start3A_31 : memref<80x64xf32, #tpu.memory_space<vmem>>) offsets(%dma_start3A_34 : memref<80xi32, #tpu.memory_space<vmem>>) semaphore(%dma_start3A_39 : memref<!tpu.dma_semaphore, #tpu.memory_space<semaphore_mem>>)
    %dma_start3A_40 = arith.constant 2 : i32
    %dma_start3A_41 = arith.constant 2 : i32
    %dma_start3A_42 = arith.constant 2 : i32
    %dma_start3A_43 = arith.constant 0 : i32
    %dma_start3A_44 = arith.constant 0 : i32
    %dma_start3A_45 = tpu.memref_slice %arg7[%dma_start3A_41, %dma_start3A_43, %dma_start3A_44] : memref<5x80x64xf32, #tpu.memory_space<vmem>> -> memref<1x80x64xf32, #tpu.memory_space<vmem>>
    %dma_start3A_46 = tpu.memref_squeeze %dma_start3A_45 : memref<1x80x64xf32, #tpu.memory_space<vmem>> -> memref<80x64xf32, #tpu.memory_space<vmem>>
    %dma_start3A_47 = arith.constant 0 : i32
    %dma_start3A_48 = tpu.memref_slice %arg5[%dma_start3A_40, %dma_start3A_47] : memref<125x80xi32, #tpu.memory_space<vmem>> -> memref<1x80xi32, #tpu.memory_space<vmem>>
    %dma_start3A_49 = tpu.memref_squeeze %dma_start3A_48 : memref<1x80xi32, #tpu.memory_space<vmem>> -> memref<80xi32, #tpu.memory_space<vmem>>
    %dma_start3A_50 = arith.constant 0 : i32
    %dma_start3A_51 = arith.constant 0 : i32
    %dma_start3A_52 = tpu.memref_slice %arg2[%dma_start3A_50, %dma_start3A_51] : memref<10240x64xf32, #tpu.memory_space<hbm>> -> memref<10240x64xf32, #tpu.memory_space<hbm>>
    %dma_start3A_53 = tpu.memref_slice %arg9[%dma_start3A_42] : memref<5x!tpu.dma_semaphore, #tpu.memory_space<semaphore_mem>> -> memref<1x!tpu.dma_semaphore, #tpu.memory_space<semaphore_mem>>
    %dma_start3A_54 = tpu.memref_squeeze %dma_start3A_53 : memref<1x!tpu.dma_semaphore, #tpu.memory_space<semaphore_mem>> -> memref<!tpu.dma_semaphore, #tpu.memory_space<semaphore_mem>>
    tpu.enqueue_indirect_dma source(%dma_start3A_52 : memref<10240x64xf32, #tpu.memory_space<hbm>>) target(%dma_start3A_46 : memref<80x64xf32, #tpu.memory_space<vmem>>) offsets(%dma_start3A_49 : memref<80xi32, #tpu.memory_space<vmem>>) semaphore(%dma_start3A_54 : memref<!tpu.dma_semaphore, #tpu.memory_space<semaphore_mem>>)
    %dma_start3A_55 = arith.constant 3 : i32
    %dma_start3A_56 = arith.constant 3 : i32
    %dma_start3A_57 = arith.constant 3 : i32
    %dma_start3A_58 = arith.constant 0 : i32
    %dma_start3A_59 = arith.constant 0 : i32
    %dma_start3A_60 = tpu.memref_slice %arg7[%dma_start3A_56, %dma_start3A_58, %dma_start3A_59] : memref<5x80x64xf32, #tpu.memory_space<vmem>> -> memref<1x80x64xf32, #tpu.memory_space<vmem>>
    %dma_start3A_61 = tpu.memref_squeeze %dma_start3A_60 : memref<1x80x64xf32, #tpu.memory_space<vmem>> -> memref<80x64xf32, #tpu.memory_space<vmem>>
    %dma_start3A_62 = arith.constant 0 : i32
    %dma_start3A_63 = tpu.memref_slice %arg5[%dma_start3A_55, %dma_start3A_62] : memref<125x80xi32, #tpu.memory_space<vmem>> -> memref<1x80xi32, #tpu.memory_space<vmem>>
    %dma_start3A_64 = tpu.memref_squeeze %dma_start3A_63 : memref<1x80xi32, #tpu.memory_space<vmem>> -> memref<80xi32, #tpu.memory_space<vmem>>
    %dma_start3A_65 = arith.constant 0 : i32
    %dma_start3A_66 = arith.constant 0 : i32
    %dma_start3A_67 = tpu.memref_slice %arg2[%dma_start3A_65, %dma_start3A_66] : memref<10240x64xf32, #tpu.memory_space<hbm>> -> memref<10240x64xf32, #tpu.memory_space<hbm>>
    %dma_start3A_68 = tpu.memref_slice %arg9[%dma_start3A_57] : memref<5x!tpu.dma_semaphore, #tpu.memory_space<semaphore_mem>> -> memref<1x!tpu.dma_semaphore, #tpu.memory_space<semaphore_mem>>
    %dma_start3A_69 = tpu.memref_squeeze %dma_start3A_68 : memref<1x!tpu.dma_semaphore, #tpu.memory_space<semaphore_mem>> -> memref<!tpu.dma_semaphore, #tpu.memory_space<semaphore_mem>>
    tpu.enqueue_indirect_dma source(%dma_start3A_67 : memref<10240x64xf32, #tpu.memory_space<hbm>>) target(%dma_start3A_61 : memref<80x64xf32, #tpu.memory_space<vmem>>) offsets(%dma_start3A_64 : memref<80xi32, #tpu.memory_space<vmem>>) semaphore(%dma_start3A_69 : memref<!tpu.dma_semaphore, #tpu.memory_space<semaphore_mem>>)
    %dma_start3A_70 = arith.constant 4 : i32
    %dma_start3A_71 = arith.constant 4 : i32
    %dma_start3A_72 = arith.constant 4 : i32
    %dma_start3A_73 = arith.constant 0 : i32
    %dma_start3A_74 = arith.constant 0 : i32
    %dma_start3A_75 = tpu.memref_slice %arg7[%dma_start3A_71, %dma_start3A_73, %dma_start3A_74] : memref<5x80x64xf32, #tpu.memory_space<vmem>> -> memref<1x80x64xf32, #tpu.memory_space<vmem>>
    %dma_start3A_76 = tpu.memref_squeeze %dma_start3A_75 : memref<1x80x64xf32, #tpu.memory_space<vmem>> -> memref<80x64xf32, #tpu.memory_space<vmem>>
    %dma_start3A_77 = arith.constant 0 : i32
    %dma_start3A_78 = tpu.memref_slice %arg5[%dma_start3A_70, %dma_start3A_77] : memref<125x80xi32, #tpu.memory_space<vmem>> -> memref<1x80xi32, #tpu.memory_space<vmem>>
    %dma_start3A_79 = tpu.memref_squeeze %dma_start3A_78 : memref<1x80xi32, #tpu.memory_space<vmem>> -> memref<80xi32, #tpu.memory_space<vmem>>
    %dma_start3A_80 = arith.constant 0 : i32
    %dma_start3A_81 = arith.constant 0 : i32
    %dma_start3A_82 = tpu.memref_slice %arg2[%dma_start3A_80, %dma_start3A_81] : memref<10240x64xf32, #tpu.memory_space<hbm>> -> memref<10240x64xf32, #tpu.memory_space<hbm>>
    %dma_start3A_83 = tpu.memref_slice %arg9[%dma_start3A_72] : memref<5x!tpu.dma_semaphore, #tpu.memory_space<semaphore_mem>> -> memref<1x!tpu.dma_semaphore, #tpu.memory_space<semaphore_mem>>
    %dma_start3A_84 = tpu.memref_squeeze %dma_start3A_83 : memref<1x!tpu.dma_semaphore, #tpu.memory_space<semaphore_mem>> -> memref<!tpu.dma_semaphore, #tpu.memory_space<semaphore_mem>>
    tpu.enqueue_indirect_dma source(%dma_start3A_82 : memref<10240x64xf32, #tpu.memory_space<hbm>>) target(%dma_start3A_76 : memref<80x64xf32, #tpu.memory_space<vmem>>) offsets(%dma_start3A_79 : memref<80xi32, #tpu.memory_space<vmem>>) semaphore(%dma_start3A_84 : memref<!tpu.dma_semaphore, #tpu.memory_space<semaphore_mem>>)
    %scan3A = arith.constant 0 : i32
    %scan3A_85 = arith.constant 0 : i32
    %scan3A_86 = arith.constant 25 : i32
    %scan3A_87 = arith.addi %scan3A_85, %scan3A_86 : i32
    %scan3A_88 = arith.constant 1 : i32
    scf.for %scan3A_165 = %scan3A_85 to %scan3A_87 step %scan3A_88  : i32 {
      %mul3A_166 = arith.constant 5 : i32
      %mul3A_167 = arith.muli %scan3A_165, %mul3A_166 : i32
      %add3A_168 = arith.constant 0 : i32
      %add3A_169 = arith.addi %mul3A_167, %add3A_168 : i32
      %dma_wait3A_170 = arith.constant 0 : i32
      %dma_wait3A_171 = arith.constant 0 : i32
      %dma_wait3A_172 = arith.constant 0 : i32
      %dma_wait3A_173 = arith.constant 0 : i32
      %dma_wait3A_174 = tpu.memref_slice %arg7[%dma_wait3A_170, %dma_wait3A_172, %dma_wait3A_173] : memref<5x80x64xf32, #tpu.memory_space<vmem>> -> memref<1x80x64xf32, #tpu.memory_space<vmem>>
      %dma_wait3A_175 = tpu.memref_squeeze %dma_wait3A_174 : memref<1x80x64xf32, #tpu.memory_space<vmem>> -> memref<80x64xf32, #tpu.memory_space<vmem>>
      %dma_wait3A_176 = arith.constant 0 : i32
      %dma_wait3A_177 = tpu.memref_slice %arg5[%add3A_169, %dma_wait3A_176] : memref<125x80xi32, #tpu.memory_space<vmem>> -> memref<1x80xi32, #tpu.memory_space<vmem>>
      %dma_wait3A_178 = tpu.memref_squeeze %dma_wait3A_177 : memref<1x80xi32, #tpu.memory_space<vmem>> -> memref<80xi32, #tpu.memory_space<vmem>>
      %dma_wait3A_179 = arith.constant 0 : i32
      %dma_wait3A_180 = arith.constant 0 : i32
      %dma_wait3A_181 = tpu.memref_slice %arg2[%dma_wait3A_179, %dma_wait3A_180] : memref<10240x64xf32, #tpu.memory_space<hbm>> -> memref<10240x64xf32, #tpu.memory_space<hbm>>
      %dma_wait3A_182 = tpu.memref_slice %arg9[%dma_wait3A_171] : memref<5x!tpu.dma_semaphore, #tpu.memory_space<semaphore_mem>> -> memref<1x!tpu.dma_semaphore, #tpu.memory_space<semaphore_mem>>
      %dma_wait3A_183 = tpu.memref_squeeze %dma_wait3A_182 : memref<1x!tpu.dma_semaphore, #tpu.memory_space<semaphore_mem>> -> memref<!tpu.dma_semaphore, #tpu.memory_space<semaphore_mem>>
      tpu.wait_indirect_dma semaphore(%dma_wait3A_183 : memref<!tpu.dma_semaphore, #tpu.memory_space<semaphore_mem>>) src(%dma_wait3A_181 : memref<10240x64xf32, #tpu.memory_space<hbm>>) dst(%dma_wait3A_175 : memref<80x64xf32, #tpu.memory_space<vmem>>)
      %dma_start3A_184 = arith.constant 0 : i32
      %dma_start3A_185 = arith.constant 0 : i32
      %dma_start3A_186 = arith.constant 0 : i32
      %dma_start3A_187 = arith.constant 0 : i32
      %dma_start3A_188 = tpu.memref_slice %arg7[%dma_start3A_184, %dma_start3A_186, %dma_start3A_187] : memref<5x80x64xf32, #tpu.memory_space<vmem>> -> memref<1x80x64xf32, #tpu.memory_space<vmem>>
      %dma_start3A_189 = tpu.memref_squeeze %dma_start3A_188 : memref<1x80x64xf32, #tpu.memory_space<vmem>> -> memref<80x64xf32, #tpu.memory_space<vmem>>
      %dma_start3A_190 = arith.constant 0 : i32
      %dma_start3A_191 = tpu.memref_slice %arg6[%add3A_169, %dma_start3A_190] : memref<125x80xi32, #tpu.memory_space<vmem>> -> memref<1x80xi32, #tpu.memory_space<vmem>>
      %dma_start3A_192 = tpu.memref_squeeze %dma_start3A_191 : memref<1x80xi32, #tpu.memory_space<vmem>> -> memref<80xi32, #tpu.memory_space<vmem>>
      %dma_start3A_193 = arith.constant 0 : i32
      %dma_start3A_194 = arith.constant 0 : i32
      %dma_start3A_195 = tpu.memref_slice %arg8[%dma_start3A_193, %dma_start3A_194] : memref<10240x64xf32, #tpu.memory_space<vmem_shared>> -> memref<10240x64xf32, #tpu.memory_space<vmem_shared>>
      %dma_start3A_196 = tpu.memref_slice %arg10[%dma_start3A_185] : memref<5x!tpu.dma_semaphore, #tpu.memory_space<semaphore_mem>> -> memref<1x!tpu.dma_semaphore, #tpu.memory_space<semaphore_mem>>
      %dma_start3A_197 = tpu.memref_squeeze %dma_start3A_196 : memref<1x!tpu.dma_semaphore, #tpu.memory_space<semaphore_mem>> -> memref<!tpu.dma_semaphore, #tpu.memory_space<semaphore_mem>>
      tpu.enqueue_indirect_dma source(%dma_start3A_189 : memref<80x64xf32, #tpu.memory_space<vmem>>) target(%dma_start3A_195 : memref<10240x64xf32, #tpu.memory_space<vmem_shared>>) offsets(%dma_start3A_192 : memref<80xi32, #tpu.memory_space<vmem>>) semaphore(%dma_start3A_197 : memref<!tpu.dma_semaphore, #tpu.memory_space<semaphore_mem>>) {add = true}
      %mul3A_198 = arith.constant 5 : i32
      %mul3A_199 = arith.muli %scan3A_165, %mul3A_198 : i32
      %add3A_200 = arith.constant 1 : i32
      %add3A_201 = arith.addi %mul3A_199, %add3A_200 : i32
      %dma_wait3A_202 = arith.constant 1 : i32
      %dma_wait3A_203 = arith.constant 1 : i32
      %dma_wait3A_204 = arith.constant 0 : i32
      %dma_wait3A_205 = arith.constant 0 : i32
      %dma_wait3A_206 = tpu.memref_slice %arg7[%dma_wait3A_202, %dma_wait3A_204, %dma_wait3A_205] : memref<5x80x64xf32, #tpu.memory_space<vmem>> -> memref<1x80x64xf32, #tpu.memory_space<vmem>>
      %dma_wait3A_207 = tpu.memref_squeeze %dma_wait3A_206 : memref<1x80x64xf32, #tpu.memory_space<vmem>> -> memref<80x64xf32, #tpu.memory_space<vmem>>
      %dma_wait3A_208 = arith.constant 0 : i32
      %dma_wait3A_209 = tpu.memref_slice %arg5[%add3A_201, %dma_wait3A_208] : memref<125x80xi32, #tpu.memory_space<vmem>> -> memref<1x80xi32, #tpu.memory_space<vmem>>
      %dma_wait3A_210 = tpu.memref_squeeze %dma_wait3A_209 : memref<1x80xi32, #tpu.memory_space<vmem>> -> memref<80xi32, #tpu.memory_space<vmem>>
      %dma_wait3A_211 = arith.constant 0 : i32
      %dma_wait3A_212 = arith.constant 0 : i32
      %dma_wait3A_213 = tpu.memref_slice %arg2[%dma_wait3A_211, %dma_wait3A_212] : memref<10240x64xf32, #tpu.memory_space<hbm>> -> memref<10240x64xf32, #tpu.memory_space<hbm>>
      %dma_wait3A_214 = tpu.memref_slice %arg9[%dma_wait3A_203] : memref<5x!tpu.dma_semaphore, #tpu.memory_space<semaphore_mem>> -> memref<1x!tpu.dma_semaphore, #tpu.memory_space<semaphore_mem>>
      %dma_wait3A_215 = tpu.memref_squeeze %dma_wait3A_214 : memref<1x!tpu.dma_semaphore, #tpu.memory_space<semaphore_mem>> -> memref<!tpu.dma_semaphore, #tpu.memory_space<semaphore_mem>>
      tpu.wait_indirect_dma semaphore(%dma_wait3A_215 : memref<!tpu.dma_semaphore, #tpu.memory_space<semaphore_mem>>) src(%dma_wait3A_213 : memref<10240x64xf32, #tpu.memory_space<hbm>>) dst(%dma_wait3A_207 : memref<80x64xf32, #tpu.memory_space<vmem>>)
      %dma_start3A_216 = arith.constant 1 : i32
      %dma_start3A_217 = arith.constant 1 : i32
      %dma_start3A_218 = arith.constant 0 : i32
      %dma_start3A_219 = arith.constant 0 : i32
      %dma_start3A_220 = tpu.memref_slice %arg7[%dma_start3A_216, %dma_start3A_218, %dma_start3A_219] : memref<5x80x64xf32, #tpu.memory_space<vmem>> -> memref<1x80x64xf32, #tpu.memory_space<vmem>>
      %dma_start3A_221 = tpu.memref_squeeze %dma_start3A_220 : memref<1x80x64xf32, #tpu.memory_space<vmem>> -> memref<80x64xf32, #tpu.memory_space<vmem>>
      %dma_start3A_222 = arith.constant 0 : i32
      %dma_start3A_223 = tpu.memref_slice %arg6[%add3A_201, %dma_start3A_222] : memref<125x80xi32, #tpu.memory_space<vmem>> -> memref<1x80xi32, #tpu.memory_space<vmem>>
      %dma_start3A_224 = tpu.memref_squeeze %dma_start3A_223 : memref<1x80xi32, #tpu.memory_space<vmem>> -> memref<80xi32, #tpu.memory_space<vmem>>
      %dma_start3A_225 = arith.constant 0 : i32
      %dma_start3A_226 = arith.constant 0 : i32
      %dma_start3A_227 = tpu.memref_slice %arg8[%dma_start3A_225, %dma_start3A_226] : memref<10240x64xf32, #tpu.memory_space<vmem_shared>> -> memref<10240x64xf32, #tpu.memory_space<vmem_shared>>
      %dma_start3A_228 = tpu.memref_slice %arg10[%dma_start3A_217] : memref<5x!tpu.dma_semaphore, #tpu.memory_space<semaphore_mem>> -> memref<1x!tpu.dma_semaphore, #tpu.memory_space<semaphore_mem>>
      %dma_start3A_229 = tpu.memref_squeeze %dma_start3A_228 : memref<1x!tpu.dma_semaphore, #tpu.memory_space<semaphore_mem>> -> memref<!tpu.dma_semaphore, #tpu.memory_space<semaphore_mem>>
      tpu.enqueue_indirect_dma source(%dma_start3A_221 : memref<80x64xf32, #tpu.memory_space<vmem>>) target(%dma_start3A_227 : memref<10240x64xf32, #tpu.memory_space<vmem_shared>>) offsets(%dma_start3A_224 : memref<80xi32, #tpu.memory_space<vmem>>) semaphore(%dma_start3A_229 : memref<!tpu.dma_semaphore, #tpu.memory_space<semaphore_mem>>) {add = true}
      %mul3A_230 = arith.constant 5 : i32
      %mul3A_231 = arith.muli %scan3A_165, %mul3A_230 : i32
      %add3A_232 = arith.constant 2 : i32
      %add3A_233 = arith.addi %mul3A_231, %add3A_232 : i32
      %dma_wait3A_234 = arith.constant 2 : i32
      %dma_wait3A_235 = arith.constant 2 : i32
      %dma_wait3A_236 = arith.constant 0 : i32
      %dma_wait3A_237 = arith.constant 0 : i32
      %dma_wait3A_238 = tpu.memref_slice %arg7[%dma_wait3A_234, %dma_wait3A_236, %dma_wait3A_237] : memref<5x80x64xf32, #tpu.memory_space<vmem>> -> memref<1x80x64xf32, #tpu.memory_space<vmem>>
      %dma_wait3A_239 = tpu.memref_squeeze %dma_wait3A_238 : memref<1x80x64xf32, #tpu.memory_space<vmem>> -> memref<80x64xf32, #tpu.memory_space<vmem>>
      %dma_wait3A_240 = arith.constant 0 : i32
      %dma_wait3A_241 = tpu.memref_slice %arg5[%add3A_233, %dma_wait3A_240] : memref<125x80xi32, #tpu.memory_space<vmem>> -> memref<1x80xi32, #tpu.memory_space<vmem>>
      %dma_wait3A_242 = tpu.memref_squeeze %dma_wait3A_241 : memref<1x80xi32, #tpu.memory_space<vmem>> -> memref<80xi32, #tpu.memory_space<vmem>>
      %dma_wait3A_243 = arith.constant 0 : i32
      %dma_wait3A_244 = arith.constant 0 : i32
      %dma_wait3A_245 = tpu.memref_slice %arg2[%dma_wait3A_243, %dma_wait3A_244] : memref<10240x64xf32, #tpu.memory_space<hbm>> -> memref<10240x64xf32, #tpu.memory_space<hbm>>
      %dma_wait3A_246 = tpu.memref_slice %arg9[%dma_wait3A_235] : memref<5x!tpu.dma_semaphore, #tpu.memory_space<semaphore_mem>> -> memref<1x!tpu.dma_semaphore, #tpu.memory_space<semaphore_mem>>
      %dma_wait3A_247 = tpu.memref_squeeze %dma_wait3A_246 : memref<1x!tpu.dma_semaphore, #tpu.memory_space<semaphore_mem>> -> memref<!tpu.dma_semaphore, #tpu.memory_space<semaphore_mem>>
      tpu.wait_indirect_dma semaphore(%dma_wait3A_247 : memref<!tpu.dma_semaphore, #tpu.memory_space<semaphore_mem>>) src(%dma_wait3A_245 : memref<10240x64xf32, #tpu.memory_space<hbm>>) dst(%dma_wait3A_239 : memref<80x64xf32, #tpu.memory_space<vmem>>)
      %dma_start3A_248 = arith.constant 2 : i32
      %dma_start3A_249 = arith.constant 2 : i32
      %dma_start3A_250 = arith.constant 0 : i32
      %dma_start3A_251 = arith.constant 0 : i32
      %dma_start3A_252 = tpu.memref_slice %arg7[%dma_start3A_248, %dma_start3A_250, %dma_start3A_251] : memref<5x80x64xf32, #tpu.memory_space<vmem>> -> memref<1x80x64xf32, #tpu.memory_space<vmem>>
      %dma_start3A_253 = tpu.memref_squeeze %dma_start3A_252 : memref<1x80x64xf32, #tpu.memory_space<vmem>> -> memref<80x64xf32, #tpu.memory_space<vmem>>
      %dma_start3A_254 = arith.constant 0 : i32
      %dma_start3A_255 = tpu.memref_slice %arg6[%add3A_233, %dma_start3A_254] : memref<125x80xi32, #tpu.memory_space<vmem>> -> memref<1x80xi32, #tpu.memory_space<vmem>>
      %dma_start3A_256 = tpu.memref_squeeze %dma_start3A_255 : memref<1x80xi32, #tpu.memory_space<vmem>> -> memref<80xi32, #tpu.memory_space<vmem>>
      %dma_start3A_257 = arith.constant 0 : i32
      %dma_start3A_258 = arith.constant 0 : i32
      %dma_start3A_259 = tpu.memref_slice %arg8[%dma_start3A_257, %dma_start3A_258] : memref<10240x64xf32, #tpu.memory_space<vmem_shared>> -> memref<10240x64xf32, #tpu.memory_space<vmem_shared>>
      %dma_start3A_260 = tpu.memref_slice %arg10[%dma_start3A_249] : memref<5x!tpu.dma_semaphore, #tpu.memory_space<semaphore_mem>> -> memref<1x!tpu.dma_semaphore, #tpu.memory_space<semaphore_mem>>
      %dma_start3A_261 = tpu.memref_squeeze %dma_start3A_260 : memref<1x!tpu.dma_semaphore, #tpu.memory_space<semaphore_mem>> -> memref<!tpu.dma_semaphore, #tpu.memory_space<semaphore_mem>>
      tpu.enqueue_indirect_dma source(%dma_start3A_253 : memref<80x64xf32, #tpu.memory_space<vmem>>) target(%dma_start3A_259 : memref<10240x64xf32, #tpu.memory_space<vmem_shared>>) offsets(%dma_start3A_256 : memref<80xi32, #tpu.memory_space<vmem>>) semaphore(%dma_start3A_261 : memref<!tpu.dma_semaphore, #tpu.memory_space<semaphore_mem>>) {add = true}
      %mul3A_262 = arith.constant 5 : i32
      %mul3A_263 = arith.muli %scan3A_165, %mul3A_262 : i32
      %add3A_264 = arith.constant 3 : i32
      %add3A_265 = arith.addi %mul3A_263, %add3A_264 : i32
      %dma_wait3A_266 = arith.constant 3 : i32
      %dma_wait3A_267 = arith.constant 3 : i32
      %dma_wait3A_268 = arith.constant 0 : i32
      %dma_wait3A_269 = arith.constant 0 : i32
      %dma_wait3A_270 = tpu.memref_slice %arg7[%dma_wait3A_266, %dma_wait3A_268, %dma_wait3A_269] : memref<5x80x64xf32, #tpu.memory_space<vmem>> -> memref<1x80x64xf32, #tpu.memory_space<vmem>>
      %dma_wait3A_271 = tpu.memref_squeeze %dma_wait3A_270 : memref<1x80x64xf32, #tpu.memory_space<vmem>> -> memref<80x64xf32, #tpu.memory_space<vmem>>
      %dma_wait3A_272 = arith.constant 0 : i32
      %dma_wait3A_273 = tpu.memref_slice %arg5[%add3A_265, %dma_wait3A_272] : memref<125x80xi32, #tpu.memory_space<vmem>> -> memref<1x80xi32, #tpu.memory_space<vmem>>
      %dma_wait3A_274 = tpu.memref_squeeze %dma_wait3A_273 : memref<1x80xi32, #tpu.memory_space<vmem>> -> memref<80xi32, #tpu.memory_space<vmem>>
      %dma_wait3A_275 = arith.constant 0 : i32
      %dma_wait3A_276 = arith.constant 0 : i32
      %dma_wait3A_277 = tpu.memref_slice %arg2[%dma_wait3A_275, %dma_wait3A_276] : memref<10240x64xf32, #tpu.memory_space<hbm>> -> memref<10240x64xf32, #tpu.memory_space<hbm>>
      %dma_wait3A_278 = tpu.memref_slice %arg9[%dma_wait3A_267] : memref<5x!tpu.dma_semaphore, #tpu.memory_space<semaphore_mem>> -> memref<1x!tpu.dma_semaphore, #tpu.memory_space<semaphore_mem>>
      %dma_wait3A_279 = tpu.memref_squeeze %dma_wait3A_278 : memref<1x!tpu.dma_semaphore, #tpu.memory_space<semaphore_mem>> -> memref<!tpu.dma_semaphore, #tpu.memory_space<semaphore_mem>>
      tpu.wait_indirect_dma semaphore(%dma_wait3A_279 : memref<!tpu.dma_semaphore, #tpu.memory_space<semaphore_mem>>) src(%dma_wait3A_277 : memref<10240x64xf32, #tpu.memory_space<hbm>>) dst(%dma_wait3A_271 : memref<80x64xf32, #tpu.memory_space<vmem>>)
      %dma_start3A_280 = arith.constant 3 : i32
      %dma_start3A_281 = arith.constant 3 : i32
      %dma_start3A_282 = arith.constant 0 : i32
      %dma_start3A_283 = arith.constant 0 : i32
      %dma_start3A_284 = tpu.memref_slice %arg7[%dma_start3A_280, %dma_start3A_282, %dma_start3A_283] : memref<5x80x64xf32, #tpu.memory_space<vmem>> -> memref<1x80x64xf32, #tpu.memory_space<vmem>>
      %dma_start3A_285 = tpu.memref_squeeze %dma_start3A_284 : memref<1x80x64xf32, #tpu.memory_space<vmem>> -> memref<80x64xf32, #tpu.memory_space<vmem>>
      %dma_start3A_286 = arith.constant 0 : i32
      %dma_start3A_287 = tpu.memref_slice %arg6[%add3A_265, %dma_start3A_286] : memref<125x80xi32, #tpu.memory_space<vmem>> -> memref<1x80xi32, #tpu.memory_space<vmem>>
      %dma_start3A_288 = tpu.memref_squeeze %dma_start3A_287 : memref<1x80xi32, #tpu.memory_space<vmem>> -> memref<80xi32, #tpu.memory_space<vmem>>
      %dma_start3A_289 = arith.constant 0 : i32
      %dma_start3A_290 = arith.constant 0 : i32
      %dma_start3A_291 = tpu.memref_slice %arg8[%dma_start3A_289, %dma_start3A_290] : memref<10240x64xf32, #tpu.memory_space<vmem_shared>> -> memref<10240x64xf32, #tpu.memory_space<vmem_shared>>
      %dma_start3A_292 = tpu.memref_slice %arg10[%dma_start3A_281] : memref<5x!tpu.dma_semaphore, #tpu.memory_space<semaphore_mem>> -> memref<1x!tpu.dma_semaphore, #tpu.memory_space<semaphore_mem>>
      %dma_start3A_293 = tpu.memref_squeeze %dma_start3A_292 : memref<1x!tpu.dma_semaphore, #tpu.memory_space<semaphore_mem>> -> memref<!tpu.dma_semaphore, #tpu.memory_space<semaphore_mem>>
      tpu.enqueue_indirect_dma source(%dma_start3A_285 : memref<80x64xf32, #tpu.memory_space<vmem>>) target(%dma_start3A_291 : memref<10240x64xf32, #tpu.memory_space<vmem_shared>>) offsets(%dma_start3A_288 : memref<80xi32, #tpu.memory_space<vmem>>) semaphore(%dma_start3A_293 : memref<!tpu.dma_semaphore, #tpu.memory_space<semaphore_mem>>) {add = true}
      %mul3A_294 = arith.constant 5 : i32
      %mul3A_295 = arith.muli %scan3A_165, %mul3A_294 : i32
      %add3A_296 = arith.constant 4 : i32
      %add3A_297 = arith.addi %mul3A_295, %add3A_296 : i32
      %dma_wait3A_298 = arith.constant 4 : i32
      %dma_wait3A_299 = arith.constant 4 : i32
      %dma_wait3A_300 = arith.constant 0 : i32
      %dma_wait3A_301 = arith.constant 0 : i32
      %dma_wait3A_302 = tpu.memref_slice %arg7[%dma_wait3A_298, %dma_wait3A_300, %dma_wait3A_301] : memref<5x80x64xf32, #tpu.memory_space<vmem>> -> memref<1x80x64xf32, #tpu.memory_space<vmem>>
      %dma_wait3A_303 = tpu.memref_squeeze %dma_wait3A_302 : memref<1x80x64xf32, #tpu.memory_space<vmem>> -> memref<80x64xf32, #tpu.memory_space<vmem>>
      %dma_wait3A_304 = arith.constant 0 : i32
      %dma_wait3A_305 = tpu.memref_slice %arg5[%add3A_297, %dma_wait3A_304] : memref<125x80xi32, #tpu.memory_space<vmem>> -> memref<1x80xi32, #tpu.memory_space<vmem>>
      %dma_wait3A_306 = tpu.memref_squeeze %dma_wait3A_305 : memref<1x80xi32, #tpu.memory_space<vmem>> -> memref<80xi32, #tpu.memory_space<vmem>>
      %dma_wait3A_307 = arith.constant 0 : i32
      %dma_wait3A_308 = arith.constant 0 : i32
      %dma_wait3A_309 = tpu.memref_slice %arg2[%dma_wait3A_307, %dma_wait3A_308] : memref<10240x64xf32, #tpu.memory_space<hbm>> -> memref<10240x64xf32, #tpu.memory_space<hbm>>
      %dma_wait3A_310 = tpu.memref_slice %arg9[%dma_wait3A_299] : memref<5x!tpu.dma_semaphore, #tpu.memory_space<semaphore_mem>> -> memref<1x!tpu.dma_semaphore, #tpu.memory_space<semaphore_mem>>
      %dma_wait3A_311 = tpu.memref_squeeze %dma_wait3A_310 : memref<1x!tpu.dma_semaphore, #tpu.memory_space<semaphore_mem>> -> memref<!tpu.dma_semaphore, #tpu.memory_space<semaphore_mem>>
      tpu.wait_indirect_dma semaphore(%dma_wait3A_311 : memref<!tpu.dma_semaphore, #tpu.memory_space<semaphore_mem>>) src(%dma_wait3A_309 : memref<10240x64xf32, #tpu.memory_space<hbm>>) dst(%dma_wait3A_303 : memref<80x64xf32, #tpu.memory_space<vmem>>)
      %dma_start3A_312 = arith.constant 4 : i32
      %dma_start3A_313 = arith.constant 4 : i32
      %dma_start3A_314 = arith.constant 0 : i32
      %dma_start3A_315 = arith.constant 0 : i32
      %dma_start3A_316 = tpu.memref_slice %arg7[%dma_start3A_312, %dma_start3A_314, %dma_start3A_315] : memref<5x80x64xf32, #tpu.memory_space<vmem>> -> memref<1x80x64xf32, #tpu.memory_space<vmem>>
      %dma_start3A_317 = tpu.memref_squeeze %dma_start3A_316 : memref<1x80x64xf32, #tpu.memory_space<vmem>> -> memref<80x64xf32, #tpu.memory_space<vmem>>
      %dma_start3A_318 = arith.constant 0 : i32
      %dma_start3A_319 = tpu.memref_slice %arg6[%add3A_297, %dma_start3A_318] : memref<125x80xi32, #tpu.memory_space<vmem>> -> memref<1x80xi32, #tpu.memory_space<vmem>>
      %dma_start3A_320 = tpu.memref_squeeze %dma_start3A_319 : memref<1x80xi32, #tpu.memory_space<vmem>> -> memref<80xi32, #tpu.memory_space<vmem>>
      %dma_start3A_321 = arith.constant 0 : i32
      %dma_start3A_322 = arith.constant 0 : i32
      %dma_start3A_323 = tpu.memref_slice %arg8[%dma_start3A_321, %dma_start3A_322] : memref<10240x64xf32, #tpu.memory_space<vmem_shared>> -> memref<10240x64xf32, #tpu.memory_space<vmem_shared>>
      %dma_start3A_324 = tpu.memref_slice %arg10[%dma_start3A_313] : memref<5x!tpu.dma_semaphore, #tpu.memory_space<semaphore_mem>> -> memref<1x!tpu.dma_semaphore, #tpu.memory_space<semaphore_mem>>
      %dma_start3A_325 = tpu.memref_squeeze %dma_start3A_324 : memref<1x!tpu.dma_semaphore, #tpu.memory_space<semaphore_mem>> -> memref<!tpu.dma_semaphore, #tpu.memory_space<semaphore_mem>>
      tpu.enqueue_indirect_dma source(%dma_start3A_317 : memref<80x64xf32, #tpu.memory_space<vmem>>) target(%dma_start3A_323 : memref<10240x64xf32, #tpu.memory_space<vmem_shared>>) offsets(%dma_start3A_320 : memref<80xi32, #tpu.memory_space<vmem>>) semaphore(%dma_start3A_325 : memref<!tpu.dma_semaphore, #tpu.memory_space<semaphore_mem>>) {add = true}
      %lt3A = arith.constant 24 : i32
      %lt3A_326 = arith.cmpi slt, %scan3A_165, %lt3A : i32
      %convert_element_type3A_327 = arith.extui %lt3A_326 : i1 to i32
      %cond3A_328 = arith.constant 0 : i32
      %cond3A_329 = arith.cmpi ne, %convert_element_type3A_327, %cond3A_328 : i32
      scf.if %cond3A_329 {
        %mul3A_330 = arith.constant 5 : i32
        %mul3A_331 = arith.muli %scan3A_165, %mul3A_330 : i32
        %add3A_332 = arith.constant 0 : i32
        %add3A_333 = arith.addi %mul3A_331, %add3A_332 : i32
        %add3A_334 = arith.constant 5 : i32
        %add3A_335 = arith.addi %add3A_333, %add3A_334 : i32
        %dma_wait3A_336 = arith.constant 0 : i32
        %dma_wait3A_337 = arith.constant 0 : i32
        %dma_wait3A_338 = arith.constant 0 : i32
        %dma_wait3A_339 = arith.constant 0 : i32
        %dma_wait3A_340 = tpu.memref_slice %arg7[%dma_wait3A_336, %dma_wait3A_338, %dma_wait3A_339] : memref<5x80x64xf32, #tpu.memory_space<vmem>> -> memref<1x80x64xf32, #tpu.memory_space<vmem>>
        %dma_wait3A_341 = tpu.memref_squeeze %dma_wait3A_340 : memref<1x80x64xf32, #tpu.memory_space<vmem>> -> memref<80x64xf32, #tpu.memory_space<vmem>>
        %dma_wait3A_342 = arith.constant 0 : i32
        %dma_wait3A_343 = tpu.memref_slice %arg6[%add3A_333, %dma_wait3A_342] : memref<125x80xi32, #tpu.memory_space<vmem>> -> memref<1x80xi32, #tpu.memory_space<vmem>>
        %dma_wait3A_344 = tpu.memref_squeeze %dma_wait3A_343 : memref<1x80xi32, #tpu.memory_space<vmem>> -> memref<80xi32, #tpu.memory_space<vmem>>
        %dma_wait3A_345 = arith.constant 0 : i32
        %dma_wait3A_346 = arith.constant 0 : i32
        %dma_wait3A_347 = tpu.memref_slice %arg8[%dma_wait3A_345, %dma_wait3A_346] : memref<10240x64xf32, #tpu.memory_space<vmem_shared>> -> memref<10240x64xf32, #tpu.memory_space<vmem_shared>>
        %dma_wait3A_348 = tpu.memref_slice %arg10[%dma_wait3A_337] : memref<5x!tpu.dma_semaphore, #tpu.memory_space<semaphore_mem>> -> memref<1x!tpu.dma_semaphore, #tpu.memory_space<semaphore_mem>>
        %dma_wait3A_349 = tpu.memref_squeeze %dma_wait3A_348 : memref<1x!tpu.dma_semaphore, #tpu.memory_space<semaphore_mem>> -> memref<!tpu.dma_semaphore, #tpu.memory_space<semaphore_mem>>
        tpu.wait_indirect_dma semaphore(%dma_wait3A_349 : memref<!tpu.dma_semaphore, #tpu.memory_space<semaphore_mem>>) src(%dma_wait3A_341 : memref<80x64xf32, #tpu.memory_space<vmem>>) dst(%dma_wait3A_347 : memref<10240x64xf32, #tpu.memory_space<vmem_shared>>)
        %dma_start3A_350 = arith.constant 0 : i32
        %dma_start3A_351 = arith.constant 0 : i32
        %dma_start3A_352 = arith.constant 0 : i32
        %dma_start3A_353 = arith.constant 0 : i32
        %dma_start3A_354 = tpu.memref_slice %arg7[%dma_start3A_350, %dma_start3A_352, %dma_start3A_353] : memref<5x80x64xf32, #tpu.memory_space<vmem>> -> memref<1x80x64xf32, #tpu.memory_space<vmem>>
        %dma_start3A_355 = tpu.memref_squeeze %dma_start3A_354 : memref<1x80x64xf32, #tpu.memory_space<vmem>> -> memref<80x64xf32, #tpu.memory_space<vmem>>
        %dma_start3A_356 = arith.constant 0 : i32
        %dma_start3A_357 = tpu.memref_slice %arg5[%add3A_335, %dma_start3A_356] : memref<125x80xi32, #tpu.memory_space<vmem>> -> memref<1x80xi32, #tpu.memory_space<vmem>>
        %dma_start3A_358 = tpu.memref_squeeze %dma_start3A_357 : memref<1x80xi32, #tpu.memory_space<vmem>> -> memref<80xi32, #tpu.memory_space<vmem>>
        %dma_start3A_359 = arith.constant 0 : i32
        %dma_start3A_360 = arith.constant 0 : i32
        %dma_start3A_361 = tpu.memref_slice %arg2[%dma_start3A_359, %dma_start3A_360] : memref<10240x64xf32, #tpu.memory_space<hbm>> -> memref<10240x64xf32, #tpu.memory_space<hbm>>
        %dma_start3A_362 = tpu.memref_slice %arg9[%dma_start3A_351] : memref<5x!tpu.dma_semaphore, #tpu.memory_space<semaphore_mem>> -> memref<1x!tpu.dma_semaphore, #tpu.memory_space<semaphore_mem>>
        %dma_start3A_363 = tpu.memref_squeeze %dma_start3A_362 : memref<1x!tpu.dma_semaphore, #tpu.memory_space<semaphore_mem>> -> memref<!tpu.dma_semaphore, #tpu.memory_space<semaphore_mem>>
        tpu.enqueue_indirect_dma source(%dma_start3A_361 : memref<10240x64xf32, #tpu.memory_space<hbm>>) target(%dma_start3A_355 : memref<80x64xf32, #tpu.memory_space<vmem>>) offsets(%dma_start3A_358 : memref<80xi32, #tpu.memory_space<vmem>>) semaphore(%dma_start3A_363 : memref<!tpu.dma_semaphore, #tpu.memory_space<semaphore_mem>>)
        %mul3A_364 = arith.constant 5 : i32
        %mul3A_365 = arith.muli %scan3A_165, %mul3A_364 : i32
        %add3A_366 = arith.constant 1 : i32
        %add3A_367 = arith.addi %mul3A_365, %add3A_366 : i32
        %add3A_368 = arith.constant 5 : i32
        %add3A_369 = arith.addi %add3A_367, %add3A_368 : i32
        %dma_wait3A_370 = arith.constant 1 : i32
        %dma_wait3A_371 = arith.constant 1 : i32
        %dma_wait3A_372 = arith.constant 0 : i32
        %dma_wait3A_373 = arith.constant 0 : i32
        %dma_wait3A_374 = tpu.memref_slice %arg7[%dma_wait3A_370, %dma_wait3A_372, %dma_wait3A_373] : memref<5x80x64xf32, #tpu.memory_space<vmem>> -> memref<1x80x64xf32, #tpu.memory_space<vmem>>
        %dma_wait3A_375 = tpu.memref_squeeze %dma_wait3A_374 : memref<1x80x64xf32, #tpu.memory_space<vmem>> -> memref<80x64xf32, #tpu.memory_space<vmem>>
        %dma_wait3A_376 = arith.constant 0 : i32
        %dma_wait3A_377 = tpu.memref_slice %arg6[%add3A_367, %dma_wait3A_376] : memref<125x80xi32, #tpu.memory_space<vmem>> -> memref<1x80xi32, #tpu.memory_space<vmem>>
        %dma_wait3A_378 = tpu.memref_squeeze %dma_wait3A_377 : memref<1x80xi32, #tpu.memory_space<vmem>> -> memref<80xi32, #tpu.memory_space<vmem>>
        %dma_wait3A_379 = arith.constant 0 : i32
        %dma_wait3A_380 = arith.constant 0 : i32
        %dma_wait3A_381 = tpu.memref_slice %arg8[%dma_wait3A_379, %dma_wait3A_380] : memref<10240x64xf32, #tpu.memory_space<vmem_shared>> -> memref<10240x64xf32, #tpu.memory_space<vmem_shared>>
        %dma_wait3A_382 = tpu.memref_slice %arg10[%dma_wait3A_371] : memref<5x!tpu.dma_semaphore, #tpu.memory_space<semaphore_mem>> -> memref<1x!tpu.dma_semaphore, #tpu.memory_space<semaphore_mem>>
        %dma_wait3A_383 = tpu.memref_squeeze %dma_wait3A_382 : memref<1x!tpu.dma_semaphore, #tpu.memory_space<semaphore_mem>> -> memref<!tpu.dma_semaphore, #tpu.memory_space<semaphore_mem>>
        tpu.wait_indirect_dma semaphore(%dma_wait3A_383 : memref<!tpu.dma_semaphore, #tpu.memory_space<semaphore_mem>>) src(%dma_wait3A_375 : memref<80x64xf32, #tpu.memory_space<vmem>>) dst(%dma_wait3A_381 : memref<10240x64xf32, #tpu.memory_space<vmem_shared>>)
        %dma_start3A_384 = arith.constant 1 : i32
        %dma_start3A_385 = arith.constant 1 : i32
        %dma_start3A_386 = arith.constant 0 : i32
        %dma_start3A_387 = arith.constant 0 : i32
        %dma_start3A_388 = tpu.memref_slice %arg7[%dma_start3A_384, %dma_start3A_386, %dma_start3A_387] : memref<5x80x64xf32, #tpu.memory_space<vmem>> -> memref<1x80x64xf32, #tpu.memory_space<vmem>>
        %dma_start3A_389 = tpu.memref_squeeze %dma_start3A_388 : memref<1x80x64xf32, #tpu.memory_space<vmem>> -> memref<80x64xf32, #tpu.memory_space<vmem>>
        %dma_start3A_390 = arith.constant 0 : i32
        %dma_start3A_391 = tpu.memref_slice %arg5[%add3A_369, %dma_start3A_390] : memref<125x80xi32, #tpu.memory_space<vmem>> -> memref<1x80xi32, #tpu.memory_space<vmem>>
        %dma_start3A_392 = tpu.memref_squeeze %dma_start3A_391 : memref<1x80xi32, #tpu.memory_space<vmem>> -> memref<80xi32, #tpu.memory_space<vmem>>
        %dma_start3A_393 = arith.constant 0 : i32
        %dma_start3A_394 = arith.constant 0 : i32
        %dma_start3A_395 = tpu.memref_slice %arg2[%dma_start3A_393, %dma_start3A_394] : memref<10240x64xf32, #tpu.memory_space<hbm>> -> memref<10240x64xf32, #tpu.memory_space<hbm>>
        %dma_start3A_396 = tpu.memref_slice %arg9[%dma_start3A_385] : memref<5x!tpu.dma_semaphore, #tpu.memory_space<semaphore_mem>> -> memref<1x!tpu.dma_semaphore, #tpu.memory_space<semaphore_mem>>
        %dma_start3A_397 = tpu.memref_squeeze %dma_start3A_396 : memref<1x!tpu.dma_semaphore, #tpu.memory_space<semaphore_mem>> -> memref<!tpu.dma_semaphore, #tpu.memory_space<semaphore_mem>>
        tpu.enqueue_indirect_dma source(%dma_start3A_395 : memref<10240x64xf32, #tpu.memory_space<hbm>>) target(%dma_start3A_389 : memref<80x64xf32, #tpu.memory_space<vmem>>) offsets(%dma_start3A_392 : memref<80xi32, #tpu.memory_space<vmem>>) semaphore(%dma_start3A_397 : memref<!tpu.dma_semaphore, #tpu.memory_space<semaphore_mem>>)
        %mul3A_398 = arith.constant 5 : i32
        %mul3A_399 = arith.muli %scan3A_165, %mul3A_398 : i32
        %add3A_400 = arith.constant 2 : i32
        %add3A_401 = arith.addi %mul3A_399, %add3A_400 : i32
        %add3A_402 = arith.constant 5 : i32
        %add3A_403 = arith.addi %add3A_401, %add3A_402 : i32
        %dma_wait3A_404 = arith.constant 2 : i32
        %dma_wait3A_405 = arith.constant 2 : i32
        %dma_wait3A_406 = arith.constant 0 : i32
        %dma_wait3A_407 = arith.constant 0 : i32
        %dma_wait3A_408 = tpu.memref_slice %arg7[%dma_wait3A_404, %dma_wait3A_406, %dma_wait3A_407] : memref<5x80x64xf32, #tpu.memory_space<vmem>> -> memref<1x80x64xf32, #tpu.memory_space<vmem>>
        %dma_wait3A_409 = tpu.memref_squeeze %dma_wait3A_408 : memref<1x80x64xf32, #tpu.memory_space<vmem>> -> memref<80x64xf32, #tpu.memory_space<vmem>>
        %dma_wait3A_410 = arith.constant 0 : i32
        %dma_wait3A_411 = tpu.memref_slice %arg6[%add3A_401, %dma_wait3A_410] : memref<125x80xi32, #tpu.memory_space<vmem>> -> memref<1x80xi32, #tpu.memory_space<vmem>>
        %dma_wait3A_412 = tpu.memref_squeeze %dma_wait3A_411 : memref<1x80xi32, #tpu.memory_space<vmem>> -> memref<80xi32, #tpu.memory_space<vmem>>
        %dma_wait3A_413 = arith.constant 0 : i32
        %dma_wait3A_414 = arith.constant 0 : i32
        %dma_wait3A_415 = tpu.memref_slice %arg8[%dma_wait3A_413, %dma_wait3A_414] : memref<10240x64xf32, #tpu.memory_space<vmem_shared>> -> memref<10240x64xf32, #tpu.memory_space<vmem_shared>>
        %dma_wait3A_416 = tpu.memref_slice %arg10[%dma_wait3A_405] : memref<5x!tpu.dma_semaphore, #tpu.memory_space<semaphore_mem>> -> memref<1x!tpu.dma_semaphore, #tpu.memory_space<semaphore_mem>>
        %dma_wait3A_417 = tpu.memref_squeeze %dma_wait3A_416 : memref<1x!tpu.dma_semaphore, #tpu.memory_space<semaphore_mem>> -> memref<!tpu.dma_semaphore, #tpu.memory_space<semaphore_mem>>
        tpu.wait_indirect_dma semaphore(%dma_wait3A_417 : memref<!tpu.dma_semaphore, #tpu.memory_space<semaphore_mem>>) src(%dma_wait3A_409 : memref<80x64xf32, #tpu.memory_space<vmem>>) dst(%dma_wait3A_415 : memref<10240x64xf32, #tpu.memory_space<vmem_shared>>)
        %dma_start3A_418 = arith.constant 2 : i32
        %dma_start3A_419 = arith.constant 2 : i32
        %dma_start3A_420 = arith.constant 0 : i32
        %dma_start3A_421 = arith.constant 0 : i32
        %dma_start3A_422 = tpu.memref_slice %arg7[%dma_start3A_418, %dma_start3A_420, %dma_start3A_421] : memref<5x80x64xf32, #tpu.memory_space<vmem>> -> memref<1x80x64xf32, #tpu.memory_space<vmem>>
        %dma_start3A_423 = tpu.memref_squeeze %dma_start3A_422 : memref<1x80x64xf32, #tpu.memory_space<vmem>> -> memref<80x64xf32, #tpu.memory_space<vmem>>
        %dma_start3A_424 = arith.constant 0 : i32
        %dma_start3A_425 = tpu.memref_slice %arg5[%add3A_403, %dma_start3A_424] : memref<125x80xi32, #tpu.memory_space<vmem>> -> memref<1x80xi32, #tpu.memory_space<vmem>>
        %dma_start3A_426 = tpu.memref_squeeze %dma_start3A_425 : memref<1x80xi32, #tpu.memory_space<vmem>> -> memref<80xi32, #tpu.memory_space<vmem>>
        %dma_start3A_427 = arith.constant 0 : i32
        %dma_start3A_428 = arith.constant 0 : i32
        %dma_start3A_429 = tpu.memref_slice %arg2[%dma_start3A_427, %dma_start3A_428] : memref<10240x64xf32, #tpu.memory_space<hbm>> -> memref<10240x64xf32, #tpu.memory_space<hbm>>
        %dma_start3A_430 = tpu.memref_slice %arg9[%dma_start3A_419] : memref<5x!tpu.dma_semaphore, #tpu.memory_space<semaphore_mem>> -> memref<1x!tpu.dma_semaphore, #tpu.memory_space<semaphore_mem>>
        %dma_start3A_431 = tpu.memref_squeeze %dma_start3A_430 : memref<1x!tpu.dma_semaphore, #tpu.memory_space<semaphore_mem>> -> memref<!tpu.dma_semaphore, #tpu.memory_space<semaphore_mem>>
        tpu.enqueue_indirect_dma source(%dma_start3A_429 : memref<10240x64xf32, #tpu.memory_space<hbm>>) target(%dma_start3A_423 : memref<80x64xf32, #tpu.memory_space<vmem>>) offsets(%dma_start3A_426 : memref<80xi32, #tpu.memory_space<vmem>>) semaphore(%dma_start3A_431 : memref<!tpu.dma_semaphore, #tpu.memory_space<semaphore_mem>>)
        %mul3A_432 = arith.constant 5 : i32
        %mul3A_433 = arith.muli %scan3A_165, %mul3A_432 : i32
        %add3A_434 = arith.constant 3 : i32
        %add3A_435 = arith.addi %mul3A_433, %add3A_434 : i32
        %add3A_436 = arith.constant 5 : i32
        %add3A_437 = arith.addi %add3A_435, %add3A_436 : i32
        %dma_wait3A_438 = arith.constant 3 : i32
        %dma_wait3A_439 = arith.constant 3 : i32
        %dma_wait3A_440 = arith.constant 0 : i32
        %dma_wait3A_441 = arith.constant 0 : i32
        %dma_wait3A_442 = tpu.memref_slice %arg7[%dma_wait3A_438, %dma_wait3A_440, %dma_wait3A_441] : memref<5x80x64xf32, #tpu.memory_space<vmem>> -> memref<1x80x64xf32, #tpu.memory_space<vmem>>
        %dma_wait3A_443 = tpu.memref_squeeze %dma_wait3A_442 : memref<1x80x64xf32, #tpu.memory_space<vmem>> -> memref<80x64xf32, #tpu.memory_space<vmem>>
        %dma_wait3A_444 = arith.constant 0 : i32
        %dma_wait3A_445 = tpu.memref_slice %arg6[%add3A_435, %dma_wait3A_444] : memref<125x80xi32, #tpu.memory_space<vmem>> -> memref<1x80xi32, #tpu.memory_space<vmem>>
        %dma_wait3A_446 = tpu.memref_squeeze %dma_wait3A_445 : memref<1x80xi32, #tpu.memory_space<vmem>> -> memref<80xi32, #tpu.memory_space<vmem>>
        %dma_wait3A_447 = arith.constant 0 : i32
        %dma_wait3A_448 = arith.constant 0 : i32
        %dma_wait3A_449 = tpu.memref_slice %arg8[%dma_wait3A_447, %dma_wait3A_448] : memref<10240x64xf32, #tpu.memory_space<vmem_shared>> -> memref<10240x64xf32, #tpu.memory_space<vmem_shared>>
        %dma_wait3A_450 = tpu.memref_slice %arg10[%dma_wait3A_439] : memref<5x!tpu.dma_semaphore, #tpu.memory_space<semaphore_mem>> -> memref<1x!tpu.dma_semaphore, #tpu.memory_space<semaphore_mem>>
        %dma_wait3A_451 = tpu.memref_squeeze %dma_wait3A_450 : memref<1x!tpu.dma_semaphore, #tpu.memory_space<semaphore_mem>> -> memref<!tpu.dma_semaphore, #tpu.memory_space<semaphore_mem>>
        tpu.wait_indirect_dma semaphore(%dma_wait3A_451 : memref<!tpu.dma_semaphore, #tpu.memory_space<semaphore_mem>>) src(%dma_wait3A_443 : memref<80x64xf32, #tpu.memory_space<vmem>>) dst(%dma_wait3A_449 : memref<10240x64xf32, #tpu.memory_space<vmem_shared>>)
        %dma_start3A_452 = arith.constant 3 : i32
        %dma_start3A_453 = arith.constant 3 : i32
        %dma_start3A_454 = arith.constant 0 : i32
        %dma_start3A_455 = arith.constant 0 : i32
        %dma_start3A_456 = tpu.memref_slice %arg7[%dma_start3A_452, %dma_start3A_454, %dma_start3A_455] : memref<5x80x64xf32, #tpu.memory_space<vmem>> -> memref<1x80x64xf32, #tpu.memory_space<vmem>>
        %dma_start3A_457 = tpu.memref_squeeze %dma_start3A_456 : memref<1x80x64xf32, #tpu.memory_space<vmem>> -> memref<80x64xf32, #tpu.memory_space<vmem>>
        %dma_start3A_458 = arith.constant 0 : i32
        %dma_start3A_459 = tpu.memref_slice %arg5[%add3A_437, %dma_start3A_458] : memref<125x80xi32, #tpu.memory_space<vmem>> -> memref<1x80xi32, #tpu.memory_space<vmem>>
        %dma_start3A_460 = tpu.memref_squeeze %dma_start3A_459 : memref<1x80xi32, #tpu.memory_space<vmem>> -> memref<80xi32, #tpu.memory_space<vmem>>
        %dma_start3A_461 = arith.constant 0 : i32
        %dma_start3A_462 = arith.constant 0 : i32
        %dma_start3A_463 = tpu.memref_slice %arg2[%dma_start3A_461, %dma_start3A_462] : memref<10240x64xf32, #tpu.memory_space<hbm>> -> memref<10240x64xf32, #tpu.memory_space<hbm>>
        %dma_start3A_464 = tpu.memref_slice %arg9[%dma_start3A_453] : memref<5x!tpu.dma_semaphore, #tpu.memory_space<semaphore_mem>> -> memref<1x!tpu.dma_semaphore, #tpu.memory_space<semaphore_mem>>
        %dma_start3A_465 = tpu.memref_squeeze %dma_start3A_464 : memref<1x!tpu.dma_semaphore, #tpu.memory_space<semaphore_mem>> -> memref<!tpu.dma_semaphore, #tpu.memory_space<semaphore_mem>>
        tpu.enqueue_indirect_dma source(%dma_start3A_463 : memref<10240x64xf32, #tpu.memory_space<hbm>>) target(%dma_start3A_457 : memref<80x64xf32, #tpu.memory_space<vmem>>) offsets(%dma_start3A_460 : memref<80xi32, #tpu.memory_space<vmem>>) semaphore(%dma_start3A_465 : memref<!tpu.dma_semaphore, #tpu.memory_space<semaphore_mem>>)
        %mul3A_466 = arith.constant 5 : i32
        %mul3A_467 = arith.muli %scan3A_165, %mul3A_466 : i32
        %add3A_468 = arith.constant 4 : i32
        %add3A_469 = arith.addi %mul3A_467, %add3A_468 : i32
        %add3A_470 = arith.constant 5 : i32
        %add3A_471 = arith.addi %add3A_469, %add3A_470 : i32
        %dma_wait3A_472 = arith.constant 4 : i32
        %dma_wait3A_473 = arith.constant 4 : i32
        %dma_wait3A_474 = arith.constant 0 : i32
        %dma_wait3A_475 = arith.constant 0 : i32
        %dma_wait3A_476 = tpu.memref_slice %arg7[%dma_wait3A_472, %dma_wait3A_474, %dma_wait3A_475] : memref<5x80x64xf32, #tpu.memory_space<vmem>> -> memref<1x80x64xf32, #tpu.memory_space<vmem>>
        %dma_wait3A_477 = tpu.memref_squeeze %dma_wait3A_476 : memref<1x80x64xf32, #tpu.memory_space<vmem>> -> memref<80x64xf32, #tpu.memory_space<vmem>>
        %dma_wait3A_478 = arith.constant 0 : i32
        %dma_wait3A_479 = tpu.memref_slice %arg6[%add3A_469, %dma_wait3A_478] : memref<125x80xi32, #tpu.memory_space<vmem>> -> memref<1x80xi32, #tpu.memory_space<vmem>>
        %dma_wait3A_480 = tpu.memref_squeeze %dma_wait3A_479 : memref<1x80xi32, #tpu.memory_space<vmem>> -> memref<80xi32, #tpu.memory_space<vmem>>
        %dma_wait3A_481 = arith.constant 0 : i32
        %dma_wait3A_482 = arith.constant 0 : i32
        %dma_wait3A_483 = tpu.memref_slice %arg8[%dma_wait3A_481, %dma_wait3A_482] : memref<10240x64xf32, #tpu.memory_space<vmem_shared>> -> memref<10240x64xf32, #tpu.memory_space<vmem_shared>>
        %dma_wait3A_484 = tpu.memref_slice %arg10[%dma_wait3A_473] : memref<5x!tpu.dma_semaphore, #tpu.memory_space<semaphore_mem>> -> memref<1x!tpu.dma_semaphore, #tpu.memory_space<semaphore_mem>>
        %dma_wait3A_485 = tpu.memref_squeeze %dma_wait3A_484 : memref<1x!tpu.dma_semaphore, #tpu.memory_space<semaphore_mem>> -> memref<!tpu.dma_semaphore, #tpu.memory_space<semaphore_mem>>
        tpu.wait_indirect_dma semaphore(%dma_wait3A_485 : memref<!tpu.dma_semaphore, #tpu.memory_space<semaphore_mem>>) src(%dma_wait3A_477 : memref<80x64xf32, #tpu.memory_space<vmem>>) dst(%dma_wait3A_483 : memref<10240x64xf32, #tpu.memory_space<vmem_shared>>)
        %dma_start3A_486 = arith.constant 4 : i32
        %dma_start3A_487 = arith.constant 4 : i32
        %dma_start3A_488 = arith.constant 0 : i32
        %dma_start3A_489 = arith.constant 0 : i32
        %dma_start3A_490 = tpu.memref_slice %arg7[%dma_start3A_486, %dma_start3A_488, %dma_start3A_489] : memref<5x80x64xf32, #tpu.memory_space<vmem>> -> memref<1x80x64xf32, #tpu.memory_space<vmem>>
        %dma_start3A_491 = tpu.memref_squeeze %dma_start3A_490 : memref<1x80x64xf32, #tpu.memory_space<vmem>> -> memref<80x64xf32, #tpu.memory_space<vmem>>
        %dma_start3A_492 = arith.constant 0 : i32
        %dma_start3A_493 = tpu.memref_slice %arg5[%add3A_471, %dma_start3A_492] : memref<125x80xi32, #tpu.memory_space<vmem>> -> memref<1x80xi32, #tpu.memory_space<vmem>>
        %dma_start3A_494 = tpu.memref_squeeze %dma_start3A_493 : memref<1x80xi32, #tpu.memory_space<vmem>> -> memref<80xi32, #tpu.memory_space<vmem>>
        %dma_start3A_495 = arith.constant 0 : i32
        %dma_start3A_496 = arith.constant 0 : i32
        %dma_start3A_497 = tpu.memref_slice %arg2[%dma_start3A_495, %dma_start3A_496] : memref<10240x64xf32, #tpu.memory_space<hbm>> -> memref<10240x64xf32, #tpu.memory_space<hbm>>
        %dma_start3A_498 = tpu.memref_slice %arg9[%dma_start3A_487] : memref<5x!tpu.dma_semaphore, #tpu.memory_space<semaphore_mem>> -> memref<1x!tpu.dma_semaphore, #tpu.memory_space<semaphore_mem>>
        %dma_start3A_499 = tpu.memref_squeeze %dma_start3A_498 : memref<1x!tpu.dma_semaphore, #tpu.memory_space<semaphore_mem>> -> memref<!tpu.dma_semaphore, #tpu.memory_space<semaphore_mem>>
        tpu.enqueue_indirect_dma source(%dma_start3A_497 : memref<10240x64xf32, #tpu.memory_space<hbm>>) target(%dma_start3A_491 : memref<80x64xf32, #tpu.memory_space<vmem>>) offsets(%dma_start3A_494 : memref<80xi32, #tpu.memory_space<vmem>>) semaphore(%dma_start3A_499 : memref<!tpu.dma_semaphore, #tpu.memory_space<semaphore_mem>>)
      } else {
      }
    }
    %scan3A_89 = arith.constant 25 : i32
    %dma_wait3A = arith.constant 0 : i32
    %dma_wait3A_90 = arith.constant 120 : i32
    %dma_wait3A_91 = arith.constant 0 : i32
    %dma_wait3A_92 = arith.constant 0 : i32
    %dma_wait3A_93 = arith.constant 0 : i32
    %dma_wait3A_94 = tpu.memref_slice %arg7[%dma_wait3A, %dma_wait3A_92, %dma_wait3A_93] : memref<5x80x64xf32, #tpu.memory_space<vmem>> -> memref<1x80x64xf32, #tpu.memory_space<vmem>>
    %dma_wait3A_95 = tpu.memref_squeeze %dma_wait3A_94 : memref<1x80x64xf32, #tpu.memory_space<vmem>> -> memref<80x64xf32, #tpu.memory_space<vmem>>
    %dma_wait3A_96 = arith.constant 0 : i32
    %dma_wait3A_97 = tpu.memref_slice %arg6[%dma_wait3A_90, %dma_wait3A_96] : memref<125x80xi32, #tpu.memory_space<vmem>> -> memref<1x80xi32, #tpu.memory_space<vmem>>
    %dma_wait3A_98 = tpu.memref_squeeze %dma_wait3A_97 : memref<1x80xi32, #tpu.memory_space<vmem>> -> memref<80xi32, #tpu.memory_space<vmem>>
    %dma_wait3A_99 = arith.constant 0 : i32
    %dma_wait3A_100 = arith.constant 0 : i32
    %dma_wait3A_101 = tpu.memref_slice %arg8[%dma_wait3A_99, %dma_wait3A_100] : memref<10240x64xf32, #tpu.memory_space<vmem_shared>> -> memref<10240x64xf32, #tpu.memory_space<vmem_shared>>
    %dma_wait3A_102 = tpu.memref_slice %arg10[%dma_wait3A_91] : memref<5x!tpu.dma_semaphore, #tpu.memory_space<semaphore_mem>> -> memref<1x!tpu.dma_semaphore, #tpu.memory_space<semaphore_mem>>
    %dma_wait3A_103 = tpu.memref_squeeze %dma_wait3A_102 : memref<1x!tpu.dma_semaphore, #tpu.memory_space<semaphore_mem>> -> memref<!tpu.dma_semaphore, #tpu.memory_space<semaphore_mem>>
    tpu.wait_indirect_dma semaphore(%dma_wait3A_103 : memref<!tpu.dma_semaphore, #tpu.memory_space<semaphore_mem>>) src(%dma_wait3A_95 : memref<80x64xf32, #tpu.memory_space<vmem>>) dst(%dma_wait3A_101 : memref<10240x64xf32, #tpu.memory_space<vmem_shared>>)
    %dma_wait3A_104 = arith.constant 1 : i32
    %dma_wait3A_105 = arith.constant 121 : i32
    %dma_wait3A_106 = arith.constant 1 : i32
    %dma_wait3A_107 = arith.constant 0 : i32
    %dma_wait3A_108 = arith.constant 0 : i32
    %dma_wait3A_109 = tpu.memref_slice %arg7[%dma_wait3A_104, %dma_wait3A_107, %dma_wait3A_108] : memref<5x80x64xf32, #tpu.memory_space<vmem>> -> memref<1x80x64xf32, #tpu.memory_space<vmem>>
    %dma_wait3A_110 = tpu.memref_squeeze %dma_wait3A_109 : memref<1x80x64xf32, #tpu.memory_space<vmem>> -> memref<80x64xf32, #tpu.memory_space<vmem>>
    %dma_wait3A_111 = arith.constant 0 : i32
    %dma_wait3A_112 = tpu.memref_slice %arg6[%dma_wait3A_105, %dma_wait3A_111] : memref<125x80xi32, #tpu.memory_space<vmem>> -> memref<1x80xi32, #tpu.memory_space<vmem>>
    %dma_wait3A_113 = tpu.memref_squeeze %dma_wait3A_112 : memref<1x80xi32, #tpu.memory_space<vmem>> -> memref<80xi32, #tpu.memory_space<vmem>>
    %dma_wait3A_114 = arith.constant 0 : i32
    %dma_wait3A_115 = arith.constant 0 : i32
    %dma_wait3A_116 = tpu.memref_slice %arg8[%dma_wait3A_114, %dma_wait3A_115] : memref<10240x64xf32, #tpu.memory_space<vmem_shared>> -> memref<10240x64xf32, #tpu.memory_space<vmem_shared>>
    %dma_wait3A_117 = tpu.memref_slice %arg10[%dma_wait3A_106] : memref<5x!tpu.dma_semaphore, #tpu.memory_space<semaphore_mem>> -> memref<1x!tpu.dma_semaphore, #tpu.memory_space<semaphore_mem>>
    %dma_wait3A_118 = tpu.memref_squeeze %dma_wait3A_117 : memref<1x!tpu.dma_semaphore, #tpu.memory_space<semaphore_mem>> -> memref<!tpu.dma_semaphore, #tpu.memory_space<semaphore_mem>>
    tpu.wait_indirect_dma semaphore(%dma_wait3A_118 : memref<!tpu.dma_semaphore, #tpu.memory_space<semaphore_mem>>) src(%dma_wait3A_110 : memref<80x64xf32, #tpu.memory_space<vmem>>) dst(%dma_wait3A_116 : memref<10240x64xf32, #tpu.memory_space<vmem_shared>>)
    %dma_wait3A_119 = arith.constant 2 : i32
    %dma_wait3A_120 = arith.constant 122 : i32
    %dma_wait3A_121 = arith.constant 2 : i32
    %dma_wait3A_122 = arith.constant 0 : i32
    %dma_wait3A_123 = arith.constant 0 : i32
    %dma_wait3A_124 = tpu.memref_slice %arg7[%dma_wait3A_119, %dma_wait3A_122, %dma_wait3A_123] : memref<5x80x64xf32, #tpu.memory_space<vmem>> -> memref<1x80x64xf32, #tpu.memory_space<vmem>>
    %dma_wait3A_125 = tpu.memref_squeeze %dma_wait3A_124 : memref<1x80x64xf32, #tpu.memory_space<vmem>> -> memref<80x64xf32, #tpu.memory_space<vmem>>
    %dma_wait3A_126 = arith.constant 0 : i32
    %dma_wait3A_127 = tpu.memref_slice %arg6[%dma_wait3A_120, %dma_wait3A_126] : memref<125x80xi32, #tpu.memory_space<vmem>> -> memref<1x80xi32, #tpu.memory_space<vmem>>
    %dma_wait3A_128 = tpu.memref_squeeze %dma_wait3A_127 : memref<1x80xi32, #tpu.memory_space<vmem>> -> memref<80xi32, #tpu.memory_space<vmem>>
    %dma_wait3A_129 = arith.constant 0 : i32
    %dma_wait3A_130 = arith.constant 0 : i32
    %dma_wait3A_131 = tpu.memref_slice %arg8[%dma_wait3A_129, %dma_wait3A_130] : memref<10240x64xf32, #tpu.memory_space<vmem_shared>> -> memref<10240x64xf32, #tpu.memory_space<vmem_shared>>
    %dma_wait3A_132 = tpu.memref_slice %arg10[%dma_wait3A_121] : memref<5x!tpu.dma_semaphore, #tpu.memory_space<semaphore_mem>> -> memref<1x!tpu.dma_semaphore, #tpu.memory_space<semaphore_mem>>
    %dma_wait3A_133 = tpu.memref_squeeze %dma_wait3A_132 : memref<1x!tpu.dma_semaphore, #tpu.memory_space<semaphore_mem>> -> memref<!tpu.dma_semaphore, #tpu.memory_space<semaphore_mem>>
    tpu.wait_indirect_dma semaphore(%dma_wait3A_133 : memref<!tpu.dma_semaphore, #tpu.memory_space<semaphore_mem>>) src(%dma_wait3A_125 : memref<80x64xf32, #tpu.memory_space<vmem>>) dst(%dma_wait3A_131 : memref<10240x64xf32, #tpu.memory_space<vmem_shared>>)
    %dma_wait3A_134 = arith.constant 3 : i32
    %dma_wait3A_135 = arith.constant 123 : i32
    %dma_wait3A_136 = arith.constant 3 : i32
    %dma_wait3A_137 = arith.constant 0 : i32
    %dma_wait3A_138 = arith.constant 0 : i32
    %dma_wait3A_139 = tpu.memref_slice %arg7[%dma_wait3A_134, %dma_wait3A_137, %dma_wait3A_138] : memref<5x80x64xf32, #tpu.memory_space<vmem>> -> memref<1x80x64xf32, #tpu.memory_space<vmem>>
    %dma_wait3A_140 = tpu.memref_squeeze %dma_wait3A_139 : memref<1x80x64xf32, #tpu.memory_space<vmem>> -> memref<80x64xf32, #tpu.memory_space<vmem>>
    %dma_wait3A_141 = arith.constant 0 : i32
    %dma_wait3A_142 = tpu.memref_slice %arg6[%dma_wait3A_135, %dma_wait3A_141] : memref<125x80xi32, #tpu.memory_space<vmem>> -> memref<1x80xi32, #tpu.memory_space<vmem>>
    %dma_wait3A_143 = tpu.memref_squeeze %dma_wait3A_142 : memref<1x80xi32, #tpu.memory_space<vmem>> -> memref<80xi32, #tpu.memory_space<vmem>>
    %dma_wait3A_144 = arith.constant 0 : i32
    %dma_wait3A_145 = arith.constant 0 : i32
    %dma_wait3A_146 = tpu.memref_slice %arg8[%dma_wait3A_144, %dma_wait3A_145] : memref<10240x64xf32, #tpu.memory_space<vmem_shared>> -> memref<10240x64xf32, #tpu.memory_space<vmem_shared>>
    %dma_wait3A_147 = tpu.memref_slice %arg10[%dma_wait3A_136] : memref<5x!tpu.dma_semaphore, #tpu.memory_space<semaphore_mem>> -> memref<1x!tpu.dma_semaphore, #tpu.memory_space<semaphore_mem>>
    %dma_wait3A_148 = tpu.memref_squeeze %dma_wait3A_147 : memref<1x!tpu.dma_semaphore, #tpu.memory_space<semaphore_mem>> -> memref<!tpu.dma_semaphore, #tpu.memory_space<semaphore_mem>>
    tpu.wait_indirect_dma semaphore(%dma_wait3A_148 : memref<!tpu.dma_semaphore, #tpu.memory_space<semaphore_mem>>) src(%dma_wait3A_140 : memref<80x64xf32, #tpu.memory_space<vmem>>) dst(%dma_wait3A_146 : memref<10240x64xf32, #tpu.memory_space<vmem_shared>>)
    %dma_wait3A_149 = arith.constant 4 : i32
    %dma_wait3A_150 = arith.constant 124 : i32
    %dma_wait3A_151 = arith.constant 4 : i32
    %dma_wait3A_152 = arith.constant 0 : i32
    %dma_wait3A_153 = arith.constant 0 : i32
    %dma_wait3A_154 = tpu.memref_slice %arg7[%dma_wait3A_149, %dma_wait3A_152, %dma_wait3A_153] : memref<5x80x64xf32, #tpu.memory_space<vmem>> -> memref<1x80x64xf32, #tpu.memory_space<vmem>>
    %dma_wait3A_155 = tpu.memref_squeeze %dma_wait3A_154 : memref<1x80x64xf32, #tpu.memory_space<vmem>> -> memref<80x64xf32, #tpu.memory_space<vmem>>
    %dma_wait3A_156 = arith.constant 0 : i32
    %dma_wait3A_157 = tpu.memref_slice %arg6[%dma_wait3A_150, %dma_wait3A_156] : memref<125x80xi32, #tpu.memory_space<vmem>> -> memref<1x80xi32, #tpu.memory_space<vmem>>
    %dma_wait3A_158 = tpu.memref_squeeze %dma_wait3A_157 : memref<1x80xi32, #tpu.memory_space<vmem>> -> memref<80xi32, #tpu.memory_space<vmem>>
    %dma_wait3A_159 = arith.constant 0 : i32
    %dma_wait3A_160 = arith.constant 0 : i32
    %dma_wait3A_161 = tpu.memref_slice %arg8[%dma_wait3A_159, %dma_wait3A_160] : memref<10240x64xf32, #tpu.memory_space<vmem_shared>> -> memref<10240x64xf32, #tpu.memory_space<vmem_shared>>
    %dma_wait3A_162 = tpu.memref_slice %arg10[%dma_wait3A_151] : memref<5x!tpu.dma_semaphore, #tpu.memory_space<semaphore_mem>> -> memref<1x!tpu.dma_semaphore, #tpu.memory_space<semaphore_mem>>
    %dma_wait3A_163 = tpu.memref_squeeze %dma_wait3A_162 : memref<1x!tpu.dma_semaphore, #tpu.memory_space<semaphore_mem>> -> memref<!tpu.dma_semaphore, #tpu.memory_space<semaphore_mem>>
    tpu.wait_indirect_dma semaphore(%dma_wait3A_163 : memref<!tpu.dma_semaphore, #tpu.memory_space<semaphore_mem>>) src(%dma_wait3A_155 : memref<80x64xf32, #tpu.memory_space<vmem>>) dst(%dma_wait3A_161 : memref<10240x64xf32, #tpu.memory_space<vmem_shared>>)
    %barrier3A_164 = arith.constant 0 : index
    tpu.barrier barrier_id(%barrier3A_164)
    "tpu.region"() ({
      %run_scoped3A_165 = tpu.sem_alloc : memref<!tpu.dma_semaphore, #tpu.memory_space<semaphore_mem>>
      %dma_start3A_166 = arith.constant 0 : i32
      %dma_start3A_167 = tpu.memref_slice %arg4[%arg0, %mul3A_2, %dma_start3A_166] : memref<2x10240x64xf32, #tpu.memory_space<hbm>> -> memref<1x640x64xf32, #tpu.memory_space<hbm>>
      %dma_start3A_168 = tpu.memref_squeeze %dma_start3A_167 : memref<1x640x64xf32, #tpu.memory_space<hbm>> -> memref<640x64xf32, #tpu.memory_space<hbm>>
      %dma_start3A_169 = arith.constant 0 : i32
      %dma_start3A_170 = tpu.memref_slice %arg8[%mul3A_2, %dma_start3A_169] : memref<10240x64xf32, #tpu.memory_space<vmem_shared>> -> memref<640x64xf32, #tpu.memory_space<vmem_shared>>
      tpu.enqueue_dma source(%dma_start3A_170 : memref<640x64xf32, #tpu.memory_space<vmem_shared>>) target(%dma_start3A_168 : memref<640x64xf32, #tpu.memory_space<hbm>>) target_semaphore(%run_scoped3A_165 : memref<!tpu.dma_semaphore, #tpu.memory_space<semaphore_mem>>)
      %dma_wait3A_171 = arith.constant 0 : i32
      %dma_wait3A_172 = tpu.memref_slice %arg4[%arg0, %mul3A_2, %dma_wait3A_171] : memref<2x10240x64xf32, #tpu.memory_space<hbm>> -> memref<1x640x64xf32, #tpu.memory_space<hbm>>
      %dma_wait3A_173 = tpu.memref_squeeze %dma_wait3A_172 : memref<1x640x64xf32, #tpu.memory_space<hbm>> -> memref<640x64xf32, #tpu.memory_space<hbm>>
      %dma_wait3A_174 = arith.constant 0 : i32
      %dma_wait3A_175 = tpu.memref_slice %arg8[%mul3A_2, %dma_wait3A_174] : memref<10240x64xf32, #tpu.memory_space<vmem_shared>> -> memref<640x64xf32, #tpu.memory_space<vmem_shared>>
      tpu.wait_dma2 semaphore(%run_scoped3A_165 : memref<!tpu.dma_semaphore, #tpu.memory_space<semaphore_mem>>) src(%dma_wait3A_175 : memref<640x64xf32, #tpu.memory_space<vmem_shared>>) dst(%dma_wait3A_173 : memref<640x64xf32, #tpu.memory_space<hbm>>)
      tpu.yield
    }) : () -> ()
    return
  }
}

module attributes {stable_mosaic.version = 14 : i64} {
  func.func @_tc1a_body(%arg0: memref<5000x256xf32, #tpu.memory_space<vmem>>, %arg1: memref<256x128xf32, #tpu.memory_space<vmem>>, %arg2: memref<5000x128xf32, #tpu.memory_space<vmem>>) attributes {dimension_semantics = [], scalar_prefetch = 0 : i64, scratch_operands = 0 : i64, tpu.core_type = #tpu.core_type<tc>} {
    %get3A = arith.constant 0 : index
    %get3A_0 = arith.constant 0 : index
    %get3A_1 = vector.load %arg0[%get3A, %get3A_0] : memref<5000x256xf32, #tpu.memory_space<vmem>>, vector<5000x256xf32>
    %get3A_2 = arith.constant 0 : index
    %get3A_3 = arith.constant 0 : index
    %get3A_4 = vector.load %arg1[%get3A_2, %get3A_3] : memref<256x128xf32, #tpu.memory_space<vmem>>, vector<256x128xf32>
    %dot_general3A = arith.constant dense<0.000000e+00> : vector<5000x128xf32>
    %dot_general3A_5 = tpu.matmul %get3A_1, %get3A_4, %dot_general3A {dimension_numbers = #tpu.dot_dimension_numbers<[1], [0], [0], [1], [0, 0, 1, 1], [], []>, transpose_lhs_hint = false} : vector<5000x256xf32>, vector<256x128xf32>, vector<5000x128xf32> -> vector<5000x128xf32>
    %swap3A = arith.constant 0 : index
    %swap3A_6 = arith.constant 0 : index
    %swap3A_7 = vector.load %arg2[%swap3A, %swap3A_6] : memref<5000x128xf32, #tpu.memory_space<vmem>>, vector<5000x128xf32>
    tpu.vector_store %arg2[%swap3A, %swap3A_6], %dot_general3A_5 {strides = array<i32>} : memref<5000x128xf32, #tpu.memory_space<vmem>>, vector<5000x128xf32>,
    return
  }
}

module attributes {stable_mosaic.version = 14 : i64} {
  func.func @_tc1b_body(%arg0: memref<5000x128xf32, #tpu.memory_space<vmem>>, %arg1: memref<2x5120x128xf32, #tpu.memory_space<vmem>>, %arg2: memref<5120x128xf32, #tpu.memory_space<vmem>>, %arg3: memref<5120x128xf32, #tpu.memory_space<vmem>>) attributes {dimension_semantics = [], scalar_prefetch = 0 : i64, scratch_operands = 0 : i64, tpu.core_type = #tpu.core_type<tc>} {
    %get3A = arith.constant 0 : index
    %get3A_0 = arith.constant 0 : index
    %get3A_1 = arith.constant 0 : index
    %get3A_2 = vector.load %arg1[%get3A, %get3A_0, %get3A_1] : memref<2x5120x128xf32, #tpu.memory_space<vmem>>, vector<1x5120x128xf32>
    %get3A_3 = vector.shape_cast %get3A_2 : vector<1x5120x128xf32> to vector<5120x128xf32>
    %get3A_4 = arith.constant 1 : index
    %get3A_5 = arith.constant 0 : index
    %get3A_6 = arith.constant 0 : index
    %get3A_7 = vector.load %arg1[%get3A_4, %get3A_5, %get3A_6] : memref<2x5120x128xf32, #tpu.memory_space<vmem>>, vector<1x5120x128xf32>
    %get3A_8 = vector.shape_cast %get3A_7 : vector<1x5120x128xf32> to vector<5120x128xf32>
    %add3A = arith.addf %get3A_3, %get3A_8 : vector<5120x128xf32>
    %add3A_9 = arith.constant 1.000000e+00 : f32
    %add3A_10 = vector.broadcast %add3A_9 : f32 to vector<5120x128xf32>
    %add3A_11 = arith.addf %add3A, %add3A_10 : vector<5120x128xf32>
    %rsqrt3A = math.rsqrt %add3A_11 : vector<5120x128xf32>
    %get3A_12 = arith.constant 0 : index
    %get3A_13 = arith.constant 0 : index
    %get3A_14 = vector.load %arg0[%get3A_12, %get3A_13] : memref<5000x128xf32, #tpu.memory_space<vmem>>, vector<5000x128xf32>
    %slice3A = vector.extract_strided_slice %rsqrt3A {offsets = [0, 0], sizes = [5000, 128], strides = [1, 1]} : vector<5120x128xf32> to vector<5000x128xf32>
    %mul3A = arith.mulf %get3A_14, %slice3A : vector<5000x128xf32>
    %swap3A = arith.constant 0 : index
    %swap3A_15 = arith.constant 0 : index
    %swap3A_16 = vector.load %arg2[%swap3A, %swap3A_15] : memref<5120x128xf32, #tpu.memory_space<vmem>>, vector<5000x128xf32>
    tpu.vector_store %arg2[%swap3A, %swap3A_15], %mul3A {strides = array<i32>} : memref<5120x128xf32, #tpu.memory_space<vmem>>, vector<5000x128xf32>,
    %swap3A_17 = arith.constant 0 : index
    %swap3A_18 = arith.constant 0 : index
    %swap3A_19 = vector.load %arg3[%swap3A_17, %swap3A_18] : memref<5120x128xf32, #tpu.memory_space<vmem>>, vector<5120x128xf32>
    tpu.vector_store %arg3[%swap3A_17, %swap3A_18], %rsqrt3A {strides = array<i32>} : memref<5120x128xf32, #tpu.memory_space<vmem>>, vector<5120x128xf32>,
    return
  }
}

module attributes {stable_mosaic.version = 14 : i64} {
  func.func @_tc2_body(%arg0: memref<2x5120x128xf32, #tpu.memory_space<vmem>>, %arg1: memref<5120x128xf32, #tpu.memory_space<vmem>>, %arg2: memref<1x128xf32, #tpu.memory_space<vmem>>, %arg3: memref<128x128xf32, #tpu.memory_space<vmem>>, %arg4: memref<5120x128xf32, #tpu.memory_space<vmem>>) attributes {dimension_semantics = [], scalar_prefetch = 0 : i64, scratch_operands = 0 : i64, tpu.core_type = #tpu.core_type<tc>} {
    %get3A = arith.constant 0 : index
    %get3A_0 = arith.constant 0 : index
    %get3A_1 = vector.load %arg1[%get3A, %get3A_0] : memref<5120x128xf32, #tpu.memory_space<vmem>>, vector<5120x128xf32>
    %get3A_2 = arith.constant 0 : index
    %get3A_3 = arith.constant 0 : index
    %get3A_4 = arith.constant 0 : index
    %get3A_5 = vector.load %arg0[%get3A_2, %get3A_3, %get3A_4] : memref<2x5120x128xf32, #tpu.memory_space<vmem>>, vector<1x5120x128xf32>
    %get3A_6 = vector.shape_cast %get3A_5 : vector<1x5120x128xf32> to vector<5120x128xf32>
    %get3A_7 = arith.constant 1 : index
    %get3A_8 = arith.constant 0 : index
    %get3A_9 = arith.constant 0 : index
    %get3A_10 = vector.load %arg0[%get3A_7, %get3A_8, %get3A_9] : memref<2x5120x128xf32, #tpu.memory_space<vmem>>, vector<1x5120x128xf32>
    %get3A_11 = vector.shape_cast %get3A_10 : vector<1x5120x128xf32> to vector<5120x128xf32>
    %add3A = arith.addf %get3A_6, %get3A_11 : vector<5120x128xf32>
    %mul3A = arith.mulf %add3A, %get3A_1 : vector<5120x128xf32>
    %get3A_12 = arith.constant 0 : index
    %get3A_13 = arith.constant 0 : index
    %get3A_14 = vector.load %arg2[%get3A_12, %get3A_13] : memref<1x128xf32, #tpu.memory_space<vmem>>, vector<1x128xf32>
    %add3A_15 = vector.broadcast %get3A_14 : vector<1x128xf32> to vector<5120x128xf32>
    %add3A_16 = arith.addf %mul3A, %add3A_15 : vector<5120x128xf32>
    %max3A = arith.constant 0.000000e+00 : f32
    %max3A_17 = vector.broadcast %max3A : f32 to vector<5120x128xf32>
    %max3A_18 = arith.maximumf %add3A_16, %max3A_17 : vector<5120x128xf32>
    %get3A_19 = arith.constant 0 : index
    %get3A_20 = arith.constant 0 : index
    %get3A_21 = vector.load %arg3[%get3A_19, %get3A_20] : memref<128x128xf32, #tpu.memory_space<vmem>>, vector<128x128xf32>
    %dot_general3A = arith.constant dense<0.000000e+00> : vector<5120x128xf32>
    %dot_general3A_22 = tpu.matmul %max3A_18, %get3A_21, %dot_general3A {dimension_numbers = #tpu.dot_dimension_numbers<[1], [0], [0], [1], [0, 0, 1, 1], [], []>, transpose_lhs_hint = false} : vector<5120x128xf32>, vector<128x128xf32>, vector<5120x128xf32> -> vector<5120x128xf32>
    %mul3A_23 = arith.mulf %dot_general3A_22, %get3A_1 : vector<5120x128xf32>
    %swap3A = arith.constant 0 : index
    %swap3A_24 = arith.constant 0 : index
    %swap3A_25 = vector.load %arg4[%swap3A, %swap3A_24] : memref<5120x128xf32, #tpu.memory_space<vmem>>, vector<5120x128xf32>
    tpu.vector_store %arg4[%swap3A, %swap3A_24], %mul3A_23 {strides = array<i32>} : memref<5120x128xf32, #tpu.memory_space<vmem>>, vector<5120x128xf32>,
    return
  }
}

module attributes {stable_mosaic.version = 14 : i64} {
  func.func @_tc3_body(%arg0: memref<2x5120x128xf32, #tpu.memory_space<vmem>>, %arg1: memref<5120x128xf32, #tpu.memory_space<vmem>>, %arg2: memref<1x128xf32, #tpu.memory_space<vmem>>, %arg3: memref<128x8xf32, #tpu.memory_space<vmem>>, %arg4: memref<1x8xf32, #tpu.memory_space<vmem>>, %arg5: memref<5120x8xf32, #tpu.memory_space<vmem>>) attributes {dimension_semantics = [], scalar_prefetch = 0 : i64, scratch_operands = 0 : i64, tpu.core_type = #tpu.core_type<tc>} {
    %get3A = arith.constant 0 : index
    %get3A_0 = arith.constant 0 : index
    %get3A_1 = vector.load %arg1[%get3A, %get3A_0] : memref<5120x128xf32, #tpu.memory_space<vmem>>, vector<5120x128xf32>
    %get3A_2 = arith.constant 0 : index
    %get3A_3 = arith.constant 0 : index
    %get3A_4 = arith.constant 0 : index
    %get3A_5 = vector.load %arg0[%get3A_2, %get3A_3, %get3A_4] : memref<2x5120x128xf32, #tpu.memory_space<vmem>>, vector<1x5120x128xf32>
    %get3A_6 = vector.shape_cast %get3A_5 : vector<1x5120x128xf32> to vector<5120x128xf32>
    %get3A_7 = arith.constant 1 : index
    %get3A_8 = arith.constant 0 : index
    %get3A_9 = arith.constant 0 : index
    %get3A_10 = vector.load %arg0[%get3A_7, %get3A_8, %get3A_9] : memref<2x5120x128xf32, #tpu.memory_space<vmem>>, vector<1x5120x128xf32>
    %get3A_11 = vector.shape_cast %get3A_10 : vector<1x5120x128xf32> to vector<5120x128xf32>
    %add3A = arith.addf %get3A_6, %get3A_11 : vector<5120x128xf32>
    %mul3A = arith.mulf %add3A, %get3A_1 : vector<5120x128xf32>
    %get3A_12 = arith.constant 0 : index
    %get3A_13 = arith.constant 0 : index
    %get3A_14 = vector.load %arg2[%get3A_12, %get3A_13] : memref<1x128xf32, #tpu.memory_space<vmem>>, vector<1x128xf32>
    %add3A_15 = vector.broadcast %get3A_14 : vector<1x128xf32> to vector<5120x128xf32>
    %add3A_16 = arith.addf %mul3A, %add3A_15 : vector<5120x128xf32>
    %max3A = arith.constant 0.000000e+00 : f32
    %max3A_17 = vector.broadcast %max3A : f32 to vector<5120x128xf32>
    %max3A_18 = arith.maximumf %add3A_16, %max3A_17 : vector<5120x128xf32>
    %get3A_19 = arith.constant 0 : index
    %get3A_20 = arith.constant 0 : index
    %get3A_21 = vector.load %arg3[%get3A_19, %get3A_20] : memref<128x8xf32, #tpu.memory_space<vmem>>, vector<128x8xf32>
    %dot_general3A = arith.constant dense<0.000000e+00> : vector<5120x8xf32>
    %dot_general3A_22 = tpu.matmul %max3A_18, %get3A_21, %dot_general3A {dimension_numbers = #tpu.dot_dimension_numbers<[1], [0], [0], [1], [0, 0, 1, 1], [], []>, transpose_lhs_hint = false} : vector<5120x128xf32>, vector<128x8xf32>, vector<5120x8xf32> -> vector<5120x8xf32>
    %get3A_23 = arith.constant 0 : index
    %get3A_24 = arith.constant 0 : index
    %get3A_25 = vector.load %arg4[%get3A_23, %get3A_24] : memref<1x8xf32, #tpu.memory_space<vmem>>, vector<1x8xf32>
    %add3A_26 = vector.broadcast %get3A_25 : vector<1x8xf32> to vector<5120x8xf32>
    %add3A_27 = arith.addf %dot_general3A_22, %add3A_26 : vector<5120x8xf32>
    %swap3A = arith.constant 0 : index
    %swap3A_28 = arith.constant 0 : index
    %swap3A_29 = vector.load %arg5[%swap3A, %swap3A_28] : memref<5120x8xf32, #tpu.memory_space<vmem>>, vector<5120x8xf32>
    tpu.vector_store %arg5[%swap3A, %swap3A_28], %add3A_27 {strides = array<i32>} : memref<5120x8xf32, #tpu.memory_space<vmem>>, vector<5120x8xf32>,
    return
  }
}

</mosaic_0001>

<sc_bundles>
// kernel: kernel.12.cloned.1.call-start
scs
__scs_entry_jumppad:
0x0: {  	(pc) =	sbr.rel $0x88, $3  }
0x1: {  	(tag) =	ssettag $0x0;
	lr =	simm.s32 $0x1  }
0x2: {  	[smem:$0x3F99] =	sst lr;
	_ =	strace $0xD0000000  }
0x3: {  	_ = 	snop  }
0x4: {  	_ = 	snop  }
0x5: {  	_ = 	snop  }
0x6: {  	_ = 	snop  }
0x7: {  	_ = 	snop  }
__scs_overlays_trampoline_lowered:
0x8: {  	[smem:$0x3FA8] =	sst s0  }
0x9: {  	[smem:$0x3FA9] =	sst s1  }
0xa: {  	[smem:$0x3FAA] =	sst s2  }
0xb: {  	[smem:$0x3FAB] =	sst s3  }
0xc: {  	[smem:$0x3FAC] =	sst s4  }
0xd: {  	[smem:$0x3FAD] =	sst s5  }
0xe: {  	[smem:$0x3FAE] =	sst s6  }
0xf: {  	[smem:$0x3FAF] =	sst s7  }
0x10: {  	[smem:$0x3FB0] =	sst s8  }
0x11: {  	[smem:$0x3FB1] =	sst s9;
	s0 =	simm.s32 @!p0 $0x0  }
0x12: {  	s1 =	sld [smem:$0x3F97];
	s0 =	simm.s32 @p0 $0x1  }
0x13: {  	[smem:$0x3FB2] =	sst s0;
	s0 =	simm.s32 @!p1 $0x0  }
0x14: {  	s2 =	sld [smem:$0x3F96];
	s0 =	simm.s32 @p1 $0x1  }
0x15: {  	[smem:$0x3FB3] =	sst s0;
	s0 =	simm.s32 @!p2 $0x0  }
0x16: {  	s3 =	sld [smem:$0x3FDB];
	s0 =	simm.s32 @p2 $0x1  }
0x17: {  	s4 =	simm.s32 $0x1BF5;
	[smem:$0x3FB5] =	sst s0  }
0x18: {  	s0 =	sld [smem:$0x3F98];
	_ =	swait.ge [sflag:s4], $0x0  }
0x19: {  	s7 =	sld [smem:$0x3F99]  }
0x1a: {  	s8 =	sadd.s32 $0xFFFFE003, lr  }
0x1b: {  	s9 =	sadd.s32 $0xFFFFFEF7, lr;
	s5 =	simm.s32 $0xFFFFFFFF;
	p2 =	slt.u32 s8, $0xFFFFF086  }
0x1c: {  	p1 =	slt.u32 s9, $0xF7A;
	s5 =	simm.s32 @!p2 $0x0  }
0x1d: {  	s5 =	simm.s32 @p1 $0x1;
	p0 =	seq.s32 s7, s2  }
0x1e: {  	s7 =	smul.u32 @!p0 $0xF7A, s2;
	p2 =	seq.s32 @!p0 s5, $0x0  }
0x1f: {  	s9 =	smul.u32 $0xF7A, s1;
	s8 =	simm.s32 @!p0 $0x1BF5;
	p2 =	por !p2, p0  }
0x20: {  	[sflag:s8] =	ssyncset.s32 @!p0 $0xFFFFF086;
	s6 =	sadd.s32 @!p0 s3, s7;
	s7 =	simm.s32 @!p0 $0x108  }
0x21: {  	s3 =	sadd.s32 s3, s9;
	s6 =	sadd.s32 @!p0 $0x88, s6;
	s7 =	simm.s32 @p2 $0x1082  }
0x22: {  	[simem:s7], [sflag:s8] =	dma.local @!p0 [hbm:s6], $0xF7A  }
0x23: {  	s9 =	sor.u32 $0xD0000000, s2;
	s6 =	simm.s32 $0x108;
	_ =	swait.ge @!p0 [sflag:s8], $0x0  }
0x24: {  	s3 =	sadd.s32 $0x88, s3;
	s6 =	simm.s32 @!p1 $0x1082;
	[sflag:s4] =	ssyncset.s32 $0xFFFFF086  }
0x25: {  	[simem:s6], [sflag:s4] =	dma.local [hbm:s3], $0xF7A  }
0x26: {  	[smem:$0x3F99] =	sst s1;
	(tag) =	ssettag s2;
	_ =	strace s9  }
0x27: {  	s1 =	sld [smem:$0x3FA9]  }
0x28: {  	s2 =	sld [smem:$0x3FAA]  }
0x29: {  	s4 =	sld [smem:$0x3FAC]  }
0x2a: {  	p0 =	seq.s32 s5, $0x0;
	s5 =	sld [smem:$0x3FAD]  }
0x2b: {  	s6 =	sld [smem:$0x3FAE]  }
0x2c: {  	s7 =	sld [smem:$0x3FAF]  }
0x2d: {  	s3 =	simm.s32 $0x108;
	s8 =	sld [smem:$0x3FB0]  }
0x2e: {  	s3 =	simm.s32 @!p0 $0x1082;
	s9 =	sld [smem:$0x3FB1]  }
0x2f: {  	lr =	sadd.s32 s0, s3;
	s0 =	sld [smem:$0x3FA8]  }
0x30: {  	s3 =	sld [smem:$0x3FAB]  }
0x31: {  	[smem:$0x3FB4] =	sst s10  }
0x32: {  	s10 =	sld [smem:$0x3FB2];
	_ =	sdelay $0x3  }
0x33: {  	p0 =	seq.s32 s10, $0x1;
	s10 =	sld [smem:$0x3FB4];
	_ =	sdelay $0x3  }
0x34: {  	[smem:$0x3FB4] =	sst s10  }
0x35: {  	s10 =	sld [smem:$0x3FB3];
	_ =	sdelay $0x3  }
0x36: {  	p1 =	seq.s32 s10, $0x1;
	s10 =	sld [smem:$0x3FB4];
	_ =	sdelay $0x3  }
0x37: {  	[smem:$0x3FB4] =	sst s10  }
0x38: {  	s10 =	sld [smem:$0x3FB5]  }
0x39: {  	_ = 	snop;
	(pc) =	sbr.ind lr, $3  }
0x3a: {  	_ = 	snop  }
0x3b: {  	_ = 	snop  }
0x3c: {  	p2 =	seq.s32 s10, $0x1;
	s10 =	sld [smem:$0x3FB4]  }
0x3d: {  	_ =	shalt  }
0x3e: {  	_ =	shalt  }
0x3f: {  	_ =	shalt  }
0x40: {  	_ =	shalt  }
0x41: {  	_ =	shalt  }
0x42: {  	_ =	shalt  }
0x43: {  	_ =	shalt  }
0x44: {  	_ =	shalt  }
0x45: {  	_ =	shalt  }
0x46: {  	_ =	shalt  }
0x47: {  	_ =	shalt  }
0x48: {  	_ =	shalt  }
0x49: {  	_ =	shalt  }
0x4a: {  	_ =	shalt  }
0x4b: {  	_ =	shalt  }
0x4c: {  	_ =	shalt  }
0x4d: {  	_ =	shalt  }
0x4e: {  	_ =	shalt  }
0x4f: {  	_ =	shalt  }
0x50: {  	_ =	shalt  }
0x51: {  	_ =	shalt  }
0x52: {  	_ =	shalt  }
0x53: {  	_ =	shalt  }
0x54: {  	_ =	shalt  }
0x55: {  	_ =	shalt  }
0x56: {  	_ =	shalt  }
0x57: {  	_ =	shalt  }
0x58: {  	_ =	shalt  }
0x59: {  	_ =	shalt  }
0x5a: {  	_ =	shalt  }
0x5b: {  	_ =	shalt  }
0x5c: {  	_ =	shalt  }
0x5d: {  	_ =	shalt  }
0x5e: {  	_ =	shalt  }
0x5f: {  	_ =	shalt  }
0x60: {  	_ =	shalt  }
0x61: {  	_ =	shalt  }
0x62: {  	_ =	shalt  }
0x63: {  	_ =	shalt  }
0x64: {  	_ =	shalt  }
0x65: {  	_ =	shalt  }
0x66: {  	_ =	shalt  }
0x67: {  	_ =	shalt  }
0x68: {  	_ =	shalt  }
0x69: {  	_ =	shalt  }
0x6a: {  	_ =	shalt  }
0x6b: {  	_ =	shalt  }
0x6c: {  	_ =	shalt  }
0x6d: {  	_ =	shalt  }
0x6e: {  	_ =	shalt  }
0x6f: {  	_ =	shalt  }
0x70: {  	_ =	shalt  }
0x71: {  	_ =	shalt  }
0x72: {  	_ =	shalt  }
0x73: {  	_ =	shalt  }
0x74: {  	_ =	shalt  }
0x75: {  	_ =	shalt  }
0x76: {  	_ =	shalt  }
0x77: {  	_ =	shalt  }
0x78: {  	_ =	shalt  }
0x79: {  	_ =	shalt  }
0x7a: {  	_ =	shalt  }
0x7b: {  	_ =	shalt  }
0x7c: {  	_ =	shalt  }
0x7d: {  	_ =	shalt  }
0x7e: {  	_ =	shalt  }
0x7f: {  	_ =	shalt  }
0x80: {  	_ =	shalt  }
0x81: {  	_ =	shalt  }
0x82: {  	_ =	shalt  }
0x83: {  	_ =	shalt  }
0x84: {  	_ =	shalt  }
0x85: {  	_ =	shalt  }
0x86: {  	_ =	shalt  }
0x87: {  	_ =	shalt  }
.Lfunc_end0:
.L_simem_size_0:
called_computation.1_lowered:
.L_overlay_start_0:
0x88: {  	s2 =	sld [smem:$0x3FD9]  }
0x89: {  	s3 =	sld [smem:$0x3FFE];
	_ =	sdelay $0x1  }
0x8a: {  	s1 =	srdreg.scid  }
0x8b: {  	s0 =	sand.u32 $0x1, s1  }
0x8c: {  	s16 =	sshll.u32 s0, $0xA;
	s2 =	sadd.s32 s3, s2  }
0x8d: {  	s2 =	sadd.s32 s2, s16  }
0x8e: {  	[smem:$0x3FC0] =	sst s2  }
0x8f: {  	_ = 	snop  }
0x90: {  	(tm) =	ssettm $0x1  }
0x91: {  	s17 =	sld [smem:$0x3FFB];
	_ =	sdelay $0x3  }
0x92: {  	_ =	strace s17  }
0x93: {  	s2 =	sld [smem:$0x3FFC];
	_ =	sdelay $0x3  }
0x94: {  	_ =	strace s2  }
0x95: {  	s2 =	sld [smem:$0x3FFD];
	_ =	sdelay $0x3  }
0x96: {  	_ =	strace s2  }
0x97: {  	_ =	strace $0x8FFFFFFF  }
0x98: {  	s18 =	sld [smem:$0x3FDB];
	_ =	sdelay $0x1  }
0x99: {  	s19 =	simm.s32 $_scs_section_size  }
0x9a: {  	s4 =	simm.s32 $_size__tile_overlayer_lowered;
	s5 =	simm.s32 $_tile_overlayer_lowered  }
0x9b: {  	s22 =	simm.s32 $0x1BFF;
	s21 =	sshll.u32 s5, $0x1;
	s2 =	sadd.s32 s19, s18  }
0x9c: {  	s6 =	simm.s32 $0x0;
	s20 =	sshll.u32 s4, $0x1;
	s4 =	sadd.s32 s21, s2  }
0x9d: {  	[timem:s6], [sflag:s22] =	dma.local [hbm:s4], s20  }
0x9e: {  	_ =	swait.ge [sflag:s22], s20  }
0x9f: {  	s3 =	ssub.s32 $0x0, s20;
	[sflag:s22] =	ssyncset.done $0x0  }
0xa0: {  	[sflag:s22] =	ssyncadd.s32 s3;
	_ =	sdelay $0x1  }
0xa1: {  	s23 =	simm.s32 $0x1B8B  }
0xa2: {  	_ =	swait.ge [sflag:s23], $0x1  }
0xa3: {  	[sflag:s23] =	ssyncset.done $0x0  }
0xa4: {  	s25 =	simm.s32 $0x1B8E;
	s24 =	sld [smem:$0x3FFE];
	[sflag:s23] =	ssyncadd.s32 $0xFFFFFFFF  }
0xa5: {  	s26 =	simm.s32 $execute0_lowered;
	[smem:$0x3FD2] =	sst s25  }
0xa6: {  	s4 =	sshll.u32 s26, $0x1;
	_ =	strace $0x80000049;
	[dreg:$0x1] =	wrdreg $0xFFFFFFFF  }
0xa7: {  	s28 =	simm.s32 $_size_execute0_lowered;
	s2 =	sadd.s32 s2, s4;
	[dreg:$0x0] =	wrdreg $0x0  }
0xa8: {  	s4 =	sshll.u32 s28, $0x1;
	[dreg:$0x2] =	wrdreg s2  }
0xa9: {  	[dreg:$0x3] =	wrdreg s4  }
0xaa: {  	[dreg:$0x4] =	wrdreg $0xC0  }
0xab: {  	_ =	task [dreg:s6], $0x5FFFF  }
0xac: {  	[dreg:$0x1] =	wrdreg $0xFFFFFFFF  }
0xad: {  	[dreg:$0x0] =	wrdreg $0x60  }
0xae: {  	[dreg:$0x2] =	wrdreg s24  }
0xaf: {  	[dreg:$0x3] =	wrdreg $0xB2200  }
0xb0: {  	[dreg:$0x4] =	wrdreg $0x9  }
0xb1: {  	_ =	task.clear_ibuf [dreg:s6], $0x5FFFF;
	_ =	strace $0x90000049  }
0xb2: {  	s29 =	simm.s32 $0x9;
	_ =	strace $0x8000004B  }
0xb3: {  	_ =	swait.ge [sflag:s29], $0x1  }
0xb4: {  	[sflag:s29] =	ssyncadd.s32 $0xFFFFFFFF  }
0xb5: {  	_ =	strace $0x9000004B  }
0xb6: {  	_ =	sfence  }
0xb7: {  	s30 =	sld [smem:$0x0];
	_ =	sdelay $0x2  }
0xb8: {  	s31 =	sshll.u32 s1, $0xD;
	s1 =	sshrl.u32 s1, $0x2  }
0xb9: {  	s3 =	sand.u32 $0x4000, s31;
	s1 =	sadd.s32 s1, s30  }
0xba: {  	s0 =	sor.u32 s3, s0;
	s1 =	sshll.u32 s1, $0x11  }
0xbb: {  	s0 =	sor.u32 s1, s0  }
0xbc: {  	s0 =	sadd.s32 $0x8F2B, s0  }
0xbd: {  	[sflag:s0] =	ssyncadd.remote.s32 $0x1  }
0xbe: {  	_ =	sfence.sel $0xFFFF  }
0xbf: {  	[dreg:$0x0] =	wrdreg $0xFFFFFFFF;
	(pc) =	sbr.abs _section_cstart, $3  }
0xc0: {  	[dreg:$0x1] =	wrdreg $0xFFFFFFFF  }
0xc1: {  	_ =	task.clear_ibuf [dreg:s6], $0x2FFFF;
	_ =	strace $0x9FFFFFFF  }
0xc2: {  	(tm) =	ssettm $0x7FFFFFFF  }
0xc3: {  	_ =	shalt  }
tec
execute0_lowered:
.L_overlay_start_1:
0x0: {  	(tag) =	ssettag $0x1  }
0x1: {  	s0 =	srdreg.scid;
	s5 =	rddreg [dreg:$0x0];
	s28 =	simm.s32 $0x8A20  }
0x2: {  	s30 =	simm.s32 $0x9E20;
	s1 =	sand.u32 $0x1, s0;
	s0 =	stileid.u32  }
0x3: {  	s31 =	simm.s32 $0x1;
	s13 =	simm.s32 $0xA;
	s7 =	smul.u32 $0xA000, s0  }
0x4: {  	s14 =	simm.s32 $0x4DD0;
	s4 =	sadd.s32 $0x16600, s5;
	s8 =	smul.u32 $0xA0000, s1  }
0x5: {  	s2 =	sshll.u32 s1, $0x4;
	s9 =	ssub.s32 $0x2, s1;
	s10 =	smul.u32 $0x28000, s0  }
0x6: {  	p0 =	seq.s32 s1, $0x1;
	s3 =	sor.u32 s0, s2;
	s2 =	rddreg [dreg:$0x1]  }
0x7: {  	s18 =	sshrl.u32 s9, $0x1;
	s6 =	smul.u32 $0x2710, s3;
	s3 =	simm.s32 $0x0  }
0x8: {  	s8 =	sadd.s32 s7, s8;
	s19 =	sshrl.u32 s10, $0x2;
	s20 =	sshrl.u32 s7, $0x3  }
0x9: {  	s10 =	simm.s32 $0x6;
	[smem:$0x7FF] =	sst s3;
	s17 =	sshrl.u32 s8, $0x3  }
0xa: {  	s8 =	ssub.s32 s9, s18;
	s1 =	sadd.s32 s4, s20;
	s20 =	simm.s32 $0xB  }
0xb: {  	s9 =	simm.s32 $0x5;
	_ =	strace $0x8000004A;
	s6 =	sshrl.u32 s6, $0x3  }
0xc: {  	s12 =	sadd.s32 s17, s5;
	[dreg:$0x3] =	wrdreg s1;
	s18 =	smax.u32 s8, $0x1  }
0xd: {  	s1 =	simm.s32 $0x2;
	s11 =	sadd.s32 s6, s5;
	s5 =	sadd.s32 s19, s2  }
0xe: {  	s8 =	simm.s32 $0x4;
	s6 =	sadd.s32 s7, s2;
	s21 =	sadd.s32 $0x1400, s5  }
0xf: {  	s17 =	sadd.s32 $0x2A600, s12;
	s22 =	sadd.s32 $0x2800, s5;
	[dreg:$0x4] =	wrdreg s21  }
0x10: {  	s19 =	simm.s32 $0x4E20;
	s23 =	sadd.s32 $0x3C00, s5;
	[dreg:$0x5] =	wrdreg s22  }
0x11: {  	s7 =	simm.s32 $0x3;
	s24 =	sadd.s32 $0x5000, s5;
	[dreg:$0x6] =	wrdreg s23  }
0x12: {  	s12 =	simm.s32 $0x9;
	s25 =	sadd.s32 $0x6400, s5;
	[dreg:$0x7] =	wrdreg s24  }
0x13: {  	s26 =	sadd.s32 $0x7800, s5;
	s29 =	sadd.s32 $0x8C00, s5;
	[dreg:$0x8] =	wrdreg s25  }
0x14: {  	s15 =	sadd.s32 $0x2C00, s11;
	s16 =	sadd.s32 $0xC840, s11;
	[dreg:$0x9] =	wrdreg s26  }
0x15: {  	s11 =	simm.s32 $0x7;
	[dreg:$0xa] =	wrdreg s29;
	s22 =	simm.s32 $0x50  }
0x16: {  	v0 =	vimm.f32 $0.0e+00;
	s23 =	simm.s32 $0x6220;
	s25 =	simm.s32 $0x7620;
	s21 =	simm.s32 $0x8  }
.LBB2_1:
.Ltmp0:
0x17: {  	(pc) =	sbr.rel @!p0 .LBB2_2-.Ltmp0, $1  }
0x18: {  	_ =	sdelay $0x3  }
0x19: {  	s26 =	simm.s32 $0x100;
	s24 =	simm.s32 $0x0  }
.LBB2_4:
0x1a: {  	p1 =	sne.s32 s26, $0x4F00;
	[tilespmem:s24+$0x4E50] =	vst v0;
	s29 =	smov.u32 s26;
	s26 =	sadd.s32 $0x100, s26  }
.Ltmp1:
0x1b: {  	[tilespmem:s24+$0x4E40] =	vst v0;
	(pc) =	sbr.rel @p1 .LBB2_4-.Ltmp1, $3  }
0x1c: {  	[tilespmem:s24+$0x4E20] =	vst v0  }
0x1d: {  	[tilespmem:s24+$0x4E30] =	vst v0;
	_ =	sdelay $0x1  }
0x1e: {  	s24 =	sshra.s32 s29, $0x2  }
0x1f: {  	[tilespmem:s24+$0x4E50] =	vst v0  }
0x20: {  	[tilespmem:s24+$0x4E40] =	vst v0  }
0x21: {  	[tilespmem:s24+$0x4E20] =	vst v0  }
0x22: {  	[tilespmem:s24+$0x4E30] =	vst v0  }
0x23: {  	[spmem:s5] =	stream.linear.scatter [tilespmem:s19], [sflag:$0xB], $0x1400, $0x38;
	[tilespmem:$0x15220] =	vst v63  }
0x24: {  	_ =	swait.ge [sflag:s20], $0x1400  }
0x25: {  	[sflag:s20] =	ssyncset.done $0x0  }
0x26: {  	s29 =	rddreg [dreg:$0x4];
	[sflag:s20] =	ssyncadd.s32 $0xFFFFEC00  }
0x27: {  	[spmem:s29] =	stream.linear.scatter [tilespmem:s19], [sflag:$0xB], $0x1400, $0x38;
	[tilespmem:$0x15220] =	vst v63  }
0x28: {  	_ =	swait.ge [sflag:s20], $0x1400  }
0x29: {  	[sflag:s20] =	ssyncset.done $0x0  }
0x2a: {  	s26 =	rddreg [dreg:$0x5];
	[sflag:s20] =	ssyncadd.s32 $0xFFFFEC00  }
0x2b: {  	[spmem:s26] =	stream.linear.scatter [tilespmem:s19], [sflag:$0xB], $0x1400, $0x38;
	[tilespmem:$0x15220] =	vst v63  }
0x2c: {  	_ =	swait.ge [sflag:s20], $0x1400  }
0x2d: {  	[sflag:s20] =	ssyncset.done $0x0  }
0x2e: {  	s29 =	rddreg [dreg:$0x6];
	[sflag:s20] =	ssyncadd.s32 $0xFFFFEC00  }
0x2f: {  	[spmem:s29] =	stream.linear.scatter [tilespmem:s19], [sflag:$0xB], $0x1400, $0x38;
	[tilespmem:$0x15220] =	vst v63  }
0x30: {  	_ =	swait.ge [sflag:s20], $0x1400  }
0x31: {  	[sflag:s20] =	ssyncset.done $0x0  }
0x32: {  	s26 =	rddreg [dreg:$0x7];
	[sflag:s20] =	ssyncadd.s32 $0xFFFFEC00  }
0x33: {  	[spmem:s26] =	stream.linear.scatter [tilespmem:s19], [sflag:$0xB], $0x1400, $0x38;
	[tilespmem:$0x15220] =	vst v63  }
0x34: {  	_ =	swait.ge [sflag:s20], $0x1400  }
0x35: {  	[sflag:s20] =	ssyncset.done $0x0  }
0x36: {  	s29 =	rddreg [dreg:$0x8];
	[sflag:s20] =	ssyncadd.s32 $0xFFFFEC00  }
0x37: {  	[spmem:s29] =	stream.linear.scatter [tilespmem:s19], [sflag:$0xB], $0x1400, $0x38;
	[tilespmem:$0x15220] =	vst v63  }
0x38: {  	_ =	swait.ge [sflag:s20], $0x1400  }
0x39: {  	[sflag:s20] =	ssyncset.done $0x0  }
0x3a: {  	s26 =	rddreg [dreg:$0x9];
	[sflag:s20] =	ssyncadd.s32 $0xFFFFEC00  }
0x3b: {  	[spmem:s26] =	stream.linear.scatter [tilespmem:s19], [sflag:$0xB], $0x1400, $0x38;
	[tilespmem:$0x15220] =	vst v63  }
.Ltmp2:
0x3c: {  	_ = 	snop;
	(pc) =	sbr.rel .LBB2_6-.Ltmp2, $4  }
0x3d: {  	_ =	swait.ge [sflag:s20], $0x1400  }
0x3e: {  	[sflag:s20] =	ssyncset.done $0x0  }
0x3f: {  	s29 =	rddreg [dreg:$0xa];
	[sflag:s20] =	ssyncadd.s32 $0xFFFFEC00  }
0x40: {  	[spmem:s29] =	stream.linear.scatter [tilespmem:s19], [sflag:$0xB], $0x1400, $0x38;
	[tilespmem:$0x15220] =	vst v63  }
.LBB2_2:
0x41: {  	s24 =	sshll.u32 s0, $0x6  }
0x42: {  	s26 =	sshrl.u32 s6, $0x3;
	s29 =	rddreg [dreg:$0x3];
	s24 =	sor.u32 $0x1C0B, s24  }
0x43: {  	[spmem:s26], [sflag:s24] =	dma.local [hbm:s29], $0x1400  }
.LBB2_6:
0x44: {  	_ =	swait.ge [sflag:s20], $0x1400  }
0x45: {  	[sflag:s20] =	ssyncset.done $0x0  }
0x46: {  	s24 =	simm.s32 $0x0;
	[sflag:s20] =	ssyncadd.s32 $0xFFFFEC00  }
0x47: {  	[tilespmem:s24], [sflag:$0xB] =	stream.linear.gather [hbm4b:s15+s24], $0x2710, $0x38;
	[tilespmem:$0x15220] =	vst v63  }
0x48: {  	_ =	swait.ge [sflag:s20], $0x2710  }
0x49: {  	[sflag:s20] =	ssyncset.done $0x0  }
0x4a: {  	s26 =	simm.s32 $0x2710;
	[sflag:s20] =	ssyncadd.s32 $0xFFFFD8F0  }
0x4b: {  	[tilespmem:s26], [sflag:$0xB] =	stream.linear.gather [hbm4b:s16+s24], $0x2710, $0x38;
	[tilespmem:$0x15220] =	vst v63  }
0x4c: {  	_ =	swait.ge [sflag:s20], $0x2710  }
0x4d: {  	[sflag:s20] =	ssyncset.done $0x0  }
0x4e: {  	[sflag:s20] =	ssyncadd.s32 $0xFFFFD8F0  }
0x4f: {  	[bflag:$0x0] =	sbarrier.arrive $0xFFFF  }
0x50: {  	[tilespmem:s19], [sflag:$0x1] =	stream.indirect.gather [hbm4b:s4+s22], $0x40, s24, s22, $0xb8;
	[tilespmem:$0x15220] =	vst v63  }
0x51: {  	_ = 	snop  }
0x52: {  	[tilespmem:s23], [sflag:$0x2] =	stream.indirect.gather [hbm4b:s4+s22], $0x40, s22, s22, $0xb8;
	[tilespmem:$0x15220] =	vst v63  }
0x53: {  	s26 =	simm.s32 $0xA0  }
0x54: {  	[tilespmem:s25], [sflag:$0x3] =	stream.indirect.gather [hbm4b:s4+s22], $0x40, s26, s22, $0xb8;
	[tilespmem:$0x15220] =	vst v63  }
0x55: {  	s29 =	simm.s32 $0xF0  }
0x56: {  	[tilespmem:s28], [sflag:$0x4] =	stream.indirect.gather [hbm4b:s4+s22], $0x40, s29, s22, $0xb8;
	[tilespmem:$0x15220] =	vst v63  }
0x57: {  	s26 =	simm.s32 $0x140  }
0x58: {  	[tilespmem:s30], [sflag:$0x5] =	stream.indirect.gather [hbm4b:s4+s22], $0x40, s26, s22, $0xb8;
	[tilespmem:$0x15220] =	vst v63  }
0x59: {  	_ =	swait.ge [sflag:s31], $0x1400  }
0x5a: {  	[sflag:s31] =	ssyncset.done $0x0  }
0x5b: {  	s29 =	simm.s32 $0x2710;
	[sflag:s31] =	ssyncadd.s32 $0xFFFFEC00  }
0x5c: {  	[spmem:s2] =	stream.indirect.scatter.add.f32 [tilespmem:s19], [sflag:$0x6], $0x40, s29, s22, $0xb8;
	[tilespmem:$0x15220] =	vst v63  }
0x5d: {  	_ =	swait.ge [sflag:s1], $0x1400  }
0x5e: {  	[sflag:s1] =	ssyncset.done $0x0  }
0x5f: {  	s26 =	simm.s32 $0x2760;
	[sflag:s1] =	ssyncadd.s32 $0xFFFFEC00  }
0x60: {  	[spmem:s2] =	stream.indirect.scatter.add.f32 [tilespmem:s23], [sflag:$0x7], $0x40, s26, s22, $0xb8;
	[tilespmem:$0x15220] =	vst v63  }
0x61: {  	_ =	swait.ge [sflag:s7], $0x1400  }
0x62: {  	[sflag:s7] =	ssyncset.done $0x0  }
0x63: {  	s29 =	simm.s32 $0x27B0;
	[sflag:s7] =	ssyncadd.s32 $0xFFFFEC00  }
0x64: {  	[spmem:s2] =	stream.indirect.scatter.add.f32 [tilespmem:s25], [sflag:$0x8], $0x40, s29, s22, $0xb8;
	[tilespmem:$0x15220] =	vst v63  }
0x65: {  	_ =	swait.ge [sflag:s8], $0x1400  }
0x66: {  	[sflag:s8] =	ssyncset.done $0x0  }
0x67: {  	s26 =	simm.s32 $0x2800;
	[sflag:s8] =	ssyncadd.s32 $0xFFFFEC00  }
0x68: {  	[spmem:s2] =	stream.indirect.scatter.add.f32 [tilespmem:s28], [sflag:$0x9], $0x40, s26, s22, $0xb8;
	[tilespmem:$0x15220] =	vst v63  }
0x69: {  	_ =	swait.ge [sflag:s9], $0x1400  }
0x6a: {  	[sflag:s9] =	ssyncset.done $0x0  }
0x6b: {  	s29 =	simm.s32 $0x2850;
	[sflag:s9] =	ssyncadd.s32 $0xFFFFEC00  }
0x6c: {  	[spmem:s2] =	stream.indirect.scatter.add.f32 [tilespmem:s30], [sflag:$0xA], $0x40, s29, s22, $0xb8;
	[tilespmem:$0x15220] =	vst v63  }
0x6d: {  	_ =	swait.ge [sflag:s10], $0x1400  }
0x6e: {  	[sflag:s10] =	ssyncset.done $0x0  }
0x6f: {  	s26 =	simm.s32 $0x190;
	[sflag:s10] =	ssyncadd.s32 $0xFFFFEC00  }
0x70: {  	[tilespmem:s19], [sflag:$0x1] =	stream.indirect.gather [hbm4b:s4+s22], $0x40, s26, s22, $0xb8;
	[tilespmem:$0x15220] =	vst v63  }
0x71: {  	_ =	swait.ge [sflag:s11], $0x1400  }
0x72: {  	[sflag:s11] =	ssyncset.done $0x0  }
0x73: {  	s29 =	simm.s32 $0x1E0;
	[sflag:s11] =	ssyncadd.s32 $0xFFFFEC00  }
0x74: {  	[tilespmem:s23], [sflag:$0x2] =	stream.indirect.gather [hbm4b:s4+s22], $0x40, s29, s22, $0xb8;
	[tilespmem:$0x15220] =	vst v63  }
0x75: {  	_ =	swait.ge [sflag:s21], $0x1400  }
0x76: {  	[sflag:s21] =	ssyncset.done $0x0  }
0x77: {  	s26 =	simm.s32 $0x230;
	[sflag:s21] =	ssyncadd.s32 $0xFFFFEC00  }
0x78: {  	[tilespmem:s25], [sflag:$0x3] =	stream.indirect.gather [hbm4b:s4+s22], $0x40, s26, s22, $0xb8;
	[tilespmem:$0x15220] =	vst v63  }
0x79: {  	_ =	swait.ge [sflag:s12], $0x1400  }
0x7a: {  	[sflag:s12] =	ssyncset.done $0x0  }
0x7b: {  	s29 =	simm.s32 $0x280;
	[sflag:s12] =	ssyncadd.s32 $0xFFFFEC00  }
0x7c: {  	[tilespmem:s28], [sflag:$0x4] =	stream.indirect.gather [hbm4b:s4+s22], $0x40, s29, s22, $0xb8;
	[tilespmem:$0x15220] =	vst v63  }
0x7d: {  	_ =	swait.ge [sflag:s13], $0x1400  }
0x7e: {  	[sflag:s13] =	ssyncset.done $0x0  }
0x7f: {  	s24 =	simm.s32 $0x640;
	s26 =	simm.s32 $0x2D0;
	[sflag:s13] =	ssyncadd.s32 $0xFFFFEC00  }
.LBB2_7:
0x80: {  	[tilespmem:s30], [sflag:$0x5] =	stream.indirect.gather [hbm4b:s4+s22], $0x40, s26, s22, $0xb8;
	[tilespmem:$0x15220] =	vst v63  }
0x81: {  	s26 =	smov.u32 s24  }
0x82: {  	p1 =	sne.s32 s24, $0x8FC0;
	s24 =	sadd.s32 $0x640, s24;
	_ =	swait.ge [sflag:s31], $0x1400  }
0x83: {  	s26 =	sshra.s32 s26, $0x2;
	[sflag:s31] =	ssyncset.done $0x0  }
0x84: {  	s29 =	sadd.s32 $0x2710, s26;
	[sflag:s31] =	ssyncadd.s32 $0xFFFFEC00  }
0x85: {  	[spmem:s2] =	stream.indirect.scatter.add.f32 [tilespmem:s19], [sflag:$0x6], $0x40, s29, s22, $0xb8;
	[tilespmem:$0x15220] =	vst v63  }
0x86: {  	_ =	swait.ge [sflag:s1], $0x1400  }
0x87: {  	[sflag:s1] =	ssyncset.done $0x0  }
0x88: {  	s29 =	sadd.s32 $0x2760, s26;
	[sflag:s1] =	ssyncadd.s32 $0xFFFFEC00  }
0x89: {  	[spmem:s2] =	stream.indirect.scatter.add.f32 [tilespmem:s23], [sflag:$0x7], $0x40, s29, s22, $0xb8;
	[tilespmem:$0x15220] =	vst v63  }
0x8a: {  	_ =	swait.ge [sflag:s7], $0x1400  }
0x8b: {  	[sflag:s7] =	ssyncset.done $0x0  }
0x8c: {  	s29 =	sadd.s32 $0x27B0, s26;
	[sflag:s7] =	ssyncadd.s32 $0xFFFFEC00  }
0x8d: {  	[spmem:s2] =	stream.indirect.scatter.add.f32 [tilespmem:s25], [sflag:$0x8], $0x40, s29, s22, $0xb8;
	[tilespmem:$0x15220] =	vst v63  }
0x8e: {  	_ =	swait.ge [sflag:s8], $0x1400  }
0x8f: {  	[sflag:s8] =	ssyncset.done $0x0  }
0x90: {  	s29 =	sadd.s32 $0x2800, s26;
	[sflag:s8] =	ssyncadd.s32 $0xFFFFEC00  }
0x91: {  	[spmem:s2] =	stream.indirect.scatter.add.f32 [tilespmem:s28], [sflag:$0x9], $0x40, s29, s22, $0xb8;
	[tilespmem:$0x15220] =	vst v63  }
0x92: {  	_ =	swait.ge [sflag:s9], $0x1400  }
0x93: {  	[sflag:s9] =	ssyncset.done $0x0  }
0x94: {  	s29 =	sadd.s32 $0x2850, s26;
	[sflag:s9] =	ssyncadd.s32 $0xFFFFEC00  }
0x95: {  	[spmem:s2] =	stream.indirect.scatter.add.f32 [tilespmem:s30], [sflag:$0xA], $0x40, s29, s22, $0xb8;
	[tilespmem:$0x15220] =	vst v63  }
0x96: {  	_ =	swait.ge [sflag:s10], $0x1400  }
0x97: {  	[sflag:s10] =	ssyncset.done $0x0  }
0x98: {  	s29 =	sadd.s32 $0x190, s26;
	[sflag:s10] =	ssyncadd.s32 $0xFFFFEC00  }
0x99: {  	[tilespmem:s19], [sflag:$0x1] =	stream.indirect.gather [hbm4b:s4+s22], $0x40, s29, s22, $0xb8;
	[tilespmem:$0x15220] =	vst v63  }
0x9a: {  	_ =	swait.ge [sflag:s11], $0x1400  }
0x9b: {  	[sflag:s11] =	ssyncset.done $0x0  }
0x9c: {  	s29 =	sadd.s32 $0x1E0, s26;
	[sflag:s11] =	ssyncadd.s32 $0xFFFFEC00  }
0x9d: {  	[tilespmem:s23], [sflag:$0x2] =	stream.indirect.gather [hbm4b:s4+s22], $0x40, s29, s22, $0xb8;
	[tilespmem:$0x15220] =	vst v63  }
0x9e: {  	_ =	swait.ge [sflag:s21], $0x1400  }
0x9f: {  	[sflag:s21] =	ssyncset.done $0x0  }
0xa0: {  	s29 =	sadd.s32 $0x230, s26;
	[sflag:s21] =	ssyncadd.s32 $0xFFFFEC00  }
0xa1: {  	[tilespmem:s25], [sflag:$0x3] =	stream.indirect.gather [hbm4b:s4+s22], $0x40, s29, s22, $0xb8;
	[tilespmem:$0x15220] =	vst v63  }
0xa2: {  	_ =	swait.ge [sflag:s12], $0x1400  }
0xa3: {  	[sflag:s12] =	ssyncset.done $0x0  }
.Ltmp3:
0xa4: {  	s29 =	sadd.s32 $0x280, s26;
	[sflag:s12] =	ssyncadd.s32 $0xFFFFEC00;
	(pc) =	sbr.rel @p1 .LBB2_7-.Ltmp3, $4  }
0xa5: {  	[tilespmem:s28], [sflag:$0x4] =	stream.indirect.gather [hbm4b:s4+s22], $0x40, s29, s22, $0xb8;
	[tilespmem:$0x15220] =	vst v63  }
0xa6: {  	_ =	swait.ge [sflag:s13], $0x1400  }
0xa7: {  	[sflag:s13] =	ssyncset.done $0x0  }
0xa8: {  	s26 =	sadd.s32 $0x2D0, s26;
	[sflag:s13] =	ssyncadd.s32 $0xFFFFEC00  }
0xa9: {  	[tilespmem:s30], [sflag:$0x5] =	stream.indirect.gather [hbm4b:s4+s22], $0x40, s26, s22, $0xb8;
	[tilespmem:$0x15220] =	vst v63  }
0xaa: {  	_ =	swait.ge [sflag:s31], $0x1400  }
0xab: {  	[sflag:s31] =	ssyncset.done $0x0  }
0xac: {  	s24 =	simm.s32 $0x4C90;
	[sflag:s31] =	ssyncadd.s32 $0xFFFFEC00  }
0xad: {  	[spmem:s2] =	stream.indirect.scatter.add.f32 [tilespmem:s19], [sflag:$0x6], $0x40, s24, s22, $0xb8;
	[tilespmem:$0x15220] =	vst v63  }
0xae: {  	_ =	swait.ge [sflag:s1], $0x1400  }
0xaf: {  	[sflag:s1] =	ssyncset.done $0x0  }
0xb0: {  	s29 =	simm.s32 $0x4CE0;
	[sflag:s1] =	ssyncadd.s32 $0xFFFFEC00  }
0xb1: {  	[spmem:s2] =	stream.indirect.scatter.add.f32 [tilespmem:s23], [sflag:$0x7], $0x40, s29, s22, $0xb8;
	[tilespmem:$0x15220] =	vst v63  }
0xb2: {  	_ =	swait.ge [sflag:s7], $0x1400  }
0xb3: {  	[sflag:s7] =	ssyncset.done $0x0  }
0xb4: {  	s26 =	simm.s32 $0x4D30;
	[sflag:s7] =	ssyncadd.s32 $0xFFFFEC00  }
0xb5: {  	[spmem:s2] =	stream.indirect.scatter.add.f32 [tilespmem:s25], [sflag:$0x8], $0x40, s26, s22, $0xb8;
	[tilespmem:$0x15220] =	vst v63  }
0xb6: {  	_ =	swait.ge [sflag:s8], $0x1400  }
0xb7: {  	[sflag:s8] =	ssyncset.done $0x0  }
0xb8: {  	s29 =	simm.s32 $0x4D80;
	[sflag:s8] =	ssyncadd.s32 $0xFFFFEC00  }
0xb9: {  	[spmem:s2] =	stream.indirect.scatter.add.f32 [tilespmem:s28], [sflag:$0x9], $0x40, s29, s22, $0xb8;
	[tilespmem:$0x15220] =	vst v63  }
0xba: {  	_ =	swait.ge [sflag:s9], $0x1400  }
0xbb: {  	[sflag:s9] =	ssyncset.done $0x0  }
0xbc: {  	[sflag:s9] =	ssyncadd.s32 $0xFFFFEC00  }
0xbd: {  	[spmem:s2] =	stream.indirect.scatter.add.f32 [tilespmem:s30], [sflag:$0xA], $0x40, s14, s22, $0xb8;
	[tilespmem:$0x15220] =	vst v63  }
0xbe: {  	_ =	swait.ge [sflag:s10], $0x1400  }
0xbf: {  	[sflag:s10] =	ssyncset.done $0x0  }
0xc0: {  	[sflag:s10] =	ssyncadd.s32 $0xFFFFEC00  }
0xc1: {  	_ =	swait.ge [sflag:s11], $0x1400  }
0xc2: {  	[sflag:s11] =	ssyncset.done $0x0  }
0xc3: {  	[sflag:s11] =	ssyncadd.s32 $0xFFFFEC00  }
0xc4: {  	_ =	swait.ge [sflag:s21], $0x1400  }
0xc5: {  	[sflag:s21] =	ssyncset.done $0x0  }
0xc6: {  	[sflag:s21] =	ssyncadd.s32 $0xFFFFEC00  }
0xc7: {  	_ =	swait.ge [sflag:s12], $0x1400  }
0xc8: {  	[sflag:s12] =	ssyncset.done $0x0  }
0xc9: {  	[sflag:s12] =	ssyncadd.s32 $0xFFFFEC00  }
0xca: {  	_ =	swait.ge [sflag:s13], $0x1400  }
0xcb: {  	s3 =	sadd.s32 $0x1, s3;
	s26 =	sshll.u32 s0, $0x6;
	[sflag:s13] =	ssyncset.done $0x0  }
0xcc: {  	p1 =	sne.s32 s3, s18;
	s24 =	sor.u32 $0x1C0B, s26;
	[sflag:s13] =	ssyncadd.s32 $0xFFFFEC00  }
.Ltmp4:
0xcd: {  	s29 =	sshrl.u32 s6, $0x3;
	[bflag:$0x0] =	sbarrier.arrive $0xFFFF;
	(pc) =	sbr.rel @p1 .LBB2_1-.Ltmp4, $4  }
0xce: {  	[hbm:s17], [sflag:s24] =	dma.local [spmem:s29], $0x1400  }
0xcf: {  	_ =	swait.ge [sflag:s20], $0x1400  }
0xd0: {  	[sflag:s20] =	ssyncset.done $0x0  }
0xd1: {  	[sflag:s20] =	ssyncadd.s32 $0xFFFFEC00  }
0xd2: {  	_ =	sfence.sel $0x180000  }
0xd3: {  	[bflag:$0x0] =	sbarrier.arrive $0xFFFF  }
0xd4: {  	_ =	strace $0x9000004A  }
0xd5: {  	[bflag:$0x2] =	sbarrier.arrive $0xFFFF  }
0xd6: {  	p0 =	sne.s32 s0, $0x0;
	s0 =	rddreg [dreg:$0x2]  }
0xd7: {  	s0 =	sadd.s32 @!p0 $0x100000, s0  }
0xd8: {  	[sflag:s0] =	ssyncadd.tile.s32 @!p0 $0x1;
	_ =	shalt  }
.Lfunc_end2:
_tile_overlayer_lowered:
.L_overlay_start_2:
0xd9: {  	(tag) =	ssettag $0x2  }
0xda: {  	s0 =	rddreg [dreg:$0x0];
	s2 =	stileid.u32  }
0xdb: {  	s1 =	rddreg [dreg:$0x1];
	p0 =	sne.s32 s2, $0x0  }
0xdc: {  	s3 =	rddreg [dreg:$0x2];
	[bflag:$0x3] =	sbarrier.arrive $0xFFFF;
	s2 =	simm.s32 @!p0 $0x1C0B  }
0xdd: {  	[timem:s3], [sflag:s2] =	dma.local @!p0 [hbm:s0], s1  }
0xde: {  	s0 =	simm.s32 @!p0 $0xB  }
0xdf: {  	_ =	swait.ge @!p0 [sflag:s0], s1  }
0xe0: {  	s1 =	ssub.s32 @!p0 $0x0, s1;
	[sflag:s0] =	ssyncset.done @!p0 $0x0  }
0xe1: {  	[sflag:s0] =	ssyncadd.s32 @!p0 s1  }
0xe2: {  	[bflag:$0x3] =	sbarrier.arrive $0xFFFF  }
0xe3: {  	_ =	shalt  }

// kernel: kernel.15.cloned.1.call-start
scs
__scs_entry_jumppad:
0x0: {  	(pc) =	sbr.rel $0x88, $3  }
0x1: {  	(tag) =	ssettag $0x0;
	lr =	simm.s32 $0x1  }
0x2: {  	[smem:$0x3F99] =	sst lr;
	_ =	strace $0xD0000000  }
0x3: {  	_ = 	snop  }
0x4: {  	_ = 	snop  }
0x5: {  	_ = 	snop  }
0x6: {  	_ = 	snop  }
0x7: {  	_ = 	snop  }
__scs_overlays_trampoline_lowered:
0x8: {  	[smem:$0x3FA8] =	sst s0  }
0x9: {  	[smem:$0x3FA9] =	sst s1  }
0xa: {  	[smem:$0x3FAA] =	sst s2  }
0xb: {  	[smem:$0x3FAB] =	sst s3  }
0xc: {  	[smem:$0x3FAC] =	sst s4  }
0xd: {  	[smem:$0x3FAD] =	sst s5  }
0xe: {  	[smem:$0x3FAE] =	sst s6  }
0xf: {  	[smem:$0x3FAF] =	sst s7  }
0x10: {  	[smem:$0x3FB0] =	sst s8  }
0x11: {  	[smem:$0x3FB1] =	sst s9;
	s0 =	simm.s32 @!p0 $0x0  }
0x12: {  	s1 =	sld [smem:$0x3F97];
	s0 =	simm.s32 @p0 $0x1  }
0x13: {  	[smem:$0x3FB2] =	sst s0;
	s0 =	simm.s32 @!p1 $0x0  }
0x14: {  	s2 =	sld [smem:$0x3F96];
	s0 =	simm.s32 @p1 $0x1  }
0x15: {  	[smem:$0x3FB3] =	sst s0;
	s0 =	simm.s32 @!p2 $0x0  }
0x16: {  	s3 =	sld [smem:$0x3FDB];
	s0 =	simm.s32 @p2 $0x1  }
0x17: {  	s4 =	simm.s32 $0x1BF5;
	[smem:$0x3FB5] =	sst s0  }
0x18: {  	s0 =	sld [smem:$0x3F98];
	_ =	swait.ge [sflag:s4], $0x0  }
0x19: {  	s7 =	sld [smem:$0x3F99]  }
0x1a: {  	s8 =	sadd.s32 $0xFFFFE003, lr  }
0x1b: {  	s9 =	sadd.s32 $0xFFFFFEF7, lr;
	s5 =	simm.s32 $0xFFFFFFFF;
	p2 =	slt.u32 s8, $0xFFFFF086  }
0x1c: {  	p1 =	slt.u32 s9, $0xF7A;
	s5 =	simm.s32 @!p2 $0x0  }
0x1d: {  	s5 =	simm.s32 @p1 $0x1;
	p0 =	seq.s32 s7, s2  }
0x1e: {  	s7 =	smul.u32 @!p0 $0xF7A, s2;
	p2 =	seq.s32 @!p0 s5, $0x0  }
0x1f: {  	s9 =	smul.u32 $0xF7A, s1;
	s8 =	simm.s32 @!p0 $0x1BF5;
	p2 =	por !p2, p0  }
0x20: {  	[sflag:s8] =	ssyncset.s32 @!p0 $0xFFFFF086;
	s6 =	sadd.s32 @!p0 s3, s7;
	s7 =	simm.s32 @!p0 $0x108  }
0x21: {  	s3 =	sadd.s32 s3, s9;
	s6 =	sadd.s32 @!p0 $0x88, s6;
	s7 =	simm.s32 @p2 $0x1082  }
0x22: {  	[simem:s7], [sflag:s8] =	dma.local @!p0 [hbm:s6], $0xF7A  }
0x23: {  	s9 =	sor.u32 $0xD0000000, s2;
	s6 =	simm.s32 $0x108;
	_ =	swait.ge @!p0 [sflag:s8], $0x0  }
0x24: {  	s3 =	sadd.s32 $0x88, s3;
	s6 =	simm.s32 @!p1 $0x1082;
	[sflag:s4] =	ssyncset.s32 $0xFFFFF086  }
0x25: {  	[simem:s6], [sflag:s4] =	dma.local [hbm:s3], $0xF7A  }
0x26: {  	[smem:$0x3F99] =	sst s1;
	(tag) =	ssettag s2;
	_ =	strace s9  }
0x27: {  	s1 =	sld [smem:$0x3FA9]  }
0x28: {  	s2 =	sld [smem:$0x3FAA]  }
0x29: {  	s4 =	sld [smem:$0x3FAC]  }
0x2a: {  	p0 =	seq.s32 s5, $0x0;
	s5 =	sld [smem:$0x3FAD]  }
0x2b: {  	s6 =	sld [smem:$0x3FAE]  }
0x2c: {  	s7 =	sld [smem:$0x3FAF]  }
0x2d: {  	s3 =	simm.s32 $0x108;
	s8 =	sld [smem:$0x3FB0]  }
0x2e: {  	s3 =	simm.s32 @!p0 $0x1082;
	s9 =	sld [smem:$0x3FB1]  }
0x2f: {  	lr =	sadd.s32 s0, s3;
	s0 =	sld [smem:$0x3FA8]  }
0x30: {  	s3 =	sld [smem:$0x3FAB]  }
0x31: {  	[smem:$0x3FB4] =	sst s10  }
0x32: {  	s10 =	sld [smem:$0x3FB2];
	_ =	sdelay $0x3  }
0x33: {  	p0 =	seq.s32 s10, $0x1;
	s10 =	sld [smem:$0x3FB4];
	_ =	sdelay $0x3  }
0x34: {  	[smem:$0x3FB4] =	sst s10  }
0x35: {  	s10 =	sld [smem:$0x3FB3];
	_ =	sdelay $0x3  }
0x36: {  	p1 =	seq.s32 s10, $0x1;
	s10 =	sld [smem:$0x3FB4];
	_ =	sdelay $0x3  }
0x37: {  	[smem:$0x3FB4] =	sst s10  }
0x38: {  	s10 =	sld [smem:$0x3FB5]  }
0x39: {  	_ = 	snop;
	(pc) =	sbr.ind lr, $3  }
0x3a: {  	_ = 	snop  }
0x3b: {  	_ = 	snop  }
0x3c: {  	p2 =	seq.s32 s10, $0x1;
	s10 =	sld [smem:$0x3FB4]  }
0x3d: {  	_ =	shalt  }
0x3e: {  	_ =	shalt  }
0x3f: {  	_ =	shalt  }
0x40: {  	_ =	shalt  }
0x41: {  	_ =	shalt  }
0x42: {  	_ =	shalt  }
0x43: {  	_ =	shalt  }
0x44: {  	_ =	shalt  }
0x45: {  	_ =	shalt  }
0x46: {  	_ =	shalt  }
0x47: {  	_ =	shalt  }
0x48: {  	_ =	shalt  }
0x49: {  	_ =	shalt  }
0x4a: {  	_ =	shalt  }
0x4b: {  	_ =	shalt  }
0x4c: {  	_ =	shalt  }
0x4d: {  	_ =	shalt  }
0x4e: {  	_ =	shalt  }
0x4f: {  	_ =	shalt  }
0x50: {  	_ =	shalt  }
0x51: {  	_ =	shalt  }
0x52: {  	_ =	shalt  }
0x53: {  	_ =	shalt  }
0x54: {  	_ =	shalt  }
0x55: {  	_ =	shalt  }
0x56: {  	_ =	shalt  }
0x57: {  	_ =	shalt  }
0x58: {  	_ =	shalt  }
0x59: {  	_ =	shalt  }
0x5a: {  	_ =	shalt  }
0x5b: {  	_ =	shalt  }
0x5c: {  	_ =	shalt  }
0x5d: {  	_ =	shalt  }
0x5e: {  	_ =	shalt  }
0x5f: {  	_ =	shalt  }
0x60: {  	_ =	shalt  }
0x61: {  	_ =	shalt  }
0x62: {  	_ =	shalt  }
0x63: {  	_ =	shalt  }
0x64: {  	_ =	shalt  }
0x65: {  	_ =	shalt  }
0x66: {  	_ =	shalt  }
0x67: {  	_ =	shalt  }
0x68: {  	_ =	shalt  }
0x69: {  	_ =	shalt  }
0x6a: {  	_ =	shalt  }
0x6b: {  	_ =	shalt  }
0x6c: {  	_ =	shalt  }
0x6d: {  	_ =	shalt  }
0x6e: {  	_ =	shalt  }
0x6f: {  	_ =	shalt  }
0x70: {  	_ =	shalt  }
0x71: {  	_ =	shalt  }
0x72: {  	_ =	shalt  }
0x73: {  	_ =	shalt  }
0x74: {  	_ =	shalt  }
0x75: {  	_ =	shalt  }
0x76: {  	_ =	shalt  }
0x77: {  	_ =	shalt  }
0x78: {  	_ =	shalt  }
0x79: {  	_ =	shalt  }
0x7a: {  	_ =	shalt  }
0x7b: {  	_ =	shalt  }
0x7c: {  	_ =	shalt  }
0x7d: {  	_ =	shalt  }
0x7e: {  	_ =	shalt  }
0x7f: {  	_ =	shalt  }
0x80: {  	_ =	shalt  }
0x81: {  	_ =	shalt  }
0x82: {  	_ =	shalt  }
0x83: {  	_ =	shalt  }
0x84: {  	_ =	shalt  }
0x85: {  	_ =	shalt  }
0x86: {  	_ =	shalt  }
0x87: {  	_ =	shalt  }
.Lfunc_end0:
.L_simem_size_0:
called_computation.2_lowered:
.L_overlay_start_0:
0x88: {  	s2 =	sld [smem:$0x3FD9]  }
0x89: {  	s3 =	sld [smem:$0x3FFE];
	_ =	sdelay $0x1  }
0x8a: {  	s1 =	srdreg.scid  }
0x8b: {  	s0 =	sand.u32 $0x1, s1  }
0x8c: {  	s16 =	sshll.u32 s0, $0xA;
	s2 =	sadd.s32 s3, s2  }
0x8d: {  	s2 =	sadd.s32 s2, s16  }
0x8e: {  	[smem:$0x3FC0] =	sst s2  }
0x8f: {  	_ = 	snop  }
0x90: {  	(tm) =	ssettm $0x1  }
0x91: {  	s17 =	sld [smem:$0x3FFB];
	_ =	sdelay $0x3  }
0x92: {  	_ =	strace s17  }
0x93: {  	s2 =	sld [smem:$0x3FFC];
	_ =	sdelay $0x3  }
0x94: {  	_ =	strace s2  }
0x95: {  	s2 =	sld [smem:$0x3FFD];
	_ =	sdelay $0x3  }
0x96: {  	_ =	strace s2  }
0x97: {  	_ =	strace $0x8FFFFFFF  }
0x98: {  	s18 =	sld [smem:$0x3FDB];
	_ =	sdelay $0x1  }
0x99: {  	s19 =	simm.s32 $_scs_section_size  }
0x9a: {  	s4 =	simm.s32 $_size__tile_overlayer_lowered;
	s5 =	simm.s32 $_tile_overlayer_lowered  }
0x9b: {  	s22 =	simm.s32 $0x1BFF;
	s21 =	sshll.u32 s5, $0x1;
	s2 =	sadd.s32 s19, s18  }
0x9c: {  	s6 =	simm.s32 $0x0;
	s20 =	sshll.u32 s4, $0x1;
	s4 =	sadd.s32 s21, s2  }
0x9d: {  	[timem:s6], [sflag:s22] =	dma.local [hbm:s4], s20  }
0x9e: {  	_ =	swait.ge [sflag:s22], s20  }
0x9f: {  	s3 =	ssub.s32 $0x0, s20;
	[sflag:s22] =	ssyncset.done $0x0  }
0xa0: {  	[sflag:s22] =	ssyncadd.s32 s3;
	_ =	sdelay $0x1  }
0xa1: {  	s23 =	simm.s32 $0x1B8B  }
0xa2: {  	_ =	swait.ge [sflag:s23], $0x1  }
0xa3: {  	[sflag:s23] =	ssyncset.done $0x0  }
0xa4: {  	s25 =	simm.s32 $0x1B8E;
	s24 =	sld [smem:$0x3FFE];
	[sflag:s23] =	ssyncadd.s32 $0xFFFFFFFF  }
0xa5: {  	s26 =	simm.s32 $execute0_lowered;
	[smem:$0x3FD2] =	sst s25  }
0xa6: {  	s4 =	sshll.u32 s26, $0x1;
	_ =	strace $0x8000004C;
	[dreg:$0x1] =	wrdreg $0xFFFFFFFF  }
0xa7: {  	s28 =	simm.s32 $_size_execute0_lowered;
	s2 =	sadd.s32 s2, s4;
	[dreg:$0x0] =	wrdreg $0x0  }
0xa8: {  	s4 =	sshll.u32 s28, $0x1;
	[dreg:$0x2] =	wrdreg s2  }
0xa9: {  	[dreg:$0x3] =	wrdreg s4  }
0xaa: {  	[dreg:$0x4] =	wrdreg $0xC0  }
0xab: {  	_ =	task [dreg:s6], $0x5FFFF  }
0xac: {  	[dreg:$0x1] =	wrdreg $0xFFFFFFFF  }
0xad: {  	[dreg:$0x0] =	wrdreg $0x60  }
0xae: {  	[dreg:$0x2] =	wrdreg s24  }
0xaf: {  	[dreg:$0x3] =	wrdreg $0xB2200  }
0xb0: {  	[dreg:$0x4] =	wrdreg $0x9  }
0xb1: {  	_ =	task.clear_ibuf [dreg:s6], $0x5FFFF;
	_ =	strace $0x9000004C  }
0xb2: {  	s29 =	simm.s32 $0x9;
	_ =	strace $0x8000004E  }
0xb3: {  	_ =	swait.ge [sflag:s29], $0x1  }
0xb4: {  	[sflag:s29] =	ssyncadd.s32 $0xFFFFFFFF  }
0xb5: {  	_ =	strace $0x9000004E  }
0xb6: {  	_ =	sfence  }
0xb7: {  	s30 =	sld [smem:$0x0];
	_ =	sdelay $0x2  }
0xb8: {  	s31 =	sshll.u32 s1, $0xD;
	s1 =	sshrl.u32 s1, $0x2  }
0xb9: {  	s3 =	sand.u32 $0x4000, s31;
	s1 =	sadd.s32 s1, s30  }
0xba: {  	s0 =	sor.u32 s3, s0;
	s1 =	sshll.u32 s1, $0x11  }
0xbb: {  	s0 =	sor.u32 s1, s0  }
0xbc: {  	s0 =	sadd.s32 $0x8F2B, s0  }
0xbd: {  	[sflag:s0] =	ssyncadd.remote.s32 $0x1  }
0xbe: {  	_ =	sfence.sel $0xFFFF  }
0xbf: {  	[dreg:$0x0] =	wrdreg $0xFFFFFFFF;
	(pc) =	sbr.abs _section_cstart, $3  }
0xc0: {  	[dreg:$0x1] =	wrdreg $0xFFFFFFFF  }
0xc1: {  	_ =	task.clear_ibuf [dreg:s6], $0x2FFFF;
	_ =	strace $0x9FFFFFFF  }
0xc2: {  	(tm) =	ssettm $0x7FFFFFFF  }
0xc3: {  	_ =	shalt  }
tec
execute0_lowered:
.L_overlay_start_1:
0x0: {  	(tag) =	ssettag $0x1  }
0x1: {  	s0 =	srdreg.scid;
	s5 =	rddreg [dreg:$0x0];
	s28 =	simm.s32 $0x8A20  }
0x2: {  	s30 =	simm.s32 $0x9E20;
	s1 =	sand.u32 $0x1, s0;
	s0 =	stileid.u32  }
0x3: {  	s31 =	simm.s32 $0x1;
	s13 =	simm.s32 $0xA;
	s7 =	smul.u32 $0xA000, s0  }
0x4: {  	s14 =	simm.s32 $0x4DD0;
	s4 =	sadd.s32 $0x16600, s5;
	s8 =	smul.u32 $0xA0000, s1  }
0x5: {  	s2 =	sshll.u32 s1, $0x4;
	s9 =	ssub.s32 $0x2, s1;
	s10 =	smul.u32 $0x28000, s0  }
0x6: {  	p0 =	seq.s32 s1, $0x1;
	s3 =	sor.u32 s0, s2;
	s2 =	rddreg [dreg:$0x1]  }
0x7: {  	s18 =	sshrl.u32 s9, $0x1;
	s6 =	smul.u32 $0x2710, s3;
	s3 =	simm.s32 $0x0  }
0x8: {  	s8 =	sadd.s32 s7, s8;
	s19 =	sshrl.u32 s10, $0x2;
	s20 =	sshrl.u32 s7, $0x3  }
0x9: {  	s10 =	simm.s32 $0x6;
	[smem:$0x7FF] =	sst s3;
	s17 =	sshrl.u32 s8, $0x3  }
0xa: {  	s8 =	ssub.s32 s9, s18;
	s1 =	sadd.s32 s4, s20;
	s20 =	simm.s32 $0xB  }
0xb: {  	s9 =	simm.s32 $0x5;
	_ =	strace $0x8000004D;
	s6 =	sshrl.u32 s6, $0x3  }
0xc: {  	s12 =	sadd.s32 s17, s5;
	[dreg:$0x3] =	wrdreg s1;
	s18 =	smax.u32 s8, $0x1  }
0xd: {  	s1 =	simm.s32 $0x2;
	s11 =	sadd.s32 s6, s5;
	s5 =	sadd.s32 s19, s2  }
0xe: {  	s8 =	simm.s32 $0x4;
	s6 =	sadd.s32 s7, s2;
	s21 =	sadd.s32 $0x1400, s5  }
0xf: {  	s17 =	sadd.s32 $0x2A600, s12;
	s22 =	sadd.s32 $0x2800, s5;
	[dreg:$0x4] =	wrdreg s21  }
0x10: {  	s19 =	simm.s32 $0x4E20;
	s23 =	sadd.s32 $0x3C00, s5;
	[dreg:$0x5] =	wrdreg s22  }
0x11: {  	s7 =	simm.s32 $0x3;
	s24 =	sadd.s32 $0x5000, s5;
	[dreg:$0x6] =	wrdreg s23  }
0x12: {  	s12 =	simm.s32 $0x9;
	s25 =	sadd.s32 $0x6400, s5;
	[dreg:$0x7] =	wrdreg s24  }
0x13: {  	s26 =	sadd.s32 $0x7800, s5;
	s29 =	sadd.s32 $0x8C00, s5;
	[dreg:$0x8] =	wrdreg s25  }
0x14: {  	s15 =	sadd.s32 $0x2C00, s11;
	s16 =	sadd.s32 $0xC840, s11;
	[dreg:$0x9] =	wrdreg s26  }
0x15: {  	s11 =	simm.s32 $0x7;
	[dreg:$0xa] =	wrdreg s29;
	s22 =	simm.s32 $0x50  }
0x16: {  	v0 =	vimm.f32 $0.0e+00;
	s23 =	simm.s32 $0x6220;
	s25 =	simm.s32 $0x7620;
	s21 =	simm.s32 $0x8  }
.LBB2_1:
.Ltmp0:
0x17: {  	(pc) =	sbr.rel @!p0 .LBB2_2-.Ltmp0, $1  }
0x18: {  	_ =	sdelay $0x3  }
0x19: {  	s26 =	simm.s32 $0x100;
	s24 =	simm.s32 $0x0  }
.LBB2_4:
0x1a: {  	p1 =	sne.s32 s26, $0x4F00;
	[tilespmem:s24+$0x4E50] =	vst v0;
	s29 =	smov.u32 s26;
	s26 =	sadd.s32 $0x100, s26  }
.Ltmp1:
0x1b: {  	[tilespmem:s24+$0x4E40] =	vst v0;
	(pc) =	sbr.rel @p1 .LBB2_4-.Ltmp1, $3  }
0x1c: {  	[tilespmem:s24+$0x4E20] =	vst v0  }
0x1d: {  	[tilespmem:s24+$0x4E30] =	vst v0;
	_ =	sdelay $0x1  }
0x1e: {  	s24 =	sshra.s32 s29, $0x2  }
0x1f: {  	[tilespmem:s24+$0x4E50] =	vst v0  }
0x20: {  	[tilespmem:s24+$0x4E40] =	vst v0  }
0x21: {  	[tilespmem:s24+$0x4E20] =	vst v0  }
0x22: {  	[tilespmem:s24+$0x4E30] =	vst v0  }
0x23: {  	[spmem:s5] =	stream.linear.scatter [tilespmem:s19], [sflag:$0xB], $0x1400, $0x38;
	[tilespmem:$0x15220] =	vst v63  }
0x24: {  	_ =	swait.ge [sflag:s20], $0x1400  }
0x25: {  	[sflag:s20] =	ssyncset.done $0x0  }
0x26: {  	s29 =	rddreg [dreg:$0x4];
	[sflag:s20] =	ssyncadd.s32 $0xFFFFEC00  }
0x27: {  	[spmem:s29] =	stream.linear.scatter [tilespmem:s19], [sflag:$0xB], $0x1400, $0x38;
	[tilespmem:$0x15220] =	vst v63  }
0x28: {  	_ =	swait.ge [sflag:s20], $0x1400  }
0x29: {  	[sflag:s20] =	ssyncset.done $0x0  }
0x2a: {  	s26 =	rddreg [dreg:$0x5];
	[sflag:s20] =	ssyncadd.s32 $0xFFFFEC00  }
0x2b: {  	[spmem:s26] =	stream.linear.scatter [tilespmem:s19], [sflag:$0xB], $0x1400, $0x38;
	[tilespmem:$0x15220] =	vst v63  }
0x2c: {  	_ =	swait.ge [sflag:s20], $0x1400  }
0x2d: {  	[sflag:s20] =	ssyncset.done $0x0  }
0x2e: {  	s29 =	rddreg [dreg:$0x6];
	[sflag:s20] =	ssyncadd.s32 $0xFFFFEC00  }
0x2f: {  	[spmem:s29] =	stream.linear.scatter [tilespmem:s19], [sflag:$0xB], $0x1400, $0x38;
	[tilespmem:$0x15220] =	vst v63  }
0x30: {  	_ =	swait.ge [sflag:s20], $0x1400  }
0x31: {  	[sflag:s20] =	ssyncset.done $0x0  }
0x32: {  	s26 =	rddreg [dreg:$0x7];
	[sflag:s20] =	ssyncadd.s32 $0xFFFFEC00  }
0x33: {  	[spmem:s26] =	stream.linear.scatter [tilespmem:s19], [sflag:$0xB], $0x1400, $0x38;
	[tilespmem:$0x15220] =	vst v63  }
0x34: {  	_ =	swait.ge [sflag:s20], $0x1400  }
0x35: {  	[sflag:s20] =	ssyncset.done $0x0  }
0x36: {  	s29 =	rddreg [dreg:$0x8];
	[sflag:s20] =	ssyncadd.s32 $0xFFFFEC00  }
0x37: {  	[spmem:s29] =	stream.linear.scatter [tilespmem:s19], [sflag:$0xB], $0x1400, $0x38;
	[tilespmem:$0x15220] =	vst v63  }
0x38: {  	_ =	swait.ge [sflag:s20], $0x1400  }
0x39: {  	[sflag:s20] =	ssyncset.done $0x0  }
0x3a: {  	s26 =	rddreg [dreg:$0x9];
	[sflag:s20] =	ssyncadd.s32 $0xFFFFEC00  }
0x3b: {  	[spmem:s26] =	stream.linear.scatter [tilespmem:s19], [sflag:$0xB], $0x1400, $0x38;
	[tilespmem:$0x15220] =	vst v63  }
.Ltmp2:
0x3c: {  	_ = 	snop;
	(pc) =	sbr.rel .LBB2_6-.Ltmp2, $4  }
0x3d: {  	_ =	swait.ge [sflag:s20], $0x1400  }
0x3e: {  	[sflag:s20] =	ssyncset.done $0x0  }
0x3f: {  	s29 =	rddreg [dreg:$0xa];
	[sflag:s20] =	ssyncadd.s32 $0xFFFFEC00  }
0x40: {  	[spmem:s29] =	stream.linear.scatter [tilespmem:s19], [sflag:$0xB], $0x1400, $0x38;
	[tilespmem:$0x15220] =	vst v63  }
.LBB2_2:
0x41: {  	s24 =	sshll.u32 s0, $0x6  }
0x42: {  	s26 =	sshrl.u32 s6, $0x3;
	s29 =	rddreg [dreg:$0x3];
	s24 =	sor.u32 $0x1C0B, s24  }
0x43: {  	[spmem:s26], [sflag:s24] =	dma.local [hbm:s29], $0x1400  }
.LBB2_6:
0x44: {  	_ =	swait.ge [sflag:s20], $0x1400  }
0x45: {  	[sflag:s20] =	ssyncset.done $0x0  }
0x46: {  	s24 =	simm.s32 $0x0;
	[sflag:s20] =	ssyncadd.s32 $0xFFFFEC00  }
0x47: {  	[tilespmem:s24], [sflag:$0xB] =	stream.linear.gather [hbm4b:s15+s24], $0x2710, $0x38;
	[tilespmem:$0x15220] =	vst v63  }
0x48: {  	_ =	swait.ge [sflag:s20], $0x2710  }
0x49: {  	[sflag:s20] =	ssyncset.done $0x0  }
0x4a: {  	s26 =	simm.s32 $0x2710;
	[sflag:s20] =	ssyncadd.s32 $0xFFFFD8F0  }
0x4b: {  	[tilespmem:s26], [sflag:$0xB] =	stream.linear.gather [hbm4b:s16+s24], $0x2710, $0x38;
	[tilespmem:$0x15220] =	vst v63  }
0x4c: {  	_ =	swait.ge [sflag:s20], $0x2710  }
0x4d: {  	[sflag:s20] =	ssyncset.done $0x0  }
0x4e: {  	[sflag:s20] =	ssyncadd.s32 $0xFFFFD8F0  }
0x4f: {  	[bflag:$0x0] =	sbarrier.arrive $0xFFFF  }
0x50: {  	[tilespmem:s19], [sflag:$0x1] =	stream.indirect.gather [hbm4b:s4+s22], $0x40, s24, s22, $0xb8;
	[tilespmem:$0x15220] =	vst v63  }
0x51: {  	_ = 	snop  }
0x52: {  	[tilespmem:s23], [sflag:$0x2] =	stream.indirect.gather [hbm4b:s4+s22], $0x40, s22, s22, $0xb8;
	[tilespmem:$0x15220] =	vst v63  }
0x53: {  	s26 =	simm.s32 $0xA0  }
0x54: {  	[tilespmem:s25], [sflag:$0x3] =	stream.indirect.gather [hbm4b:s4+s22], $0x40, s26, s22, $0xb8;
	[tilespmem:$0x15220] =	vst v63  }
0x55: {  	s29 =	simm.s32 $0xF0  }
0x56: {  	[tilespmem:s28], [sflag:$0x4] =	stream.indirect.gather [hbm4b:s4+s22], $0x40, s29, s22, $0xb8;
	[tilespmem:$0x15220] =	vst v63  }
0x57: {  	s26 =	simm.s32 $0x140  }
0x58: {  	[tilespmem:s30], [sflag:$0x5] =	stream.indirect.gather [hbm4b:s4+s22], $0x40, s26, s22, $0xb8;
	[tilespmem:$0x15220] =	vst v63  }
0x59: {  	_ =	swait.ge [sflag:s31], $0x1400  }
0x5a: {  	[sflag:s31] =	ssyncset.done $0x0  }
0x5b: {  	s29 =	simm.s32 $0x2710;
	[sflag:s31] =	ssyncadd.s32 $0xFFFFEC00  }
0x5c: {  	[spmem:s2] =	stream.indirect.scatter.add.f32 [tilespmem:s19], [sflag:$0x6], $0x40, s29, s22, $0xb8;
	[tilespmem:$0x15220] =	vst v63  }
0x5d: {  	_ =	swait.ge [sflag:s1], $0x1400  }
0x5e: {  	[sflag:s1] =	ssyncset.done $0x0  }
0x5f: {  	s26 =	simm.s32 $0x2760;
	[sflag:s1] =	ssyncadd.s32 $0xFFFFEC00  }
0x60: {  	[spmem:s2] =	stream.indirect.scatter.add.f32 [tilespmem:s23], [sflag:$0x7], $0x40, s26, s22, $0xb8;
	[tilespmem:$0x15220] =	vst v63  }
0x61: {  	_ =	swait.ge [sflag:s7], $0x1400  }
0x62: {  	[sflag:s7] =	ssyncset.done $0x0  }
0x63: {  	s29 =	simm.s32 $0x27B0;
	[sflag:s7] =	ssyncadd.s32 $0xFFFFEC00  }
0x64: {  	[spmem:s2] =	stream.indirect.scatter.add.f32 [tilespmem:s25], [sflag:$0x8], $0x40, s29, s22, $0xb8;
	[tilespmem:$0x15220] =	vst v63  }
0x65: {  	_ =	swait.ge [sflag:s8], $0x1400  }
0x66: {  	[sflag:s8] =	ssyncset.done $0x0  }
0x67: {  	s26 =	simm.s32 $0x2800;
	[sflag:s8] =	ssyncadd.s32 $0xFFFFEC00  }
0x68: {  	[spmem:s2] =	stream.indirect.scatter.add.f32 [tilespmem:s28], [sflag:$0x9], $0x40, s26, s22, $0xb8;
	[tilespmem:$0x15220] =	vst v63  }
0x69: {  	_ =	swait.ge [sflag:s9], $0x1400  }
0x6a: {  	[sflag:s9] =	ssyncset.done $0x0  }
0x6b: {  	s29 =	simm.s32 $0x2850;
	[sflag:s9] =	ssyncadd.s32 $0xFFFFEC00  }
0x6c: {  	[spmem:s2] =	stream.indirect.scatter.add.f32 [tilespmem:s30], [sflag:$0xA], $0x40, s29, s22, $0xb8;
	[tilespmem:$0x15220] =	vst v63  }
0x6d: {  	_ =	swait.ge [sflag:s10], $0x1400  }
0x6e: {  	[sflag:s10] =	ssyncset.done $0x0  }
0x6f: {  	s26 =	simm.s32 $0x190;
	[sflag:s10] =	ssyncadd.s32 $0xFFFFEC00  }
0x70: {  	[tilespmem:s19], [sflag:$0x1] =	stream.indirect.gather [hbm4b:s4+s22], $0x40, s26, s22, $0xb8;
	[tilespmem:$0x15220] =	vst v63  }
0x71: {  	_ =	swait.ge [sflag:s11], $0x1400  }
0x72: {  	[sflag:s11] =	ssyncset.done $0x0  }
0x73: {  	s29 =	simm.s32 $0x1E0;
	[sflag:s11] =	ssyncadd.s32 $0xFFFFEC00  }
0x74: {  	[tilespmem:s23], [sflag:$0x2] =	stream.indirect.gather [hbm4b:s4+s22], $0x40, s29, s22, $0xb8;
	[tilespmem:$0x15220] =	vst v63  }
0x75: {  	_ =	swait.ge [sflag:s21], $0x1400  }
0x76: {  	[sflag:s21] =	ssyncset.done $0x0  }
0x77: {  	s26 =	simm.s32 $0x230;
	[sflag:s21] =	ssyncadd.s32 $0xFFFFEC00  }
0x78: {  	[tilespmem:s25], [sflag:$0x3] =	stream.indirect.gather [hbm4b:s4+s22], $0x40, s26, s22, $0xb8;
	[tilespmem:$0x15220] =	vst v63  }
0x79: {  	_ =	swait.ge [sflag:s12], $0x1400  }
0x7a: {  	[sflag:s12] =	ssyncset.done $0x0  }
0x7b: {  	s29 =	simm.s32 $0x280;
	[sflag:s12] =	ssyncadd.s32 $0xFFFFEC00  }
0x7c: {  	[tilespmem:s28], [sflag:$0x4] =	stream.indirect.gather [hbm4b:s4+s22], $0x40, s29, s22, $0xb8;
	[tilespmem:$0x15220] =	vst v63  }
0x7d: {  	_ =	swait.ge [sflag:s13], $0x1400  }
0x7e: {  	[sflag:s13] =	ssyncset.done $0x0  }
0x7f: {  	s24 =	simm.s32 $0x640;
	s26 =	simm.s32 $0x2D0;
	[sflag:s13] =	ssyncadd.s32 $0xFFFFEC00  }
.LBB2_7:
0x80: {  	[tilespmem:s30], [sflag:$0x5] =	stream.indirect.gather [hbm4b:s4+s22], $0x40, s26, s22, $0xb8;
	[tilespmem:$0x15220] =	vst v63  }
0x81: {  	s26 =	smov.u32 s24  }
0x82: {  	p1 =	sne.s32 s24, $0x8FC0;
	s24 =	sadd.s32 $0x640, s24;
	_ =	swait.ge [sflag:s31], $0x1400  }
0x83: {  	s26 =	sshra.s32 s26, $0x2;
	[sflag:s31] =	ssyncset.done $0x0  }
0x84: {  	s29 =	sadd.s32 $0x2710, s26;
	[sflag:s31] =	ssyncadd.s32 $0xFFFFEC00  }
0x85: {  	[spmem:s2] =	stream.indirect.scatter.add.f32 [tilespmem:s19], [sflag:$0x6], $0x40, s29, s22, $0xb8;
	[tilespmem:$0x15220] =	vst v63  }
0x86: {  	_ =	swait.ge [sflag:s1], $0x1400  }
0x87: {  	[sflag:s1] =	ssyncset.done $0x0  }
0x88: {  	s29 =	sadd.s32 $0x2760, s26;
	[sflag:s1] =	ssyncadd.s32 $0xFFFFEC00  }
0x89: {  	[spmem:s2] =	stream.indirect.scatter.add.f32 [tilespmem:s23], [sflag:$0x7], $0x40, s29, s22, $0xb8;
	[tilespmem:$0x15220] =	vst v63  }
0x8a: {  	_ =	swait.ge [sflag:s7], $0x1400  }
0x8b: {  	[sflag:s7] =	ssyncset.done $0x0  }
0x8c: {  	s29 =	sadd.s32 $0x27B0, s26;
	[sflag:s7] =	ssyncadd.s32 $0xFFFFEC00  }
0x8d: {  	[spmem:s2] =	stream.indirect.scatter.add.f32 [tilespmem:s25], [sflag:$0x8], $0x40, s29, s22, $0xb8;
	[tilespmem:$0x15220] =	vst v63  }
0x8e: {  	_ =	swait.ge [sflag:s8], $0x1400  }
0x8f: {  	[sflag:s8] =	ssyncset.done $0x0  }
0x90: {  	s29 =	sadd.s32 $0x2800, s26;
	[sflag:s8] =	ssyncadd.s32 $0xFFFFEC00  }
0x91: {  	[spmem:s2] =	stream.indirect.scatter.add.f32 [tilespmem:s28], [sflag:$0x9], $0x40, s29, s22, $0xb8;
	[tilespmem:$0x15220] =	vst v63  }
0x92: {  	_ =	swait.ge [sflag:s9], $0x1400  }
0x93: {  	[sflag:s9] =	ssyncset.done $0x0  }
0x94: {  	s29 =	sadd.s32 $0x2850, s26;
	[sflag:s9] =	ssyncadd.s32 $0xFFFFEC00  }
0x95: {  	[spmem:s2] =	stream.indirect.scatter.add.f32 [tilespmem:s30], [sflag:$0xA], $0x40, s29, s22, $0xb8;
	[tilespmem:$0x15220] =	vst v63  }
0x96: {  	_ =	swait.ge [sflag:s10], $0x1400  }
0x97: {  	[sflag:s10] =	ssyncset.done $0x0  }
0x98: {  	s29 =	sadd.s32 $0x190, s26;
	[sflag:s10] =	ssyncadd.s32 $0xFFFFEC00  }
0x99: {  	[tilespmem:s19], [sflag:$0x1] =	stream.indirect.gather [hbm4b:s4+s22], $0x40, s29, s22, $0xb8;
	[tilespmem:$0x15220] =	vst v63  }
0x9a: {  	_ =	swait.ge [sflag:s11], $0x1400  }
0x9b: {  	[sflag:s11] =	ssyncset.done $0x0  }
0x9c: {  	s29 =	sadd.s32 $0x1E0, s26;
	[sflag:s11] =	ssyncadd.s32 $0xFFFFEC00  }
0x9d: {  	[tilespmem:s23], [sflag:$0x2] =	stream.indirect.gather [hbm4b:s4+s22], $0x40, s29, s22, $0xb8;
	[tilespmem:$0x15220] =	vst v63  }
0x9e: {  	_ =	swait.ge [sflag:s21], $0x1400  }
0x9f: {  	[sflag:s21] =	ssyncset.done $0x0  }
0xa0: {  	s29 =	sadd.s32 $0x230, s26;
	[sflag:s21] =	ssyncadd.s32 $0xFFFFEC00  }
0xa1: {  	[tilespmem:s25], [sflag:$0x3] =	stream.indirect.gather [hbm4b:s4+s22], $0x40, s29, s22, $0xb8;
	[tilespmem:$0x15220] =	vst v63  }
0xa2: {  	_ =	swait.ge [sflag:s12], $0x1400  }
0xa3: {  	[sflag:s12] =	ssyncset.done $0x0  }
.Ltmp3:
0xa4: {  	s29 =	sadd.s32 $0x280, s26;
	[sflag:s12] =	ssyncadd.s32 $0xFFFFEC00;
	(pc) =	sbr.rel @p1 .LBB2_7-.Ltmp3, $4  }
0xa5: {  	[tilespmem:s28], [sflag:$0x4] =	stream.indirect.gather [hbm4b:s4+s22], $0x40, s29, s22, $0xb8;
	[tilespmem:$0x15220] =	vst v63  }
0xa6: {  	_ =	swait.ge [sflag:s13], $0x1400  }
0xa7: {  	[sflag:s13] =	ssyncset.done $0x0  }
0xa8: {  	s26 =	sadd.s32 $0x2D0, s26;
	[sflag:s13] =	ssyncadd.s32 $0xFFFFEC00  }
0xa9: {  	[tilespmem:s30], [sflag:$0x5] =	stream.indirect.gather [hbm4b:s4+s22], $0x40, s26, s22, $0xb8;
	[tilespmem:$0x15220] =	vst v63  }
0xaa: {  	_ =	swait.ge [sflag:s31], $0x1400  }
0xab: {  	[sflag:s31] =	ssyncset.done $0x0  }
0xac: {  	s24 =	simm.s32 $0x4C90;
	[sflag:s31] =	ssyncadd.s32 $0xFFFFEC00  }
0xad: {  	[spmem:s2] =	stream.indirect.scatter.add.f32 [tilespmem:s19], [sflag:$0x6], $0x40, s24, s22, $0xb8;
	[tilespmem:$0x15220] =	vst v63  }
0xae: {  	_ =	swait.ge [sflag:s1], $0x1400  }
0xaf: {  	[sflag:s1] =	ssyncset.done $0x0  }
0xb0: {  	s29 =	simm.s32 $0x4CE0;
	[sflag:s1] =	ssyncadd.s32 $0xFFFFEC00  }
0xb1: {  	[spmem:s2] =	stream.indirect.scatter.add.f32 [tilespmem:s23], [sflag:$0x7], $0x40, s29, s22, $0xb8;
	[tilespmem:$0x15220] =	vst v63  }
0xb2: {  	_ =	swait.ge [sflag:s7], $0x1400  }
0xb3: {  	[sflag:s7] =	ssyncset.done $0x0  }
0xb4: {  	s26 =	simm.s32 $0x4D30;
	[sflag:s7] =	ssyncadd.s32 $0xFFFFEC00  }
0xb5: {  	[spmem:s2] =	stream.indirect.scatter.add.f32 [tilespmem:s25], [sflag:$0x8], $0x40, s26, s22, $0xb8;
	[tilespmem:$0x15220] =	vst v63  }
0xb6: {  	_ =	swait.ge [sflag:s8], $0x1400  }
0xb7: {  	[sflag:s8] =	ssyncset.done $0x0  }
0xb8: {  	s29 =	simm.s32 $0x4D80;
	[sflag:s8] =	ssyncadd.s32 $0xFFFFEC00  }
0xb9: {  	[spmem:s2] =	stream.indirect.scatter.add.f32 [tilespmem:s28], [sflag:$0x9], $0x40, s29, s22, $0xb8;
	[tilespmem:$0x15220] =	vst v63  }
0xba: {  	_ =	swait.ge [sflag:s9], $0x1400  }
0xbb: {  	[sflag:s9] =	ssyncset.done $0x0  }
0xbc: {  	[sflag:s9] =	ssyncadd.s32 $0xFFFFEC00  }
0xbd: {  	[spmem:s2] =	stream.indirect.scatter.add.f32 [tilespmem:s30], [sflag:$0xA], $0x40, s14, s22, $0xb8;
	[tilespmem:$0x15220] =	vst v63  }
0xbe: {  	_ =	swait.ge [sflag:s10], $0x1400  }
0xbf: {  	[sflag:s10] =	ssyncset.done $0x0  }
0xc0: {  	[sflag:s10] =	ssyncadd.s32 $0xFFFFEC00  }
0xc1: {  	_ =	swait.ge [sflag:s11], $0x1400  }
0xc2: {  	[sflag:s11] =	ssyncset.done $0x0  }
0xc3: {  	[sflag:s11] =	ssyncadd.s32 $0xFFFFEC00  }
0xc4: {  	_ =	swait.ge [sflag:s21], $0x1400  }
0xc5: {  	[sflag:s21] =	ssyncset.done $0x0  }
0xc6: {  	[sflag:s21] =	ssyncadd.s32 $0xFFFFEC00  }
0xc7: {  	_ =	swait.ge [sflag:s12], $0x1400  }
0xc8: {  	[sflag:s12] =	ssyncset.done $0x0  }
0xc9: {  	[sflag:s12] =	ssyncadd.s32 $0xFFFFEC00  }
0xca: {  	_ =	swait.ge [sflag:s13], $0x1400  }
0xcb: {  	s3 =	sadd.s32 $0x1, s3;
	s26 =	sshll.u32 s0, $0x6;
	[sflag:s13] =	ssyncset.done $0x0  }
0xcc: {  	p1 =	sne.s32 s3, s18;
	s24 =	sor.u32 $0x1C0B, s26;
	[sflag:s13] =	ssyncadd.s32 $0xFFFFEC00  }
.Ltmp4:
0xcd: {  	s29 =	sshrl.u32 s6, $0x3;
	[bflag:$0x0] =	sbarrier.arrive $0xFFFF;
	(pc) =	sbr.rel @p1 .LBB2_1-.Ltmp4, $4  }
0xce: {  	[hbm:s17], [sflag:s24] =	dma.local [spmem:s29], $0x1400  }
0xcf: {  	_ =	swait.ge [sflag:s20], $0x1400  }
0xd0: {  	[sflag:s20] =	ssyncset.done $0x0  }
0xd1: {  	[sflag:s20] =	ssyncadd.s32 $0xFFFFEC00  }
0xd2: {  	_ =	sfence.sel $0x180000  }
0xd3: {  	[bflag:$0x0] =	sbarrier.arrive $0xFFFF  }
0xd4: {  	_ =	strace $0x9000004D  }
0xd5: {  	[bflag:$0x2] =	sbarrier.arrive $0xFFFF  }
0xd6: {  	p0 =	sne.s32 s0, $0x0;
	s0 =	rddreg [dreg:$0x2]  }
0xd7: {  	s0 =	sadd.s32 @!p0 $0x100000, s0  }
0xd8: {  	[sflag:s0] =	ssyncadd.tile.s32 @!p0 $0x1;
	_ =	shalt  }
.Lfunc_end2:
_tile_overlayer_lowered:
.L_overlay_start_2:
0xd9: {  	(tag) =	ssettag $0x2  }
0xda: {  	s0 =	rddreg [dreg:$0x0];
	s2 =	stileid.u32  }
0xdb: {  	s1 =	rddreg [dreg:$0x1];
	p0 =	sne.s32 s2, $0x0  }
0xdc: {  	s3 =	rddreg [dreg:$0x2];
	[bflag:$0x3] =	sbarrier.arrive $0xFFFF;
	s2 =	simm.s32 @!p0 $0x1C0B  }
0xdd: {  	[timem:s3], [sflag:s2] =	dma.local @!p0 [hbm:s0], s1  }
0xde: {  	s0 =	simm.s32 @!p0 $0xB  }
0xdf: {  	_ =	swait.ge @!p0 [sflag:s0], s1  }
0xe0: {  	s1 =	ssub.s32 @!p0 $0x0, s1;
	[sflag:s0] =	ssyncset.done @!p0 $0x0  }
0xe1: {  	[sflag:s0] =	ssyncadd.s32 @!p0 s1  }
0xe2: {  	[bflag:$0x3] =	sbarrier.arrive $0xFFFF  }
0xe3: {  	_ =	shalt  }

// kernel: kernel.9.cloned.1.call-start
scs
__scs_entry_jumppad:
0x0: {  	(pc) =	sbr.rel $0x88, $3  }
0x1: {  	(tag) =	ssettag $0x0;
	lr =	simm.s32 $0x1  }
0x2: {  	[smem:$0x3F99] =	sst lr;
	_ =	strace $0xD0000000  }
0x3: {  	_ = 	snop  }
0x4: {  	_ = 	snop  }
0x5: {  	_ = 	snop  }
0x6: {  	_ = 	snop  }
0x7: {  	_ = 	snop  }
__scs_overlays_trampoline_lowered:
0x8: {  	[smem:$0x3FA8] =	sst s0  }
0x9: {  	[smem:$0x3FA9] =	sst s1  }
0xa: {  	[smem:$0x3FAA] =	sst s2  }
0xb: {  	[smem:$0x3FAB] =	sst s3  }
0xc: {  	[smem:$0x3FAC] =	sst s4  }
0xd: {  	[smem:$0x3FAD] =	sst s5  }
0xe: {  	[smem:$0x3FAE] =	sst s6  }
0xf: {  	[smem:$0x3FAF] =	sst s7  }
0x10: {  	[smem:$0x3FB0] =	sst s8  }
0x11: {  	[smem:$0x3FB1] =	sst s9;
	s0 =	simm.s32 @!p0 $0x0  }
0x12: {  	s1 =	sld [smem:$0x3F97];
	s0 =	simm.s32 @p0 $0x1  }
0x13: {  	[smem:$0x3FB2] =	sst s0;
	s0 =	simm.s32 @!p1 $0x0  }
0x14: {  	s2 =	sld [smem:$0x3F96];
	s0 =	simm.s32 @p1 $0x1  }
0x15: {  	[smem:$0x3FB3] =	sst s0;
	s0 =	simm.s32 @!p2 $0x0  }
0x16: {  	s3 =	sld [smem:$0x3FDB];
	s0 =	simm.s32 @p2 $0x1  }
0x17: {  	s4 =	simm.s32 $0x1BF5;
	[smem:$0x3FB5] =	sst s0  }
0x18: {  	s0 =	sld [smem:$0x3F98];
	_ =	swait.ge [sflag:s4], $0x0  }
0x19: {  	s7 =	sld [smem:$0x3F99]  }
0x1a: {  	s8 =	sadd.s32 $0xFFFFE003, lr  }
0x1b: {  	s9 =	sadd.s32 $0xFFFFFEF7, lr;
	s5 =	simm.s32 $0xFFFFFFFF;
	p2 =	slt.u32 s8, $0xFFFFF086  }
0x1c: {  	p1 =	slt.u32 s9, $0xF7A;
	s5 =	simm.s32 @!p2 $0x0  }
0x1d: {  	s5 =	simm.s32 @p1 $0x1;
	p0 =	seq.s32 s7, s2  }
0x1e: {  	s7 =	smul.u32 @!p0 $0xF7A, s2;
	p2 =	seq.s32 @!p0 s5, $0x0  }
0x1f: {  	s9 =	smul.u32 $0xF7A, s1;
	s8 =	simm.s32 @!p0 $0x1BF5;
	p2 =	por !p2, p0  }
0x20: {  	[sflag:s8] =	ssyncset.s32 @!p0 $0xFFFFF086;
	s6 =	sadd.s32 @!p0 s3, s7;
	s7 =	simm.s32 @!p0 $0x108  }
0x21: {  	s3 =	sadd.s32 s3, s9;
	s6 =	sadd.s32 @!p0 $0x88, s6;
	s7 =	simm.s32 @p2 $0x1082  }
0x22: {  	[simem:s7], [sflag:s8] =	dma.local @!p0 [hbm:s6], $0xF7A  }
0x23: {  	s9 =	sor.u32 $0xD0000000, s2;
	s6 =	simm.s32 $0x108;
	_ =	swait.ge @!p0 [sflag:s8], $0x0  }
0x24: {  	s3 =	sadd.s32 $0x88, s3;
	s6 =	simm.s32 @!p1 $0x1082;
	[sflag:s4] =	ssyncset.s32 $0xFFFFF086  }
0x25: {  	[simem:s6], [sflag:s4] =	dma.local [hbm:s3], $0xF7A  }
0x26: {  	[smem:$0x3F99] =	sst s1;
	(tag) =	ssettag s2;
	_ =	strace s9  }
0x27: {  	s1 =	sld [smem:$0x3FA9]  }
0x28: {  	s2 =	sld [smem:$0x3FAA]  }
0x29: {  	s4 =	sld [smem:$0x3FAC]  }
0x2a: {  	p0 =	seq.s32 s5, $0x0;
	s5 =	sld [smem:$0x3FAD]  }
0x2b: {  	s6 =	sld [smem:$0x3FAE]  }
0x2c: {  	s7 =	sld [smem:$0x3FAF]  }
0x2d: {  	s3 =	simm.s32 $0x108;
	s8 =	sld [smem:$0x3FB0]  }
0x2e: {  	s3 =	simm.s32 @!p0 $0x1082;
	s9 =	sld [smem:$0x3FB1]  }
0x2f: {  	lr =	sadd.s32 s0, s3;
	s0 =	sld [smem:$0x3FA8]  }
0x30: {  	s3 =	sld [smem:$0x3FAB]  }
0x31: {  	[smem:$0x3FB4] =	sst s10  }
0x32: {  	s10 =	sld [smem:$0x3FB2];
	_ =	sdelay $0x3  }
0x33: {  	p0 =	seq.s32 s10, $0x1;
	s10 =	sld [smem:$0x3FB4];
	_ =	sdelay $0x3  }
0x34: {  	[smem:$0x3FB4] =	sst s10  }
0x35: {  	s10 =	sld [smem:$0x3FB3];
	_ =	sdelay $0x3  }
0x36: {  	p1 =	seq.s32 s10, $0x1;
	s10 =	sld [smem:$0x3FB4];
	_ =	sdelay $0x3  }
0x37: {  	[smem:$0x3FB4] =	sst s10  }
0x38: {  	s10 =	sld [smem:$0x3FB5]  }
0x39: {  	_ = 	snop;
	(pc) =	sbr.ind lr, $3  }
0x3a: {  	_ = 	snop  }
0x3b: {  	_ = 	snop  }
0x3c: {  	p2 =	seq.s32 s10, $0x1;
	s10 =	sld [smem:$0x3FB4]  }
0x3d: {  	_ =	shalt  }
0x3e: {  	_ =	shalt  }
0x3f: {  	_ =	shalt  }
0x40: {  	_ =	shalt  }
0x41: {  	_ =	shalt  }
0x42: {  	_ =	shalt  }
0x43: {  	_ =	shalt  }
0x44: {  	_ =	shalt  }
0x45: {  	_ =	shalt  }
0x46: {  	_ =	shalt  }
0x47: {  	_ =	shalt  }
0x48: {  	_ =	shalt  }
0x49: {  	_ =	shalt  }
0x4a: {  	_ =	shalt  }
0x4b: {  	_ =	shalt  }
0x4c: {  	_ =	shalt  }
0x4d: {  	_ =	shalt  }
0x4e: {  	_ =	shalt  }
0x4f: {  	_ =	shalt  }
0x50: {  	_ =	shalt  }
0x51: {  	_ =	shalt  }
0x52: {  	_ =	shalt  }
0x53: {  	_ =	shalt  }
0x54: {  	_ =	shalt  }
0x55: {  	_ =	shalt  }
0x56: {  	_ =	shalt  }
0x57: {  	_ =	shalt  }
0x58: {  	_ =	shalt  }
0x59: {  	_ =	shalt  }
0x5a: {  	_ =	shalt  }
0x5b: {  	_ =	shalt  }
0x5c: {  	_ =	shalt  }
0x5d: {  	_ =	shalt  }
0x5e: {  	_ =	shalt  }
0x5f: {  	_ =	shalt  }
0x60: {  	_ =	shalt  }
0x61: {  	_ =	shalt  }
0x62: {  	_ =	shalt  }
0x63: {  	_ =	shalt  }
0x64: {  	_ =	shalt  }
0x65: {  	_ =	shalt  }
0x66: {  	_ =	shalt  }
0x67: {  	_ =	shalt  }
0x68: {  	_ =	shalt  }
0x69: {  	_ =	shalt  }
0x6a: {  	_ =	shalt  }
0x6b: {  	_ =	shalt  }
0x6c: {  	_ =	shalt  }
0x6d: {  	_ =	shalt  }
0x6e: {  	_ =	shalt  }
0x6f: {  	_ =	shalt  }
0x70: {  	_ =	shalt  }
0x71: {  	_ =	shalt  }
0x72: {  	_ =	shalt  }
0x73: {  	_ =	shalt  }
0x74: {  	_ =	shalt  }
0x75: {  	_ =	shalt  }
0x76: {  	_ =	shalt  }
0x77: {  	_ =	shalt  }
0x78: {  	_ =	shalt  }
0x79: {  	_ =	shalt  }
0x7a: {  	_ =	shalt  }
0x7b: {  	_ =	shalt  }
0x7c: {  	_ =	shalt  }
0x7d: {  	_ =	shalt  }
0x7e: {  	_ =	shalt  }
0x7f: {  	_ =	shalt  }
0x80: {  	_ =	shalt  }
0x81: {  	_ =	shalt  }
0x82: {  	_ =	shalt  }
0x83: {  	_ =	shalt  }
0x84: {  	_ =	shalt  }
0x85: {  	_ =	shalt  }
0x86: {  	_ =	shalt  }
0x87: {  	_ =	shalt  }
.Lfunc_end0:
.L_simem_size_0:
called_computation_lowered:
.L_overlay_start_0:
0x88: {  	s2 =	sld [smem:$0x3FD9]  }
0x89: {  	s3 =	sld [smem:$0x3FFE];
	_ =	sdelay $0x1  }
0x8a: {  	s1 =	srdreg.scid  }
0x8b: {  	s0 =	sand.u32 $0x1, s1  }
0x8c: {  	s17 =	sshll.u32 s0, $0xA;
	s2 =	sadd.s32 s3, s2  }
0x8d: {  	s2 =	sadd.s32 s2, s17  }
0x8e: {  	[smem:$0x3FC0] =	sst s2  }
0x8f: {  	_ = 	snop  }
0x90: {  	s2 =	sld [smem:$0x3FD0];
	(tm) =	ssettm $0x1  }
0x91: {  	s18 =	sld [smem:$0x3FFB];
	_ =	sdelay $0x3  }
0x92: {  	_ =	strace s18  }
0x93: {  	s3 =	sld [smem:$0x3FFC];
	_ =	sdelay $0x3  }
0x94: {  	_ =	strace s3  }
0x95: {  	s3 =	sld [smem:$0x3FFD];
	_ =	sdelay $0x3  }
0x96: {  	_ =	strace s3  }
0x97: {  	_ =	strace $0x8FFFFFFF  }
0x98: {  	s19 =	sld [smem:$0x3FDB];
	_ =	sdelay $0x1  }
0x99: {  	s4 =	simm.s32 $_scs_section_size  }
0x9a: {  	s5 =	simm.s32 $_size__tile_overlayer_lowered;
	s6 =	simm.s32 $_tile_overlayer_lowered  }
0x9b: {  	s22 =	simm.s32 $0x1BFF;
	s21 =	sshll.u32 s6, $0x1;
	s3 =	sadd.s32 s4, s19  }
0x9c: {  	s7 =	simm.s32 $0x0;
	s20 =	sshll.u32 s5, $0x1;
	s5 =	sadd.s32 s21, s3  }
0x9d: {  	[timem:s7], [sflag:s22] =	dma.local [hbm:s5], s20  }
0x9e: {  	_ =	swait.ge [sflag:s22], s20  }
0x9f: {  	s4 =	ssub.s32 $0x0, s20;
	[sflag:s22] =	ssyncset.done $0x0  }
0xa0: {  	[sflag:s22] =	ssyncadd.s32 s4;
	_ =	sdelay $0x1  }
0xa1: {  	s23 =	simm.s32 $0x1B8B  }
0xa2: {  	_ =	swait.ge [sflag:s23], $0x1  }
0xa3: {  	[sflag:s23] =	ssyncset.done $0x0  }
0xa4: {  	s25 =	simm.s32 $0x1B8E;
	s24 =	sld [smem:$0x3FFE];
	[sflag:s23] =	ssyncadd.s32 $0xFFFFFFFF  }
0xa5: {  	s26 =	simm.s32 $execute0_lowered;
	[smem:$0x3FD2] =	sst s25  }
0xa6: {  	s5 =	sshll.u32 s26, $0x1;
	_ =	strace $0x80000046;
	[dreg:$0x1] =	wrdreg $0xFFFFFFFF  }
0xa7: {  	s28 =	simm.s32 $_size_execute0_lowered;
	s3 =	sadd.s32 s3, s5;
	[dreg:$0x0] =	wrdreg $0x0  }
0xa8: {  	s5 =	sshll.u32 s28, $0x1;
	[dreg:$0x2] =	wrdreg s3  }
0xa9: {  	[dreg:$0x3] =	wrdreg s5  }
0xaa: {  	[dreg:$0x4] =	wrdreg $0xC0  }
0xab: {  	_ =	task [dreg:s7], $0x5FFFF  }
0xac: {  	[dreg:$0x1] =	wrdreg $0xFFFFFFFF  }
0xad: {  	[dreg:$0x0] =	wrdreg $0x60  }
0xae: {  	[dreg:$0x2] =	wrdreg s24  }
0xaf: {  	[dreg:$0x3] =	wrdreg s2  }
0xb0: {  	[dreg:$0x4] =	wrdreg $0x118200  }
0xb1: {  	[dreg:$0x5] =	wrdreg $0x9  }
0xb2: {  	_ =	task.clear_ibuf [dreg:s7], $0x6FFFF;
	_ =	strace $0x90000046  }
0xb3: {  	s29 =	simm.s32 $0x9;
	_ =	strace $0x80000048  }
0xb4: {  	_ =	swait.ge [sflag:s29], $0x1  }
0xb5: {  	[sflag:s29] =	ssyncadd.s32 $0xFFFFFFFF  }
0xb6: {  	_ =	strace $0x90000048  }
0xb7: {  	_ =	sfence  }
0xb8: {  	s30 =	sld [smem:$0x0];
	_ =	sdelay $0x2  }
0xb9: {  	s31 =	sshll.u32 s1, $0xD;
	s1 =	sshrl.u32 s1, $0x2  }
0xba: {  	s3 =	sand.u32 $0x4000, s31;
	s1 =	sadd.s32 s1, s30  }
0xbb: {  	s0 =	sor.u32 s3, s0;
	s1 =	sshll.u32 s1, $0x11  }
0xbc: {  	s0 =	sor.u32 s1, s0  }
0xbd: {  	s0 =	sadd.s32 $0x8F2B, s0  }
0xbe: {  	[sflag:s0] =	ssyncadd.remote.s32 $0x1  }
0xbf: {  	_ =	sfence.sel $0xFFFF  }
0xc0: {  	[dreg:$0x0] =	wrdreg $0xFFFFFFFF;
	(pc) =	sbr.abs _section_cstart, $3  }
0xc1: {  	[dreg:$0x1] =	wrdreg $0xFFFFFFFF  }
0xc2: {  	_ =	task.clear_ibuf [dreg:s7], $0x2FFFF;
	_ =	strace $0x9FFFFFFF  }
0xc3: {  	(tm) =	ssettm $0x7FFFFFFF  }
tec
execute0_lowered:
.L_overlay_start_1:
0x0: {  	(tag) =	ssettag $0x1  }
0x1: {  	s1 =	srdreg.scid;
	s8 =	stileid.u32  }
0x2: {  	s1 =	sand.u32 $0x1, s1;
	s2 =	smul.u32 $0xA000, s8  }
0x3: {  	s0 =	rddreg [dreg:$0x0];
	s4 =	smul.u32 $0xA0000, s1  }
0x4: {  	s5 =	rddreg [dreg:$0x2]  }
0x5: {  	s3 =	simm.s32 $0x0;
	s10 =	simm.s32 $0x1;
	s4 =	sadd.s32 s2, s4  }
0x6: {  	s11 =	simm.s32 $0x7710;
	s2 =	sshrl.u32 s2, $0x2;
	s4 =	sshrl.u32 s4, $0x3  }
0x7: {  	s12 =	simm.s32 $0x0;
	s7 =	sadd.s32 s4, s0;
	s4 =	sadd.s32 s2, s5  }
0x8: {  	[smem:$0x7FF] =	sst s3;
	s24 =	smul.u32 $0xA00, s8;
	s17 =	sadd.s32 $0x280, s4  }
0x9: {  	_ =	strace $0x80000047;
	s18 =	sadd.s32 $0x500, s4;
	[dreg:$0x5] =	wrdreg s17  }
0xa: {  	s6 =	sshll.u32 s1, $0x4;
	s19 =	sadd.s32 $0x780, s4;
	[dreg:$0x6] =	wrdreg s18  }
0xb: {  	s1 =	ssub.s32 $0x2, s1;
	s20 =	sadd.s32 $0xA00, s4;
	[dreg:$0x7] =	wrdreg s19  }
0xc: {  	s6 =	sor.u32 s8, s6;
	s21 =	sadd.s32 $0xC80, s4;
	[dreg:$0x8] =	wrdreg s20  }
0xd: {  	s16 =	sshrl.u32 s1, $0x1;
	s22 =	sadd.s32 $0xF00, s4;
	[dreg:$0x9] =	wrdreg s21  }
0xe: {  	s6 =	smul.u32 $0x2710, s6;
	s23 =	sadd.s32 $0x1180, s4;
	[dreg:$0xa] =	wrdreg s22  }
0xf: {  	s1 =	ssub.s32 s1, s16;
	s2 =	sadd.s32 $0x1400, s4;
	[dreg:$0xb] =	wrdreg s23  }
0x10: {  	s6 =	sshrl.u32 s6, $0x3;
	s25 =	sadd.s32 $0x1680, s4;
	[dreg:$0xc] =	wrdreg s2  }
0x11: {  	s0 =	sadd.s32 s0, s6;
	s26 =	sadd.s32 $0x1900, s4;
	[dreg:$0xd] =	wrdreg s25  }
0x12: {  	s16 =	sadd.s32 $0x1B80, s4;
	s0 =	sadd.s32 $0xC840, s0;
	[dreg:$0xe] =	wrdreg s26  }
0x13: {  	s17 =	sadd.s32 $0x1E00, s4;
	s18 =	sadd.s32 $0x2080, s4;
	s19 =	sadd.s32 $0x2300, s4  }
0x14: {  	s21 =	sadd.s32 $0x2580, s4;
	[dreg:$0x4] =	wrdreg s0;
	s0 =	sshrl.u32 s24, $0x2  }
0x15: {  	v0 =	vimm.f32 $1.000000000e+00;
	v1 =	vimm.s32 $0x0;
	s25 =	smax.u32 s1, $0x1;
	s24 =	sadd.s32 $0x16600, s7;
	s20 =	sadd.s32 s0, s5  }
0x16: {  	v2 =	vimm.s32 $0x1;
	v3 =	vimm.s32 $0x2;
	v4 =	vimm.s32 $0x3;
	s22 =	sadd.s32 $0x2800, s20;
	s23 =	sadd.s32 $0x5000, s20;
	s26 =	sadd.s32 $0x7800, s20  }
0x17: {  	v5 =	vimm.s32 $0x4;
	v6 =	vimm.s32 $0x5;
	v7 =	vimm.s32 $0x6;
	s28 =	sadd.s32 $0xA000, s20;
	s29 =	sadd.s32 $0xC800, s20;
	s30 =	sadd.s32 $0xF000, s20  }
0x18: {  	v8 =	vimm.s32 $0x7;
	v9 =	vimm.s32 $0x8;
	v10 =	vimm.s32 $0x9;
	s31 =	sadd.s32 $0x11800, s20;
	s1 =	sadd.s32 $0x14000, s20;
	s0 =	sadd.s32 $0x16800, s20  }
0x19: {  	v11 =	vimm.s32 $0xA;
	v12 =	vimm.s32 $0xB;
	v13 =	vimm.s32 $0xC;
	s2 =	sadd.s32 $0x19000, s20;
	s5 =	sadd.s32 $0x1B800, s20;
	s6 =	sadd.s32 $0x1E000, s20  }
0x1a: {  	v14 =	vimm.s32 $0xD;
	v15 =	vimm.s32 $0xE;
	v16 =	vimm.s32 $0xF;
	s7 =	sadd.s32 $0x20800, s20;
	s8 =	sadd.s32 $0x23000, s20;
	s9 =	sadd.s32 $0x25800, s20  }
.LBB2_1:
0x1b: {  	s13 =	rddreg [dreg:$0x1]  }
0x1c: {  	[tilespmem:s3], [sflag:$0x1] =	stream.linear.gather [hbm4b:s13+s3], $0x2800, $0x38;
	[tilespmem:$0x14020] =	vst v63  }
0x1d: {  	_ =	swait.ge [sflag:s10], $0x2800  }
0x1e: {  	[sflag:s10] =	ssyncset.done $0x0  }
0x1f: {  	s14 =	simm.s32 $0x2800;
	s15 =	rddreg [dreg:$0x4];
	[sflag:s10] =	ssyncadd.s32 $0xFFFFD800  }
0x20: {  	[tilespmem:s14], [sflag:$0x1] =	stream.linear.gather [hbm4b:s15+s3], $0x2710, $0x38;
	[tilespmem:$0x14020] =	vst v63  }
0x21: {  	_ =	swait.ge [sflag:s10], $0x2710  }
0x22: {  	[sflag:s10] =	ssyncset.done $0x0  }
0x23: {  	s13 =	simm.s32 $0x0;
	[sflag:s10] =	ssyncadd.s32 $0xFFFFD8F0  }
.LBB2_2:
0x24: {  	s14 =	sshra.s32 s13, $0x2  }
0x25: {  	v17 =	vld [tilespmem:s14+$0x2800];
	_ =	sdelay $0x7  }
0x26: {  	[tilespmem:v17+s3+$0x0] =	vst.idx.add.f32.msk $0xffff, v0  }
0x27: {  	v17 =	vld [tilespmem:s14+$0x2810];
	_ =	sdelay $0x7  }
0x28: {  	[tilespmem:v17+s3+$0x0] =	vst.idx.add.f32.msk $0xffff, v0  }
0x29: {  	v17 =	vld [tilespmem:s14+$0x2820];
	_ =	sdelay $0x7  }
0x2a: {  	[tilespmem:v17+s3+$0x0] =	vst.idx.add.f32.msk $0xffff, v0  }
0x2b: {  	v17 =	vld [tilespmem:s14+$0x2830];
	_ =	sdelay $0x7  }
0x2c: {  	[tilespmem:v17+s3+$0x0] =	vst.idx.add.f32.msk $0xffff, v0  }
0x2d: {  	v17 =	vld [tilespmem:s14+$0x2840];
	_ =	sdelay $0x2  }
0x2e: {  	p0 =	sne.s32 s13, $0x9B00  }
.Ltmp0:
0x2f: {  	_ = 	snop;
	(pc) =	sbr.rel @p0 .LBB2_2-.Ltmp0, $2  }
0x30: {  	_ =	sdelay $0x2  }
0x31: {  	s13 =	sadd.s32 $0x140, s13;
	[tilespmem:v17+s3+$0x0] =	vst.idx.add.f32.msk $0xffff, v0  }
0x32: {  	[spmem:s4] =	stream.linear.scatter [tilespmem:s3], [sflag:$0x1], $0x280, $0x38;
	[tilespmem:$0x14020] =	vst v63  }
0x33: {  	_ =	swait.ge [sflag:s10], $0x280  }
0x34: {  	[sflag:s10] =	ssyncset.done $0x0  }
0x35: {  	s14 =	simm.s32 $0x280;
	s13 =	rddreg [dreg:$0x5];
	[sflag:s10] =	ssyncadd.s32 $0xFFFFFD80  }
0x36: {  	[spmem:s13] =	stream.linear.scatter [tilespmem:s14], [sflag:$0x1], $0x280, $0x38;
	[tilespmem:$0x14020] =	vst v63  }
0x37: {  	_ =	swait.ge [sflag:s10], $0x280  }
0x38: {  	[sflag:s10] =	ssyncset.done $0x0  }
0x39: {  	s15 =	simm.s32 $0x500;
	s14 =	rddreg [dreg:$0x6];
	[sflag:s10] =	ssyncadd.s32 $0xFFFFFD80  }
0x3a: {  	[spmem:s14] =	stream.linear.scatter [tilespmem:s15], [sflag:$0x1], $0x280, $0x38;
	[tilespmem:$0x14020] =	vst v63  }
0x3b: {  	_ =	swait.ge [sflag:s10], $0x280  }
0x3c: {  	[sflag:s10] =	ssyncset.done $0x0  }
0x3d: {  	s15 =	simm.s32 $0x780;
	s14 =	rddreg [dreg:$0x7];
	[sflag:s10] =	ssyncadd.s32 $0xFFFFFD80  }
0x3e: {  	[spmem:s14] =	stream.linear.scatter [tilespmem:s15], [sflag:$0x1], $0x280, $0x38;
	[tilespmem:$0x14020] =	vst v63  }
0x3f: {  	_ =	swait.ge [sflag:s10], $0x280  }
0x40: {  	[sflag:s10] =	ssyncset.done $0x0  }
0x41: {  	s15 =	simm.s32 $0xA00;
	s14 =	rddreg [dreg:$0x8];
	[sflag:s10] =	ssyncadd.s32 $0xFFFFFD80  }
0x42: {  	[spmem:s14] =	stream.linear.scatter [tilespmem:s15], [sflag:$0x1], $0x280, $0x38;
	[tilespmem:$0x14020] =	vst v63  }
0x43: {  	_ =	swait.ge [sflag:s10], $0x280  }
0x44: {  	[sflag:s10] =	ssyncset.done $0x0  }
0x45: {  	s15 =	simm.s32 $0xC80;
	s14 =	rddreg [dreg:$0x9];
	[sflag:s10] =	ssyncadd.s32 $0xFFFFFD80  }
0x46: {  	[spmem:s14] =	stream.linear.scatter [tilespmem:s15], [sflag:$0x1], $0x280, $0x38;
	[tilespmem:$0x14020] =	vst v63  }
0x47: {  	_ =	swait.ge [sflag:s10], $0x280  }
0x48: {  	[sflag:s10] =	ssyncset.done $0x0  }
0x49: {  	s15 =	simm.s32 $0xF00;
	s14 =	rddreg [dreg:$0xa];
	[sflag:s10] =	ssyncadd.s32 $0xFFFFFD80  }
0x4a: {  	[spmem:s14] =	stream.linear.scatter [tilespmem:s15], [sflag:$0x1], $0x280, $0x38;
	[tilespmem:$0x14020] =	vst v63  }
0x4b: {  	_ =	swait.ge [sflag:s10], $0x280  }
0x4c: {  	[sflag:s10] =	ssyncset.done $0x0  }
0x4d: {  	s15 =	simm.s32 $0x1180;
	s14 =	rddreg [dreg:$0xb];
	[sflag:s10] =	ssyncadd.s32 $0xFFFFFD80  }
0x4e: {  	[spmem:s14] =	stream.linear.scatter [tilespmem:s15], [sflag:$0x1], $0x280, $0x38;
	[tilespmem:$0x14020] =	vst v63  }
0x4f: {  	_ =	swait.ge [sflag:s10], $0x280  }
0x50: {  	[sflag:s10] =	ssyncset.done $0x0  }
0x51: {  	s15 =	simm.s32 $0x1400;
	s14 =	rddreg [dreg:$0xc];
	[sflag:s10] =	ssyncadd.s32 $0xFFFFFD80  }
0x52: {  	[spmem:s14] =	stream.linear.scatter [tilespmem:s15], [sflag:$0x1], $0x280, $0x38;
	[tilespmem:$0x14020] =	vst v63  }
0x53: {  	_ =	swait.ge [sflag:s10], $0x280  }
0x54: {  	[sflag:s10] =	ssyncset.done $0x0  }
0x55: {  	s15 =	simm.s32 $0x1680;
	s14 =	rddreg [dreg:$0xd];
	[sflag:s10] =	ssyncadd.s32 $0xFFFFFD80  }
0x56: {  	[spmem:s14] =	stream.linear.scatter [tilespmem:s15], [sflag:$0x1], $0x280, $0x38;
	[tilespmem:$0x14020] =	vst v63  }
0x57: {  	_ =	swait.ge [sflag:s10], $0x280  }
0x58: {  	[sflag:s10] =	ssyncset.done $0x0  }
0x59: {  	s15 =	simm.s32 $0x1900;
	s14 =	rddreg [dreg:$0xe];
	[sflag:s10] =	ssyncadd.s32 $0xFFFFFD80  }
0x5a: {  	[spmem:s14] =	stream.linear.scatter [tilespmem:s15], [sflag:$0x1], $0x280, $0x38;
	[tilespmem:$0x14020] =	vst v63  }
0x5b: {  	_ =	swait.ge [sflag:s10], $0x280  }
0x5c: {  	[sflag:s10] =	ssyncset.done $0x0  }
0x5d: {  	s15 =	simm.s32 $0x1B80;
	[sflag:s10] =	ssyncadd.s32 $0xFFFFFD80  }
0x5e: {  	[spmem:s16] =	stream.linear.scatter [tilespmem:s15], [sflag:$0x1], $0x280, $0x38;
	[tilespmem:$0x14020] =	vst v63  }
0x5f: {  	_ =	swait.ge [sflag:s10], $0x280  }
0x60: {  	[sflag:s10] =	ssyncset.done $0x0  }
0x61: {  	s14 =	simm.s32 $0x1E00;
	[sflag:s10] =	ssyncadd.s32 $0xFFFFFD80  }
0x62: {  	[spmem:s17] =	stream.linear.scatter [tilespmem:s14], [sflag:$0x1], $0x280, $0x38;
	[tilespmem:$0x14020] =	vst v63  }
0x63: {  	_ =	swait.ge [sflag:s10], $0x280  }
0x64: {  	[sflag:s10] =	ssyncset.done $0x0  }
0x65: {  	s15 =	simm.s32 $0x2080;
	[sflag:s10] =	ssyncadd.s32 $0xFFFFFD80  }
0x66: {  	[spmem:s18] =	stream.linear.scatter [tilespmem:s15], [sflag:$0x1], $0x280, $0x38;
	[tilespmem:$0x14020] =	vst v63  }
0x67: {  	_ =	swait.ge [sflag:s10], $0x280  }
0x68: {  	[sflag:s10] =	ssyncset.done $0x0  }
0x69: {  	s14 =	simm.s32 $0x2300;
	[sflag:s10] =	ssyncadd.s32 $0xFFFFFD80  }
0x6a: {  	[spmem:s19] =	stream.linear.scatter [tilespmem:s14], [sflag:$0x1], $0x280, $0x38;
	[tilespmem:$0x14020] =	vst v63  }
0x6b: {  	_ =	swait.ge [sflag:s10], $0x280  }
0x6c: {  	[sflag:s10] =	ssyncset.done $0x0  }
0x6d: {  	s15 =	simm.s32 $0x2580;
	[sflag:s10] =	ssyncadd.s32 $0xFFFFFD80  }
0x6e: {  	[spmem:s21] =	stream.linear.scatter [tilespmem:s15], [sflag:$0x1], $0x280, $0x38;
	[tilespmem:$0x14020] =	vst v63  }
0x6f: {  	_ =	swait.ge [sflag:s10], $0x280  }
0x70: {  	[sflag:s10] =	ssyncset.done $0x0  }
0x71: {  	[sflag:s10] =	ssyncadd.s32 $0xFFFFFD80  }
0x72: {  	s14 =	simm.s32 $0x4F10;
	[bflag:$0x0] =	sbarrier.arrive $0xFFFF  }
0x73: {  	[tilespmem:s14], [sflag:$0x1] =	stream.linear.gather [spmem:s20], $0x280, $0x38;
	[tilespmem:$0x14020] =	vst v63  }
0x74: {  	_ =	swait.ge [sflag:s10], $0x280  }
0x75: {  	[sflag:s10] =	ssyncset.done $0x0  }
0x76: {  	s15 =	simm.s32 $0x5190;
	[sflag:s10] =	ssyncadd.s32 $0xFFFFFD80  }
0x77: {  	[tilespmem:s15], [sflag:$0x1] =	stream.linear.gather [spmem:s22], $0x280, $0x38;
	[tilespmem:$0x14020] =	vst v63  }
0x78: {  	_ =	swait.ge [sflag:s10], $0x280  }
0x79: {  	[sflag:s10] =	ssyncset.done $0x0  }
0x7a: {  	s14 =	simm.s32 $0x5410;
	[sflag:s10] =	ssyncadd.s32 $0xFFFFFD80  }
0x7b: {  	[tilespmem:s14], [sflag:$0x1] =	stream.linear.gather [spmem:s23], $0x280, $0x38;
	[tilespmem:$0x14020] =	vst v63  }
0x7c: {  	_ =	swait.ge [sflag:s10], $0x280  }
0x7d: {  	[sflag:s10] =	ssyncset.done $0x0  }
0x7e: {  	s15 =	simm.s32 $0x5690;
	[sflag:s10] =	ssyncadd.s32 $0xFFFFFD80  }
0x7f: {  	[tilespmem:s15], [sflag:$0x1] =	stream.linear.gather [spmem:s26], $0x280, $0x38;
	[tilespmem:$0x14020] =	vst v63  }
0x80: {  	_ =	swait.ge [sflag:s10], $0x280  }
0x81: {  	[sflag:s10] =	ssyncset.done $0x0  }
0x82: {  	s14 =	simm.s32 $0x5910;
	[sflag:s10] =	ssyncadd.s32 $0xFFFFFD80  }
0x83: {  	[tilespmem:s14], [sflag:$0x1] =	stream.linear.gather [spmem:s28], $0x280, $0x38;
	[tilespmem:$0x14020] =	vst v63  }
0x84: {  	_ =	swait.ge [sflag:s10], $0x280  }
0x85: {  	[sflag:s10] =	ssyncset.done $0x0  }
0x86: {  	s15 =	simm.s32 $0x5B90;
	[sflag:s10] =	ssyncadd.s32 $0xFFFFFD80  }
0x87: {  	[tilespmem:s15], [sflag:$0x1] =	stream.linear.gather [spmem:s29], $0x280, $0x38;
	[tilespmem:$0x14020] =	vst v63  }
0x88: {  	_ =	swait.ge [sflag:s10], $0x280  }
0x89: {  	[sflag:s10] =	ssyncset.done $0x0  }
0x8a: {  	s14 =	simm.s32 $0x5E10;
	[sflag:s10] =	ssyncadd.s32 $0xFFFFFD80  }
0x8b: {  	[tilespmem:s14], [sflag:$0x1] =	stream.linear.gather [spmem:s30], $0x280, $0x38;
	[tilespmem:$0x14020] =	vst v63  }
0x8c: {  	_ =	swait.ge [sflag:s10], $0x280  }
0x8d: {  	[sflag:s10] =	ssyncset.done $0x0  }
0x8e: {  	s15 =	simm.s32 $0x6090;
	[sflag:s10] =	ssyncadd.s32 $0xFFFFFD80  }
0x8f: {  	[tilespmem:s15], [sflag:$0x1] =	stream.linear.gather [spmem:s31], $0x280, $0x38;
	[tilespmem:$0x14020] =	vst v63  }
0x90: {  	_ =	swait.ge [sflag:s10], $0x280  }
0x91: {  	[sflag:s10] =	ssyncset.done $0x0  }
0x92: {  	s14 =	simm.s32 $0x6310;
	[sflag:s10] =	ssyncadd.s32 $0xFFFFFD80  }
0x93: {  	[tilespmem:s14], [sflag:$0x1] =	stream.linear.gather [spmem:s1], $0x280, $0x38;
	[tilespmem:$0x14020] =	vst v63  }
0x94: {  	_ =	swait.ge [sflag:s10], $0x280  }
0x95: {  	[sflag:s10] =	ssyncset.done $0x0  }
0x96: {  	s15 =	simm.s32 $0x6590;
	[sflag:s10] =	ssyncadd.s32 $0xFFFFFD80  }
0x97: {  	[tilespmem:s15], [sflag:$0x1] =	stream.linear.gather [spmem:s0], $0x280, $0x38;
	[tilespmem:$0x14020] =	vst v63  }
0x98: {  	_ =	swait.ge [sflag:s10], $0x280  }
0x99: {  	[sflag:s10] =	ssyncset.done $0x0  }
0x9a: {  	s14 =	simm.s32 $0x6810;
	[sflag:s10] =	ssyncadd.s32 $0xFFFFFD80  }
0x9b: {  	[tilespmem:s14], [sflag:$0x1] =	stream.linear.gather [spmem:s2], $0x280, $0x38;
	[tilespmem:$0x14020] =	vst v63  }
0x9c: {  	_ =	swait.ge [sflag:s10], $0x280  }
0x9d: {  	[sflag:s10] =	ssyncset.done $0x0  }
0x9e: {  	s15 =	simm.s32 $0x6A90;
	[sflag:s10] =	ssyncadd.s32 $0xFFFFFD80  }
0x9f: {  	[tilespmem:s15], [sflag:$0x1] =	stream.linear.gather [spmem:s5], $0x280, $0x38;
	[tilespmem:$0x14020] =	vst v63  }
0xa0: {  	_ =	swait.ge [sflag:s10], $0x280  }
0xa1: {  	[sflag:s10] =	ssyncset.done $0x0  }
0xa2: {  	s14 =	simm.s32 $0x6D10;
	[sflag:s10] =	ssyncadd.s32 $0xFFFFFD80  }
0xa3: {  	[tilespmem:s14], [sflag:$0x1] =	stream.linear.gather [spmem:s6], $0x280, $0x38;
	[tilespmem:$0x14020] =	vst v63  }
0xa4: {  	_ =	swait.ge [sflag:s10], $0x280  }
0xa5: {  	[sflag:s10] =	ssyncset.done $0x0  }
0xa6: {  	s15 =	simm.s32 $0x6F90;
	[sflag:s10] =	ssyncadd.s32 $0xFFFFFD80  }
0xa7: {  	[tilespmem:s15], [sflag:$0x1] =	stream.linear.gather [spmem:s7], $0x280, $0x38;
	[tilespmem:$0x14020] =	vst v63  }
0xa8: {  	_ =	swait.ge [sflag:s10], $0x280  }
0xa9: {  	[sflag:s10] =	ssyncset.done $0x0  }
0xaa: {  	s14 =	simm.s32 $0x7210;
	[sflag:s10] =	ssyncadd.s32 $0xFFFFFD80  }
0xab: {  	[tilespmem:s14], [sflag:$0x1] =	stream.linear.gather [spmem:s8], $0x280, $0x38;
	[tilespmem:$0x14020] =	vst v63  }
0xac: {  	_ =	swait.ge [sflag:s10], $0x280  }
0xad: {  	[sflag:s10] =	ssyncset.done $0x0  }
0xae: {  	s15 =	simm.s32 $0x7490;
	[sflag:s10] =	ssyncadd.s32 $0xFFFFFD80  }
0xaf: {  	[tilespmem:s15], [sflag:$0x1] =	stream.linear.gather [spmem:s9], $0x280, $0x38;
	[tilespmem:$0x14020] =	vst v63  }
0xb0: {  	_ =	swait.ge [sflag:s10], $0x280  }
0xb1: {  	[sflag:s10] =	ssyncset.done $0x0  }
0xb2: {  	[sflag:s10] =	ssyncadd.s32 $0xFFFFFD80  }
0xb3: {  	[tilespmem:$0x11720] =	vst v1  }
0xb4: {  	[tilespmem:$0x11730] =	vst v2  }
0xb5: {  	[tilespmem:$0x11740] =	vst v3  }
0xb6: {  	[tilespmem:$0x11750] =	vst v4  }
0xb7: {  	[tilespmem:$0x11760] =	vst v5  }
0xb8: {  	[tilespmem:$0x11770] =	vst v6  }
0xb9: {  	[tilespmem:$0x11780] =	vst v7  }
0xba: {  	[tilespmem:$0x11790] =	vst v8  }
0xbb: {  	[tilespmem:$0x117A0] =	vst v9  }
0xbc: {  	[tilespmem:$0x117B0] =	vst v10  }
0xbd: {  	[tilespmem:$0x117C0] =	vst v11  }
0xbe: {  	[tilespmem:$0x117D0] =	vst v12  }
0xbf: {  	[tilespmem:$0x117E0] =	vst v13  }
0xc0: {  	[tilespmem:$0x117F0] =	vst v14  }
0xc1: {  	[tilespmem:$0x11800] =	vst v15  }
0xc2: {  	s13 =	simm.s32 $0xFFFFF600;
	s14 =	simm.s32 $0x7920;
	[tilespmem:$0x11810] =	vst v16  }
.LBB2_4:
0xc3: {  	s15 =	sshra.s32 s13, $0x2  }
0xc4: {  	v17 =	vld [tilespmem:s15+$0x5190];
	_ =	sdelay $0x1  }
0xc5: {  	v18 =	vld [tilespmem:s15+$0x5410];
	_ =	sdelay $0x1  }
0xc6: {  	v19 =	vld [tilespmem:s15+$0x5690]  }
0xc7: {  	v17 =	vadd.f32 $0.0e+00, v17  }
0xc8: {  	v20 =	vld [tilespmem:s15+$0x5910]  }
0xc9: {  	v17 =	vadd.f32 v18, v17  }
0xca: {  	v18 =	vld [tilespmem:s15+$0x5B90]  }
0xcb: {  	v17 =	vadd.f32 v19, v17  }
0xcc: {  	v19 =	vld [tilespmem:s15+$0x5E10]  }
0xcd: {  	v17 =	vadd.f32 v20, v17  }
0xce: {  	v60 =	vld [tilespmem:s15+$0x6090]  }
0xcf: {  	v17 =	vadd.f32 v18, v17  }
0xd0: {  	v18 =	vld [tilespmem:s15+$0x6310]  }
0xd1: {  	v17 =	vadd.f32 v19, v17  }
0xd2: {  	v19 =	vld [tilespmem:s15+$0x6590]  }
0xd3: {  	v17 =	vadd.f32 v60, v17  }
0xd4: {  	v61 =	vld [tilespmem:s15+$0x6810]  }
0xd5: {  	v17 =	vadd.f32 v18, v17  }
0xd6: {  	v18 =	vld [tilespmem:s15+$0x6A90]  }
0xd7: {  	v17 =	vadd.f32 v19, v17  }
0xd8: {  	v19 =	vld [tilespmem:s15+$0x6D10]  }
0xd9: {  	v17 =	vadd.f32 v61, v17  }
0xda: {  	v62 =	vld [tilespmem:s15+$0x6F90]  }
0xdb: {  	v17 =	vadd.f32 v18, v17  }
0xdc: {  	v18 =	vld [tilespmem:s15+$0x7210]  }
0xdd: {  	v17 =	vadd.f32 v19, v17  }
0xde: {  	v19 =	vld [tilespmem:s15+$0x7490]  }
0xdf: {  	v21 =	vld [tilespmem:$0x11720];
	v17 =	vadd.f32 v62, v17  }
0xe0: {  	v63 =	vld [tilespmem:s15+$0x7710]  }
0xe1: {  	v17 =	vadd.f32 v18, v17;
	_ =	sdelay $0x1  }
0xe2: {  	v17 =	vadd.f32 v19, v17;
	_ =	sdelay $0x1  }
0xe3: {  	v17 =	vadd.f32 v63, v17;
	_ =	sdelay $0x1  }
0xe4: {  	[tilespmem:$0x7710] =	vst v17  }
0xe5: {  	v17 =	vld.idx.msk [tilespmem:v21+s11+$0x0], $0xffff;
	_ =	sdelay $0x4  }
0xe6: {  	[tilespmem:s14+$0xFFFFFE00] =	vst v17  }
0xe7: {  	[tilespmem:s14+$0xFFFFFE10] =	vst v17  }
0xe8: {  	[tilespmem:s14+$0xFFFFFE20] =	vst v17  }
0xe9: {  	[tilespmem:s14+$0xFFFFFE30] =	vst v17  }
0xea: {  	v17 =	vld [tilespmem:$0x11730];
	_ =	sdelay $0x7  }
0xeb: {  	v17 =	vld.idx.msk [tilespmem:v17+s11+$0x0], $0xffff;
	_ =	sdelay $0x4  }
0xec: {  	[tilespmem:s14+$0xFFFFFE40] =	vst v17  }
0xed: {  	[tilespmem:s14+$0xFFFFFE50] =	vst v17  }
0xee: {  	[tilespmem:s14+$0xFFFFFE60] =	vst v17  }
0xef: {  	[tilespmem:s14+$0xFFFFFE70] =	vst v17  }
0xf0: {  	v17 =	vld [tilespmem:$0x11740];
	_ =	sdelay $0x7  }
0xf1: {  	v17 =	vld.idx.msk [tilespmem:v17+s11+$0x0], $0xffff;
	_ =	sdelay $0x4  }
0xf2: {  	[tilespmem:s14+$0xFFFFFE80] =	vst v17  }
0xf3: {  	[tilespmem:s14+$0xFFFFFE90] =	vst v17  }
0xf4: {  	[tilespmem:s14+$0xFFFFFEA0] =	vst v17  }
0xf5: {  	[tilespmem:s14+$0xFFFFFEB0] =	vst v17  }
0xf6: {  	v17 =	vld [tilespmem:$0x11750];
	_ =	sdelay $0x7  }
0xf7: {  	v17 =	vld.idx.msk [tilespmem:v17+s11+$0x0], $0xffff;
	_ =	sdelay $0x4  }
0xf8: {  	[tilespmem:s14+$0xFFFFFEC0] =	vst v17  }
0xf9: {  	[tilespmem:s14+$0xFFFFFED0] =	vst v17  }
0xfa: {  	[tilespmem:s14+$0xFFFFFEE0] =	vst v17  }
0xfb: {  	[tilespmem:s14+$0xFFFFFEF0] =	vst v17  }
0xfc: {  	v17 =	vld [tilespmem:$0x11760];
	_ =	sdelay $0x7  }
0xfd: {  	v17 =	vld.idx.msk [tilespmem:v17+s11+$0x0], $0xffff;
	_ =	sdelay $0x4  }
0xfe: {  	[tilespmem:s14+$0xFFFFFF00] =	vst v17  }
0xff: {  	[tilespmem:s14+$0xFFFFFF10] =	vst v17  }
0x100: {  	[tilespmem:s14+$0xFFFFFF20] =	vst v17  }
0x101: {  	[tilespmem:s14+$0xFFFFFF30] =	vst v17  }
0x102: {  	v17 =	vld [tilespmem:$0x11770];
	_ =	sdelay $0x7  }
0x103: {  	v17 =	vld.idx.msk [tilespmem:v17+s11+$0x0], $0xffff;
	_ =	sdelay $0x4  }
0x104: {  	[tilespmem:s14+$0xFFFFFF40] =	vst v17  }
0x105: {  	[tilespmem:s14+$0xFFFFFF50] =	vst v17  }
0x106: {  	[tilespmem:s14+$0xFFFFFF60] =	vst v17  }
0x107: {  	[tilespmem:s14+$0xFFFFFF70] =	vst v17  }
0x108: {  	v17 =	vld [tilespmem:$0x11780];
	_ =	sdelay $0x7  }
0x109: {  	v17 =	vld.idx.msk [tilespmem:v17+s11+$0x0], $0xffff;
	_ =	sdelay $0x4  }
0x10a: {  	[tilespmem:s14+$0xFFFFFF80] =	vst v17  }
0x10b: {  	[tilespmem:s14+$0xFFFFFF90] =	vst v17  }
0x10c: {  	[tilespmem:s14+$0xFFFFFFA0] =	vst v17  }
0x10d: {  	[tilespmem:s14+$0xFFFFFFB0] =	vst v17  }
0x10e: {  	v17 =	vld [tilespmem:$0x11790];
	_ =	sdelay $0x7  }
0x10f: {  	v17 =	vld.idx.msk [tilespmem:v17+s11+$0x0], $0xffff;
	_ =	sdelay $0x4  }
0x110: {  	[tilespmem:s14+$0xFFFFFFC0] =	vst v17  }
0x111: {  	[tilespmem:s14+$0xFFFFFFD0] =	vst v17  }
0x112: {  	[tilespmem:s14+$0xFFFFFFE0] =	vst v17  }
0x113: {  	[tilespmem:s14+$0xFFFFFFF0] =	vst v17  }
0x114: {  	v17 =	vld [tilespmem:$0x117A0];
	_ =	sdelay $0x7  }
0x115: {  	v17 =	vld.idx.msk [tilespmem:v17+s11+$0x0], $0xffff;
	_ =	sdelay $0x4  }
0x116: {  	[tilespmem:s14+$0x0] =	vst v17  }
0x117: {  	[tilespmem:s14+$0x10] =	vst v17  }
0x118: {  	[tilespmem:s14+$0x20] =	vst v17  }
0x119: {  	[tilespmem:s14+$0x30] =	vst v17  }
0x11a: {  	v17 =	vld [tilespmem:$0x117B0];
	_ =	sdelay $0x7  }
0x11b: {  	v17 =	vld.idx.msk [tilespmem:v17+s11+$0x0], $0xffff;
	_ =	sdelay $0x4  }
0x11c: {  	[tilespmem:s14+$0x40] =	vst v17  }
0x11d: {  	[tilespmem:s14+$0x50] =	vst v17  }
0x11e: {  	[tilespmem:s14+$0x60] =	vst v17  }
0x11f: {  	[tilespmem:s14+$0x70] =	vst v17  }
0x120: {  	v17 =	vld [tilespmem:$0x117C0];
	_ =	sdelay $0x7  }
0x121: {  	v17 =	vld.idx.msk [tilespmem:v17+s11+$0x0], $0xffff;
	_ =	sdelay $0x4  }
0x122: {  	[tilespmem:s14+$0x80] =	vst v17  }
0x123: {  	[tilespmem:s14+$0x90] =	vst v17  }
0x124: {  	[tilespmem:s14+$0xA0] =	vst v17  }
0x125: {  	[tilespmem:s14+$0xB0] =	vst v17  }
0x126: {  	v17 =	vld [tilespmem:$0x117D0];
	_ =	sdelay $0x7  }
0x127: {  	v17 =	vld.idx.msk [tilespmem:v17+s11+$0x0], $0xffff;
	_ =	sdelay $0x4  }
0x128: {  	[tilespmem:s14+$0xC0] =	vst v17  }
0x129: {  	[tilespmem:s14+$0xD0] =	vst v17  }
0x12a: {  	[tilespmem:s14+$0xE0] =	vst v17  }
0x12b: {  	[tilespmem:s14+$0xF0] =	vst v17  }
0x12c: {  	v17 =	vld [tilespmem:$0x117E0];
	_ =	sdelay $0x7  }
0x12d: {  	v17 =	vld.idx.msk [tilespmem:v17+s11+$0x0], $0xffff;
	_ =	sdelay $0x4  }
0x12e: {  	[tilespmem:s14+$0x100] =	vst v17  }
0x12f: {  	[tilespmem:s14+$0x110] =	vst v17  }
0x130: {  	[tilespmem:s14+$0x120] =	vst v17  }
0x131: {  	[tilespmem:s14+$0x130] =	vst v17  }
0x132: {  	v17 =	vld [tilespmem:$0x117F0];
	_ =	sdelay $0x7  }
0x133: {  	v17 =	vld.idx.msk [tilespmem:v17+s11+$0x0], $0xffff;
	_ =	sdelay $0x4  }
0x134: {  	[tilespmem:s14+$0x140] =	vst v17  }
0x135: {  	[tilespmem:s14+$0x150] =	vst v17  }
0x136: {  	[tilespmem:s14+$0x160] =	vst v17  }
0x137: {  	[tilespmem:s14+$0x170] =	vst v17  }
0x138: {  	v17 =	vld [tilespmem:$0x11800];
	_ =	sdelay $0x7  }
0x139: {  	v17 =	vld.idx.msk [tilespmem:v17+s11+$0x0], $0xffff;
	_ =	sdelay $0x4  }
0x13a: {  	[tilespmem:s14+$0x180] =	vst v17  }
0x13b: {  	[tilespmem:s14+$0x190] =	vst v17  }
0x13c: {  	[tilespmem:s14+$0x1A0] =	vst v17  }
0x13d: {  	[tilespmem:s14+$0x1B0] =	vst v17  }
0x13e: {  	v17 =	vld [tilespmem:$0x11810];
	_ =	sdelay $0x7  }
0x13f: {  	v17 =	vld.idx.msk [tilespmem:v17+s11+$0x0], $0xffff;
	_ =	sdelay $0x2  }
0x140: {  	p0 =	sne.s32 s13, $0xFFFFFFC0  }
.Ltmp1:
0x141: {  	_ = 	snop;
	(pc) =	sbr.rel @p0 .LBB2_4-.Ltmp1, $4  }
0x142: {  	[tilespmem:s14+$0x1C0] =	vst v17  }
0x143: {  	[tilespmem:s14+$0x1D0] =	vst v17  }
0x144: {  	[tilespmem:s14+$0x1E0] =	vst v17  }
0x145: {  	s13 =	sadd.s32 $0x40, s13;
	[tilespmem:s14+$0x1F0] =	vst v17;
	s14 =	sadd.s32 $0x400, s14  }
0x146: {  	s12 =	sadd.s32 $0x1, s12  }
0x147: {  	p0 =	sne.s32 s12, s25  }
.Ltmp2:
0x148: {  	s13 =	simm.s32 $0x7720;
	(pc) =	sbr.rel @p0 .LBB2_1-.Ltmp2, $4  }
0x149: {  	[hbm4b:s24+s3] =	stream.linear.scatter [tilespmem:s13], [sflag:$0x1], $0xA000, $0x38;
	[tilespmem:$0x14020] =	vst v63  }
0x14a: {  	_ =	swait.ge [sflag:s10], $0xA000  }
0x14b: {  	[sflag:s10] =	ssyncset.done $0x0  }
0x14c: {  	[sflag:s10] =	ssyncadd.s32 $0xFFFF6000  }
0x14d: {  	_ =	sfence.sel $0x180000  }
0x14e: {  	[bflag:$0x0] =	sbarrier.arrive $0xFFFF  }
0x14f: {  	_ =	strace $0x90000047  }
0x150: {  	s0 =	stileid.u32;
	[bflag:$0x2] =	sbarrier.arrive $0xFFFF  }
0x151: {  	p0 =	sne.s32 s0, $0x0;
	s0 =	rddreg [dreg:$0x3]  }
0x152: {  	s0 =	sadd.s32 @!p0 $0x100000, s0  }
0x153: {  	[sflag:s0] =	ssyncadd.tile.s32 @!p0 $0x1;
	_ =	shalt  }
.Lfunc_end2:
_tile_overlayer_lowered:
.L_overlay_start_2:
0x154: {  	(tag) =	ssettag $0x2  }
0x155: {  	s0 =	rddreg [dreg:$0x0];
	s2 =	stileid.u32  }
0x156: {  	s1 =	rddreg [dreg:$0x1];
	p0 =	sne.s32 s2, $0x0  }
0x157: {  	s3 =	rddreg [dreg:$0x2];
	[bflag:$0x3] =	sbarrier.arrive $0xFFFF;
	s2 =	simm.s32 @!p0 $0x1C01  }
0x158: {  	[timem:s3], [sflag:s2] =	dma.local @!p0 [hbm:s0], s1  }
0x159: {  	s0 =	simm.s32 @!p0 $0x1  }
0x15a: {  	_ =	swait.ge @!p0 [sflag:s0], s1  }
0x15b: {  	s1 =	ssub.s32 @!p0 $0x0, s1;
	[sflag:s0] =	ssyncset.done @!p0 $0x0  }
0x15c: {  	[sflag:s0] =	ssyncadd.s32 @!p0 s1  }
0x15d: {  	[bflag:$0x3] =	sbarrier.arrive $0xFFFF  }
0x15e: {  	_ =	shalt  }

</sc_bundles>
